<compile_context>
chip_gen: v7x
topology: tpu7x:2x2x1
jax: 0.10.2.dev20260603
libtpu: 0.0.44.dev20260713+nightly
codegen_flags: <defaults>
</compile_context>

<pallas_src>
import functools

import jax
import jax.numpy as jnp
from jax import lax
from jax.experimental import pallas as pl
from jax.experimental.pallas import tpu as pltpu
from jax.experimental.pallas import tpu_sc as plsc

N = 10000
E = 320000
F = 128
NC = 2
NS = 16
NW = NC * NS
NPAD = 10240
ST = NPAD // NS
C = 80
EPW = E // NW
KPW = EPW // C
EPT = E // NS
DC = 800
KD = EPT // DC
RB = 2000
KR = RB // C


def _sc_body(row_h, col_h, ew_h, x_h, out_h,
             dis_v, degb, normv,
             rs0, rs1, cs0,
             cb0, cb1, wb0, wb1, rowb, colb, ewb,
             xbuf0, xbuf1, dacc, tacc,
             dis_sh, s_sh,
             semg0, semg1, sempd0, sempd1):
    cid = lax.axis_index("c")
    sid = lax.axis_index("s")
    wid = cid * NS + sid
    xbufs = (xbuf0, xbuf1)
    semgs = (semg0, semg1)
    rss = (rs0, rs1)
    cbs = (cb0, cb1)
    wbs = (wb0, wb1)
    sempds = (sempd0, sempd1)

    def zx(j, _):
        for f in range(F // 16):
            xbuf0[j, pl.ds(f * 16, 16)] = jnp.zeros((16,), jnp.float32)
        return 0
    lax.fori_loop(0, C, zx, 0)

    def zd(g, _):
        degb[pl.ds(g * 16, 16)] = jnp.zeros((16,), jnp.float32)
        return 0
    lax.fori_loop(0, ST // 16, zd, 0)

    for i in range(ST // C):
        pltpu.sync_copy(xbuf0, s_sh.at[pl.ds(sid * ST + i * C, C)])
    plsc.subcore_barrier()

    dbase = sid * EPT

    def dpre(k, p):
        off = dbase + k * DC
        pltpu.async_copy(col_h.at[pl.ds(off, DC)], cbs[p], sempds[p])
        pltpu.async_copy(ew_h.at[pl.ds(off, DC)], wbs[p], sempds[p])

    def dwait(k, p):
        off = dbase + k * DC
        pltpu.make_async_copy(col_h.at[pl.ds(off, DC)], cbs[p],
                              sempds[p]).wait()
        pltpu.make_async_copy(ew_h.at[pl.ds(off, DC)], wbs[p],
                              sempds[p]).wait()

    def dacc_local(p):
        def dg(g, _):
            c16 = cbs[p][pl.ds(g * 16, 16)]
            w16 = wbs[p][pl.ds(g * 16, 16)]
            hi = lax.shift_right_logical(c16, 7)
            lo = lax.bitwise_and(c16, jnp.int32(127))
            plsc.addupdate_scatter(xbuf0, [hi, lo], w16)
            return 0
        lax.fori_loop(0, DC // 16, dg, 0)

    dpre(0, 0)
    dwait(0, 0)
    dpre(1, 1)
    dacc_local(0)

    def dstep(i, _):
        for j in range(2):
            k = 1 + 2 * i + j
            p = (1 + j) % 2
            dwait(k, p)

            @pl.when(k + 1 <= KD - 1)
            def _pre():
                dpre(k + 1, 1 - p)
            dacc_local(p)
        return 0
    lax.fori_loop(0, (KD - 1) // 2, dstep, 0)
    pltpu.sync_copy(xbuf0, s_sh.at[pl.ds(sid * (ST // 8), ST // 8)])
    plsc.subcore_barrier()

    def zacc(g, _):
        dacc[g // 8, pl.ds((g % 8) * 16, 16)] = jnp.zeros((16,), jnp.float32)
        return 0
    lax.fori_loop(0, ST // 16, zacc, 0)
    for l in range(NS):
        pltpu.sync_copy(
            s_sh.at[pl.ds(l * (ST // 8) + (ST // F) * sid, ST // F)], tacc)

        def racc(g, _):
            dacc[g // 8, pl.ds((g % 8) * 16, 16)] = (
                dacc[g // 8, pl.ds((g % 8) * 16, 16)]
                + tacc[g // 8, pl.ds((g % 8) * 16, 16)])
            return 0
        lax.fori_loop(0, ST // 16, racc, 0)

    def dis_step(g, _):
        d = dacc[g // 8, pl.ds((g % 8) * 16, 16)]
        i = lax.bitcast_convert_type(d, jnp.int32)
        i = jnp.int32(0x5F3759DF) - lax.shift_right_arithmetic(i, 1)
        y = lax.bitcast_convert_type(i, jnp.float32)
        for _ in range(3):
            y = y * (1.5 - 0.5 * d * y * y)
        degb[pl.ds(g * 16, 16)] = jnp.where(d > 0.0, y, 0.0)
        return 0
    lax.fori_loop(0, ST // 16, dis_step, 0)
    def zx2(j, _):
        for f in range(F // 16):
            xbuf0[j, pl.ds(f * 16, 16)] = jnp.zeros((16,), jnp.float32)
        return 0
    lax.fori_loop(0, C, zx2, 0)
    pltpu.sync_copy(xbuf0, s_sh.at[pl.ds(sid * (ST // 8), ST // 8)])
    pltpu.sync_copy(degb, dis_sh.at[pl.ds(sid * ST, ST)])
    plsc.subcore_barrier()
    pltpu.sync_copy(dis_sh, dis_v)

    base = wid * EPW

    def stage(bulk, dst, k):
        for g in range(C // 16):
            dst[pl.ds(g * 16, 16)] = bulk[pl.ds(k * C + g * 16, 16)]

    def process(k, b):
        for g in range(C // 16):
            r16 = rowb[pl.ds(k * C + g * 16, 16)]
            c16 = colb[pl.ds(k * C + g * 16, 16)]
            w16 = ewb[pl.ds(k * C + g * 16, 16)]
            dr = plsc.load_gather(dis_v, [r16])
            dc = plsc.load_gather(dis_v, [c16])
            normv[pl.ds(g * 16, 16)] = dr * w16 * dc

        def scale(u, _):
            for t in range(2):
                jj = 2 * u + t
                nj = plsc.load_gather(normv, [jnp.full((16,), jj, jnp.int32)])
                for f in range(F // 16):
                    xbufs[b][jj, pl.ds(f * 16, 16)] = (
                        xbufs[b][jj, pl.ds(f * 16, 16)] * nj)
            return 0
        lax.fori_loop(0, C // 2, scale, 0)
        stage(colb, cs0, k)
        pltpu.sync_copy(xbufs[b], s_sh.at[cs0], add=True)

    def gstart(k, b):
        stage(rowb, rss[b], k)
        pltpu.async_copy(x_h.at[rss[b]], xbufs[b], semgs[b])

    def gwait(b):
        pltpu.make_async_copy(x_h.at[rss[b]], xbufs[b], semgs[b]).wait()

    def rnd(r, _):
        off = base + r * RB
        pltpu.sync_copy(row_h.at[pl.ds(off, RB)], rowb)
        pltpu.sync_copy(col_h.at[pl.ds(off, RB)], colb)
        pltpu.sync_copy(ew_h.at[pl.ds(off, RB)], ewb)
        gstart(0, 0)
        gstart(1, 1)
        gwait(0)
        process(0, 0)
        gstart(2, 0)

        def mstep(i, _):
            for j in range(2):
                k = 1 + 2 * i + j
                b = (1 + j) % 2
                gwait(b)
                process(k, b)

                @pl.when(k + 2 <= KR - 1)
                def _g():
                    gstart(k + 2, b)
            return 0
        lax.fori_loop(0, (KR - 1) // 2, mstep, 0)
        return 0
    lax.fori_loop(0, EPW // RB, rnd, 0)
    plsc.subcore_barrier()

    pltpu.sync_copy(s_sh.at[pl.ds(sid * ST, ST)],
                    out_h.at[cid, pl.ds(sid * ST, ST)])


_sc_scatter = pl.kernel(
    _sc_body,
    out_type=jax.ShapeDtypeStruct((NC, NPAD, F), jnp.float32),
    mesh=plsc.VectorSubcoreMesh(core_axis_name="c", subcore_axis_name="s",
                                num_cores=NC, num_subcores=NS),
    scratch_types=[
        pltpu.VMEM((NPAD,), jnp.float32),
        pltpu.VMEM((ST,), jnp.float32),
        pltpu.VMEM((C,), jnp.float32),
        pltpu.VMEM((C,), jnp.int32),
        pltpu.VMEM((C,), jnp.int32),
        pltpu.VMEM((C,), jnp.int32),
        pltpu.VMEM((DC,), jnp.int32),
        pltpu.VMEM((DC,), jnp.int32),
        pltpu.VMEM((DC,), jnp.float32),
        pltpu.VMEM((DC,), jnp.float32),
        pltpu.VMEM((RB,), jnp.int32),
        pltpu.VMEM((RB,), jnp.int32),
        pltpu.VMEM((RB,), jnp.float32),
        pltpu.VMEM((C, F), jnp.float32),
        pltpu.VMEM((C, F), jnp.float32),
        pltpu.VMEM((ST // F, F), jnp.float32),
        pltpu.VMEM((ST // F, F), jnp.float32),
        pltpu.VMEM_SHARED((NPAD,), jnp.float32),
        pltpu.VMEM_SHARED((NPAD, F), jnp.float32),
        pltpu.SemaphoreType.DMA,
        pltpu.SemaphoreType.DMA,
        pltpu.SemaphoreType.DMA,
        pltpu.SemaphoreType.DMA,
    ],
    compiler_params=pltpu.CompilerParams(needs_layout_passes=False),
)


def _tc_body(x_ref, s0_ref, s1_ref, wl_ref, wg_ref, o_ref):
    dn = (((1,), (1,)), ((), ()))
    s = s0_ref[...] + s1_ref[...]
    o_ref[...] = (
        lax.dot_general(x_ref[...], wl_ref[...], dn,
                        preferred_element_type=jnp.float32,
                        precision=lax.Precision.HIGHEST)
        + lax.dot_general(s, wg_ref[...], dn,
                          preferred_element_type=jnp.float32,
                          precision=lax.Precision.HIGHEST))


_BLK = 1000


def _tc_combine(x, s0, s1, W_lin, W_gcn):
    grid = (N // _BLK,)
    row_spec = pl.BlockSpec((_BLK, F), lambda i: (i, 0))
    w_spec = pl.BlockSpec((F, F), lambda i: (0, 0))
    return pl.pallas_call(
        _tc_body,
        grid=grid,
        in_specs=[row_spec, row_spec, row_spec, w_spec, w_spec],
        out_specs=row_spec,
        out_shape=jax.ShapeDtypeStruct((N, F), jnp.float32),
    )(x, s0, s1, W_lin, W_gcn)


@jax.jit
def kernel(x, edge_index, edge_weight, W_lin, W_gcn):
    row = edge_index[0]
    col = edge_index[1]
    s_part = _sc_scatter(row, col, edge_weight, x)
    return _tc_combine(x, s_part[0, :N], s_part[1, :N], W_lin, W_gcn)

# --- scband reference (transcript-rebuilt; emitter-appended) ---
"""Pipeline reference for scband-gcnlayer-62577673503438 (READ-ONLY COPY).

The authoritative reference and input builder live on the scoring server;
editing this copy changes nothing except your own understanding.
"""

import jax, jax.numpy as jnp
import numpy as np

N = 10000
E = 320000
F_IN = 128
F_OUT = 128

def setup_inputs(seed: int = 0) -> dict:
    key = jax.random.key(seed)
    k1, k2, k3, k4, k5 = jax.random.split(key, 5)
    x = jax.random.normal(k1, (N, F_IN), dtype=jnp.float32)
    edge_index = jax.random.randint(k2, (2, E), 0, N, dtype=jnp.int32)
    edge_weight = jax.random.uniform(k3, (E,), dtype=jnp.float32)
    # nn.Linear(in_feats, out_feats, bias=False) weight: [out, in], kaiming-uniform-ish init
    bound = 1.0 / np.sqrt(F_IN)
    W_lin = jax.random.uniform(k4, (F_OUT, F_IN), dtype=jnp.float32, minval=-bound, maxval=bound)
    # GCNConv internal lin weight (glorot): [out, in]
    glorot = np.sqrt(6.0 / (F_IN + F_OUT))
    W_gcn = jax.random.uniform(k5, (F_OUT, F_IN), dtype=jnp.float32, minval=-glorot, maxval=glorot)
    return {"x": x, "edge_index": edge_index, "edge_weight": edge_weight, "W_lin": W_lin, "W_gcn": W_gcn}

def reference(x, edge_index, edge_weight, W_lin, W_gcn):
    # hl = self.linear(x)
    hl = x @ W_lin.T
    # hr = GCNConv(x, edge_index, edge_weight) with add_self_loops=False, normalize=True, bias=False
    h = x @ W_gcn.T
    row = edge_index[0]  # source
    col = edge_index[1]  # target
    deg = jax.ops.segment_sum(edge_weight, col, num_segments=N)
    deg_inv_sqrt = jnp.where(deg > 0, jax.lax.rsqrt(jnp.where(deg > 0, deg, 1.0)), 0.0)
    norm = deg_inv_sqrt[row] * edge_weight * deg_inv_sqrt[col]
    msg = h[row] * norm[:, None]
    hr = jnp.zeros((N, F_OUT), dtype=h.dtype).at[col].add(msg)
    return hl + hr

if __name__ == "__main__":
    import jax
    _d = setup_inputs()
    print(jax.jit(kernel)(*tuple(_d.values())))

</pallas_src>

<mosaic_0001>
#map = affine_map<(d0, d1) -> (0)>
#map1 = affine_map<(d0, d1) -> (0, 0)>
#map2 = affine_map<(d0, d1) -> (0, 0, 0)>
module attributes {stable_mosaic.version = 14 : i64} {
  func.func @_sc_body(%arg0: i32, %arg1: i32, %arg2: memref<320000xi32, #tpu.memory_space<hbm>>, %arg3: memref<320000xi32, #tpu.memory_space<hbm>>, %arg4: memref<320000xf32, #tpu.memory_space<hbm>>, %arg5: memref<10000x128xf32, #tpu.memory_space<hbm>>, %arg6: memref<2x10240x128xf32, #tpu.memory_space<hbm>>, %arg7: memref<10240xf32, #tpu.memory_space<vmem>>, %arg8: memref<640xf32, #tpu.memory_space<vmem>>, %arg9: memref<80xf32, #tpu.memory_space<vmem>>, %arg10: memref<80xi32, #tpu.memory_space<vmem>>, %arg11: memref<80xi32, #tpu.memory_space<vmem>>, %arg12: memref<80xi32, #tpu.memory_space<vmem>>, %arg13: memref<800xi32, #tpu.memory_space<vmem>>, %arg14: memref<800xi32, #tpu.memory_space<vmem>>, %arg15: memref<800xf32, #tpu.memory_space<vmem>>, %arg16: memref<800xf32, #tpu.memory_space<vmem>>, %arg17: memref<2000xi32, #tpu.memory_space<vmem>>, %arg18: memref<2000xi32, #tpu.memory_space<vmem>>, %arg19: memref<2000xf32, #tpu.memory_space<vmem>>, %arg20: memref<80x128xf32, #tpu.memory_space<vmem>>, %arg21: memref<80x128xf32, #tpu.memory_space<vmem>>, %arg22: memref<5x128xf32, #tpu.memory_space<vmem>>, %arg23: memref<5x128xf32, #tpu.memory_space<vmem>>, %arg24: memref<10240xf32, #tpu.memory_space<vmem_shared>>, %arg25: memref<10240x128xf32, #tpu.memory_space<vmem_shared>>, %arg26: memref<!tpu.dma_semaphore, #tpu.memory_space<semaphore_mem>>, %arg27: memref<!tpu.dma_semaphore, #tpu.memory_space<semaphore_mem>>, %arg28: memref<!tpu.dma_semaphore, #tpu.memory_space<semaphore_mem>>, %arg29: memref<!tpu.dma_semaphore, #tpu.memory_space<semaphore_mem>>) attributes {dimension_semantics = [#tpu.dimension_semantics<core_parallel>, #tpu.dimension_semantics<subcore_parallel>], iteration_bounds = array<i64: 2, 16>, scalar_prefetch = 0 : i64, scratch_operands = 23 : i64, tpu.core_type = #tpu.core_type<sc_vector_subcore>, window_params = [{transform_indices = #map}, {transform_indices = #map}, {transform_indices = #map}, {transform_indices = #map1}, {transform_indices = #map2}]} {
    %mul3A = arith.constant 16 : i32
    %mul3A_0 = arith.muli %arg0, %mul3A : i32
    %add3A = arith.addi %mul3A_0, %arg1 : i32
    %scan3A = arith.constant 0 : i32
    %scan3A_1 = arith.constant 0 : i32
    %scan3A_2 = arith.constant 80 : i32
    %scan3A_3 = arith.addi %scan3A_1, %scan3A_2 : i32
    %scan3A_4 = arith.constant 1 : i32
    %scan3A_5 = scf.for %scan3A_297 = %scan3A_1 to %scan3A_3 step %scan3A_4 iter_args(%scan3A_298 = %scan3A) -> (i32)  : i32 {
      %broadcast_in_dim3A = arith.constant 0.000000e+00 : f32
      %broadcast_in_dim3A_299 = vector.broadcast %broadcast_in_dim3A : f32 to vector<16xf32>
      %swap3A = arith.index_cast %scan3A_297 : i32 to index
      %swap3A_300 = arith.constant 0 : index
      %swap3A_301 = tpu.vector_load %arg20[%swap3A, %swap3A_300] {strides = array<i32>} : memref<80x128xf32, #tpu.memory_space<vmem>>, vector<16xf32>,
      tpu.vector_store %arg20[%swap3A, %swap3A_300], %broadcast_in_dim3A_299 {strides = array<i32>} : memref<80x128xf32, #tpu.memory_space<vmem>>, vector<16xf32>,
      %broadcast_in_dim3A_302 = arith.constant 0.000000e+00 : f32
      %broadcast_in_dim3A_303 = vector.broadcast %broadcast_in_dim3A_302 : f32 to vector<16xf32>
      %swap3A_304 = arith.index_cast %scan3A_297 : i32 to index
      %swap3A_305 = arith.constant 16 : index
      %swap3A_306 = tpu.vector_load %arg20[%swap3A_304, %swap3A_305] {strides = array<i32>} : memref<80x128xf32, #tpu.memory_space<vmem>>, vector<16xf32>,
      tpu.vector_store %arg20[%swap3A_304, %swap3A_305], %broadcast_in_dim3A_303 {strides = array<i32>} : memref<80x128xf32, #tpu.memory_space<vmem>>, vector<16xf32>,
      %broadcast_in_dim3A_307 = arith.constant 0.000000e+00 : f32
      %broadcast_in_dim3A_308 = vector.broadcast %broadcast_in_dim3A_307 : f32 to vector<16xf32>
      %swap3A_309 = arith.index_cast %scan3A_297 : i32 to index
      %swap3A_310 = arith.constant 32 : index
      %swap3A_311 = tpu.vector_load %arg20[%swap3A_309, %swap3A_310] {strides = array<i32>} : memref<80x128xf32, #tpu.memory_space<vmem>>, vector<16xf32>,
      tpu.vector_store %arg20[%swap3A_309, %swap3A_310], %broadcast_in_dim3A_308 {strides = array<i32>} : memref<80x128xf32, #tpu.memory_space<vmem>>, vector<16xf32>,
      %broadcast_in_dim3A_312 = arith.constant 0.000000e+00 : f32
      %broadcast_in_dim3A_313 = vector.broadcast %broadcast_in_dim3A_312 : f32 to vector<16xf32>
      %swap3A_314 = arith.index_cast %scan3A_297 : i32 to index
      %swap3A_315 = arith.constant 48 : index
      %swap3A_316 = tpu.vector_load %arg20[%swap3A_314, %swap3A_315] {strides = array<i32>} : memref<80x128xf32, #tpu.memory_space<vmem>>, vector<16xf32>,
      tpu.vector_store %arg20[%swap3A_314, %swap3A_315], %broadcast_in_dim3A_313 {strides = array<i32>} : memref<80x128xf32, #tpu.memory_space<vmem>>, vector<16xf32>,
      %broadcast_in_dim3A_317 = arith.constant 0.000000e+00 : f32
      %broadcast_in_dim3A_318 = vector.broadcast %broadcast_in_dim3A_317 : f32 to vector<16xf32>
      %swap3A_319 = arith.index_cast %scan3A_297 : i32 to index
      %swap3A_320 = arith.constant 64 : index
      %swap3A_321 = tpu.vector_load %arg20[%swap3A_319, %swap3A_320] {strides = array<i32>} : memref<80x128xf32, #tpu.memory_space<vmem>>, vector<16xf32>,
      tpu.vector_store %arg20[%swap3A_319, %swap3A_320], %broadcast_in_dim3A_318 {strides = array<i32>} : memref<80x128xf32, #tpu.memory_space<vmem>>, vector<16xf32>,
      %broadcast_in_dim3A_322 = arith.constant 0.000000e+00 : f32
      %broadcast_in_dim3A_323 = vector.broadcast %broadcast_in_dim3A_322 : f32 to vector<16xf32>
      %swap3A_324 = arith.index_cast %scan3A_297 : i32 to index
      %swap3A_325 = arith.constant 80 : index
      %swap3A_326 = tpu.vector_load %arg20[%swap3A_324, %swap3A_325] {strides = array<i32>} : memref<80x128xf32, #tpu.memory_space<vmem>>, vector<16xf32>,
      tpu.vector_store %arg20[%swap3A_324, %swap3A_325], %broadcast_in_dim3A_323 {strides = array<i32>} : memref<80x128xf32, #tpu.memory_space<vmem>>, vector<16xf32>,
      %broadcast_in_dim3A_327 = arith.constant 0.000000e+00 : f32
      %broadcast_in_dim3A_328 = vector.broadcast %broadcast_in_dim3A_327 : f32 to vector<16xf32>
      %swap3A_329 = arith.index_cast %scan3A_297 : i32 to index
      %swap3A_330 = arith.constant 96 : index
      %swap3A_331 = tpu.vector_load %arg20[%swap3A_329, %swap3A_330] {strides = array<i32>} : memref<80x128xf32, #tpu.memory_space<vmem>>, vector<16xf32>,
      tpu.vector_store %arg20[%swap3A_329, %swap3A_330], %broadcast_in_dim3A_328 {strides = array<i32>} : memref<80x128xf32, #tpu.memory_space<vmem>>, vector<16xf32>,
      %broadcast_in_dim3A_332 = arith.constant 0.000000e+00 : f32
      %broadcast_in_dim3A_333 = vector.broadcast %broadcast_in_dim3A_332 : f32 to vector<16xf32>
      %swap3A_334 = arith.index_cast %scan3A_297 : i32 to index
      %swap3A_335 = arith.constant 112 : index
      %swap3A_336 = tpu.vector_load %arg20[%swap3A_334, %swap3A_335] {strides = array<i32>} : memref<80x128xf32, #tpu.memory_space<vmem>>, vector<16xf32>,
      tpu.vector_store %arg20[%swap3A_334, %swap3A_335], %broadcast_in_dim3A_333 {strides = array<i32>} : memref<80x128xf32, #tpu.memory_space<vmem>>, vector<16xf32>,
      %scan3A_337 = arith.constant 0 : i32
      scf.yield %scan3A_337 : i32
    }
    %scan3A_6 = arith.constant 80 : i32
    %scan3A_7 = arith.constant 0 : i32
    %scan3A_8 = arith.constant 0 : i32
    %scan3A_9 = arith.constant 40 : i32
    %scan3A_10 = arith.addi %scan3A_8, %scan3A_9 : i32
    %scan3A_11 = arith.constant 1 : i32
    %scan3A_12 = scf.for %scan3A_297 = %scan3A_8 to %scan3A_10 step %scan3A_11 iter_args(%scan3A_298 = %scan3A_7) -> (i32)  : i32 {
      %broadcast_in_dim3A = arith.constant 0.000000e+00 : f32
      %broadcast_in_dim3A_299 = vector.broadcast %broadcast_in_dim3A : f32 to vector<16xf32>
      %mul3A_300 = arith.constant 16 : i32
      %mul3A_301 = arith.muli %scan3A_297, %mul3A_300 : i32
      %swap3A = arith.index_cast %mul3A_301 : i32 to index
      %swap3A_302 = tpu.vector_load %arg8[%swap3A] {strides = array<i32>} : memref<640xf32, #tpu.memory_space<vmem>>, vector<16xf32>,
      tpu.vector_store %arg8[%swap3A], %broadcast_in_dim3A_299 {strides = array<i32>} : memref<640xf32, #tpu.memory_space<vmem>>, vector<16xf32>,
      %scan3A_303 = arith.constant 0 : i32
      scf.yield %scan3A_303 : i32
    }
    %scan3A_13 = arith.constant 40 : i32
    %mul3A_14 = arith.constant 640 : i32
    %mul3A_15 = arith.muli %arg1, %mul3A_14 : i32
    %add3A_16 = arith.constant 0 : i32
    %add3A_17 = arith.addi %mul3A_15, %add3A_16 : i32
    "tpu.region"() ({
      %run_scoped3A = tpu.sem_alloc : memref<!tpu.dma_semaphore, #tpu.memory_space<semaphore_mem>>
      %dma_start3A_297 = arith.constant 0 : i32
      %dma_start3A_298 = tpu.memref_slice %arg25[%add3A_17, %dma_start3A_297] : memref<10240x128xf32, #tpu.memory_space<vmem_shared>> -> memref<80x128xf32, #tpu.memory_space<vmem_shared>>
      %dma_start3A_299 = arith.constant 0 : i32
      %dma_start3A_300 = tpu.memref_slice %arg25[%add3A_17, %dma_start3A_299] : memref<10240x128xf32, #tpu.memory_space<vmem_shared>> -> memref<80x128xf32, #tpu.memory_space<vmem_shared>>
      tpu.enqueue_dma source(%arg20 : memref<80x128xf32, #tpu.memory_space<vmem>>) target(%dma_start3A_300 : memref<80x128xf32, #tpu.memory_space<vmem_shared>>) target_semaphore(%run_scoped3A : memref<!tpu.dma_semaphore, #tpu.memory_space<semaphore_mem>>)
      %dma_wait3A_301 = arith.constant 0 : i32
      %dma_wait3A_302 = tpu.memref_slice %arg25[%add3A_17, %dma_wait3A_301] : memref<10240x128xf32, #tpu.memory_space<vmem_shared>> -> memref<80x128xf32, #tpu.memory_space<vmem_shared>>
      %dma_wait3A_303 = arith.constant 0 : i32
      %dma_wait3A_304 = tpu.memref_slice %arg25[%add3A_17, %dma_wait3A_303] : memref<10240x128xf32, #tpu.memory_space<vmem_shared>> -> memref<80x128xf32, #tpu.memory_space<vmem_shared>>
      tpu.wait_dma2 semaphore(%run_scoped3A : memref<!tpu.dma_semaphore, #tpu.memory_space<semaphore_mem>>) src(%arg20 : memref<80x128xf32, #tpu.memory_space<vmem>>) dst(%dma_wait3A_304 : memref<80x128xf32, #tpu.memory_space<vmem_shared>>)
      tpu.yield
    }) : () -> ()
    %mul3A_18 = arith.constant 640 : i32
    %mul3A_19 = arith.muli %arg1, %mul3A_18 : i32
    %add3A_20 = arith.constant 80 : i32
    %add3A_21 = arith.addi %mul3A_19, %add3A_20 : i32
    "tpu.region"() ({
      %run_scoped3A = tpu.sem_alloc : memref<!tpu.dma_semaphore, #tpu.memory_space<semaphore_mem>>
      %dma_start3A_297 = arith.constant 0 : i32
      %dma_start3A_298 = tpu.memref_slice %arg25[%add3A_21, %dma_start3A_297] : memref<10240x128xf32, #tpu.memory_space<vmem_shared>> -> memref<80x128xf32, #tpu.memory_space<vmem_shared>>
      %dma_start3A_299 = arith.constant 0 : i32
      %dma_start3A_300 = tpu.memref_slice %arg25[%add3A_21, %dma_start3A_299] : memref<10240x128xf32, #tpu.memory_space<vmem_shared>> -> memref<80x128xf32, #tpu.memory_space<vmem_shared>>
      tpu.enqueue_dma source(%arg20 : memref<80x128xf32, #tpu.memory_space<vmem>>) target(%dma_start3A_300 : memref<80x128xf32, #tpu.memory_space<vmem_shared>>) target_semaphore(%run_scoped3A : memref<!tpu.dma_semaphore, #tpu.memory_space<semaphore_mem>>)
      %dma_wait3A_301 = arith.constant 0 : i32
      %dma_wait3A_302 = tpu.memref_slice %arg25[%add3A_21, %dma_wait3A_301] : memref<10240x128xf32, #tpu.memory_space<vmem_shared>> -> memref<80x128xf32, #tpu.memory_space<vmem_shared>>
      %dma_wait3A_303 = arith.constant 0 : i32
      %dma_wait3A_304 = tpu.memref_slice %arg25[%add3A_21, %dma_wait3A_303] : memref<10240x128xf32, #tpu.memory_space<vmem_shared>> -> memref<80x128xf32, #tpu.memory_space<vmem_shared>>
      tpu.wait_dma2 semaphore(%run_scoped3A : memref<!tpu.dma_semaphore, #tpu.memory_space<semaphore_mem>>) src(%arg20 : memref<80x128xf32, #tpu.memory_space<vmem>>) dst(%dma_wait3A_304 : memref<80x128xf32, #tpu.memory_space<vmem_shared>>)
      tpu.yield
    }) : () -> ()
    %mul3A_22 = arith.constant 640 : i32
    %mul3A_23 = arith.muli %arg1, %mul3A_22 : i32
    %add3A_24 = arith.constant 160 : i32
    %add3A_25 = arith.addi %mul3A_23, %add3A_24 : i32
    "tpu.region"() ({
      %run_scoped3A = tpu.sem_alloc : memref<!tpu.dma_semaphore, #tpu.memory_space<semaphore_mem>>
      %dma_start3A_297 = arith.constant 0 : i32
      %dma_start3A_298 = tpu.memref_slice %arg25[%add3A_25, %dma_start3A_297] : memref<10240x128xf32, #tpu.memory_space<vmem_shared>> -> memref<80x128xf32, #tpu.memory_space<vmem_shared>>
      %dma_start3A_299 = arith.constant 0 : i32
      %dma_start3A_300 = tpu.memref_slice %arg25[%add3A_25, %dma_start3A_299] : memref<10240x128xf32, #tpu.memory_space<vmem_shared>> -> memref<80x128xf32, #tpu.memory_space<vmem_shared>>
      tpu.enqueue_dma source(%arg20 : memref<80x128xf32, #tpu.memory_space<vmem>>) target(%dma_start3A_300 : memref<80x128xf32, #tpu.memory_space<vmem_shared>>) target_semaphore(%run_scoped3A : memref<!tpu.dma_semaphore, #tpu.memory_space<semaphore_mem>>)
      %dma_wait3A_301 = arith.constant 0 : i32
      %dma_wait3A_302 = tpu.memref_slice %arg25[%add3A_25, %dma_wait3A_301] : memref<10240x128xf32, #tpu.memory_space<vmem_shared>> -> memref<80x128xf32, #tpu.memory_space<vmem_shared>>
      %dma_wait3A_303 = arith.constant 0 : i32
      %dma_wait3A_304 = tpu.memref_slice %arg25[%add3A_25, %dma_wait3A_303] : memref<10240x128xf32, #tpu.memory_space<vmem_shared>> -> memref<80x128xf32, #tpu.memory_space<vmem_shared>>
      tpu.wait_dma2 semaphore(%run_scoped3A : memref<!tpu.dma_semaphore, #tpu.memory_space<semaphore_mem>>) src(%arg20 : memref<80x128xf32, #tpu.memory_space<vmem>>) dst(%dma_wait3A_304 : memref<80x128xf32, #tpu.memory_space<vmem_shared>>)
      tpu.yield
    }) : () -> ()
    %mul3A_26 = arith.constant 640 : i32
    %mul3A_27 = arith.muli %arg1, %mul3A_26 : i32
    %add3A_28 = arith.constant 240 : i32
    %add3A_29 = arith.addi %mul3A_27, %add3A_28 : i32
    "tpu.region"() ({
      %run_scoped3A = tpu.sem_alloc : memref<!tpu.dma_semaphore, #tpu.memory_space<semaphore_mem>>
      %dma_start3A_297 = arith.constant 0 : i32
      %dma_start3A_298 = tpu.memref_slice %arg25[%add3A_29, %dma_start3A_297] : memref<10240x128xf32, #tpu.memory_space<vmem_shared>> -> memref<80x128xf32, #tpu.memory_space<vmem_shared>>
      %dma_start3A_299 = arith.constant 0 : i32
      %dma_start3A_300 = tpu.memref_slice %arg25[%add3A_29, %dma_start3A_299] : memref<10240x128xf32, #tpu.memory_space<vmem_shared>> -> memref<80x128xf32, #tpu.memory_space<vmem_shared>>
      tpu.enqueue_dma source(%arg20 : memref<80x128xf32, #tpu.memory_space<vmem>>) target(%dma_start3A_300 : memref<80x128xf32, #tpu.memory_space<vmem_shared>>) target_semaphore(%run_scoped3A : memref<!tpu.dma_semaphore, #tpu.memory_space<semaphore_mem>>)
      %dma_wait3A_301 = arith.constant 0 : i32
      %dma_wait3A_302 = tpu.memref_slice %arg25[%add3A_29, %dma_wait3A_301] : memref<10240x128xf32, #tpu.memory_space<vmem_shared>> -> memref<80x128xf32, #tpu.memory_space<vmem_shared>>
      %dma_wait3A_303 = arith.constant 0 : i32
      %dma_wait3A_304 = tpu.memref_slice %arg25[%add3A_29, %dma_wait3A_303] : memref<10240x128xf32, #tpu.memory_space<vmem_shared>> -> memref<80x128xf32, #tpu.memory_space<vmem_shared>>
      tpu.wait_dma2 semaphore(%run_scoped3A : memref<!tpu.dma_semaphore, #tpu.memory_space<semaphore_mem>>) src(%arg20 : memref<80x128xf32, #tpu.memory_space<vmem>>) dst(%dma_wait3A_304 : memref<80x128xf32, #tpu.memory_space<vmem_shared>>)
      tpu.yield
    }) : () -> ()
    %mul3A_30 = arith.constant 640 : i32
    %mul3A_31 = arith.muli %arg1, %mul3A_30 : i32
    %add3A_32 = arith.constant 320 : i32
    %add3A_33 = arith.addi %mul3A_31, %add3A_32 : i32
    "tpu.region"() ({
      %run_scoped3A = tpu.sem_alloc : memref<!tpu.dma_semaphore, #tpu.memory_space<semaphore_mem>>
      %dma_start3A_297 = arith.constant 0 : i32
      %dma_start3A_298 = tpu.memref_slice %arg25[%add3A_33, %dma_start3A_297] : memref<10240x128xf32, #tpu.memory_space<vmem_shared>> -> memref<80x128xf32, #tpu.memory_space<vmem_shared>>
      %dma_start3A_299 = arith.constant 0 : i32
      %dma_start3A_300 = tpu.memref_slice %arg25[%add3A_33, %dma_start3A_299] : memref<10240x128xf32, #tpu.memory_space<vmem_shared>> -> memref<80x128xf32, #tpu.memory_space<vmem_shared>>
      tpu.enqueue_dma source(%arg20 : memref<80x128xf32, #tpu.memory_space<vmem>>) target(%dma_start3A_300 : memref<80x128xf32, #tpu.memory_space<vmem_shared>>) target_semaphore(%run_scoped3A : memref<!tpu.dma_semaphore, #tpu.memory_space<semaphore_mem>>)
      %dma_wait3A_301 = arith.constant 0 : i32
      %dma_wait3A_302 = tpu.memref_slice %arg25[%add3A_33, %dma_wait3A_301] : memref<10240x128xf32, #tpu.memory_space<vmem_shared>> -> memref<80x128xf32, #tpu.memory_space<vmem_shared>>
      %dma_wait3A_303 = arith.constant 0 : i32
      %dma_wait3A_304 = tpu.memref_slice %arg25[%add3A_33, %dma_wait3A_303] : memref<10240x128xf32, #tpu.memory_space<vmem_shared>> -> memref<80x128xf32, #tpu.memory_space<vmem_shared>>
      tpu.wait_dma2 semaphore(%run_scoped3A : memref<!tpu.dma_semaphore, #tpu.memory_space<semaphore_mem>>) src(%arg20 : memref<80x128xf32, #tpu.memory_space<vmem>>) dst(%dma_wait3A_304 : memref<80x128xf32, #tpu.memory_space<vmem_shared>>)
      tpu.yield
    }) : () -> ()
    %mul3A_34 = arith.constant 640 : i32
    %mul3A_35 = arith.muli %arg1, %mul3A_34 : i32
    %add3A_36 = arith.constant 400 : i32
    %add3A_37 = arith.addi %mul3A_35, %add3A_36 : i32
    "tpu.region"() ({
      %run_scoped3A = tpu.sem_alloc : memref<!tpu.dma_semaphore, #tpu.memory_space<semaphore_mem>>
      %dma_start3A_297 = arith.constant 0 : i32
      %dma_start3A_298 = tpu.memref_slice %arg25[%add3A_37, %dma_start3A_297] : memref<10240x128xf32, #tpu.memory_space<vmem_shared>> -> memref<80x128xf32, #tpu.memory_space<vmem_shared>>
      %dma_start3A_299 = arith.constant 0 : i32
      %dma_start3A_300 = tpu.memref_slice %arg25[%add3A_37, %dma_start3A_299] : memref<10240x128xf32, #tpu.memory_space<vmem_shared>> -> memref<80x128xf32, #tpu.memory_space<vmem_shared>>
      tpu.enqueue_dma source(%arg20 : memref<80x128xf32, #tpu.memory_space<vmem>>) target(%dma_start3A_300 : memref<80x128xf32, #tpu.memory_space<vmem_shared>>) target_semaphore(%run_scoped3A : memref<!tpu.dma_semaphore, #tpu.memory_space<semaphore_mem>>)
      %dma_wait3A_301 = arith.constant 0 : i32
      %dma_wait3A_302 = tpu.memref_slice %arg25[%add3A_37, %dma_wait3A_301] : memref<10240x128xf32, #tpu.memory_space<vmem_shared>> -> memref<80x128xf32, #tpu.memory_space<vmem_shared>>
      %dma_wait3A_303 = arith.constant 0 : i32
      %dma_wait3A_304 = tpu.memref_slice %arg25[%add3A_37, %dma_wait3A_303] : memref<10240x128xf32, #tpu.memory_space<vmem_shared>> -> memref<80x128xf32, #tpu.memory_space<vmem_shared>>
      tpu.wait_dma2 semaphore(%run_scoped3A : memref<!tpu.dma_semaphore, #tpu.memory_space<semaphore_mem>>) src(%arg20 : memref<80x128xf32, #tpu.memory_space<vmem>>) dst(%dma_wait3A_304 : memref<80x128xf32, #tpu.memory_space<vmem_shared>>)
      tpu.yield
    }) : () -> ()
    %mul3A_38 = arith.constant 640 : i32
    %mul3A_39 = arith.muli %arg1, %mul3A_38 : i32
    %add3A_40 = arith.constant 480 : i32
    %add3A_41 = arith.addi %mul3A_39, %add3A_40 : i32
    "tpu.region"() ({
      %run_scoped3A = tpu.sem_alloc : memref<!tpu.dma_semaphore, #tpu.memory_space<semaphore_mem>>
      %dma_start3A_297 = arith.constant 0 : i32
      %dma_start3A_298 = tpu.memref_slice %arg25[%add3A_41, %dma_start3A_297] : memref<10240x128xf32, #tpu.memory_space<vmem_shared>> -> memref<80x128xf32, #tpu.memory_space<vmem_shared>>
      %dma_start3A_299 = arith.constant 0 : i32
      %dma_start3A_300 = tpu.memref_slice %arg25[%add3A_41, %dma_start3A_299] : memref<10240x128xf32, #tpu.memory_space<vmem_shared>> -> memref<80x128xf32, #tpu.memory_space<vmem_shared>>
      tpu.enqueue_dma source(%arg20 : memref<80x128xf32, #tpu.memory_space<vmem>>) target(%dma_start3A_300 : memref<80x128xf32, #tpu.memory_space<vmem_shared>>) target_semaphore(%run_scoped3A : memref<!tpu.dma_semaphore, #tpu.memory_space<semaphore_mem>>)
      %dma_wait3A_301 = arith.constant 0 : i32
      %dma_wait3A_302 = tpu.memref_slice %arg25[%add3A_41, %dma_wait3A_301] : memref<10240x128xf32, #tpu.memory_space<vmem_shared>> -> memref<80x128xf32, #tpu.memory_space<vmem_shared>>
      %dma_wait3A_303 = arith.constant 0 : i32
      %dma_wait3A_304 = tpu.memref_slice %arg25[%add3A_41, %dma_wait3A_303] : memref<10240x128xf32, #tpu.memory_space<vmem_shared>> -> memref<80x128xf32, #tpu.memory_space<vmem_shared>>
      tpu.wait_dma2 semaphore(%run_scoped3A : memref<!tpu.dma_semaphore, #tpu.memory_space<semaphore_mem>>) src(%arg20 : memref<80x128xf32, #tpu.memory_space<vmem>>) dst(%dma_wait3A_304 : memref<80x128xf32, #tpu.memory_space<vmem_shared>>)
      tpu.yield
    }) : () -> ()
    %mul3A_42 = arith.constant 640 : i32
    %mul3A_43 = arith.muli %arg1, %mul3A_42 : i32
    %add3A_44 = arith.constant 560 : i32
    %add3A_45 = arith.addi %mul3A_43, %add3A_44 : i32
    "tpu.region"() ({
      %run_scoped3A = tpu.sem_alloc : memref<!tpu.dma_semaphore, #tpu.memory_space<semaphore_mem>>
      %dma_start3A_297 = arith.constant 0 : i32
      %dma_start3A_298 = tpu.memref_slice %arg25[%add3A_45, %dma_start3A_297] : memref<10240x128xf32, #tpu.memory_space<vmem_shared>> -> memref<80x128xf32, #tpu.memory_space<vmem_shared>>
      %dma_start3A_299 = arith.constant 0 : i32
      %dma_start3A_300 = tpu.memref_slice %arg25[%add3A_45, %dma_start3A_299] : memref<10240x128xf32, #tpu.memory_space<vmem_shared>> -> memref<80x128xf32, #tpu.memory_space<vmem_shared>>
      tpu.enqueue_dma source(%arg20 : memref<80x128xf32, #tpu.memory_space<vmem>>) target(%dma_start3A_300 : memref<80x128xf32, #tpu.memory_space<vmem_shared>>) target_semaphore(%run_scoped3A : memref<!tpu.dma_semaphore, #tpu.memory_space<semaphore_mem>>)
      %dma_wait3A_301 = arith.constant 0 : i32
      %dma_wait3A_302 = tpu.memref_slice %arg25[%add3A_45, %dma_wait3A_301] : memref<10240x128xf32, #tpu.memory_space<vmem_shared>> -> memref<80x128xf32, #tpu.memory_space<vmem_shared>>
      %dma_wait3A_303 = arith.constant 0 : i32
      %dma_wait3A_304 = tpu.memref_slice %arg25[%add3A_45, %dma_wait3A_303] : memref<10240x128xf32, #tpu.memory_space<vmem_shared>> -> memref<80x128xf32, #tpu.memory_space<vmem_shared>>
      tpu.wait_dma2 semaphore(%run_scoped3A : memref<!tpu.dma_semaphore, #tpu.memory_space<semaphore_mem>>) src(%arg20 : memref<80x128xf32, #tpu.memory_space<vmem>>) dst(%dma_wait3A_304 : memref<80x128xf32, #tpu.memory_space<vmem_shared>>)
      tpu.yield
    }) : () -> ()
    %barrier3A = arith.constant 0 : index
    tpu.barrier barrier_id(%barrier3A)
    %mul3A_46 = arith.constant 20000 : i32
    %mul3A_47 = arith.muli %arg1, %mul3A_46 : i32
    %add3A_48 = arith.constant 0 : i32
    %add3A_49 = arith.addi %mul3A_47, %add3A_48 : i32
    %dma_start3A = tpu.memref_slice %arg3[%add3A_49] : memref<320000xi32, #tpu.memory_space<hbm>> -> memref<800xi32, #tpu.memory_space<hbm>>
    %dma_start3A_50 = tpu.memref_slice %arg3[%add3A_49] : memref<320000xi32, #tpu.memory_space<hbm>> -> memref<800xi32, #tpu.memory_space<hbm>>
    tpu.enqueue_dma source(%dma_start3A_50 : memref<800xi32, #tpu.memory_space<hbm>>) target(%arg13 : memref<800xi32, #tpu.memory_space<vmem>>) target_semaphore(%arg28 : memref<!tpu.dma_semaphore, #tpu.memory_space<semaphore_mem>>)
    %dma_start3A_51 = tpu.memref_slice %arg4[%add3A_49] : memref<320000xf32, #tpu.memory_space<hbm>> -> memref<800xf32, #tpu.memory_space<hbm>>
    %dma_start3A_52 = tpu.memref_slice %arg4[%add3A_49] : memref<320000xf32, #tpu.memory_space<hbm>> -> memref<800xf32, #tpu.memory_space<hbm>>
    tpu.enqueue_dma source(%dma_start3A_52 : memref<800xf32, #tpu.memory_space<hbm>>) target(%arg15 : memref<800xf32, #tpu.memory_space<vmem>>) target_semaphore(%arg28 : memref<!tpu.dma_semaphore, #tpu.memory_space<semaphore_mem>>)
    %add3A_53 = arith.constant 0 : i32
    %add3A_54 = arith.addi %mul3A_47, %add3A_53 : i32
    %dma_wait3A = tpu.memref_slice %arg3[%add3A_54] : memref<320000xi32, #tpu.memory_space<hbm>> -> memref<800xi32, #tpu.memory_space<hbm>>
    %dma_wait3A_55 = tpu.memref_slice %arg3[%add3A_54] : memref<320000xi32, #tpu.memory_space<hbm>> -> memref<800xi32, #tpu.memory_space<hbm>>
    tpu.wait_dma2 semaphore(%arg28 : memref<!tpu.dma_semaphore, #tpu.memory_space<semaphore_mem>>) src(%dma_wait3A_55 : memref<800xi32, #tpu.memory_space<hbm>>) dst(%arg13 : memref<800xi32, #tpu.memory_space<vmem>>)
    %dma_wait3A_56 = tpu.memref_slice %arg4[%add3A_54] : memref<320000xf32, #tpu.memory_space<hbm>> -> memref<800xf32, #tpu.memory_space<hbm>>
    %dma_wait3A_57 = tpu.memref_slice %arg4[%add3A_54] : memref<320000xf32, #tpu.memory_space<hbm>> -> memref<800xf32, #tpu.memory_space<hbm>>
    tpu.wait_dma2 semaphore(%arg28 : memref<!tpu.dma_semaphore, #tpu.memory_space<semaphore_mem>>) src(%dma_wait3A_57 : memref<800xf32, #tpu.memory_space<hbm>>) dst(%arg15 : memref<800xf32, #tpu.memory_space<vmem>>)
    %add3A_58 = arith.constant 800 : i32
    %add3A_59 = arith.addi %mul3A_47, %add3A_58 : i32
    %dma_start3A_60 = tpu.memref_slice %arg3[%add3A_59] : memref<320000xi32, #tpu.memory_space<hbm>> -> memref<800xi32, #tpu.memory_space<hbm>>
    %dma_start3A_61 = tpu.memref_slice %arg3[%add3A_59] : memref<320000xi32, #tpu.memory_space<hbm>> -> memref<800xi32, #tpu.memory_space<hbm>>
    tpu.enqueue_dma source(%dma_start3A_61 : memref<800xi32, #tpu.memory_space<hbm>>) target(%arg14 : memref<800xi32, #tpu.memory_space<vmem>>) target_semaphore(%arg29 : memref<!tpu.dma_semaphore, #tpu.memory_space<semaphore_mem>>)
    %dma_start3A_62 = tpu.memref_slice %arg4[%add3A_59] : memref<320000xf32, #tpu.memory_space<hbm>> -> memref<800xf32, #tpu.memory_space<hbm>>
    %dma_start3A_63 = tpu.memref_slice %arg4[%add3A_59] : memref<320000xf32, #tpu.memory_space<hbm>> -> memref<800xf32, #tpu.memory_space<hbm>>
    tpu.enqueue_dma source(%dma_start3A_63 : memref<800xf32, #tpu.memory_space<hbm>>) target(%arg16 : memref<800xf32, #tpu.memory_space<vmem>>) target_semaphore(%arg29 : memref<!tpu.dma_semaphore, #tpu.memory_space<semaphore_mem>>)
    %scan3A_64 = arith.constant 0 : i32
    %scan3A_65 = arith.constant 0 : i32
    %scan3A_66 = arith.constant 50 : i32
    %scan3A_67 = arith.addi %scan3A_65, %scan3A_66 : i32
    %scan3A_68 = arith.constant 1 : i32
    %scan3A_69 = scf.for %scan3A_297 = %scan3A_65 to %scan3A_67 step %scan3A_68 iter_args(%scan3A_298 = %scan3A_64) -> (i32)  : i32 {
      %mul3A_299 = arith.constant 16 : i32
      %mul3A_300 = arith.muli %scan3A_297, %mul3A_299 : i32
      %get3A = arith.index_cast %mul3A_300 : i32 to index
      %get3A_301 = tpu.vector_load %arg13[%get3A] {strides = array<i32>} : memref<800xi32, #tpu.memory_space<vmem>>, vector<16xi32>,
      %mul3A_302 = arith.constant 16 : i32
      %mul3A_303 = arith.muli %scan3A_297, %mul3A_302 : i32
      %get3A_304 = arith.index_cast %mul3A_303 : i32 to index
      %get3A_305 = tpu.vector_load %arg15[%get3A_304] {strides = array<i32>} : memref<800xf32, #tpu.memory_space<vmem>>, vector<16xf32>,
      %shift_right_logical3A = arith.constant 7 : i32
      %shift_right_logical3A_306 = vector.broadcast %shift_right_logical3A : i32 to vector<16xi32>
      %shift_right_logical3A_307 = arith.shrui %get3A_301, %shift_right_logical3A_306 : vector<16xi32>
      %and3A = arith.constant 127 : i32
      %and3A_308 = vector.broadcast %and3A : i32 to vector<16xi32>
      %and3A_309 = arith.andi %get3A_301, %and3A_308 : vector<16xi32>
      tpu.vector_store_idx %arg20[%shift_right_logical3A_307, %and3A_309], %get3A_305 {add = true} : memref<80x128xf32, #tpu.memory_space<vmem>>[vector<16xi32>, vector<16xi32>], vector<16xf32>,
      %scan3A_310 = arith.constant 0 : i32
      scf.yield %scan3A_310 : i32
    }
    %scan3A_70 = arith.constant 50 : i32
    %scan3A_71 = arith.constant 0 : i32
    %scan3A_72 = arith.constant 0 : i32
    %scan3A_73 = arith.constant 12 : i32
    %scan3A_74 = arith.addi %scan3A_72, %scan3A_73 : i32
    %scan3A_75 = arith.constant 1 : i32
    %scan3A_76 = scf.for %scan3A_297 = %scan3A_72 to %scan3A_74 step %scan3A_75 iter_args(%scan3A_298 = %scan3A_71) -> (i32)  : i32 {
      %mul3A_299 = arith.constant 2 : i32
      %mul3A_300 = arith.muli %mul3A_299, %scan3A_297 : i32
      %add3A_301 = arith.constant 1 : i32
      %add3A_302 = arith.addi %add3A_301, %mul3A_300 : i32
      %add3A_303 = arith.constant 0 : i32
      %add3A_304 = arith.addi %add3A_302, %add3A_303 : i32
      %mul3A_305 = arith.constant 800 : i32
      %mul3A_306 = arith.muli %add3A_304, %mul3A_305 : i32
      %add3A_307 = arith.addi %mul3A_47, %mul3A_306 : i32
      %dma_wait3A_308 = tpu.memref_slice %arg3[%add3A_307] : memref<320000xi32, #tpu.memory_space<hbm>> -> memref<800xi32, #tpu.memory_space<hbm>>
      %dma_wait3A_309 = tpu.memref_slice %arg3[%add3A_307] : memref<320000xi32, #tpu.memory_space<hbm>> -> memref<800xi32, #tpu.memory_space<hbm>>
      tpu.wait_dma2 semaphore(%arg29 : memref<!tpu.dma_semaphore, #tpu.memory_space<semaphore_mem>>) src(%dma_wait3A_309 : memref<800xi32, #tpu.memory_space<hbm>>) dst(%arg14 : memref<800xi32, #tpu.memory_space<vmem>>)
      %dma_wait3A_310 = tpu.memref_slice %arg4[%add3A_307] : memref<320000xf32, #tpu.memory_space<hbm>> -> memref<800xf32, #tpu.memory_space<hbm>>
      %dma_wait3A_311 = tpu.memref_slice %arg4[%add3A_307] : memref<320000xf32, #tpu.memory_space<hbm>> -> memref<800xf32, #tpu.memory_space<hbm>>
      tpu.wait_dma2 semaphore(%arg29 : memref<!tpu.dma_semaphore, #tpu.memory_space<semaphore_mem>>) src(%dma_wait3A_311 : memref<800xf32, #tpu.memory_space<hbm>>) dst(%arg16 : memref<800xf32, #tpu.memory_space<vmem>>)
      %add3A_312 = arith.constant 1 : i32
      %add3A_313 = arith.addi %add3A_304, %add3A_312 : i32
      %le3A = arith.constant 24 : i32
      %le3A_314 = arith.cmpi sle, %add3A_313, %le3A : i32
      %convert_element_type3A = arith.extui %le3A_314 : i1 to i32
      %cond3A = arith.constant 0 : i32
      %cond3A_315 = arith.cmpi ne, %convert_element_type3A, %cond3A : i32
      scf.if %cond3A_315 {
        %add3A_351 = arith.constant 1 : i32
        %add3A_352 = arith.addi %add3A_304, %add3A_351 : i32
        %mul3A_353 = arith.constant 800 : i32
        %mul3A_354 = arith.muli %add3A_352, %mul3A_353 : i32
        %add3A_355 = arith.addi %mul3A_47, %mul3A_354 : i32
        %dma_start3A_356 = tpu.memref_slice %arg3[%add3A_355] : memref<320000xi32, #tpu.memory_space<hbm>> -> memref<800xi32, #tpu.memory_space<hbm>>
        %dma_start3A_357 = tpu.memref_slice %arg3[%add3A_355] : memref<320000xi32, #tpu.memory_space<hbm>> -> memref<800xi32, #tpu.memory_space<hbm>>
        tpu.enqueue_dma source(%dma_start3A_357 : memref<800xi32, #tpu.memory_space<hbm>>) target(%arg13 : memref<800xi32, #tpu.memory_space<vmem>>) target_semaphore(%arg28 : memref<!tpu.dma_semaphore, #tpu.memory_space<semaphore_mem>>)
        %dma_start3A_358 = tpu.memref_slice %arg4[%add3A_355] : memref<320000xf32, #tpu.memory_space<hbm>> -> memref<800xf32, #tpu.memory_space<hbm>>
        %dma_start3A_359 = tpu.memref_slice %arg4[%add3A_355] : memref<320000xf32, #tpu.memory_space<hbm>> -> memref<800xf32, #tpu.memory_space<hbm>>
        tpu.enqueue_dma source(%dma_start3A_359 : memref<800xf32, #tpu.memory_space<hbm>>) target(%arg15 : memref<800xf32, #tpu.memory_space<vmem>>) target_semaphore(%arg28 : memref<!tpu.dma_semaphore, #tpu.memory_space<semaphore_mem>>)
      } else {
      }
      %scan3A_316 = arith.constant 0 : i32
      %scan3A_317 = arith.constant 0 : i32
      %scan3A_318 = arith.constant 50 : i32
      %scan3A_319 = arith.addi %scan3A_317, %scan3A_318 : i32
      %scan3A_320 = arith.constant 1 : i32
      %scan3A_321 = scf.for %scan3A_351 = %scan3A_317 to %scan3A_319 step %scan3A_320 iter_args(%scan3A_352 = %scan3A_316) -> (i32)  : i32 {
        %mul3A_353 = arith.constant 16 : i32
        %mul3A_354 = arith.muli %scan3A_351, %mul3A_353 : i32
        %get3A = arith.index_cast %mul3A_354 : i32 to index
        %get3A_355 = tpu.vector_load %arg14[%get3A] {strides = array<i32>} : memref<800xi32, #tpu.memory_space<vmem>>, vector<16xi32>,
        %mul3A_356 = arith.constant 16 : i32
        %mul3A_357 = arith.muli %scan3A_351, %mul3A_356 : i32
        %get3A_358 = arith.index_cast %mul3A_357 : i32 to index
        %get3A_359 = tpu.vector_load %arg16[%get3A_358] {strides = array<i32>} : memref<800xf32, #tpu.memory_space<vmem>>, vector<16xf32>,
        %shift_right_logical3A = arith.constant 7 : i32
        %shift_right_logical3A_360 = vector.broadcast %shift_right_logical3A : i32 to vector<16xi32>
        %shift_right_logical3A_361 = arith.shrui %get3A_355, %shift_right_logical3A_360 : vector<16xi32>
        %and3A = arith.constant 127 : i32
        %and3A_362 = vector.broadcast %and3A : i32 to vector<16xi32>
        %and3A_363 = arith.andi %get3A_355, %and3A_362 : vector<16xi32>
        tpu.vector_store_idx %arg20[%shift_right_logical3A_361, %and3A_363], %get3A_359 {add = true} : memref<80x128xf32, #tpu.memory_space<vmem>>[vector<16xi32>, vector<16xi32>], vector<16xf32>,
        %scan3A_364 = arith.constant 0 : i32
        scf.yield %scan3A_364 : i32
      }
      %scan3A_322 = arith.constant 50 : i32
      %mul3A_323 = arith.constant 2 : i32
      %mul3A_324 = arith.muli %mul3A_323, %scan3A_297 : i32
      %add3A_325 = arith.constant 1 : i32
      %add3A_326 = arith.addi %add3A_325, %mul3A_324 : i32
      %add3A_327 = arith.constant 1 : i32
      %add3A_328 = arith.addi %add3A_326, %add3A_327 : i32
      %mul3A_329 = arith.constant 800 : i32
      %mul3A_330 = arith.muli %add3A_328, %mul3A_329 : i32
      %add3A_331 = arith.addi %mul3A_47, %mul3A_330 : i32
      %dma_wait3A_332 = tpu.memref_slice %arg3[%add3A_331] : memref<320000xi32, #tpu.memory_space<hbm>> -> memref<800xi32, #tpu.memory_space<hbm>>
      %dma_wait3A_333 = tpu.memref_slice %arg3[%add3A_331] : memref<320000xi32, #tpu.memory_space<hbm>> -> memref<800xi32, #tpu.memory_space<hbm>>
      tpu.wait_dma2 semaphore(%arg28 : memref<!tpu.dma_semaphore, #tpu.memory_space<semaphore_mem>>) src(%dma_wait3A_333 : memref<800xi32, #tpu.memory_space<hbm>>) dst(%arg13 : memref<800xi32, #tpu.memory_space<vmem>>)
      %dma_wait3A_334 = tpu.memref_slice %arg4[%add3A_331] : memref<320000xf32, #tpu.memory_space<hbm>> -> memref<800xf32, #tpu.memory_space<hbm>>
      %dma_wait3A_335 = tpu.memref_slice %arg4[%add3A_331] : memref<320000xf32, #tpu.memory_space<hbm>> -> memref<800xf32, #tpu.memory_space<hbm>>
      tpu.wait_dma2 semaphore(%arg28 : memref<!tpu.dma_semaphore, #tpu.memory_space<semaphore_mem>>) src(%dma_wait3A_335 : memref<800xf32, #tpu.memory_space<hbm>>) dst(%arg15 : memref<800xf32, #tpu.memory_space<vmem>>)
      %add3A_336 = arith.constant 1 : i32
      %add3A_337 = arith.addi %add3A_328, %add3A_336 : i32
      %le3A_338 = arith.constant 24 : i32
      %le3A_339 = arith.cmpi sle, %add3A_337, %le3A_338 : i32
      %convert_element_type3A_340 = arith.extui %le3A_339 : i1 to i32
      %cond3A_341 = arith.constant 0 : i32
      %cond3A_342 = arith.cmpi ne, %convert_element_type3A_340, %cond3A_341 : i32
      scf.if %cond3A_342 {
        %add3A_351 = arith.constant 1 : i32
        %add3A_352 = arith.addi %add3A_328, %add3A_351 : i32
        %mul3A_353 = arith.constant 800 : i32
        %mul3A_354 = arith.muli %add3A_352, %mul3A_353 : i32
        %add3A_355 = arith.addi %mul3A_47, %mul3A_354 : i32
        %dma_start3A_356 = tpu.memref_slice %arg3[%add3A_355] : memref<320000xi32, #tpu.memory_space<hbm>> -> memref<800xi32, #tpu.memory_space<hbm>>
        %dma_start3A_357 = tpu.memref_slice %arg3[%add3A_355] : memref<320000xi32, #tpu.memory_space<hbm>> -> memref<800xi32, #tpu.memory_space<hbm>>
        tpu.enqueue_dma source(%dma_start3A_357 : memref<800xi32, #tpu.memory_space<hbm>>) target(%arg14 : memref<800xi32, #tpu.memory_space<vmem>>) target_semaphore(%arg29 : memref<!tpu.dma_semaphore, #tpu.memory_space<semaphore_mem>>)
        %dma_start3A_358 = tpu.memref_slice %arg4[%add3A_355] : memref<320000xf32, #tpu.memory_space<hbm>> -> memref<800xf32, #tpu.memory_space<hbm>>
        %dma_start3A_359 = tpu.memref_slice %arg4[%add3A_355] : memref<320000xf32, #tpu.memory_space<hbm>> -> memref<800xf32, #tpu.memory_space<hbm>>
        tpu.enqueue_dma source(%dma_start3A_359 : memref<800xf32, #tpu.memory_space<hbm>>) target(%arg16 : memref<800xf32, #tpu.memory_space<vmem>>) target_semaphore(%arg29 : memref<!tpu.dma_semaphore, #tpu.memory_space<semaphore_mem>>)
      } else {
      }
      %scan3A_343 = arith.constant 0 : i32
      %scan3A_344 = arith.constant 0 : i32
      %scan3A_345 = arith.constant 50 : i32
      %scan3A_346 = arith.addi %scan3A_344, %scan3A_345 : i32
      %scan3A_347 = arith.constant 1 : i32
      %scan3A_348 = scf.for %scan3A_351 = %scan3A_344 to %scan3A_346 step %scan3A_347 iter_args(%scan3A_352 = %scan3A_343) -> (i32)  : i32 {
        %mul3A_353 = arith.constant 16 : i32
        %mul3A_354 = arith.muli %scan3A_351, %mul3A_353 : i32
        %get3A = arith.index_cast %mul3A_354 : i32 to index
        %get3A_355 = tpu.vector_load %arg13[%get3A] {strides = array<i32>} : memref<800xi32, #tpu.memory_space<vmem>>, vector<16xi32>,
        %mul3A_356 = arith.constant 16 : i32
        %mul3A_357 = arith.muli %scan3A_351, %mul3A_356 : i32
        %get3A_358 = arith.index_cast %mul3A_357 : i32 to index
        %get3A_359 = tpu.vector_load %arg15[%get3A_358] {strides = array<i32>} : memref<800xf32, #tpu.memory_space<vmem>>, vector<16xf32>,
        %shift_right_logical3A = arith.constant 7 : i32
        %shift_right_logical3A_360 = vector.broadcast %shift_right_logical3A : i32 to vector<16xi32>
        %shift_right_logical3A_361 = arith.shrui %get3A_355, %shift_right_logical3A_360 : vector<16xi32>
        %and3A = arith.constant 127 : i32
        %and3A_362 = vector.broadcast %and3A : i32 to vector<16xi32>
        %and3A_363 = arith.andi %get3A_355, %and3A_362 : vector<16xi32>
        tpu.vector_store_idx %arg20[%shift_right_logical3A_361, %and3A_363], %get3A_359 {add = true} : memref<80x128xf32, #tpu.memory_space<vmem>>[vector<16xi32>, vector<16xi32>], vector<16xf32>,
        %scan3A_364 = arith.constant 0 : i32
        scf.yield %scan3A_364 : i32
      }
      %scan3A_349 = arith.constant 50 : i32
      %scan3A_350 = arith.constant 0 : i32
      scf.yield %scan3A_350 : i32
    }
    %scan3A_77 = arith.constant 12 : i32
    %mul3A_78 = arith.constant 80 : i32
    %mul3A_79 = arith.muli %arg1, %mul3A_78 : i32
    "tpu.region"() ({
      %run_scoped3A = tpu.sem_alloc : memref<!tpu.dma_semaphore, #tpu.memory_space<semaphore_mem>>
      %dma_start3A_297 = arith.constant 0 : i32
      %dma_start3A_298 = tpu.memref_slice %arg25[%mul3A_79, %dma_start3A_297] : memref<10240x128xf32, #tpu.memory_space<vmem_shared>> -> memref<80x128xf32, #tpu.memory_space<vmem_shared>>
      %dma_start3A_299 = arith.constant 0 : i32
      %dma_start3A_300 = tpu.memref_slice %arg25[%mul3A_79, %dma_start3A_299] : memref<10240x128xf32, #tpu.memory_space<vmem_shared>> -> memref<80x128xf32, #tpu.memory_space<vmem_shared>>
      tpu.enqueue_dma source(%arg20 : memref<80x128xf32, #tpu.memory_space<vmem>>) target(%dma_start3A_300 : memref<80x128xf32, #tpu.memory_space<vmem_shared>>) target_semaphore(%run_scoped3A : memref<!tpu.dma_semaphore, #tpu.memory_space<semaphore_mem>>)
      %dma_wait3A_301 = arith.constant 0 : i32
      %dma_wait3A_302 = tpu.memref_slice %arg25[%mul3A_79, %dma_wait3A_301] : memref<10240x128xf32, #tpu.memory_space<vmem_shared>> -> memref<80x128xf32, #tpu.memory_space<vmem_shared>>
      %dma_wait3A_303 = arith.constant 0 : i32
      %dma_wait3A_304 = tpu.memref_slice %arg25[%mul3A_79, %dma_wait3A_303] : memref<10240x128xf32, #tpu.memory_space<vmem_shared>> -> memref<80x128xf32, #tpu.memory_space<vmem_shared>>
      tpu.wait_dma2 semaphore(%run_scoped3A : memref<!tpu.dma_semaphore, #tpu.memory_space<semaphore_mem>>) src(%arg20 : memref<80x128xf32, #tpu.memory_space<vmem>>) dst(%dma_wait3A_304 : memref<80x128xf32, #tpu.memory_space<vmem_shared>>)
      tpu.yield
    }) : () -> ()
    %barrier3A_80 = arith.constant 0 : index
    tpu.barrier barrier_id(%barrier3A_80)
    %scan3A_81 = arith.constant 0 : i32
    %scan3A_82 = arith.constant 0 : i32
    %scan3A_83 = arith.constant 40 : i32
    %scan3A_84 = arith.addi %scan3A_82, %scan3A_83 : i32
    %scan3A_85 = arith.constant 1 : i32
    %scan3A_86 = scf.for %scan3A_297 = %scan3A_82 to %scan3A_84 step %scan3A_85 iter_args(%scan3A_298 = %scan3A_81) -> (i32)  : i32 {
      %broadcast_in_dim3A = arith.constant 0.000000e+00 : f32
      %broadcast_in_dim3A_299 = vector.broadcast %broadcast_in_dim3A : f32 to vector<16xf32>
      %jit3A = arith.constant 8 : i32
      %div3A = arith.divsi %scan3A_297, %jit3A : i32
      %sign3A = arith.constant 0 : i32
      %sign3A_300 = arith.cmpi sgt, %scan3A_297, %sign3A : i32
      %sign3A_301 = arith.extui %sign3A_300 : i1 to i32
      %sign3A_302 = arith.constant 0 : i32
      %sign3A_303 = arith.cmpi slt, %scan3A_297, %sign3A_302 : i32
      %sign3A_304 = arith.extui %sign3A_303 : i1 to i32
      %sign3A_305 = arith.subi %sign3A_301, %sign3A_304 : i32
      %sign3A_306 = arith.constant 0 : i32
      %sign3A_307 = arith.cmpi sgt, %jit3A, %sign3A_306 : i32
      %sign3A_308 = arith.extui %sign3A_307 : i1 to i32
      %sign3A_309 = arith.constant 0 : i32
      %sign3A_310 = arith.cmpi slt, %jit3A, %sign3A_309 : i32
      %sign3A_311 = arith.extui %sign3A_310 : i1 to i32
      %sign3A_312 = arith.subi %sign3A_308, %sign3A_311 : i32
      %ne3A = arith.cmpi ne, %sign3A_305, %sign3A_312 : i32
      %rem3A = arith.remsi %scan3A_297, %jit3A : i32
      %ne3A_313 = arith.constant 0 : i32
      %ne3A_314 = arith.cmpi ne, %rem3A, %ne3A_313 : i32
      %and3A = arith.andi %ne3A, %ne3A_314 : i1
      %sub3A = arith.constant 1 : i32
      %sub3A_315 = arith.subi %div3A, %sub3A : i32
      %select_n3A = arith.select %and3A, %sub3A_315, %div3A : i32
      %jit3A_316 = arith.constant 8 : i32
      %eq3A = arith.constant 0 : i32
      %eq3A_317 = arith.cmpi eq, %jit3A_316, %eq3A : i32
      %jit3A_318 = arith.constant 1 : i32
      %select_n3A_319 = arith.select %eq3A_317, %jit3A_318, %jit3A_316 : i32
      %rem3A_320 = arith.remsi %scan3A_297, %select_n3A_319 : i32
      %ne3A_321 = arith.constant 0 : i32
      %ne3A_322 = arith.cmpi ne, %rem3A_320, %ne3A_321 : i32
      %lt3A = arith.constant 0 : i32
      %lt3A_323 = arith.cmpi slt, %rem3A_320, %lt3A : i32
      %lt3A_324 = arith.constant 0 : i32
      %lt3A_325 = arith.cmpi slt, %select_n3A_319, %lt3A_324 : i32
      %ne3A_326 = arith.xori %lt3A_323, %lt3A_325 : i1
      %and3A_327 = arith.andi %ne3A_326, %ne3A_322 : i1
      %add3A_328 = arith.addi %rem3A_320, %select_n3A_319 : i32
      %select_n3A_329 = arith.select %and3A_327, %add3A_328, %rem3A_320 : i32
      %mul3A_330 = arith.constant 16 : i32
      %mul3A_331 = arith.muli %select_n3A_329, %mul3A_330 : i32
      %swap3A = arith.index_cast %select_n3A : i32 to index
      %swap3A_332 = arith.index_cast %mul3A_331 : i32 to index
      %swap3A_333 = tpu.vector_load %arg22[%swap3A, %swap3A_332] {strides = array<i32>} : memref<5x128xf32, #tpu.memory_space<vmem>>, vector<16xf32>,
      tpu.vector_store %arg22[%swap3A, %swap3A_332], %broadcast_in_dim3A_299 {strides = array<i32>} : memref<5x128xf32, #tpu.memory_space<vmem>>, vector<16xf32>,
      %scan3A_334 = arith.constant 0 : i32
      scf.yield %scan3A_334 : i32
    }
    %scan3A_87 = arith.constant 40 : i32
    %mul3A_88 = arith.constant 5 : i32
    %mul3A_89 = arith.muli %mul3A_88, %arg1 : i32
    %add3A_90 = arith.constant 0 : i32
    %add3A_91 = arith.addi %add3A_90, %mul3A_89 : i32
    "tpu.region"() ({
      %run_scoped3A = tpu.sem_alloc : memref<!tpu.dma_semaphore, #tpu.memory_space<semaphore_mem>>
      %dma_start3A_297 = arith.constant 0 : i32
      %dma_start3A_298 = tpu.memref_slice %arg25[%add3A_91, %dma_start3A_297] : memref<10240x128xf32, #tpu.memory_space<vmem_shared>> -> memref<5x128xf32, #tpu.memory_space<vmem_shared>>
      %dma_start3A_299 = arith.constant 0 : i32
      %dma_start3A_300 = tpu.memref_slice %arg25[%add3A_91, %dma_start3A_299] : memref<10240x128xf32, #tpu.memory_space<vmem_shared>> -> memref<5x128xf32, #tpu.memory_space<vmem_shared>>
      tpu.enqueue_dma source(%dma_start3A_300 : memref<5x128xf32, #tpu.memory_space<vmem_shared>>) target(%arg23 : memref<5x128xf32, #tpu.memory_space<vmem>>) target_semaphore(%run_scoped3A : memref<!tpu.dma_semaphore, #tpu.memory_space<semaphore_mem>>)
      %dma_wait3A_301 = arith.constant 0 : i32
      %dma_wait3A_302 = tpu.memref_slice %arg25[%add3A_91, %dma_wait3A_301] : memref<10240x128xf32, #tpu.memory_space<vmem_shared>> -> memref<5x128xf32, #tpu.memory_space<vmem_shared>>
      %dma_wait3A_303 = arith.constant 0 : i32
      %dma_wait3A_304 = tpu.memref_slice %arg25[%add3A_91, %dma_wait3A_303] : memref<10240x128xf32, #tpu.memory_space<vmem_shared>> -> memref<5x128xf32, #tpu.memory_space<vmem_shared>>
      tpu.wait_dma2 semaphore(%run_scoped3A : memref<!tpu.dma_semaphore, #tpu.memory_space<semaphore_mem>>) src(%dma_wait3A_304 : memref<5x128xf32, #tpu.memory_space<vmem_shared>>) dst(%arg23 : memref<5x128xf32, #tpu.memory_space<vmem>>)
      tpu.yield
    }) : () -> ()
    %scan3A_92 = arith.constant 0 : i32
    %scan3A_93 = arith.constant 0 : i32
    %scan3A_94 = arith.constant 40 : i32
    %scan3A_95 = arith.addi %scan3A_93, %scan3A_94 : i32
    %scan3A_96 = arith.constant 1 : i32
    %scan3A_97 = scf.for %scan3A_297 = %scan3A_93 to %scan3A_95 step %scan3A_96 iter_args(%scan3A_298 = %scan3A_92) -> (i32)  : i32 {
      %jit3A = arith.constant 8 : i32
      %div3A = arith.divsi %scan3A_297, %jit3A : i32
      %sign3A = arith.constant 0 : i32
      %sign3A_299 = arith.cmpi sgt, %scan3A_297, %sign3A : i32
      %sign3A_300 = arith.extui %sign3A_299 : i1 to i32
      %sign3A_301 = arith.constant 0 : i32
      %sign3A_302 = arith.cmpi slt, %scan3A_297, %sign3A_301 : i32
      %sign3A_303 = arith.extui %sign3A_302 : i1 to i32
      %sign3A_304 = arith.subi %sign3A_300, %sign3A_303 : i32
      %sign3A_305 = arith.constant 0 : i32
      %sign3A_306 = arith.cmpi sgt, %jit3A, %sign3A_305 : i32
      %sign3A_307 = arith.extui %sign3A_306 : i1 to i32
      %sign3A_308 = arith.constant 0 : i32
      %sign3A_309 = arith.cmpi slt, %jit3A, %sign3A_308 : i32
      %sign3A_310 = arith.extui %sign3A_309 : i1 to i32
      %sign3A_311 = arith.subi %sign3A_307, %sign3A_310 : i32
      %ne3A = arith.cmpi ne, %sign3A_304, %sign3A_311 : i32
      %rem3A = arith.remsi %scan3A_297, %jit3A : i32
      %ne3A_312 = arith.constant 0 : i32
      %ne3A_313 = arith.cmpi ne, %rem3A, %ne3A_312 : i32
      %and3A = arith.andi %ne3A, %ne3A_313 : i1
      %sub3A = arith.constant 1 : i32
      %sub3A_314 = arith.subi %div3A, %sub3A : i32
      %select_n3A = arith.select %and3A, %sub3A_314, %div3A : i32
      %jit3A_315 = arith.constant 8 : i32
      %eq3A = arith.constant 0 : i32
      %eq3A_316 = arith.cmpi eq, %jit3A_315, %eq3A : i32
      %jit3A_317 = arith.constant 1 : i32
      %select_n3A_318 = arith.select %eq3A_316, %jit3A_317, %jit3A_315 : i32
      %rem3A_319 = arith.remsi %scan3A_297, %select_n3A_318 : i32
      %ne3A_320 = arith.constant 0 : i32
      %ne3A_321 = arith.cmpi ne, %rem3A_319, %ne3A_320 : i32
      %lt3A = arith.constant 0 : i32
      %lt3A_322 = arith.cmpi slt, %rem3A_319, %lt3A : i32
      %lt3A_323 = arith.constant 0 : i32
      %lt3A_324 = arith.cmpi slt, %select_n3A_318, %lt3A_323 : i32
      %ne3A_325 = arith.xori %lt3A_322, %lt3A_324 : i1
      %and3A_326 = arith.andi %ne3A_325, %ne3A_321 : i1
      %add3A_327 = arith.addi %rem3A_319, %select_n3A_318 : i32
      %select_n3A_328 = arith.select %and3A_326, %add3A_327, %rem3A_319 : i32
      %mul3A_329 = arith.constant 16 : i32
      %mul3A_330 = arith.muli %select_n3A_328, %mul3A_329 : i32
      %get3A = arith.index_cast %select_n3A : i32 to index
      %get3A_331 = arith.index_cast %mul3A_330 : i32 to index
      %get3A_332 = tpu.vector_load %arg22[%get3A, %get3A_331] {strides = array<i32>} : memref<5x128xf32, #tpu.memory_space<vmem>>, vector<16xf32>,
      %jit3A_333 = arith.constant 8 : i32
      %div3A_334 = arith.divsi %scan3A_297, %jit3A_333 : i32
      %sign3A_335 = arith.constant 0 : i32
      %sign3A_336 = arith.cmpi sgt, %scan3A_297, %sign3A_335 : i32
      %sign3A_337 = arith.extui %sign3A_336 : i1 to i32
      %sign3A_338 = arith.constant 0 : i32
      %sign3A_339 = arith.cmpi slt, %scan3A_297, %sign3A_338 : i32
      %sign3A_340 = arith.extui %sign3A_339 : i1 to i32
      %sign3A_341 = arith.subi %sign3A_337, %sign3A_340 : i32
      %sign3A_342 = arith.constant 0 : i32
      %sign3A_343 = arith.cmpi sgt, %jit3A_333, %sign3A_342 : i32
      %sign3A_344 = arith.extui %sign3A_343 : i1 to i32
      %sign3A_345 = arith.constant 0 : i32
      %sign3A_346 = arith.cmpi slt, %jit3A_333, %sign3A_345 : i32
      %sign3A_347 = arith.extui %sign3A_346 : i1 to i32
      %sign3A_348 = arith.subi %sign3A_344, %sign3A_347 : i32
      %ne3A_349 = arith.cmpi ne, %sign3A_341, %sign3A_348 : i32
      %rem3A_350 = arith.remsi %scan3A_297, %jit3A_333 : i32
      %ne3A_351 = arith.constant 0 : i32
      %ne3A_352 = arith.cmpi ne, %rem3A_350, %ne3A_351 : i32
      %and3A_353 = arith.andi %ne3A_349, %ne3A_352 : i1
      %sub3A_354 = arith.constant 1 : i32
      %sub3A_355 = arith.subi %div3A_334, %sub3A_354 : i32
      %select_n3A_356 = arith.select %and3A_353, %sub3A_355, %div3A_334 : i32
      %jit3A_357 = arith.constant 8 : i32
      %eq3A_358 = arith.constant 0 : i32
      %eq3A_359 = arith.cmpi eq, %jit3A_357, %eq3A_358 : i32
      %jit3A_360 = arith.constant 1 : i32
      %select_n3A_361 = arith.select %eq3A_359, %jit3A_360, %jit3A_357 : i32
      %rem3A_362 = arith.remsi %scan3A_297, %select_n3A_361 : i32
      %ne3A_363 = arith.constant 0 : i32
      %ne3A_364 = arith.cmpi ne, %rem3A_362, %ne3A_363 : i32
      %lt3A_365 = arith.constant 0 : i32
      %lt3A_366 = arith.cmpi slt, %rem3A_362, %lt3A_365 : i32
      %lt3A_367 = arith.constant 0 : i32
      %lt3A_368 = arith.cmpi slt, %select_n3A_361, %lt3A_367 : i32
      %ne3A_369 = arith.xori %lt3A_366, %lt3A_368 : i1
      %and3A_370 = arith.andi %ne3A_369, %ne3A_364 : i1
      %add3A_371 = arith.addi %rem3A_362, %select_n3A_361 : i32
      %select_n3A_372 = arith.select %and3A_370, %add3A_371, %rem3A_362 : i32
      %mul3A_373 = arith.constant 16 : i32
      %mul3A_374 = arith.muli %select_n3A_372, %mul3A_373 : i32
      %get3A_375 = arith.index_cast %select_n3A_356 : i32 to index
      %get3A_376 = arith.index_cast %mul3A_374 : i32 to index
      %get3A_377 = tpu.vector_load %arg23[%get3A_375, %get3A_376] {strides = array<i32>} : memref<5x128xf32, #tpu.memory_space<vmem>>, vector<16xf32>,
      %add3A_378 = arith.addf %get3A_332, %get3A_377 : vector<16xf32>
      %jit3A_379 = arith.constant 8 : i32
      %div3A_380 = arith.divsi %scan3A_297, %jit3A_379 : i32
      %sign3A_381 = arith.constant 0 : i32
      %sign3A_382 = arith.cmpi sgt, %scan3A_297, %sign3A_381 : i32
      %sign3A_383 = arith.extui %sign3A_382 : i1 to i32
      %sign3A_384 = arith.constant 0 : i32
      %sign3A_385 = arith.cmpi slt, %scan3A_297, %sign3A_384 : i32
      %sign3A_386 = arith.extui %sign3A_385 : i1 to i32
      %sign3A_387 = arith.subi %sign3A_383, %sign3A_386 : i32
      %sign3A_388 = arith.constant 0 : i32
      %sign3A_389 = arith.cmpi sgt, %jit3A_379, %sign3A_388 : i32
      %sign3A_390 = arith.extui %sign3A_389 : i1 to i32
      %sign3A_391 = arith.constant 0 : i32
      %sign3A_392 = arith.cmpi slt, %jit3A_379, %sign3A_391 : i32
      %sign3A_393 = arith.extui %sign3A_392 : i1 to i32
      %sign3A_394 = arith.subi %sign3A_390, %sign3A_393 : i32
      %ne3A_395 = arith.cmpi ne, %sign3A_387, %sign3A_394 : i32
      %rem3A_396 = arith.remsi %scan3A_297, %jit3A_379 : i32
      %ne3A_397 = arith.constant 0 : i32
      %ne3A_398 = arith.cmpi ne, %rem3A_396, %ne3A_397 : i32
      %and3A_399 = arith.andi %ne3A_395, %ne3A_398 : i1
      %sub3A_400 = arith.constant 1 : i32
      %sub3A_401 = arith.subi %div3A_380, %sub3A_400 : i32
      %select_n3A_402 = arith.select %and3A_399, %sub3A_401, %div3A_380 : i32
      %jit3A_403 = arith.constant 8 : i32
      %eq3A_404 = arith.constant 0 : i32
      %eq3A_405 = arith.cmpi eq, %jit3A_403, %eq3A_404 : i32
      %jit3A_406 = arith.constant 1 : i32
      %select_n3A_407 = arith.select %eq3A_405, %jit3A_406, %jit3A_403 : i32
      %rem3A_408 = arith.remsi %scan3A_297, %select_n3A_407 : i32
      %ne3A_409 = arith.constant 0 : i32
      %ne3A_410 = arith.cmpi ne, %rem3A_408, %ne3A_409 : i32
      %lt3A_411 = arith.constant 0 : i32
      %lt3A_412 = arith.cmpi slt, %rem3A_408, %lt3A_411 : i32
      %lt3A_413 = arith.constant 0 : i32
      %lt3A_414 = arith.cmpi slt, %select_n3A_407, %lt3A_413 : i32
      %ne3A_415 = arith.xori %lt3A_412, %lt3A_414 : i1
      %and3A_416 = arith.andi %ne3A_415, %ne3A_410 : i1
      %add3A_417 = arith.addi %rem3A_408, %select_n3A_407 : i32
      %select_n3A_418 = arith.select %and3A_416, %add3A_417, %rem3A_408 : i32
      %mul3A_419 = arith.constant 16 : i32
      %mul3A_420 = arith.muli %select_n3A_418, %mul3A_419 : i32
      %swap3A = arith.index_cast %select_n3A_402 : i32 to index
      %swap3A_421 = arith.index_cast %mul3A_420 : i32 to index
      %swap3A_422 = tpu.vector_load %arg22[%swap3A, %swap3A_421] {strides = array<i32>} : memref<5x128xf32, #tpu.memory_space<vmem>>, vector<16xf32>,
      tpu.vector_store %arg22[%swap3A, %swap3A_421], %add3A_378 {strides = array<i32>} : memref<5x128xf32, #tpu.memory_space<vmem>>, vector<16xf32>,
      %scan3A_423 = arith.constant 0 : i32
      scf.yield %scan3A_423 : i32
    }
    %scan3A_98 = arith.constant 40 : i32
    %mul3A_99 = arith.constant 5 : i32
    %mul3A_100 = arith.muli %mul3A_99, %arg1 : i32
    %add3A_101 = arith.constant 80 : i32
    %add3A_102 = arith.addi %add3A_101, %mul3A_100 : i32
    "tpu.region"() ({
      %run_scoped3A = tpu.sem_alloc : memref<!tpu.dma_semaphore, #tpu.memory_space<semaphore_mem>>
      %dma_start3A_297 = arith.constant 0 : i32
      %dma_start3A_298 = tpu.memref_slice %arg25[%add3A_102, %dma_start3A_297] : memref<10240x128xf32, #tpu.memory_space<vmem_shared>> -> memref<5x128xf32, #tpu.memory_space<vmem_shared>>
      %dma_start3A_299 = arith.constant 0 : i32
      %dma_start3A_300 = tpu.memref_slice %arg25[%add3A_102, %dma_start3A_299] : memref<10240x128xf32, #tpu.memory_space<vmem_shared>> -> memref<5x128xf32, #tpu.memory_space<vmem_shared>>
      tpu.enqueue_dma source(%dma_start3A_300 : memref<5x128xf32, #tpu.memory_space<vmem_shared>>) target(%arg23 : memref<5x128xf32, #tpu.memory_space<vmem>>) target_semaphore(%run_scoped3A : memref<!tpu.dma_semaphore, #tpu.memory_space<semaphore_mem>>)
      %dma_wait3A_301 = arith.constant 0 : i32
      %dma_wait3A_302 = tpu.memref_slice %arg25[%add3A_102, %dma_wait3A_301] : memref<10240x128xf32, #tpu.memory_space<vmem_shared>> -> memref<5x128xf32, #tpu.memory_space<vmem_shared>>
      %dma_wait3A_303 = arith.constant 0 : i32
      %dma_wait3A_304 = tpu.memref_slice %arg25[%add3A_102, %dma_wait3A_303] : memref<10240x128xf32, #tpu.memory_space<vmem_shared>> -> memref<5x128xf32, #tpu.memory_space<vmem_shared>>
      tpu.wait_dma2 semaphore(%run_scoped3A : memref<!tpu.dma_semaphore, #tpu.memory_space<semaphore_mem>>) src(%dma_wait3A_304 : memref<5x128xf32, #tpu.memory_space<vmem_shared>>) dst(%arg23 : memref<5x128xf32, #tpu.memory_space<vmem>>)
      tpu.yield
    }) : () -> ()
    %scan3A_103 = arith.constant 0 : i32
    %scan3A_104 = arith.constant 0 : i32
    %scan3A_105 = arith.constant 40 : i32
    %scan3A_106 = arith.addi %scan3A_104, %scan3A_105 : i32
    %scan3A_107 = arith.constant 1 : i32
    %scan3A_108 = scf.for %scan3A_297 = %scan3A_104 to %scan3A_106 step %scan3A_107 iter_args(%scan3A_298 = %scan3A_103) -> (i32)  : i32 {
      %jit3A = arith.constant 8 : i32
      %div3A = arith.divsi %scan3A_297, %jit3A : i32
      %sign3A = arith.constant 0 : i32
      %sign3A_299 = arith.cmpi sgt, %scan3A_297, %sign3A : i32
      %sign3A_300 = arith.extui %sign3A_299 : i1 to i32
      %sign3A_301 = arith.constant 0 : i32
      %sign3A_302 = arith.cmpi slt, %scan3A_297, %sign3A_301 : i32
      %sign3A_303 = arith.extui %sign3A_302 : i1 to i32
      %sign3A_304 = arith.subi %sign3A_300, %sign3A_303 : i32
      %sign3A_305 = arith.constant 0 : i32
      %sign3A_306 = arith.cmpi sgt, %jit3A, %sign3A_305 : i32
      %sign3A_307 = arith.extui %sign3A_306 : i1 to i32
      %sign3A_308 = arith.constant 0 : i32
      %sign3A_309 = arith.cmpi slt, %jit3A, %sign3A_308 : i32
      %sign3A_310 = arith.extui %sign3A_309 : i1 to i32
      %sign3A_311 = arith.subi %sign3A_307, %sign3A_310 : i32
      %ne3A = arith.cmpi ne, %sign3A_304, %sign3A_311 : i32
      %rem3A = arith.remsi %scan3A_297, %jit3A : i32
      %ne3A_312 = arith.constant 0 : i32
      %ne3A_313 = arith.cmpi ne, %rem3A, %ne3A_312 : i32
      %and3A = arith.andi %ne3A, %ne3A_313 : i1
      %sub3A = arith.constant 1 : i32
      %sub3A_314 = arith.subi %div3A, %sub3A : i32
      %select_n3A = arith.select %and3A, %sub3A_314, %div3A : i32
      %jit3A_315 = arith.constant 8 : i32
      %eq3A = arith.constant 0 : i32
      %eq3A_316 = arith.cmpi eq, %jit3A_315, %eq3A : i32
      %jit3A_317 = arith.constant 1 : i32
      %select_n3A_318 = arith.select %eq3A_316, %jit3A_317, %jit3A_315 : i32
      %rem3A_319 = arith.remsi %scan3A_297, %select_n3A_318 : i32
      %ne3A_320 = arith.constant 0 : i32
      %ne3A_321 = arith.cmpi ne, %rem3A_319, %ne3A_320 : i32
      %lt3A = arith.constant 0 : i32
      %lt3A_322 = arith.cmpi slt, %rem3A_319, %lt3A : i32
      %lt3A_323 = arith.constant 0 : i32
      %lt3A_324 = arith.cmpi slt, %select_n3A_318, %lt3A_323 : i32
      %ne3A_325 = arith.xori %lt3A_322, %lt3A_324 : i1
      %and3A_326 = arith.andi %ne3A_325, %ne3A_321 : i1
      %add3A_327 = arith.addi %rem3A_319, %select_n3A_318 : i32
      %select_n3A_328 = arith.select %and3A_326, %add3A_327, %rem3A_319 : i32
      %mul3A_329 = arith.constant 16 : i32
      %mul3A_330 = arith.muli %select_n3A_328, %mul3A_329 : i32
      %get3A = arith.index_cast %select_n3A : i32 to index
      %get3A_331 = arith.index_cast %mul3A_330 : i32 to index
      %get3A_332 = tpu.vector_load %arg22[%get3A, %get3A_331] {strides = array<i32>} : memref<5x128xf32, #tpu.memory_space<vmem>>, vector<16xf32>,
      %jit3A_333 = arith.constant 8 : i32
      %div3A_334 = arith.divsi %scan3A_297, %jit3A_333 : i32
      %sign3A_335 = arith.constant 0 : i32
      %sign3A_336 = arith.cmpi sgt, %scan3A_297, %sign3A_335 : i32
      %sign3A_337 = arith.extui %sign3A_336 : i1 to i32
      %sign3A_338 = arith.constant 0 : i32
      %sign3A_339 = arith.cmpi slt, %scan3A_297, %sign3A_338 : i32
      %sign3A_340 = arith.extui %sign3A_339 : i1 to i32
      %sign3A_341 = arith.subi %sign3A_337, %sign3A_340 : i32
      %sign3A_342 = arith.constant 0 : i32
      %sign3A_343 = arith.cmpi sgt, %jit3A_333, %sign3A_342 : i32
      %sign3A_344 = arith.extui %sign3A_343 : i1 to i32
      %sign3A_345 = arith.constant 0 : i32
      %sign3A_346 = arith.cmpi slt, %jit3A_333, %sign3A_345 : i32
      %sign3A_347 = arith.extui %sign3A_346 : i1 to i32
      %sign3A_348 = arith.subi %sign3A_344, %sign3A_347 : i32
      %ne3A_349 = arith.cmpi ne, %sign3A_341, %sign3A_348 : i32
      %rem3A_350 = arith.remsi %scan3A_297, %jit3A_333 : i32
      %ne3A_351 = arith.constant 0 : i32
      %ne3A_352 = arith.cmpi ne, %rem3A_350, %ne3A_351 : i32
      %and3A_353 = arith.andi %ne3A_349, %ne3A_352 : i1
      %sub3A_354 = arith.constant 1 : i32
      %sub3A_355 = arith.subi %div3A_334, %sub3A_354 : i32
      %select_n3A_356 = arith.select %and3A_353, %sub3A_355, %div3A_334 : i32
      %jit3A_357 = arith.constant 8 : i32
      %eq3A_358 = arith.constant 0 : i32
      %eq3A_359 = arith.cmpi eq, %jit3A_357, %eq3A_358 : i32
      %jit3A_360 = arith.constant 1 : i32
      %select_n3A_361 = arith.select %eq3A_359, %jit3A_360, %jit3A_357 : i32
      %rem3A_362 = arith.remsi %scan3A_297, %select_n3A_361 : i32
      %ne3A_363 = arith.constant 0 : i32
      %ne3A_364 = arith.cmpi ne, %rem3A_362, %ne3A_363 : i32
      %lt3A_365 = arith.constant 0 : i32
      %lt3A_366 = arith.cmpi slt, %rem3A_362, %lt3A_365 : i32
      %lt3A_367 = arith.constant 0 : i32
      %lt3A_368 = arith.cmpi slt, %select_n3A_361, %lt3A_367 : i32
      %ne3A_369 = arith.xori %lt3A_366, %lt3A_368 : i1
      %and3A_370 = arith.andi %ne3A_369, %ne3A_364 : i1
      %add3A_371 = arith.addi %rem3A_362, %select_n3A_361 : i32
      %select_n3A_372 = arith.select %and3A_370, %add3A_371, %rem3A_362 : i32
      %mul3A_373 = arith.constant 16 : i32
      %mul3A_374 = arith.muli %select_n3A_372, %mul3A_373 : i32
      %get3A_375 = arith.index_cast %select_n3A_356 : i32 to index
      %get3A_376 = arith.index_cast %mul3A_374 : i32 to index
      %get3A_377 = tpu.vector_load %arg23[%get3A_375, %get3A_376] {strides = array<i32>} : memref<5x128xf32, #tpu.memory_space<vmem>>, vector<16xf32>,
      %add3A_378 = arith.addf %get3A_332, %get3A_377 : vector<16xf32>
      %jit3A_379 = arith.constant 8 : i32
      %div3A_380 = arith.divsi %scan3A_297, %jit3A_379 : i32
      %sign3A_381 = arith.constant 0 : i32
      %sign3A_382 = arith.cmpi sgt, %scan3A_297, %sign3A_381 : i32
      %sign3A_383 = arith.extui %sign3A_382 : i1 to i32
      %sign3A_384 = arith.constant 0 : i32
      %sign3A_385 = arith.cmpi slt, %scan3A_297, %sign3A_384 : i32
      %sign3A_386 = arith.extui %sign3A_385 : i1 to i32
      %sign3A_387 = arith.subi %sign3A_383, %sign3A_386 : i32
      %sign3A_388 = arith.constant 0 : i32
      %sign3A_389 = arith.cmpi sgt, %jit3A_379, %sign3A_388 : i32
      %sign3A_390 = arith.extui %sign3A_389 : i1 to i32
      %sign3A_391 = arith.constant 0 : i32
      %sign3A_392 = arith.cmpi slt, %jit3A_379, %sign3A_391 : i32
      %sign3A_393 = arith.extui %sign3A_392 : i1 to i32
      %sign3A_394 = arith.subi %sign3A_390, %sign3A_393 : i32
      %ne3A_395 = arith.cmpi ne, %sign3A_387, %sign3A_394 : i32
      %rem3A_396 = arith.remsi %scan3A_297, %jit3A_379 : i32
      %ne3A_397 = arith.constant 0 : i32
      %ne3A_398 = arith.cmpi ne, %rem3A_396, %ne3A_397 : i32
      %and3A_399 = arith.andi %ne3A_395, %ne3A_398 : i1
      %sub3A_400 = arith.constant 1 : i32
      %sub3A_401 = arith.subi %div3A_380, %sub3A_400 : i32
      %select_n3A_402 = arith.select %and3A_399, %sub3A_401, %div3A_380 : i32
      %jit3A_403 = arith.constant 8 : i32
      %eq3A_404 = arith.constant 0 : i32
      %eq3A_405 = arith.cmpi eq, %jit3A_403, %eq3A_404 : i32
      %jit3A_406 = arith.constant 1 : i32
      %select_n3A_407 = arith.select %eq3A_405, %jit3A_406, %jit3A_403 : i32
      %rem3A_408 = arith.remsi %scan3A_297, %select_n3A_407 : i32
      %ne3A_409 = arith.constant 0 : i32
      %ne3A_410 = arith.cmpi ne, %rem3A_408, %ne3A_409 : i32
      %lt3A_411 = arith.constant 0 : i32
      %lt3A_412 = arith.cmpi slt, %rem3A_408, %lt3A_411 : i32
      %lt3A_413 = arith.constant 0 : i32
      %lt3A_414 = arith.cmpi slt, %select_n3A_407, %lt3A_413 : i32
      %ne3A_415 = arith.xori %lt3A_412, %lt3A_414 : i1
      %and3A_416 = arith.andi %ne3A_415, %ne3A_410 : i1
      %add3A_417 = arith.addi %rem3A_408, %select_n3A_407 : i32
      %select_n3A_418 = arith.select %and3A_416, %add3A_417, %rem3A_408 : i32
      %mul3A_419 = arith.constant 16 : i32
      %mul3A_420 = arith.muli %select_n3A_418, %mul3A_419 : i32
      %swap3A = arith.index_cast %select_n3A_402 : i32 to index
      %swap3A_421 = arith.index_cast %mul3A_420 : i32 to index
      %swap3A_422 = tpu.vector_load %arg22[%swap3A, %swap3A_421] {strides = array<i32>} : memref<5x128xf32, #tpu.memory_space<vmem>>, vector<16xf32>,
      tpu.vector_store %arg22[%swap3A, %swap3A_421], %add3A_378 {strides = array<i32>} : memref<5x128xf32, #tpu.memory_space<vmem>>, vector<16xf32>,
      %scan3A_423 = arith.constant 0 : i32
      scf.yield %scan3A_423 : i32
    }
    %scan3A_109 = arith.constant 40 : i32
    %mul3A_110 = arith.constant 5 : i32
    %mul3A_111 = arith.muli %mul3A_110, %arg1 : i32
    %add3A_112 = arith.constant 160 : i32
    %add3A_113 = arith.addi %add3A_112, %mul3A_111 : i32
    "tpu.region"() ({
      %run_scoped3A = tpu.sem_alloc : memref<!tpu.dma_semaphore, #tpu.memory_space<semaphore_mem>>
      %dma_start3A_297 = arith.constant 0 : i32
      %dma_start3A_298 = tpu.memref_slice %arg25[%add3A_113, %dma_start3A_297] : memref<10240x128xf32, #tpu.memory_space<vmem_shared>> -> memref<5x128xf32, #tpu.memory_space<vmem_shared>>
      %dma_start3A_299 = arith.constant 0 : i32
      %dma_start3A_300 = tpu.memref_slice %arg25[%add3A_113, %dma_start3A_299] : memref<10240x128xf32, #tpu.memory_space<vmem_shared>> -> memref<5x128xf32, #tpu.memory_space<vmem_shared>>
      tpu.enqueue_dma source(%dma_start3A_300 : memref<5x128xf32, #tpu.memory_space<vmem_shared>>) target(%arg23 : memref<5x128xf32, #tpu.memory_space<vmem>>) target_semaphore(%run_scoped3A : memref<!tpu.dma_semaphore, #tpu.memory_space<semaphore_mem>>)
      %dma_wait3A_301 = arith.constant 0 : i32
      %dma_wait3A_302 = tpu.memref_slice %arg25[%add3A_113, %dma_wait3A_301] : memref<10240x128xf32, #tpu.memory_space<vmem_shared>> -> memref<5x128xf32, #tpu.memory_space<vmem_shared>>
      %dma_wait3A_303 = arith.constant 0 : i32
      %dma_wait3A_304 = tpu.memref_slice %arg25[%add3A_113, %dma_wait3A_303] : memref<10240x128xf32, #tpu.memory_space<vmem_shared>> -> memref<5x128xf32, #tpu.memory_space<vmem_shared>>
      tpu.wait_dma2 semaphore(%run_scoped3A : memref<!tpu.dma_semaphore, #tpu.memory_space<semaphore_mem>>) src(%dma_wait3A_304 : memref<5x128xf32, #tpu.memory_space<vmem_shared>>) dst(%arg23 : memref<5x128xf32, #tpu.memory_space<vmem>>)
      tpu.yield
    }) : () -> ()
    %scan3A_114 = arith.constant 0 : i32
    %scan3A_115 = arith.constant 0 : i32
    %scan3A_116 = arith.constant 40 : i32
    %scan3A_117 = arith.addi %scan3A_115, %scan3A_116 : i32
    %scan3A_118 = arith.constant 1 : i32
    %scan3A_119 = scf.for %scan3A_297 = %scan3A_115 to %scan3A_117 step %scan3A_118 iter_args(%scan3A_298 = %scan3A_114) -> (i32)  : i32 {
      %jit3A = arith.constant 8 : i32
      %div3A = arith.divsi %scan3A_297, %jit3A : i32
      %sign3A = arith.constant 0 : i32
      %sign3A_299 = arith.cmpi sgt, %scan3A_297, %sign3A : i32
      %sign3A_300 = arith.extui %sign3A_299 : i1 to i32
      %sign3A_301 = arith.constant 0 : i32
      %sign3A_302 = arith.cmpi slt, %scan3A_297, %sign3A_301 : i32
      %sign3A_303 = arith.extui %sign3A_302 : i1 to i32
      %sign3A_304 = arith.subi %sign3A_300, %sign3A_303 : i32
      %sign3A_305 = arith.constant 0 : i32
      %sign3A_306 = arith.cmpi sgt, %jit3A, %sign3A_305 : i32
      %sign3A_307 = arith.extui %sign3A_306 : i1 to i32
      %sign3A_308 = arith.constant 0 : i32
      %sign3A_309 = arith.cmpi slt, %jit3A, %sign3A_308 : i32
      %sign3A_310 = arith.extui %sign3A_309 : i1 to i32
      %sign3A_311 = arith.subi %sign3A_307, %sign3A_310 : i32
      %ne3A = arith.cmpi ne, %sign3A_304, %sign3A_311 : i32
      %rem3A = arith.remsi %scan3A_297, %jit3A : i32
      %ne3A_312 = arith.constant 0 : i32
      %ne3A_313 = arith.cmpi ne, %rem3A, %ne3A_312 : i32
      %and3A = arith.andi %ne3A, %ne3A_313 : i1
      %sub3A = arith.constant 1 : i32
      %sub3A_314 = arith.subi %div3A, %sub3A : i32
      %select_n3A = arith.select %and3A, %sub3A_314, %div3A : i32
      %jit3A_315 = arith.constant 8 : i32
      %eq3A = arith.constant 0 : i32
      %eq3A_316 = arith.cmpi eq, %jit3A_315, %eq3A : i32
      %jit3A_317 = arith.constant 1 : i32
      %select_n3A_318 = arith.select %eq3A_316, %jit3A_317, %jit3A_315 : i32
      %rem3A_319 = arith.remsi %scan3A_297, %select_n3A_318 : i32
      %ne3A_320 = arith.constant 0 : i32
      %ne3A_321 = arith.cmpi ne, %rem3A_319, %ne3A_320 : i32
      %lt3A = arith.constant 0 : i32
      %lt3A_322 = arith.cmpi slt, %rem3A_319, %lt3A : i32
      %lt3A_323 = arith.constant 0 : i32
      %lt3A_324 = arith.cmpi slt, %select_n3A_318, %lt3A_323 : i32
      %ne3A_325 = arith.xori %lt3A_322, %lt3A_324 : i1
      %and3A_326 = arith.andi %ne3A_325, %ne3A_321 : i1
      %add3A_327 = arith.addi %rem3A_319, %select_n3A_318 : i32
      %select_n3A_328 = arith.select %and3A_326, %add3A_327, %rem3A_319 : i32
      %mul3A_329 = arith.constant 16 : i32
      %mul3A_330 = arith.muli %select_n3A_328, %mul3A_329 : i32
      %get3A = arith.index_cast %select_n3A : i32 to index
      %get3A_331 = arith.index_cast %mul3A_330 : i32 to index
      %get3A_332 = tpu.vector_load %arg22[%get3A, %get3A_331] {strides = array<i32>} : memref<5x128xf32, #tpu.memory_space<vmem>>, vector<16xf32>,
      %jit3A_333 = arith.constant 8 : i32
      %div3A_334 = arith.divsi %scan3A_297, %jit3A_333 : i32
      %sign3A_335 = arith.constant 0 : i32
      %sign3A_336 = arith.cmpi sgt, %scan3A_297, %sign3A_335 : i32
      %sign3A_337 = arith.extui %sign3A_336 : i1 to i32
      %sign3A_338 = arith.constant 0 : i32
      %sign3A_339 = arith.cmpi slt, %scan3A_297, %sign3A_338 : i32
      %sign3A_340 = arith.extui %sign3A_339 : i1 to i32
      %sign3A_341 = arith.subi %sign3A_337, %sign3A_340 : i32
      %sign3A_342 = arith.constant 0 : i32
      %sign3A_343 = arith.cmpi sgt, %jit3A_333, %sign3A_342 : i32
      %sign3A_344 = arith.extui %sign3A_343 : i1 to i32
      %sign3A_345 = arith.constant 0 : i32
      %sign3A_346 = arith.cmpi slt, %jit3A_333, %sign3A_345 : i32
      %sign3A_347 = arith.extui %sign3A_346 : i1 to i32
      %sign3A_348 = arith.subi %sign3A_344, %sign3A_347 : i32
      %ne3A_349 = arith.cmpi ne, %sign3A_341, %sign3A_348 : i32
      %rem3A_350 = arith.remsi %scan3A_297, %jit3A_333 : i32
      %ne3A_351 = arith.constant 0 : i32
      %ne3A_352 = arith.cmpi ne, %rem3A_350, %ne3A_351 : i32
      %and3A_353 = arith.andi %ne3A_349, %ne3A_352 : i1
      %sub3A_354 = arith.constant 1 : i32
      %sub3A_355 = arith.subi %div3A_334, %sub3A_354 : i32
      %select_n3A_356 = arith.select %and3A_353, %sub3A_355, %div3A_334 : i32
      %jit3A_357 = arith.constant 8 : i32
      %eq3A_358 = arith.constant 0 : i32
      %eq3A_359 = arith.cmpi eq, %jit3A_357, %eq3A_358 : i32
      %jit3A_360 = arith.constant 1 : i32
      %select_n3A_361 = arith.select %eq3A_359, %jit3A_360, %jit3A_357 : i32
      %rem3A_362 = arith.remsi %scan3A_297, %select_n3A_361 : i32
      %ne3A_363 = arith.constant 0 : i32
      %ne3A_364 = arith.cmpi ne, %rem3A_362, %ne3A_363 : i32
      %lt3A_365 = arith.constant 0 : i32
      %lt3A_366 = arith.cmpi slt, %rem3A_362, %lt3A_365 : i32
      %lt3A_367 = arith.constant 0 : i32
      %lt3A_368 = arith.cmpi slt, %select_n3A_361, %lt3A_367 : i32
      %ne3A_369 = arith.xori %lt3A_366, %lt3A_368 : i1
      %and3A_370 = arith.andi %ne3A_369, %ne3A_364 : i1
      %add3A_371 = arith.addi %rem3A_362, %select_n3A_361 : i32
      %select_n3A_372 = arith.select %and3A_370, %add3A_371, %rem3A_362 : i32
      %mul3A_373 = arith.constant 16 : i32
      %mul3A_374 = arith.muli %select_n3A_372, %mul3A_373 : i32
      %get3A_375 = arith.index_cast %select_n3A_356 : i32 to index
      %get3A_376 = arith.index_cast %mul3A_374 : i32 to index
      %get3A_377 = tpu.vector_load %arg23[%get3A_375, %get3A_376] {strides = array<i32>} : memref<5x128xf32, #tpu.memory_space<vmem>>, vector<16xf32>,
      %add3A_378 = arith.addf %get3A_332, %get3A_377 : vector<16xf32>
      %jit3A_379 = arith.constant 8 : i32
      %div3A_380 = arith.divsi %scan3A_297, %jit3A_379 : i32
      %sign3A_381 = arith.constant 0 : i32
      %sign3A_382 = arith.cmpi sgt, %scan3A_297, %sign3A_381 : i32
      %sign3A_383 = arith.extui %sign3A_382 : i1 to i32
      %sign3A_384 = arith.constant 0 : i32
      %sign3A_385 = arith.cmpi slt, %scan3A_297, %sign3A_384 : i32
      %sign3A_386 = arith.extui %sign3A_385 : i1 to i32
      %sign3A_387 = arith.subi %sign3A_383, %sign3A_386 : i32
      %sign3A_388 = arith.constant 0 : i32
      %sign3A_389 = arith.cmpi sgt, %jit3A_379, %sign3A_388 : i32
      %sign3A_390 = arith.extui %sign3A_389 : i1 to i32
      %sign3A_391 = arith.constant 0 : i32
      %sign3A_392 = arith.cmpi slt, %jit3A_379, %sign3A_391 : i32
      %sign3A_393 = arith.extui %sign3A_392 : i1 to i32
      %sign3A_394 = arith.subi %sign3A_390, %sign3A_393 : i32
      %ne3A_395 = arith.cmpi ne, %sign3A_387, %sign3A_394 : i32
      %rem3A_396 = arith.remsi %scan3A_297, %jit3A_379 : i32
      %ne3A_397 = arith.constant 0 : i32
      %ne3A_398 = arith.cmpi ne, %rem3A_396, %ne3A_397 : i32
      %and3A_399 = arith.andi %ne3A_395, %ne3A_398 : i1
      %sub3A_400 = arith.constant 1 : i32
      %sub3A_401 = arith.subi %div3A_380, %sub3A_400 : i32
      %select_n3A_402 = arith.select %and3A_399, %sub3A_401, %div3A_380 : i32
      %jit3A_403 = arith.constant 8 : i32
      %eq3A_404 = arith.constant 0 : i32
      %eq3A_405 = arith.cmpi eq, %jit3A_403, %eq3A_404 : i32
      %jit3A_406 = arith.constant 1 : i32
      %select_n3A_407 = arith.select %eq3A_405, %jit3A_406, %jit3A_403 : i32
      %rem3A_408 = arith.remsi %scan3A_297, %select_n3A_407 : i32
      %ne3A_409 = arith.constant 0 : i32
      %ne3A_410 = arith.cmpi ne, %rem3A_408, %ne3A_409 : i32
      %lt3A_411 = arith.constant 0 : i32
      %lt3A_412 = arith.cmpi slt, %rem3A_408, %lt3A_411 : i32
      %lt3A_413 = arith.constant 0 : i32
      %lt3A_414 = arith.cmpi slt, %select_n3A_407, %lt3A_413 : i32
      %ne3A_415 = arith.xori %lt3A_412, %lt3A_414 : i1
      %and3A_416 = arith.andi %ne3A_415, %ne3A_410 : i1
      %add3A_417 = arith.addi %rem3A_408, %select_n3A_407 : i32
      %select_n3A_418 = arith.select %and3A_416, %add3A_417, %rem3A_408 : i32
      %mul3A_419 = arith.constant 16 : i32
      %mul3A_420 = arith.muli %select_n3A_418, %mul3A_419 : i32
      %swap3A = arith.index_cast %select_n3A_402 : i32 to index
      %swap3A_421 = arith.index_cast %mul3A_420 : i32 to index
      %swap3A_422 = tpu.vector_load %arg22[%swap3A, %swap3A_421] {strides = array<i32>} : memref<5x128xf32, #tpu.memory_space<vmem>>, vector<16xf32>,
      tpu.vector_store %arg22[%swap3A, %swap3A_421], %add3A_378 {strides = array<i32>} : memref<5x128xf32, #tpu.memory_space<vmem>>, vector<16xf32>,
      %scan3A_423 = arith.constant 0 : i32
      scf.yield %scan3A_423 : i32
    }
    %scan3A_120 = arith.constant 40 : i32
    %mul3A_121 = arith.constant 5 : i32
    %mul3A_122 = arith.muli %mul3A_121, %arg1 : i32
    %add3A_123 = arith.constant 240 : i32
    %add3A_124 = arith.addi %add3A_123, %mul3A_122 : i32
    "tpu.region"() ({
      %run_scoped3A = tpu.sem_alloc : memref<!tpu.dma_semaphore, #tpu.memory_space<semaphore_mem>>
      %dma_start3A_297 = arith.constant 0 : i32
      %dma_start3A_298 = tpu.memref_slice %arg25[%add3A_124, %dma_start3A_297] : memref<10240x128xf32, #tpu.memory_space<vmem_shared>> -> memref<5x128xf32, #tpu.memory_space<vmem_shared>>
      %dma_start3A_299 = arith.constant 0 : i32
      %dma_start3A_300 = tpu.memref_slice %arg25[%add3A_124, %dma_start3A_299] : memref<10240x128xf32, #tpu.memory_space<vmem_shared>> -> memref<5x128xf32, #tpu.memory_space<vmem_shared>>
      tpu.enqueue_dma source(%dma_start3A_300 : memref<5x128xf32, #tpu.memory_space<vmem_shared>>) target(%arg23 : memref<5x128xf32, #tpu.memory_space<vmem>>) target_semaphore(%run_scoped3A : memref<!tpu.dma_semaphore, #tpu.memory_space<semaphore_mem>>)
      %dma_wait3A_301 = arith.constant 0 : i32
      %dma_wait3A_302 = tpu.memref_slice %arg25[%add3A_124, %dma_wait3A_301] : memref<10240x128xf32, #tpu.memory_space<vmem_shared>> -> memref<5x128xf32, #tpu.memory_space<vmem_shared>>
      %dma_wait3A_303 = arith.constant 0 : i32
      %dma_wait3A_304 = tpu.memref_slice %arg25[%add3A_124, %dma_wait3A_303] : memref<10240x128xf32, #tpu.memory_space<vmem_shared>> -> memref<5x128xf32, #tpu.memory_space<vmem_shared>>
      tpu.wait_dma2 semaphore(%run_scoped3A : memref<!tpu.dma_semaphore, #tpu.memory_space<semaphore_mem>>) src(%dma_wait3A_304 : memref<5x128xf32, #tpu.memory_space<vmem_shared>>) dst(%arg23 : memref<5x128xf32, #tpu.memory_space<vmem>>)
      tpu.yield
    }) : () -> ()
    %scan3A_125 = arith.constant 0 : i32
    %scan3A_126 = arith.constant 0 : i32
    %scan3A_127 = arith.constant 40 : i32
    %scan3A_128 = arith.addi %scan3A_126, %scan3A_127 : i32
    %scan3A_129 = arith.constant 1 : i32
    %scan3A_130 = scf.for %scan3A_297 = %scan3A_126 to %scan3A_128 step %scan3A_129 iter_args(%scan3A_298 = %scan3A_125) -> (i32)  : i32 {
      %jit3A = arith.constant 8 : i32
      %div3A = arith.divsi %scan3A_297, %jit3A : i32
      %sign3A = arith.constant 0 : i32
      %sign3A_299 = arith.cmpi sgt, %scan3A_297, %sign3A : i32
      %sign3A_300 = arith.extui %sign3A_299 : i1 to i32
      %sign3A_301 = arith.constant 0 : i32
      %sign3A_302 = arith.cmpi slt, %scan3A_297, %sign3A_301 : i32
      %sign3A_303 = arith.extui %sign3A_302 : i1 to i32
      %sign3A_304 = arith.subi %sign3A_300, %sign3A_303 : i32
      %sign3A_305 = arith.constant 0 : i32
      %sign3A_306 = arith.cmpi sgt, %jit3A, %sign3A_305 : i32
      %sign3A_307 = arith.extui %sign3A_306 : i1 to i32
      %sign3A_308 = arith.constant 0 : i32
      %sign3A_309 = arith.cmpi slt, %jit3A, %sign3A_308 : i32
      %sign3A_310 = arith.extui %sign3A_309 : i1 to i32
      %sign3A_311 = arith.subi %sign3A_307, %sign3A_310 : i32
      %ne3A = arith.cmpi ne, %sign3A_304, %sign3A_311 : i32
      %rem3A = arith.remsi %scan3A_297, %jit3A : i32
      %ne3A_312 = arith.constant 0 : i32
      %ne3A_313 = arith.cmpi ne, %rem3A, %ne3A_312 : i32
      %and3A = arith.andi %ne3A, %ne3A_313 : i1
      %sub3A = arith.constant 1 : i32
      %sub3A_314 = arith.subi %div3A, %sub3A : i32
      %select_n3A = arith.select %and3A, %sub3A_314, %div3A : i32
      %jit3A_315 = arith.constant 8 : i32
      %eq3A = arith.constant 0 : i32
      %eq3A_316 = arith.cmpi eq, %jit3A_315, %eq3A : i32
      %jit3A_317 = arith.constant 1 : i32
      %select_n3A_318 = arith.select %eq3A_316, %jit3A_317, %jit3A_315 : i32
      %rem3A_319 = arith.remsi %scan3A_297, %select_n3A_318 : i32
      %ne3A_320 = arith.constant 0 : i32
      %ne3A_321 = arith.cmpi ne, %rem3A_319, %ne3A_320 : i32
      %lt3A = arith.constant 0 : i32
      %lt3A_322 = arith.cmpi slt, %rem3A_319, %lt3A : i32
      %lt3A_323 = arith.constant 0 : i32
      %lt3A_324 = arith.cmpi slt, %select_n3A_318, %lt3A_323 : i32
      %ne3A_325 = arith.xori %lt3A_322, %lt3A_324 : i1
      %and3A_326 = arith.andi %ne3A_325, %ne3A_321 : i1
      %add3A_327 = arith.addi %rem3A_319, %select_n3A_318 : i32
      %select_n3A_328 = arith.select %and3A_326, %add3A_327, %rem3A_319 : i32
      %mul3A_329 = arith.constant 16 : i32
      %mul3A_330 = arith.muli %select_n3A_328, %mul3A_329 : i32
      %get3A = arith.index_cast %select_n3A : i32 to index
      %get3A_331 = arith.index_cast %mul3A_330 : i32 to index
      %get3A_332 = tpu.vector_load %arg22[%get3A, %get3A_331] {strides = array<i32>} : memref<5x128xf32, #tpu.memory_space<vmem>>, vector<16xf32>,
      %jit3A_333 = arith.constant 8 : i32
      %div3A_334 = arith.divsi %scan3A_297, %jit3A_333 : i32
      %sign3A_335 = arith.constant 0 : i32
      %sign3A_336 = arith.cmpi sgt, %scan3A_297, %sign3A_335 : i32
      %sign3A_337 = arith.extui %sign3A_336 : i1 to i32
      %sign3A_338 = arith.constant 0 : i32
      %sign3A_339 = arith.cmpi slt, %scan3A_297, %sign3A_338 : i32
      %sign3A_340 = arith.extui %sign3A_339 : i1 to i32
      %sign3A_341 = arith.subi %sign3A_337, %sign3A_340 : i32
      %sign3A_342 = arith.constant 0 : i32
      %sign3A_343 = arith.cmpi sgt, %jit3A_333, %sign3A_342 : i32
      %sign3A_344 = arith.extui %sign3A_343 : i1 to i32
      %sign3A_345 = arith.constant 0 : i32
      %sign3A_346 = arith.cmpi slt, %jit3A_333, %sign3A_345 : i32
      %sign3A_347 = arith.extui %sign3A_346 : i1 to i32
      %sign3A_348 = arith.subi %sign3A_344, %sign3A_347 : i32
      %ne3A_349 = arith.cmpi ne, %sign3A_341, %sign3A_348 : i32
      %rem3A_350 = arith.remsi %scan3A_297, %jit3A_333 : i32
      %ne3A_351 = arith.constant 0 : i32
      %ne3A_352 = arith.cmpi ne, %rem3A_350, %ne3A_351 : i32
      %and3A_353 = arith.andi %ne3A_349, %ne3A_352 : i1
      %sub3A_354 = arith.constant 1 : i32
      %sub3A_355 = arith.subi %div3A_334, %sub3A_354 : i32
      %select_n3A_356 = arith.select %and3A_353, %sub3A_355, %div3A_334 : i32
      %jit3A_357 = arith.constant 8 : i32
      %eq3A_358 = arith.constant 0 : i32
      %eq3A_359 = arith.cmpi eq, %jit3A_357, %eq3A_358 : i32
      %jit3A_360 = arith.constant 1 : i32
      %select_n3A_361 = arith.select %eq3A_359, %jit3A_360, %jit3A_357 : i32
      %rem3A_362 = arith.remsi %scan3A_297, %select_n3A_361 : i32
      %ne3A_363 = arith.constant 0 : i32
      %ne3A_364 = arith.cmpi ne, %rem3A_362, %ne3A_363 : i32
      %lt3A_365 = arith.constant 0 : i32
      %lt3A_366 = arith.cmpi slt, %rem3A_362, %lt3A_365 : i32
      %lt3A_367 = arith.constant 0 : i32
      %lt3A_368 = arith.cmpi slt, %select_n3A_361, %lt3A_367 : i32
      %ne3A_369 = arith.xori %lt3A_366, %lt3A_368 : i1
      %and3A_370 = arith.andi %ne3A_369, %ne3A_364 : i1
      %add3A_371 = arith.addi %rem3A_362, %select_n3A_361 : i32
      %select_n3A_372 = arith.select %and3A_370, %add3A_371, %rem3A_362 : i32
      %mul3A_373 = arith.constant 16 : i32
      %mul3A_374 = arith.muli %select_n3A_372, %mul3A_373 : i32
      %get3A_375 = arith.index_cast %select_n3A_356 : i32 to index
      %get3A_376 = arith.index_cast %mul3A_374 : i32 to index
      %get3A_377 = tpu.vector_load %arg23[%get3A_375, %get3A_376] {strides = array<i32>} : memref<5x128xf32, #tpu.memory_space<vmem>>, vector<16xf32>,
      %add3A_378 = arith.addf %get3A_332, %get3A_377 : vector<16xf32>
      %jit3A_379 = arith.constant 8 : i32
      %div3A_380 = arith.divsi %scan3A_297, %jit3A_379 : i32
      %sign3A_381 = arith.constant 0 : i32
      %sign3A_382 = arith.cmpi sgt, %scan3A_297, %sign3A_381 : i32
      %sign3A_383 = arith.extui %sign3A_382 : i1 to i32
      %sign3A_384 = arith.constant 0 : i32
      %sign3A_385 = arith.cmpi slt, %scan3A_297, %sign3A_384 : i32
      %sign3A_386 = arith.extui %sign3A_385 : i1 to i32
      %sign3A_387 = arith.subi %sign3A_383, %sign3A_386 : i32
      %sign3A_388 = arith.constant 0 : i32
      %sign3A_389 = arith.cmpi sgt, %jit3A_379, %sign3A_388 : i32
      %sign3A_390 = arith.extui %sign3A_389 : i1 to i32
      %sign3A_391 = arith.constant 0 : i32
      %sign3A_392 = arith.cmpi slt, %jit3A_379, %sign3A_391 : i32
      %sign3A_393 = arith.extui %sign3A_392 : i1 to i32
      %sign3A_394 = arith.subi %sign3A_390, %sign3A_393 : i32
      %ne3A_395 = arith.cmpi ne, %sign3A_387, %sign3A_394 : i32
      %rem3A_396 = arith.remsi %scan3A_297, %jit3A_379 : i32
      %ne3A_397 = arith.constant 0 : i32
      %ne3A_398 = arith.cmpi ne, %rem3A_396, %ne3A_397 : i32
      %and3A_399 = arith.andi %ne3A_395, %ne3A_398 : i1
      %sub3A_400 = arith.constant 1 : i32
      %sub3A_401 = arith.subi %div3A_380, %sub3A_400 : i32
      %select_n3A_402 = arith.select %and3A_399, %sub3A_401, %div3A_380 : i32
      %jit3A_403 = arith.constant 8 : i32
      %eq3A_404 = arith.constant 0 : i32
      %eq3A_405 = arith.cmpi eq, %jit3A_403, %eq3A_404 : i32
      %jit3A_406 = arith.constant 1 : i32
      %select_n3A_407 = arith.select %eq3A_405, %jit3A_406, %jit3A_403 : i32
      %rem3A_408 = arith.remsi %scan3A_297, %select_n3A_407 : i32
      %ne3A_409 = arith.constant 0 : i32
      %ne3A_410 = arith.cmpi ne, %rem3A_408, %ne3A_409 : i32
      %lt3A_411 = arith.constant 0 : i32
      %lt3A_412 = arith.cmpi slt, %rem3A_408, %lt3A_411 : i32
      %lt3A_413 = arith.constant 0 : i32
      %lt3A_414 = arith.cmpi slt, %select_n3A_407, %lt3A_413 : i32
      %ne3A_415 = arith.xori %lt3A_412, %lt3A_414 : i1
      %and3A_416 = arith.andi %ne3A_415, %ne3A_410 : i1
      %add3A_417 = arith.addi %rem3A_408, %select_n3A_407 : i32
      %select_n3A_418 = arith.select %and3A_416, %add3A_417, %rem3A_408 : i32
      %mul3A_419 = arith.constant 16 : i32
      %mul3A_420 = arith.muli %select_n3A_418, %mul3A_419 : i32
      %swap3A = arith.index_cast %select_n3A_402 : i32 to index
      %swap3A_421 = arith.index_cast %mul3A_420 : i32 to index
      %swap3A_422 = tpu.vector_load %arg22[%swap3A, %swap3A_421] {strides = array<i32>} : memref<5x128xf32, #tpu.memory_space<vmem>>, vector<16xf32>,
      tpu.vector_store %arg22[%swap3A, %swap3A_421], %add3A_378 {strides = array<i32>} : memref<5x128xf32, #tpu.memory_space<vmem>>, vector<16xf32>,
      %scan3A_423 = arith.constant 0 : i32
      scf.yield %scan3A_423 : i32
    }
    %scan3A_131 = arith.constant 40 : i32
    %mul3A_132 = arith.constant 5 : i32
    %mul3A_133 = arith.muli %mul3A_132, %arg1 : i32
    %add3A_134 = arith.constant 320 : i32
    %add3A_135 = arith.addi %add3A_134, %mul3A_133 : i32
    "tpu.region"() ({
      %run_scoped3A = tpu.sem_alloc : memref<!tpu.dma_semaphore, #tpu.memory_space<semaphore_mem>>
      %dma_start3A_297 = arith.constant 0 : i32
      %dma_start3A_298 = tpu.memref_slice %arg25[%add3A_135, %dma_start3A_297] : memref<10240x128xf32, #tpu.memory_space<vmem_shared>> -> memref<5x128xf32, #tpu.memory_space<vmem_shared>>
      %dma_start3A_299 = arith.constant 0 : i32
      %dma_start3A_300 = tpu.memref_slice %arg25[%add3A_135, %dma_start3A_299] : memref<10240x128xf32, #tpu.memory_space<vmem_shared>> -> memref<5x128xf32, #tpu.memory_space<vmem_shared>>
      tpu.enqueue_dma source(%dma_start3A_300 : memref<5x128xf32, #tpu.memory_space<vmem_shared>>) target(%arg23 : memref<5x128xf32, #tpu.memory_space<vmem>>) target_semaphore(%run_scoped3A : memref<!tpu.dma_semaphore, #tpu.memory_space<semaphore_mem>>)
      %dma_wait3A_301 = arith.constant 0 : i32
      %dma_wait3A_302 = tpu.memref_slice %arg25[%add3A_135, %dma_wait3A_301] : memref<10240x128xf32, #tpu.memory_space<vmem_shared>> -> memref<5x128xf32, #tpu.memory_space<vmem_shared>>
      %dma_wait3A_303 = arith.constant 0 : i32
      %dma_wait3A_304 = tpu.memref_slice %arg25[%add3A_135, %dma_wait3A_303] : memref<10240x128xf32, #tpu.memory_space<vmem_shared>> -> memref<5x128xf32, #tpu.memory_space<vmem_shared>>
      tpu.wait_dma2 semaphore(%run_scoped3A : memref<!tpu.dma_semaphore, #tpu.memory_space<semaphore_mem>>) src(%dma_wait3A_304 : memref<5x128xf32, #tpu.memory_space<vmem_shared>>) dst(%arg23 : memref<5x128xf32, #tpu.memory_space<vmem>>)
      tpu.yield
    }) : () -> ()
    %scan3A_136 = arith.constant 0 : i32
    %scan3A_137 = arith.constant 0 : i32
    %scan3A_138 = arith.constant 40 : i32
    %scan3A_139 = arith.addi %scan3A_137, %scan3A_138 : i32
    %scan3A_140 = arith.constant 1 : i32
    %scan3A_141 = scf.for %scan3A_297 = %scan3A_137 to %scan3A_139 step %scan3A_140 iter_args(%scan3A_298 = %scan3A_136) -> (i32)  : i32 {
      %jit3A = arith.constant 8 : i32
      %div3A = arith.divsi %scan3A_297, %jit3A : i32
      %sign3A = arith.constant 0 : i32
      %sign3A_299 = arith.cmpi sgt, %scan3A_297, %sign3A : i32
      %sign3A_300 = arith.extui %sign3A_299 : i1 to i32
      %sign3A_301 = arith.constant 0 : i32
      %sign3A_302 = arith.cmpi slt, %scan3A_297, %sign3A_301 : i32
      %sign3A_303 = arith.extui %sign3A_302 : i1 to i32
      %sign3A_304 = arith.subi %sign3A_300, %sign3A_303 : i32
      %sign3A_305 = arith.constant 0 : i32
      %sign3A_306 = arith.cmpi sgt, %jit3A, %sign3A_305 : i32
      %sign3A_307 = arith.extui %sign3A_306 : i1 to i32
      %sign3A_308 = arith.constant 0 : i32
      %sign3A_309 = arith.cmpi slt, %jit3A, %sign3A_308 : i32
      %sign3A_310 = arith.extui %sign3A_309 : i1 to i32
      %sign3A_311 = arith.subi %sign3A_307, %sign3A_310 : i32
      %ne3A = arith.cmpi ne, %sign3A_304, %sign3A_311 : i32
      %rem3A = arith.remsi %scan3A_297, %jit3A : i32
      %ne3A_312 = arith.constant 0 : i32
      %ne3A_313 = arith.cmpi ne, %rem3A, %ne3A_312 : i32
      %and3A = arith.andi %ne3A, %ne3A_313 : i1
      %sub3A = arith.constant 1 : i32
      %sub3A_314 = arith.subi %div3A, %sub3A : i32
      %select_n3A = arith.select %and3A, %sub3A_314, %div3A : i32
      %jit3A_315 = arith.constant 8 : i32
      %eq3A = arith.constant 0 : i32
      %eq3A_316 = arith.cmpi eq, %jit3A_315, %eq3A : i32
      %jit3A_317 = arith.constant 1 : i32
      %select_n3A_318 = arith.select %eq3A_316, %jit3A_317, %jit3A_315 : i32
      %rem3A_319 = arith.remsi %scan3A_297, %select_n3A_318 : i32
      %ne3A_320 = arith.constant 0 : i32
      %ne3A_321 = arith.cmpi ne, %rem3A_319, %ne3A_320 : i32
      %lt3A = arith.constant 0 : i32
      %lt3A_322 = arith.cmpi slt, %rem3A_319, %lt3A : i32
      %lt3A_323 = arith.constant 0 : i32
      %lt3A_324 = arith.cmpi slt, %select_n3A_318, %lt3A_323 : i32
      %ne3A_325 = arith.xori %lt3A_322, %lt3A_324 : i1
      %and3A_326 = arith.andi %ne3A_325, %ne3A_321 : i1
      %add3A_327 = arith.addi %rem3A_319, %select_n3A_318 : i32
      %select_n3A_328 = arith.select %and3A_326, %add3A_327, %rem3A_319 : i32
      %mul3A_329 = arith.constant 16 : i32
      %mul3A_330 = arith.muli %select_n3A_328, %mul3A_329 : i32
      %get3A = arith.index_cast %select_n3A : i32 to index
      %get3A_331 = arith.index_cast %mul3A_330 : i32 to index
      %get3A_332 = tpu.vector_load %arg22[%get3A, %get3A_331] {strides = array<i32>} : memref<5x128xf32, #tpu.memory_space<vmem>>, vector<16xf32>,
      %jit3A_333 = arith.constant 8 : i32
      %div3A_334 = arith.divsi %scan3A_297, %jit3A_333 : i32
      %sign3A_335 = arith.constant 0 : i32
      %sign3A_336 = arith.cmpi sgt, %scan3A_297, %sign3A_335 : i32
      %sign3A_337 = arith.extui %sign3A_336 : i1 to i32
      %sign3A_338 = arith.constant 0 : i32
      %sign3A_339 = arith.cmpi slt, %scan3A_297, %sign3A_338 : i32
      %sign3A_340 = arith.extui %sign3A_339 : i1 to i32
      %sign3A_341 = arith.subi %sign3A_337, %sign3A_340 : i32
      %sign3A_342 = arith.constant 0 : i32
      %sign3A_343 = arith.cmpi sgt, %jit3A_333, %sign3A_342 : i32
      %sign3A_344 = arith.extui %sign3A_343 : i1 to i32
      %sign3A_345 = arith.constant 0 : i32
      %sign3A_346 = arith.cmpi slt, %jit3A_333, %sign3A_345 : i32
      %sign3A_347 = arith.extui %sign3A_346 : i1 to i32
      %sign3A_348 = arith.subi %sign3A_344, %sign3A_347 : i32
      %ne3A_349 = arith.cmpi ne, %sign3A_341, %sign3A_348 : i32
      %rem3A_350 = arith.remsi %scan3A_297, %jit3A_333 : i32
      %ne3A_351 = arith.constant 0 : i32
      %ne3A_352 = arith.cmpi ne, %rem3A_350, %ne3A_351 : i32
      %and3A_353 = arith.andi %ne3A_349, %ne3A_352 : i1
      %sub3A_354 = arith.constant 1 : i32
      %sub3A_355 = arith.subi %div3A_334, %sub3A_354 : i32
      %select_n3A_356 = arith.select %and3A_353, %sub3A_355, %div3A_334 : i32
      %jit3A_357 = arith.constant 8 : i32
      %eq3A_358 = arith.constant 0 : i32
      %eq3A_359 = arith.cmpi eq, %jit3A_357, %eq3A_358 : i32
      %jit3A_360 = arith.constant 1 : i32
      %select_n3A_361 = arith.select %eq3A_359, %jit3A_360, %jit3A_357 : i32
      %rem3A_362 = arith.remsi %scan3A_297, %select_n3A_361 : i32
      %ne3A_363 = arith.constant 0 : i32
      %ne3A_364 = arith.cmpi ne, %rem3A_362, %ne3A_363 : i32
      %lt3A_365 = arith.constant 0 : i32
      %lt3A_366 = arith.cmpi slt, %rem3A_362, %lt3A_365 : i32
      %lt3A_367 = arith.constant 0 : i32
      %lt3A_368 = arith.cmpi slt, %select_n3A_361, %lt3A_367 : i32
      %ne3A_369 = arith.xori %lt3A_366, %lt3A_368 : i1
      %and3A_370 = arith.andi %ne3A_369, %ne3A_364 : i1
      %add3A_371 = arith.addi %rem3A_362, %select_n3A_361 : i32
      %select_n3A_372 = arith.select %and3A_370, %add3A_371, %rem3A_362 : i32
      %mul3A_373 = arith.constant 16 : i32
      %mul3A_374 = arith.muli %select_n3A_372, %mul3A_373 : i32
      %get3A_375 = arith.index_cast %select_n3A_356 : i32 to index
      %get3A_376 = arith.index_cast %mul3A_374 : i32 to index
      %get3A_377 = tpu.vector_load %arg23[%get3A_375, %get3A_376] {strides = array<i32>} : memref<5x128xf32, #tpu.memory_space<vmem>>, vector<16xf32>,
      %add3A_378 = arith.addf %get3A_332, %get3A_377 : vector<16xf32>
      %jit3A_379 = arith.constant 8 : i32
      %div3A_380 = arith.divsi %scan3A_297, %jit3A_379 : i32
      %sign3A_381 = arith.constant 0 : i32
      %sign3A_382 = arith.cmpi sgt, %scan3A_297, %sign3A_381 : i32
      %sign3A_383 = arith.extui %sign3A_382 : i1 to i32
      %sign3A_384 = arith.constant 0 : i32
      %sign3A_385 = arith.cmpi slt, %scan3A_297, %sign3A_384 : i32
      %sign3A_386 = arith.extui %sign3A_385 : i1 to i32
      %sign3A_387 = arith.subi %sign3A_383, %sign3A_386 : i32
      %sign3A_388 = arith.constant 0 : i32
      %sign3A_389 = arith.cmpi sgt, %jit3A_379, %sign3A_388 : i32
      %sign3A_390 = arith.extui %sign3A_389 : i1 to i32
      %sign3A_391 = arith.constant 0 : i32
      %sign3A_392 = arith.cmpi slt, %jit3A_379, %sign3A_391 : i32
      %sign3A_393 = arith.extui %sign3A_392 : i1 to i32
      %sign3A_394 = arith.subi %sign3A_390, %sign3A_393 : i32
      %ne3A_395 = arith.cmpi ne, %sign3A_387, %sign3A_394 : i32
      %rem3A_396 = arith.remsi %scan3A_297, %jit3A_379 : i32
      %ne3A_397 = arith.constant 0 : i32
      %ne3A_398 = arith.cmpi ne, %rem3A_396, %ne3A_397 : i32
      %and3A_399 = arith.andi %ne3A_395, %ne3A_398 : i1
      %sub3A_400 = arith.constant 1 : i32
      %sub3A_401 = arith.subi %div3A_380, %sub3A_400 : i32
      %select_n3A_402 = arith.select %and3A_399, %sub3A_401, %div3A_380 : i32
      %jit3A_403 = arith.constant 8 : i32
      %eq3A_404 = arith.constant 0 : i32
      %eq3A_405 = arith.cmpi eq, %jit3A_403, %eq3A_404 : i32
      %jit3A_406 = arith.constant 1 : i32
      %select_n3A_407 = arith.select %eq3A_405, %jit3A_406, %jit3A_403 : i32
      %rem3A_408 = arith.remsi %scan3A_297, %select_n3A_407 : i32
      %ne3A_409 = arith.constant 0 : i32
      %ne3A_410 = arith.cmpi ne, %rem3A_408, %ne3A_409 : i32
      %lt3A_411 = arith.constant 0 : i32
      %lt3A_412 = arith.cmpi slt, %rem3A_408, %lt3A_411 : i32
      %lt3A_413 = arith.constant 0 : i32
      %lt3A_414 = arith.cmpi slt, %select_n3A_407, %lt3A_413 : i32
      %ne3A_415 = arith.xori %lt3A_412, %lt3A_414 : i1
      %and3A_416 = arith.andi %ne3A_415, %ne3A_410 : i1
      %add3A_417 = arith.addi %rem3A_408, %select_n3A_407 : i32
      %select_n3A_418 = arith.select %and3A_416, %add3A_417, %rem3A_408 : i32
      %mul3A_419 = arith.constant 16 : i32
      %mul3A_420 = arith.muli %select_n3A_418, %mul3A_419 : i32
      %swap3A = arith.index_cast %select_n3A_402 : i32 to index
      %swap3A_421 = arith.index_cast %mul3A_420 : i32 to index
      %swap3A_422 = tpu.vector_load %arg22[%swap3A, %swap3A_421] {strides = array<i32>} : memref<5x128xf32, #tpu.memory_space<vmem>>, vector<16xf32>,
      tpu.vector_store %arg22[%swap3A, %swap3A_421], %add3A_378 {strides = array<i32>} : memref<5x128xf32, #tpu.memory_space<vmem>>, vector<16xf32>,
      %scan3A_423 = arith.constant 0 : i32
      scf.yield %scan3A_423 : i32
    }
    %scan3A_142 = arith.constant 40 : i32
    %mul3A_143 = arith.constant 5 : i32
    %mul3A_144 = arith.muli %mul3A_143, %arg1 : i32
    %add3A_145 = arith.constant 400 : i32
    %add3A_146 = arith.addi %add3A_145, %mul3A_144 : i32
    "tpu.region"() ({
      %run_scoped3A = tpu.sem_alloc : memref<!tpu.dma_semaphore, #tpu.memory_space<semaphore_mem>>
      %dma_start3A_297 = arith.constant 0 : i32
      %dma_start3A_298 = tpu.memref_slice %arg25[%add3A_146, %dma_start3A_297] : memref<10240x128xf32, #tpu.memory_space<vmem_shared>> -> memref<5x128xf32, #tpu.memory_space<vmem_shared>>
      %dma_start3A_299 = arith.constant 0 : i32
      %dma_start3A_300 = tpu.memref_slice %arg25[%add3A_146, %dma_start3A_299] : memref<10240x128xf32, #tpu.memory_space<vmem_shared>> -> memref<5x128xf32, #tpu.memory_space<vmem_shared>>
      tpu.enqueue_dma source(%dma_start3A_300 : memref<5x128xf32, #tpu.memory_space<vmem_shared>>) target(%arg23 : memref<5x128xf32, #tpu.memory_space<vmem>>) target_semaphore(%run_scoped3A : memref<!tpu.dma_semaphore, #tpu.memory_space<semaphore_mem>>)
      %dma_wait3A_301 = arith.constant 0 : i32
      %dma_wait3A_302 = tpu.memref_slice %arg25[%add3A_146, %dma_wait3A_301] : memref<10240x128xf32, #tpu.memory_space<vmem_shared>> -> memref<5x128xf32, #tpu.memory_space<vmem_shared>>
      %dma_wait3A_303 = arith.constant 0 : i32
      %dma_wait3A_304 = tpu.memref_slice %arg25[%add3A_146, %dma_wait3A_303] : memref<10240x128xf32, #tpu.memory_space<vmem_shared>> -> memref<5x128xf32, #tpu.memory_space<vmem_shared>>
      tpu.wait_dma2 semaphore(%run_scoped3A : memref<!tpu.dma_semaphore, #tpu.memory_space<semaphore_mem>>) src(%dma_wait3A_304 : memref<5x128xf32, #tpu.memory_space<vmem_shared>>) dst(%arg23 : memref<5x128xf32, #tpu.memory_space<vmem>>)
      tpu.yield
    }) : () -> ()
    %scan3A_147 = arith.constant 0 : i32
    %scan3A_148 = arith.constant 0 : i32
    %scan3A_149 = arith.constant 40 : i32
    %scan3A_150 = arith.addi %scan3A_148, %scan3A_149 : i32
    %scan3A_151 = arith.constant 1 : i32
    %scan3A_152 = scf.for %scan3A_297 = %scan3A_148 to %scan3A_150 step %scan3A_151 iter_args(%scan3A_298 = %scan3A_147) -> (i32)  : i32 {
      %jit3A = arith.constant 8 : i32
      %div3A = arith.divsi %scan3A_297, %jit3A : i32
      %sign3A = arith.constant 0 : i32
      %sign3A_299 = arith.cmpi sgt, %scan3A_297, %sign3A : i32
      %sign3A_300 = arith.extui %sign3A_299 : i1 to i32
      %sign3A_301 = arith.constant 0 : i32
      %sign3A_302 = arith.cmpi slt, %scan3A_297, %sign3A_301 : i32
      %sign3A_303 = arith.extui %sign3A_302 : i1 to i32
      %sign3A_304 = arith.subi %sign3A_300, %sign3A_303 : i32
      %sign3A_305 = arith.constant 0 : i32
      %sign3A_306 = arith.cmpi sgt, %jit3A, %sign3A_305 : i32
      %sign3A_307 = arith.extui %sign3A_306 : i1 to i32
      %sign3A_308 = arith.constant 0 : i32
      %sign3A_309 = arith.cmpi slt, %jit3A, %sign3A_308 : i32
      %sign3A_310 = arith.extui %sign3A_309 : i1 to i32
      %sign3A_311 = arith.subi %sign3A_307, %sign3A_310 : i32
      %ne3A = arith.cmpi ne, %sign3A_304, %sign3A_311 : i32
      %rem3A = arith.remsi %scan3A_297, %jit3A : i32
      %ne3A_312 = arith.constant 0 : i32
      %ne3A_313 = arith.cmpi ne, %rem3A, %ne3A_312 : i32
      %and3A = arith.andi %ne3A, %ne3A_313 : i1
      %sub3A = arith.constant 1 : i32
      %sub3A_314 = arith.subi %div3A, %sub3A : i32
      %select_n3A = arith.select %and3A, %sub3A_314, %div3A : i32
      %jit3A_315 = arith.constant 8 : i32
      %eq3A = arith.constant 0 : i32
      %eq3A_316 = arith.cmpi eq, %jit3A_315, %eq3A : i32
      %jit3A_317 = arith.constant 1 : i32
      %select_n3A_318 = arith.select %eq3A_316, %jit3A_317, %jit3A_315 : i32
      %rem3A_319 = arith.remsi %scan3A_297, %select_n3A_318 : i32
      %ne3A_320 = arith.constant 0 : i32
      %ne3A_321 = arith.cmpi ne, %rem3A_319, %ne3A_320 : i32
      %lt3A = arith.constant 0 : i32
      %lt3A_322 = arith.cmpi slt, %rem3A_319, %lt3A : i32
      %lt3A_323 = arith.constant 0 : i32
      %lt3A_324 = arith.cmpi slt, %select_n3A_318, %lt3A_323 : i32
      %ne3A_325 = arith.xori %lt3A_322, %lt3A_324 : i1
      %and3A_326 = arith.andi %ne3A_325, %ne3A_321 : i1
      %add3A_327 = arith.addi %rem3A_319, %select_n3A_318 : i32
      %select_n3A_328 = arith.select %and3A_326, %add3A_327, %rem3A_319 : i32
      %mul3A_329 = arith.constant 16 : i32
      %mul3A_330 = arith.muli %select_n3A_328, %mul3A_329 : i32
      %get3A = arith.index_cast %select_n3A : i32 to index
      %get3A_331 = arith.index_cast %mul3A_330 : i32 to index
      %get3A_332 = tpu.vector_load %arg22[%get3A, %get3A_331] {strides = array<i32>} : memref<5x128xf32, #tpu.memory_space<vmem>>, vector<16xf32>,
      %jit3A_333 = arith.constant 8 : i32
      %div3A_334 = arith.divsi %scan3A_297, %jit3A_333 : i32
      %sign3A_335 = arith.constant 0 : i32
      %sign3A_336 = arith.cmpi sgt, %scan3A_297, %sign3A_335 : i32
      %sign3A_337 = arith.extui %sign3A_336 : i1 to i32
      %sign3A_338 = arith.constant 0 : i32
      %sign3A_339 = arith.cmpi slt, %scan3A_297, %sign3A_338 : i32
      %sign3A_340 = arith.extui %sign3A_339 : i1 to i32
      %sign3A_341 = arith.subi %sign3A_337, %sign3A_340 : i32
      %sign3A_342 = arith.constant 0 : i32
      %sign3A_343 = arith.cmpi sgt, %jit3A_333, %sign3A_342 : i32
      %sign3A_344 = arith.extui %sign3A_343 : i1 to i32
      %sign3A_345 = arith.constant 0 : i32
      %sign3A_346 = arith.cmpi slt, %jit3A_333, %sign3A_345 : i32
      %sign3A_347 = arith.extui %sign3A_346 : i1 to i32
      %sign3A_348 = arith.subi %sign3A_344, %sign3A_347 : i32
      %ne3A_349 = arith.cmpi ne, %sign3A_341, %sign3A_348 : i32
      %rem3A_350 = arith.remsi %scan3A_297, %jit3A_333 : i32
      %ne3A_351 = arith.constant 0 : i32
      %ne3A_352 = arith.cmpi ne, %rem3A_350, %ne3A_351 : i32
      %and3A_353 = arith.andi %ne3A_349, %ne3A_352 : i1
      %sub3A_354 = arith.constant 1 : i32
      %sub3A_355 = arith.subi %div3A_334, %sub3A_354 : i32
      %select_n3A_356 = arith.select %and3A_353, %sub3A_355, %div3A_334 : i32
      %jit3A_357 = arith.constant 8 : i32
      %eq3A_358 = arith.constant 0 : i32
      %eq3A_359 = arith.cmpi eq, %jit3A_357, %eq3A_358 : i32
      %jit3A_360 = arith.constant 1 : i32
      %select_n3A_361 = arith.select %eq3A_359, %jit3A_360, %jit3A_357 : i32
      %rem3A_362 = arith.remsi %scan3A_297, %select_n3A_361 : i32
      %ne3A_363 = arith.constant 0 : i32
      %ne3A_364 = arith.cmpi ne, %rem3A_362, %ne3A_363 : i32
      %lt3A_365 = arith.constant 0 : i32
      %lt3A_366 = arith.cmpi slt, %rem3A_362, %lt3A_365 : i32
      %lt3A_367 = arith.constant 0 : i32
      %lt3A_368 = arith.cmpi slt, %select_n3A_361, %lt3A_367 : i32
      %ne3A_369 = arith.xori %lt3A_366, %lt3A_368 : i1
      %and3A_370 = arith.andi %ne3A_369, %ne3A_364 : i1
      %add3A_371 = arith.addi %rem3A_362, %select_n3A_361 : i32
      %select_n3A_372 = arith.select %and3A_370, %add3A_371, %rem3A_362 : i32
      %mul3A_373 = arith.constant 16 : i32
      %mul3A_374 = arith.muli %select_n3A_372, %mul3A_373 : i32
      %get3A_375 = arith.index_cast %select_n3A_356 : i32 to index
      %get3A_376 = arith.index_cast %mul3A_374 : i32 to index
      %get3A_377 = tpu.vector_load %arg23[%get3A_375, %get3A_376] {strides = array<i32>} : memref<5x128xf32, #tpu.memory_space<vmem>>, vector<16xf32>,
      %add3A_378 = arith.addf %get3A_332, %get3A_377 : vector<16xf32>
      %jit3A_379 = arith.constant 8 : i32
      %div3A_380 = arith.divsi %scan3A_297, %jit3A_379 : i32
      %sign3A_381 = arith.constant 0 : i32
      %sign3A_382 = arith.cmpi sgt, %scan3A_297, %sign3A_381 : i32
      %sign3A_383 = arith.extui %sign3A_382 : i1 to i32
      %sign3A_384 = arith.constant 0 : i32
      %sign3A_385 = arith.cmpi slt, %scan3A_297, %sign3A_384 : i32
      %sign3A_386 = arith.extui %sign3A_385 : i1 to i32
      %sign3A_387 = arith.subi %sign3A_383, %sign3A_386 : i32
      %sign3A_388 = arith.constant 0 : i32
      %sign3A_389 = arith.cmpi sgt, %jit3A_379, %sign3A_388 : i32
      %sign3A_390 = arith.extui %sign3A_389 : i1 to i32
      %sign3A_391 = arith.constant 0 : i32
      %sign3A_392 = arith.cmpi slt, %jit3A_379, %sign3A_391 : i32
      %sign3A_393 = arith.extui %sign3A_392 : i1 to i32
      %sign3A_394 = arith.subi %sign3A_390, %sign3A_393 : i32
      %ne3A_395 = arith.cmpi ne, %sign3A_387, %sign3A_394 : i32
      %rem3A_396 = arith.remsi %scan3A_297, %jit3A_379 : i32
      %ne3A_397 = arith.constant 0 : i32
      %ne3A_398 = arith.cmpi ne, %rem3A_396, %ne3A_397 : i32
      %and3A_399 = arith.andi %ne3A_395, %ne3A_398 : i1
      %sub3A_400 = arith.constant 1 : i32
      %sub3A_401 = arith.subi %div3A_380, %sub3A_400 : i32
      %select_n3A_402 = arith.select %and3A_399, %sub3A_401, %div3A_380 : i32
      %jit3A_403 = arith.constant 8 : i32
      %eq3A_404 = arith.constant 0 : i32
      %eq3A_405 = arith.cmpi eq, %jit3A_403, %eq3A_404 : i32
      %jit3A_406 = arith.constant 1 : i32
      %select_n3A_407 = arith.select %eq3A_405, %jit3A_406, %jit3A_403 : i32
      %rem3A_408 = arith.remsi %scan3A_297, %select_n3A_407 : i32
      %ne3A_409 = arith.constant 0 : i32
      %ne3A_410 = arith.cmpi ne, %rem3A_408, %ne3A_409 : i32
      %lt3A_411 = arith.constant 0 : i32
      %lt3A_412 = arith.cmpi slt, %rem3A_408, %lt3A_411 : i32
      %lt3A_413 = arith.constant 0 : i32
      %lt3A_414 = arith.cmpi slt, %select_n3A_407, %lt3A_413 : i32
      %ne3A_415 = arith.xori %lt3A_412, %lt3A_414 : i1
      %and3A_416 = arith.andi %ne3A_415, %ne3A_410 : i1
      %add3A_417 = arith.addi %rem3A_408, %select_n3A_407 : i32
      %select_n3A_418 = arith.select %and3A_416, %add3A_417, %rem3A_408 : i32
      %mul3A_419 = arith.constant 16 : i32
      %mul3A_420 = arith.muli %select_n3A_418, %mul3A_419 : i32
      %swap3A = arith.index_cast %select_n3A_402 : i32 to index
      %swap3A_421 = arith.index_cast %mul3A_420 : i32 to index
      %swap3A_422 = tpu.vector_load %arg22[%swap3A, %swap3A_421] {strides = array<i32>} : memref<5x128xf32, #tpu.memory_space<vmem>>, vector<16xf32>,
      tpu.vector_store %arg22[%swap3A, %swap3A_421], %add3A_378 {strides = array<i32>} : memref<5x128xf32, #tpu.memory_space<vmem>>, vector<16xf32>,
      %scan3A_423 = arith.constant 0 : i32
      scf.yield %scan3A_423 : i32
    }
    %scan3A_153 = arith.constant 40 : i32
    %mul3A_154 = arith.constant 5 : i32
    %mul3A_155 = arith.muli %mul3A_154, %arg1 : i32
    %add3A_156 = arith.constant 480 : i32
    %add3A_157 = arith.addi %add3A_156, %mul3A_155 : i32
    "tpu.region"() ({
      %run_scoped3A = tpu.sem_alloc : memref<!tpu.dma_semaphore, #tpu.memory_space<semaphore_mem>>
      %dma_start3A_297 = arith.constant 0 : i32
      %dma_start3A_298 = tpu.memref_slice %arg25[%add3A_157, %dma_start3A_297] : memref<10240x128xf32, #tpu.memory_space<vmem_shared>> -> memref<5x128xf32, #tpu.memory_space<vmem_shared>>
      %dma_start3A_299 = arith.constant 0 : i32
      %dma_start3A_300 = tpu.memref_slice %arg25[%add3A_157, %dma_start3A_299] : memref<10240x128xf32, #tpu.memory_space<vmem_shared>> -> memref<5x128xf32, #tpu.memory_space<vmem_shared>>
      tpu.enqueue_dma source(%dma_start3A_300 : memref<5x128xf32, #tpu.memory_space<vmem_shared>>) target(%arg23 : memref<5x128xf32, #tpu.memory_space<vmem>>) target_semaphore(%run_scoped3A : memref<!tpu.dma_semaphore, #tpu.memory_space<semaphore_mem>>)
      %dma_wait3A_301 = arith.constant 0 : i32
      %dma_wait3A_302 = tpu.memref_slice %arg25[%add3A_157, %dma_wait3A_301] : memref<10240x128xf32, #tpu.memory_space<vmem_shared>> -> memref<5x128xf32, #tpu.memory_space<vmem_shared>>
      %dma_wait3A_303 = arith.constant 0 : i32
      %dma_wait3A_304 = tpu.memref_slice %arg25[%add3A_157, %dma_wait3A_303] : memref<10240x128xf32, #tpu.memory_space<vmem_shared>> -> memref<5x128xf32, #tpu.memory_space<vmem_shared>>
      tpu.wait_dma2 semaphore(%run_scoped3A : memref<!tpu.dma_semaphore, #tpu.memory_space<semaphore_mem>>) src(%dma_wait3A_304 : memref<5x128xf32, #tpu.memory_space<vmem_shared>>) dst(%arg23 : memref<5x128xf32, #tpu.memory_space<vmem>>)
      tpu.yield
    }) : () -> ()
    %scan3A_158 = arith.constant 0 : i32
    %scan3A_159 = arith.constant 0 : i32
    %scan3A_160 = arith.constant 40 : i32
    %scan3A_161 = arith.addi %scan3A_159, %scan3A_160 : i32
    %scan3A_162 = arith.constant 1 : i32
    %scan3A_163 = scf.for %scan3A_297 = %scan3A_159 to %scan3A_161 step %scan3A_162 iter_args(%scan3A_298 = %scan3A_158) -> (i32)  : i32 {
      %jit3A = arith.constant 8 : i32
      %div3A = arith.divsi %scan3A_297, %jit3A : i32
      %sign3A = arith.constant 0 : i32
      %sign3A_299 = arith.cmpi sgt, %scan3A_297, %sign3A : i32
      %sign3A_300 = arith.extui %sign3A_299 : i1 to i32
      %sign3A_301 = arith.constant 0 : i32
      %sign3A_302 = arith.cmpi slt, %scan3A_297, %sign3A_301 : i32
      %sign3A_303 = arith.extui %sign3A_302 : i1 to i32
      %sign3A_304 = arith.subi %sign3A_300, %sign3A_303 : i32
      %sign3A_305 = arith.constant 0 : i32
      %sign3A_306 = arith.cmpi sgt, %jit3A, %sign3A_305 : i32
      %sign3A_307 = arith.extui %sign3A_306 : i1 to i32
      %sign3A_308 = arith.constant 0 : i32
      %sign3A_309 = arith.cmpi slt, %jit3A, %sign3A_308 : i32
      %sign3A_310 = arith.extui %sign3A_309 : i1 to i32
      %sign3A_311 = arith.subi %sign3A_307, %sign3A_310 : i32
      %ne3A = arith.cmpi ne, %sign3A_304, %sign3A_311 : i32
      %rem3A = arith.remsi %scan3A_297, %jit3A : i32
      %ne3A_312 = arith.constant 0 : i32
      %ne3A_313 = arith.cmpi ne, %rem3A, %ne3A_312 : i32
      %and3A = arith.andi %ne3A, %ne3A_313 : i1
      %sub3A = arith.constant 1 : i32
      %sub3A_314 = arith.subi %div3A, %sub3A : i32
      %select_n3A = arith.select %and3A, %sub3A_314, %div3A : i32
      %jit3A_315 = arith.constant 8 : i32
      %eq3A = arith.constant 0 : i32
      %eq3A_316 = arith.cmpi eq, %jit3A_315, %eq3A : i32
      %jit3A_317 = arith.constant 1 : i32
      %select_n3A_318 = arith.select %eq3A_316, %jit3A_317, %jit3A_315 : i32
      %rem3A_319 = arith.remsi %scan3A_297, %select_n3A_318 : i32
      %ne3A_320 = arith.constant 0 : i32
      %ne3A_321 = arith.cmpi ne, %rem3A_319, %ne3A_320 : i32
      %lt3A = arith.constant 0 : i32
      %lt3A_322 = arith.cmpi slt, %rem3A_319, %lt3A : i32
      %lt3A_323 = arith.constant 0 : i32
      %lt3A_324 = arith.cmpi slt, %select_n3A_318, %lt3A_323 : i32
      %ne3A_325 = arith.xori %lt3A_322, %lt3A_324 : i1
      %and3A_326 = arith.andi %ne3A_325, %ne3A_321 : i1
      %add3A_327 = arith.addi %rem3A_319, %select_n3A_318 : i32
      %select_n3A_328 = arith.select %and3A_326, %add3A_327, %rem3A_319 : i32
      %mul3A_329 = arith.constant 16 : i32
      %mul3A_330 = arith.muli %select_n3A_328, %mul3A_329 : i32
      %get3A = arith.index_cast %select_n3A : i32 to index
      %get3A_331 = arith.index_cast %mul3A_330 : i32 to index
      %get3A_332 = tpu.vector_load %arg22[%get3A, %get3A_331] {strides = array<i32>} : memref<5x128xf32, #tpu.memory_space<vmem>>, vector<16xf32>,
      %jit3A_333 = arith.constant 8 : i32
      %div3A_334 = arith.divsi %scan3A_297, %jit3A_333 : i32
      %sign3A_335 = arith.constant 0 : i32
      %sign3A_336 = arith.cmpi sgt, %scan3A_297, %sign3A_335 : i32
      %sign3A_337 = arith.extui %sign3A_336 : i1 to i32
      %sign3A_338 = arith.constant 0 : i32
      %sign3A_339 = arith.cmpi slt, %scan3A_297, %sign3A_338 : i32
      %sign3A_340 = arith.extui %sign3A_339 : i1 to i32
      %sign3A_341 = arith.subi %sign3A_337, %sign3A_340 : i32
      %sign3A_342 = arith.constant 0 : i32
      %sign3A_343 = arith.cmpi sgt, %jit3A_333, %sign3A_342 : i32
      %sign3A_344 = arith.extui %sign3A_343 : i1 to i32
      %sign3A_345 = arith.constant 0 : i32
      %sign3A_346 = arith.cmpi slt, %jit3A_333, %sign3A_345 : i32
      %sign3A_347 = arith.extui %sign3A_346 : i1 to i32
      %sign3A_348 = arith.subi %sign3A_344, %sign3A_347 : i32
      %ne3A_349 = arith.cmpi ne, %sign3A_341, %sign3A_348 : i32
      %rem3A_350 = arith.remsi %scan3A_297, %jit3A_333 : i32
      %ne3A_351 = arith.constant 0 : i32
      %ne3A_352 = arith.cmpi ne, %rem3A_350, %ne3A_351 : i32
      %and3A_353 = arith.andi %ne3A_349, %ne3A_352 : i1
      %sub3A_354 = arith.constant 1 : i32
      %sub3A_355 = arith.subi %div3A_334, %sub3A_354 : i32
      %select_n3A_356 = arith.select %and3A_353, %sub3A_355, %div3A_334 : i32
      %jit3A_357 = arith.constant 8 : i32
      %eq3A_358 = arith.constant 0 : i32
      %eq3A_359 = arith.cmpi eq, %jit3A_357, %eq3A_358 : i32
      %jit3A_360 = arith.constant 1 : i32
      %select_n3A_361 = arith.select %eq3A_359, %jit3A_360, %jit3A_357 : i32
      %rem3A_362 = arith.remsi %scan3A_297, %select_n3A_361 : i32
      %ne3A_363 = arith.constant 0 : i32
      %ne3A_364 = arith.cmpi ne, %rem3A_362, %ne3A_363 : i32
      %lt3A_365 = arith.constant 0 : i32
      %lt3A_366 = arith.cmpi slt, %rem3A_362, %lt3A_365 : i32
      %lt3A_367 = arith.constant 0 : i32
      %lt3A_368 = arith.cmpi slt, %select_n3A_361, %lt3A_367 : i32
      %ne3A_369 = arith.xori %lt3A_366, %lt3A_368 : i1
      %and3A_370 = arith.andi %ne3A_369, %ne3A_364 : i1
      %add3A_371 = arith.addi %rem3A_362, %select_n3A_361 : i32
      %select_n3A_372 = arith.select %and3A_370, %add3A_371, %rem3A_362 : i32
      %mul3A_373 = arith.constant 16 : i32
      %mul3A_374 = arith.muli %select_n3A_372, %mul3A_373 : i32
      %get3A_375 = arith.index_cast %select_n3A_356 : i32 to index
      %get3A_376 = arith.index_cast %mul3A_374 : i32 to index
      %get3A_377 = tpu.vector_load %arg23[%get3A_375, %get3A_376] {strides = array<i32>} : memref<5x128xf32, #tpu.memory_space<vmem>>, vector<16xf32>,
      %add3A_378 = arith.addf %get3A_332, %get3A_377 : vector<16xf32>
      %jit3A_379 = arith.constant 8 : i32
      %div3A_380 = arith.divsi %scan3A_297, %jit3A_379 : i32
      %sign3A_381 = arith.constant 0 : i32
      %sign3A_382 = arith.cmpi sgt, %scan3A_297, %sign3A_381 : i32
      %sign3A_383 = arith.extui %sign3A_382 : i1 to i32
      %sign3A_384 = arith.constant 0 : i32
      %sign3A_385 = arith.cmpi slt, %scan3A_297, %sign3A_384 : i32
      %sign3A_386 = arith.extui %sign3A_385 : i1 to i32
      %sign3A_387 = arith.subi %sign3A_383, %sign3A_386 : i32
      %sign3A_388 = arith.constant 0 : i32
      %sign3A_389 = arith.cmpi sgt, %jit3A_379, %sign3A_388 : i32
      %sign3A_390 = arith.extui %sign3A_389 : i1 to i32
      %sign3A_391 = arith.constant 0 : i32
      %sign3A_392 = arith.cmpi slt, %jit3A_379, %sign3A_391 : i32
      %sign3A_393 = arith.extui %sign3A_392 : i1 to i32
      %sign3A_394 = arith.subi %sign3A_390, %sign3A_393 : i32
      %ne3A_395 = arith.cmpi ne, %sign3A_387, %sign3A_394 : i32
      %rem3A_396 = arith.remsi %scan3A_297, %jit3A_379 : i32
      %ne3A_397 = arith.constant 0 : i32
      %ne3A_398 = arith.cmpi ne, %rem3A_396, %ne3A_397 : i32
      %and3A_399 = arith.andi %ne3A_395, %ne3A_398 : i1
      %sub3A_400 = arith.constant 1 : i32
      %sub3A_401 = arith.subi %div3A_380, %sub3A_400 : i32
      %select_n3A_402 = arith.select %and3A_399, %sub3A_401, %div3A_380 : i32
      %jit3A_403 = arith.constant 8 : i32
      %eq3A_404 = arith.constant 0 : i32
      %eq3A_405 = arith.cmpi eq, %jit3A_403, %eq3A_404 : i32
      %jit3A_406 = arith.constant 1 : i32
      %select_n3A_407 = arith.select %eq3A_405, %jit3A_406, %jit3A_403 : i32
      %rem3A_408 = arith.remsi %scan3A_297, %select_n3A_407 : i32
      %ne3A_409 = arith.constant 0 : i32
      %ne3A_410 = arith.cmpi ne, %rem3A_408, %ne3A_409 : i32
      %lt3A_411 = arith.constant 0 : i32
      %lt3A_412 = arith.cmpi slt, %rem3A_408, %lt3A_411 : i32
      %lt3A_413 = arith.constant 0 : i32
      %lt3A_414 = arith.cmpi slt, %select_n3A_407, %lt3A_413 : i32
      %ne3A_415 = arith.xori %lt3A_412, %lt3A_414 : i1
      %and3A_416 = arith.andi %ne3A_415, %ne3A_410 : i1
      %add3A_417 = arith.addi %rem3A_408, %select_n3A_407 : i32
      %select_n3A_418 = arith.select %and3A_416, %add3A_417, %rem3A_408 : i32
      %mul3A_419 = arith.constant 16 : i32
      %mul3A_420 = arith.muli %select_n3A_418, %mul3A_419 : i32
      %swap3A = arith.index_cast %select_n3A_402 : i32 to index
      %swap3A_421 = arith.index_cast %mul3A_420 : i32 to index
      %swap3A_422 = tpu.vector_load %arg22[%swap3A, %swap3A_421] {strides = array<i32>} : memref<5x128xf32, #tpu.memory_space<vmem>>, vector<16xf32>,
      tpu.vector_store %arg22[%swap3A, %swap3A_421], %add3A_378 {strides = array<i32>} : memref<5x128xf32, #tpu.memory_space<vmem>>, vector<16xf32>,
      %scan3A_423 = arith.constant 0 : i32
      scf.yield %scan3A_423 : i32
    }
    %scan3A_164 = arith.constant 40 : i32
    %mul3A_165 = arith.constant 5 : i32
    %mul3A_166 = arith.muli %mul3A_165, %arg1 : i32
    %add3A_167 = arith.constant 560 : i32
    %add3A_168 = arith.addi %add3A_167, %mul3A_166 : i32
    "tpu.region"() ({
      %run_scoped3A = tpu.sem_alloc : memref<!tpu.dma_semaphore, #tpu.memory_space<semaphore_mem>>
      %dma_start3A_297 = arith.constant 0 : i32
      %dma_start3A_298 = tpu.memref_slice %arg25[%add3A_168, %dma_start3A_297] : memref<10240x128xf32, #tpu.memory_space<vmem_shared>> -> memref<5x128xf32, #tpu.memory_space<vmem_shared>>
      %dma_start3A_299 = arith.constant 0 : i32
      %dma_start3A_300 = tpu.memref_slice %arg25[%add3A_168, %dma_start3A_299] : memref<10240x128xf32, #tpu.memory_space<vmem_shared>> -> memref<5x128xf32, #tpu.memory_space<vmem_shared>>
      tpu.enqueue_dma source(%dma_start3A_300 : memref<5x128xf32, #tpu.memory_space<vmem_shared>>) target(%arg23 : memref<5x128xf32, #tpu.memory_space<vmem>>) target_semaphore(%run_scoped3A : memref<!tpu.dma_semaphore, #tpu.memory_space<semaphore_mem>>)
      %dma_wait3A_301 = arith.constant 0 : i32
      %dma_wait3A_302 = tpu.memref_slice %arg25[%add3A_168, %dma_wait3A_301] : memref<10240x128xf32, #tpu.memory_space<vmem_shared>> -> memref<5x128xf32, #tpu.memory_space<vmem_shared>>
      %dma_wait3A_303 = arith.constant 0 : i32
      %dma_wait3A_304 = tpu.memref_slice %arg25[%add3A_168, %dma_wait3A_303] : memref<10240x128xf32, #tpu.memory_space<vmem_shared>> -> memref<5x128xf32, #tpu.memory_space<vmem_shared>>
      tpu.wait_dma2 semaphore(%run_scoped3A : memref<!tpu.dma_semaphore, #tpu.memory_space<semaphore_mem>>) src(%dma_wait3A_304 : memref<5x128xf32, #tpu.memory_space<vmem_shared>>) dst(%arg23 : memref<5x128xf32, #tpu.memory_space<vmem>>)
      tpu.yield
    }) : () -> ()
    %scan3A_169 = arith.constant 0 : i32
    %scan3A_170 = arith.constant 0 : i32
    %scan3A_171 = arith.constant 40 : i32
    %scan3A_172 = arith.addi %scan3A_170, %scan3A_171 : i32
    %scan3A_173 = arith.constant 1 : i32
    %scan3A_174 = scf.for %scan3A_297 = %scan3A_170 to %scan3A_172 step %scan3A_173 iter_args(%scan3A_298 = %scan3A_169) -> (i32)  : i32 {
      %jit3A = arith.constant 8 : i32
      %div3A = arith.divsi %scan3A_297, %jit3A : i32
      %sign3A = arith.constant 0 : i32
      %sign3A_299 = arith.cmpi sgt, %scan3A_297, %sign3A : i32
      %sign3A_300 = arith.extui %sign3A_299 : i1 to i32
      %sign3A_301 = arith.constant 0 : i32
      %sign3A_302 = arith.cmpi slt, %scan3A_297, %sign3A_301 : i32
      %sign3A_303 = arith.extui %sign3A_302 : i1 to i32
      %sign3A_304 = arith.subi %sign3A_300, %sign3A_303 : i32
      %sign3A_305 = arith.constant 0 : i32
      %sign3A_306 = arith.cmpi sgt, %jit3A, %sign3A_305 : i32
      %sign3A_307 = arith.extui %sign3A_306 : i1 to i32
      %sign3A_308 = arith.constant 0 : i32
      %sign3A_309 = arith.cmpi slt, %jit3A, %sign3A_308 : i32
      %sign3A_310 = arith.extui %sign3A_309 : i1 to i32
      %sign3A_311 = arith.subi %sign3A_307, %sign3A_310 : i32
      %ne3A = arith.cmpi ne, %sign3A_304, %sign3A_311 : i32
      %rem3A = arith.remsi %scan3A_297, %jit3A : i32
      %ne3A_312 = arith.constant 0 : i32
      %ne3A_313 = arith.cmpi ne, %rem3A, %ne3A_312 : i32
      %and3A = arith.andi %ne3A, %ne3A_313 : i1
      %sub3A = arith.constant 1 : i32
      %sub3A_314 = arith.subi %div3A, %sub3A : i32
      %select_n3A = arith.select %and3A, %sub3A_314, %div3A : i32
      %jit3A_315 = arith.constant 8 : i32
      %eq3A = arith.constant 0 : i32
      %eq3A_316 = arith.cmpi eq, %jit3A_315, %eq3A : i32
      %jit3A_317 = arith.constant 1 : i32
      %select_n3A_318 = arith.select %eq3A_316, %jit3A_317, %jit3A_315 : i32
      %rem3A_319 = arith.remsi %scan3A_297, %select_n3A_318 : i32
      %ne3A_320 = arith.constant 0 : i32
      %ne3A_321 = arith.cmpi ne, %rem3A_319, %ne3A_320 : i32
      %lt3A = arith.constant 0 : i32
      %lt3A_322 = arith.cmpi slt, %rem3A_319, %lt3A : i32
      %lt3A_323 = arith.constant 0 : i32
      %lt3A_324 = arith.cmpi slt, %select_n3A_318, %lt3A_323 : i32
      %ne3A_325 = arith.xori %lt3A_322, %lt3A_324 : i1
      %and3A_326 = arith.andi %ne3A_325, %ne3A_321 : i1
      %add3A_327 = arith.addi %rem3A_319, %select_n3A_318 : i32
      %select_n3A_328 = arith.select %and3A_326, %add3A_327, %rem3A_319 : i32
      %mul3A_329 = arith.constant 16 : i32
      %mul3A_330 = arith.muli %select_n3A_328, %mul3A_329 : i32
      %get3A = arith.index_cast %select_n3A : i32 to index
      %get3A_331 = arith.index_cast %mul3A_330 : i32 to index
      %get3A_332 = tpu.vector_load %arg22[%get3A, %get3A_331] {strides = array<i32>} : memref<5x128xf32, #tpu.memory_space<vmem>>, vector<16xf32>,
      %jit3A_333 = arith.constant 8 : i32
      %div3A_334 = arith.divsi %scan3A_297, %jit3A_333 : i32
      %sign3A_335 = arith.constant 0 : i32
      %sign3A_336 = arith.cmpi sgt, %scan3A_297, %sign3A_335 : i32
      %sign3A_337 = arith.extui %sign3A_336 : i1 to i32
      %sign3A_338 = arith.constant 0 : i32
      %sign3A_339 = arith.cmpi slt, %scan3A_297, %sign3A_338 : i32
      %sign3A_340 = arith.extui %sign3A_339 : i1 to i32
      %sign3A_341 = arith.subi %sign3A_337, %sign3A_340 : i32
      %sign3A_342 = arith.constant 0 : i32
      %sign3A_343 = arith.cmpi sgt, %jit3A_333, %sign3A_342 : i32
      %sign3A_344 = arith.extui %sign3A_343 : i1 to i32
      %sign3A_345 = arith.constant 0 : i32
      %sign3A_346 = arith.cmpi slt, %jit3A_333, %sign3A_345 : i32
      %sign3A_347 = arith.extui %sign3A_346 : i1 to i32
      %sign3A_348 = arith.subi %sign3A_344, %sign3A_347 : i32
      %ne3A_349 = arith.cmpi ne, %sign3A_341, %sign3A_348 : i32
      %rem3A_350 = arith.remsi %scan3A_297, %jit3A_333 : i32
      %ne3A_351 = arith.constant 0 : i32
      %ne3A_352 = arith.cmpi ne, %rem3A_350, %ne3A_351 : i32
      %and3A_353 = arith.andi %ne3A_349, %ne3A_352 : i1
      %sub3A_354 = arith.constant 1 : i32
      %sub3A_355 = arith.subi %div3A_334, %sub3A_354 : i32
      %select_n3A_356 = arith.select %and3A_353, %sub3A_355, %div3A_334 : i32
      %jit3A_357 = arith.constant 8 : i32
      %eq3A_358 = arith.constant 0 : i32
      %eq3A_359 = arith.cmpi eq, %jit3A_357, %eq3A_358 : i32
      %jit3A_360 = arith.constant 1 : i32
      %select_n3A_361 = arith.select %eq3A_359, %jit3A_360, %jit3A_357 : i32
      %rem3A_362 = arith.remsi %scan3A_297, %select_n3A_361 : i32
      %ne3A_363 = arith.constant 0 : i32
      %ne3A_364 = arith.cmpi ne, %rem3A_362, %ne3A_363 : i32
      %lt3A_365 = arith.constant 0 : i32
      %lt3A_366 = arith.cmpi slt, %rem3A_362, %lt3A_365 : i32
      %lt3A_367 = arith.constant 0 : i32
      %lt3A_368 = arith.cmpi slt, %select_n3A_361, %lt3A_367 : i32
      %ne3A_369 = arith.xori %lt3A_366, %lt3A_368 : i1
      %and3A_370 = arith.andi %ne3A_369, %ne3A_364 : i1
      %add3A_371 = arith.addi %rem3A_362, %select_n3A_361 : i32
      %select_n3A_372 = arith.select %and3A_370, %add3A_371, %rem3A_362 : i32
      %mul3A_373 = arith.constant 16 : i32
      %mul3A_374 = arith.muli %select_n3A_372, %mul3A_373 : i32
      %get3A_375 = arith.index_cast %select_n3A_356 : i32 to index
      %get3A_376 = arith.index_cast %mul3A_374 : i32 to index
      %get3A_377 = tpu.vector_load %arg23[%get3A_375, %get3A_376] {strides = array<i32>} : memref<5x128xf32, #tpu.memory_space<vmem>>, vector<16xf32>,
      %add3A_378 = arith.addf %get3A_332, %get3A_377 : vector<16xf32>
      %jit3A_379 = arith.constant 8 : i32
      %div3A_380 = arith.divsi %scan3A_297, %jit3A_379 : i32
      %sign3A_381 = arith.constant 0 : i32
      %sign3A_382 = arith.cmpi sgt, %scan3A_297, %sign3A_381 : i32
      %sign3A_383 = arith.extui %sign3A_382 : i1 to i32
      %sign3A_384 = arith.constant 0 : i32
      %sign3A_385 = arith.cmpi slt, %scan3A_297, %sign3A_384 : i32
      %sign3A_386 = arith.extui %sign3A_385 : i1 to i32
      %sign3A_387 = arith.subi %sign3A_383, %sign3A_386 : i32
      %sign3A_388 = arith.constant 0 : i32
      %sign3A_389 = arith.cmpi sgt, %jit3A_379, %sign3A_388 : i32
      %sign3A_390 = arith.extui %sign3A_389 : i1 to i32
      %sign3A_391 = arith.constant 0 : i32
      %sign3A_392 = arith.cmpi slt, %jit3A_379, %sign3A_391 : i32
      %sign3A_393 = arith.extui %sign3A_392 : i1 to i32
      %sign3A_394 = arith.subi %sign3A_390, %sign3A_393 : i32
      %ne3A_395 = arith.cmpi ne, %sign3A_387, %sign3A_394 : i32
      %rem3A_396 = arith.remsi %scan3A_297, %jit3A_379 : i32
      %ne3A_397 = arith.constant 0 : i32
      %ne3A_398 = arith.cmpi ne, %rem3A_396, %ne3A_397 : i32
      %and3A_399 = arith.andi %ne3A_395, %ne3A_398 : i1
      %sub3A_400 = arith.constant 1 : i32
      %sub3A_401 = arith.subi %div3A_380, %sub3A_400 : i32
      %select_n3A_402 = arith.select %and3A_399, %sub3A_401, %div3A_380 : i32
      %jit3A_403 = arith.constant 8 : i32
      %eq3A_404 = arith.constant 0 : i32
      %eq3A_405 = arith.cmpi eq, %jit3A_403, %eq3A_404 : i32
      %jit3A_406 = arith.constant 1 : i32
      %select_n3A_407 = arith.select %eq3A_405, %jit3A_406, %jit3A_403 : i32
      %rem3A_408 = arith.remsi %scan3A_297, %select_n3A_407 : i32
      %ne3A_409 = arith.constant 0 : i32
      %ne3A_410 = arith.cmpi ne, %rem3A_408, %ne3A_409 : i32
      %lt3A_411 = arith.constant 0 : i32
      %lt3A_412 = arith.cmpi slt, %rem3A_408, %lt3A_411 : i32
      %lt3A_413 = arith.constant 0 : i32
      %lt3A_414 = arith.cmpi slt, %select_n3A_407, %lt3A_413 : i32
      %ne3A_415 = arith.xori %lt3A_412, %lt3A_414 : i1
      %and3A_416 = arith.andi %ne3A_415, %ne3A_410 : i1
      %add3A_417 = arith.addi %rem3A_408, %select_n3A_407 : i32
      %select_n3A_418 = arith.select %and3A_416, %add3A_417, %rem3A_408 : i32
      %mul3A_419 = arith.constant 16 : i32
      %mul3A_420 = arith.muli %select_n3A_418, %mul3A_419 : i32
      %swap3A = arith.index_cast %select_n3A_402 : i32 to index
      %swap3A_421 = arith.index_cast %mul3A_420 : i32 to index
      %swap3A_422 = tpu.vector_load %arg22[%swap3A, %swap3A_421] {strides = array<i32>} : memref<5x128xf32, #tpu.memory_space<vmem>>, vector<16xf32>,
      tpu.vector_store %arg22[%swap3A, %swap3A_421], %add3A_378 {strides = array<i32>} : memref<5x128xf32, #tpu.memory_space<vmem>>, vector<16xf32>,
      %scan3A_423 = arith.constant 0 : i32
      scf.yield %scan3A_423 : i32
    }
    %scan3A_175 = arith.constant 40 : i32
    %mul3A_176 = arith.constant 5 : i32
    %mul3A_177 = arith.muli %mul3A_176, %arg1 : i32
    %add3A_178 = arith.constant 640 : i32
    %add3A_179 = arith.addi %add3A_178, %mul3A_177 : i32
    "tpu.region"() ({
      %run_scoped3A = tpu.sem_alloc : memref<!tpu.dma_semaphore, #tpu.memory_space<semaphore_mem>>
      %dma_start3A_297 = arith.constant 0 : i32
      %dma_start3A_298 = tpu.memref_slice %arg25[%add3A_179, %dma_start3A_297] : memref<10240x128xf32, #tpu.memory_space<vmem_shared>> -> memref<5x128xf32, #tpu.memory_space<vmem_shared>>
      %dma_start3A_299 = arith.constant 0 : i32
      %dma_start3A_300 = tpu.memref_slice %arg25[%add3A_179, %dma_start3A_299] : memref<10240x128xf32, #tpu.memory_space<vmem_shared>> -> memref<5x128xf32, #tpu.memory_space<vmem_shared>>
      tpu.enqueue_dma source(%dma_start3A_300 : memref<5x128xf32, #tpu.memory_space<vmem_shared>>) target(%arg23 : memref<5x128xf32, #tpu.memory_space<vmem>>) target_semaphore(%run_scoped3A : memref<!tpu.dma_semaphore, #tpu.memory_space<semaphore_mem>>)
      %dma_wait3A_301 = arith.constant 0 : i32
      %dma_wait3A_302 = tpu.memref_slice %arg25[%add3A_179, %dma_wait3A_301] : memref<10240x128xf32, #tpu.memory_space<vmem_shared>> -> memref<5x128xf32, #tpu.memory_space<vmem_shared>>
      %dma_wait3A_303 = arith.constant 0 : i32
      %dma_wait3A_304 = tpu.memref_slice %arg25[%add3A_179, %dma_wait3A_303] : memref<10240x128xf32, #tpu.memory_space<vmem_shared>> -> memref<5x128xf32, #tpu.memory_space<vmem_shared>>
      tpu.wait_dma2 semaphore(%run_scoped3A : memref<!tpu.dma_semaphore, #tpu.memory_space<semaphore_mem>>) src(%dma_wait3A_304 : memref<5x128xf32, #tpu.memory_space<vmem_shared>>) dst(%arg23 : memref<5x128xf32, #tpu.memory_space<vmem>>)
      tpu.yield
    }) : () -> ()
    %scan3A_180 = arith.constant 0 : i32
    %scan3A_181 = arith.constant 0 : i32
    %scan3A_182 = arith.constant 40 : i32
    %scan3A_183 = arith.addi %scan3A_181, %scan3A_182 : i32
    %scan3A_184 = arith.constant 1 : i32
    %scan3A_185 = scf.for %scan3A_297 = %scan3A_181 to %scan3A_183 step %scan3A_184 iter_args(%scan3A_298 = %scan3A_180) -> (i32)  : i32 {
      %jit3A = arith.constant 8 : i32
      %div3A = arith.divsi %scan3A_297, %jit3A : i32
      %sign3A = arith.constant 0 : i32
      %sign3A_299 = arith.cmpi sgt, %scan3A_297, %sign3A : i32
      %sign3A_300 = arith.extui %sign3A_299 : i1 to i32
      %sign3A_301 = arith.constant 0 : i32
      %sign3A_302 = arith.cmpi slt, %scan3A_297, %sign3A_301 : i32
      %sign3A_303 = arith.extui %sign3A_302 : i1 to i32
      %sign3A_304 = arith.subi %sign3A_300, %sign3A_303 : i32
      %sign3A_305 = arith.constant 0 : i32
      %sign3A_306 = arith.cmpi sgt, %jit3A, %sign3A_305 : i32
      %sign3A_307 = arith.extui %sign3A_306 : i1 to i32
      %sign3A_308 = arith.constant 0 : i32
      %sign3A_309 = arith.cmpi slt, %jit3A, %sign3A_308 : i32
      %sign3A_310 = arith.extui %sign3A_309 : i1 to i32
      %sign3A_311 = arith.subi %sign3A_307, %sign3A_310 : i32
      %ne3A = arith.cmpi ne, %sign3A_304, %sign3A_311 : i32
      %rem3A = arith.remsi %scan3A_297, %jit3A : i32
      %ne3A_312 = arith.constant 0 : i32
      %ne3A_313 = arith.cmpi ne, %rem3A, %ne3A_312 : i32
      %and3A = arith.andi %ne3A, %ne3A_313 : i1
      %sub3A = arith.constant 1 : i32
      %sub3A_314 = arith.subi %div3A, %sub3A : i32
      %select_n3A = arith.select %and3A, %sub3A_314, %div3A : i32
      %jit3A_315 = arith.constant 8 : i32
      %eq3A = arith.constant 0 : i32
      %eq3A_316 = arith.cmpi eq, %jit3A_315, %eq3A : i32
      %jit3A_317 = arith.constant 1 : i32
      %select_n3A_318 = arith.select %eq3A_316, %jit3A_317, %jit3A_315 : i32
      %rem3A_319 = arith.remsi %scan3A_297, %select_n3A_318 : i32
      %ne3A_320 = arith.constant 0 : i32
      %ne3A_321 = arith.cmpi ne, %rem3A_319, %ne3A_320 : i32
      %lt3A = arith.constant 0 : i32
      %lt3A_322 = arith.cmpi slt, %rem3A_319, %lt3A : i32
      %lt3A_323 = arith.constant 0 : i32
      %lt3A_324 = arith.cmpi slt, %select_n3A_318, %lt3A_323 : i32
      %ne3A_325 = arith.xori %lt3A_322, %lt3A_324 : i1
      %and3A_326 = arith.andi %ne3A_325, %ne3A_321 : i1
      %add3A_327 = arith.addi %rem3A_319, %select_n3A_318 : i32
      %select_n3A_328 = arith.select %and3A_326, %add3A_327, %rem3A_319 : i32
      %mul3A_329 = arith.constant 16 : i32
      %mul3A_330 = arith.muli %select_n3A_328, %mul3A_329 : i32
      %get3A = arith.index_cast %select_n3A : i32 to index
      %get3A_331 = arith.index_cast %mul3A_330 : i32 to index
      %get3A_332 = tpu.vector_load %arg22[%get3A, %get3A_331] {strides = array<i32>} : memref<5x128xf32, #tpu.memory_space<vmem>>, vector<16xf32>,
      %jit3A_333 = arith.constant 8 : i32
      %div3A_334 = arith.divsi %scan3A_297, %jit3A_333 : i32
      %sign3A_335 = arith.constant 0 : i32
      %sign3A_336 = arith.cmpi sgt, %scan3A_297, %sign3A_335 : i32
      %sign3A_337 = arith.extui %sign3A_336 : i1 to i32
      %sign3A_338 = arith.constant 0 : i32
      %sign3A_339 = arith.cmpi slt, %scan3A_297, %sign3A_338 : i32
      %sign3A_340 = arith.extui %sign3A_339 : i1 to i32
      %sign3A_341 = arith.subi %sign3A_337, %sign3A_340 : i32
      %sign3A_342 = arith.constant 0 : i32
      %sign3A_343 = arith.cmpi sgt, %jit3A_333, %sign3A_342 : i32
      %sign3A_344 = arith.extui %sign3A_343 : i1 to i32
      %sign3A_345 = arith.constant 0 : i32
      %sign3A_346 = arith.cmpi slt, %jit3A_333, %sign3A_345 : i32
      %sign3A_347 = arith.extui %sign3A_346 : i1 to i32
      %sign3A_348 = arith.subi %sign3A_344, %sign3A_347 : i32
      %ne3A_349 = arith.cmpi ne, %sign3A_341, %sign3A_348 : i32
      %rem3A_350 = arith.remsi %scan3A_297, %jit3A_333 : i32
      %ne3A_351 = arith.constant 0 : i32
      %ne3A_352 = arith.cmpi ne, %rem3A_350, %ne3A_351 : i32
      %and3A_353 = arith.andi %ne3A_349, %ne3A_352 : i1
      %sub3A_354 = arith.constant 1 : i32
      %sub3A_355 = arith.subi %div3A_334, %sub3A_354 : i32
      %select_n3A_356 = arith.select %and3A_353, %sub3A_355, %div3A_334 : i32
      %jit3A_357 = arith.constant 8 : i32
      %eq3A_358 = arith.constant 0 : i32
      %eq3A_359 = arith.cmpi eq, %jit3A_357, %eq3A_358 : i32
      %jit3A_360 = arith.constant 1 : i32
      %select_n3A_361 = arith.select %eq3A_359, %jit3A_360, %jit3A_357 : i32
      %rem3A_362 = arith.remsi %scan3A_297, %select_n3A_361 : i32
      %ne3A_363 = arith.constant 0 : i32
      %ne3A_364 = arith.cmpi ne, %rem3A_362, %ne3A_363 : i32
      %lt3A_365 = arith.constant 0 : i32
      %lt3A_366 = arith.cmpi slt, %rem3A_362, %lt3A_365 : i32
      %lt3A_367 = arith.constant 0 : i32
      %lt3A_368 = arith.cmpi slt, %select_n3A_361, %lt3A_367 : i32
      %ne3A_369 = arith.xori %lt3A_366, %lt3A_368 : i1
      %and3A_370 = arith.andi %ne3A_369, %ne3A_364 : i1
      %add3A_371 = arith.addi %rem3A_362, %select_n3A_361 : i32
      %select_n3A_372 = arith.select %and3A_370, %add3A_371, %rem3A_362 : i32
      %mul3A_373 = arith.constant 16 : i32
      %mul3A_374 = arith.muli %select_n3A_372, %mul3A_373 : i32
      %get3A_375 = arith.index_cast %select_n3A_356 : i32 to index
      %get3A_376 = arith.index_cast %mul3A_374 : i32 to index
      %get3A_377 = tpu.vector_load %arg23[%get3A_375, %get3A_376] {strides = array<i32>} : memref<5x128xf32, #tpu.memory_space<vmem>>, vector<16xf32>,
      %add3A_378 = arith.addf %get3A_332, %get3A_377 : vector<16xf32>
      %jit3A_379 = arith.constant 8 : i32
      %div3A_380 = arith.divsi %scan3A_297, %jit3A_379 : i32
      %sign3A_381 = arith.constant 0 : i32
      %sign3A_382 = arith.cmpi sgt, %scan3A_297, %sign3A_381 : i32
      %sign3A_383 = arith.extui %sign3A_382 : i1 to i32
      %sign3A_384 = arith.constant 0 : i32
      %sign3A_385 = arith.cmpi slt, %scan3A_297, %sign3A_384 : i32
      %sign3A_386 = arith.extui %sign3A_385 : i1 to i32
      %sign3A_387 = arith.subi %sign3A_383, %sign3A_386 : i32
      %sign3A_388 = arith.constant 0 : i32
      %sign3A_389 = arith.cmpi sgt, %jit3A_379, %sign3A_388 : i32
      %sign3A_390 = arith.extui %sign3A_389 : i1 to i32
      %sign3A_391 = arith.constant 0 : i32
      %sign3A_392 = arith.cmpi slt, %jit3A_379, %sign3A_391 : i32
      %sign3A_393 = arith.extui %sign3A_392 : i1 to i32
      %sign3A_394 = arith.subi %sign3A_390, %sign3A_393 : i32
      %ne3A_395 = arith.cmpi ne, %sign3A_387, %sign3A_394 : i32
      %rem3A_396 = arith.remsi %scan3A_297, %jit3A_379 : i32
      %ne3A_397 = arith.constant 0 : i32
      %ne3A_398 = arith.cmpi ne, %rem3A_396, %ne3A_397 : i32
      %and3A_399 = arith.andi %ne3A_395, %ne3A_398 : i1
      %sub3A_400 = arith.constant 1 : i32
      %sub3A_401 = arith.subi %div3A_380, %sub3A_400 : i32
      %select_n3A_402 = arith.select %and3A_399, %sub3A_401, %div3A_380 : i32
      %jit3A_403 = arith.constant 8 : i32
      %eq3A_404 = arith.constant 0 : i32
      %eq3A_405 = arith.cmpi eq, %jit3A_403, %eq3A_404 : i32
      %jit3A_406 = arith.constant 1 : i32
      %select_n3A_407 = arith.select %eq3A_405, %jit3A_406, %jit3A_403 : i32
      %rem3A_408 = arith.remsi %scan3A_297, %select_n3A_407 : i32
      %ne3A_409 = arith.constant 0 : i32
      %ne3A_410 = arith.cmpi ne, %rem3A_408, %ne3A_409 : i32
      %lt3A_411 = arith.constant 0 : i32
      %lt3A_412 = arith.cmpi slt, %rem3A_408, %lt3A_411 : i32
      %lt3A_413 = arith.constant 0 : i32
      %lt3A_414 = arith.cmpi slt, %select_n3A_407, %lt3A_413 : i32
      %ne3A_415 = arith.xori %lt3A_412, %lt3A_414 : i1
      %and3A_416 = arith.andi %ne3A_415, %ne3A_410 : i1
      %add3A_417 = arith.addi %rem3A_408, %select_n3A_407 : i32
      %select_n3A_418 = arith.select %and3A_416, %add3A_417, %rem3A_408 : i32
      %mul3A_419 = arith.constant 16 : i32
      %mul3A_420 = arith.muli %select_n3A_418, %mul3A_419 : i32
      %swap3A = arith.index_cast %select_n3A_402 : i32 to index
      %swap3A_421 = arith.index_cast %mul3A_420 : i32 to index
      %swap3A_422 = tpu.vector_load %arg22[%swap3A, %swap3A_421] {strides = array<i32>} : memref<5x128xf32, #tpu.memory_space<vmem>>, vector<16xf32>,
      tpu.vector_store %arg22[%swap3A, %swap3A_421], %add3A_378 {strides = array<i32>} : memref<5x128xf32, #tpu.memory_space<vmem>>, vector<16xf32>,
      %scan3A_423 = arith.constant 0 : i32
      scf.yield %scan3A_423 : i32
    }
    %scan3A_186 = arith.constant 40 : i32
    %mul3A_187 = arith.constant 5 : i32
    %mul3A_188 = arith.muli %mul3A_187, %arg1 : i32
    %add3A_189 = arith.constant 720 : i32
    %add3A_190 = arith.addi %add3A_189, %mul3A_188 : i32
    "tpu.region"() ({
      %run_scoped3A = tpu.sem_alloc : memref<!tpu.dma_semaphore, #tpu.memory_space<semaphore_mem>>
      %dma_start3A_297 = arith.constant 0 : i32
      %dma_start3A_298 = tpu.memref_slice %arg25[%add3A_190, %dma_start3A_297] : memref<10240x128xf32, #tpu.memory_space<vmem_shared>> -> memref<5x128xf32, #tpu.memory_space<vmem_shared>>
      %dma_start3A_299 = arith.constant 0 : i32
      %dma_start3A_300 = tpu.memref_slice %arg25[%add3A_190, %dma_start3A_299] : memref<10240x128xf32, #tpu.memory_space<vmem_shared>> -> memref<5x128xf32, #tpu.memory_space<vmem_shared>>
      tpu.enqueue_dma source(%dma_start3A_300 : memref<5x128xf32, #tpu.memory_space<vmem_shared>>) target(%arg23 : memref<5x128xf32, #tpu.memory_space<vmem>>) target_semaphore(%run_scoped3A : memref<!tpu.dma_semaphore, #tpu.memory_space<semaphore_mem>>)
      %dma_wait3A_301 = arith.constant 0 : i32
      %dma_wait3A_302 = tpu.memref_slice %arg25[%add3A_190, %dma_wait3A_301] : memref<10240x128xf32, #tpu.memory_space<vmem_shared>> -> memref<5x128xf32, #tpu.memory_space<vmem_shared>>
      %dma_wait3A_303 = arith.constant 0 : i32
      %dma_wait3A_304 = tpu.memref_slice %arg25[%add3A_190, %dma_wait3A_303] : memref<10240x128xf32, #tpu.memory_space<vmem_shared>> -> memref<5x128xf32, #tpu.memory_space<vmem_shared>>
      tpu.wait_dma2 semaphore(%run_scoped3A : memref<!tpu.dma_semaphore, #tpu.memory_space<semaphore_mem>>) src(%dma_wait3A_304 : memref<5x128xf32, #tpu.memory_space<vmem_shared>>) dst(%arg23 : memref<5x128xf32, #tpu.memory_space<vmem>>)
      tpu.yield
    }) : () -> ()
    %scan3A_191 = arith.constant 0 : i32
    %scan3A_192 = arith.constant 0 : i32
    %scan3A_193 = arith.constant 40 : i32
    %scan3A_194 = arith.addi %scan3A_192, %scan3A_193 : i32
    %scan3A_195 = arith.constant 1 : i32
    %scan3A_196 = scf.for %scan3A_297 = %scan3A_192 to %scan3A_194 step %scan3A_195 iter_args(%scan3A_298 = %scan3A_191) -> (i32)  : i32 {
      %jit3A = arith.constant 8 : i32
      %div3A = arith.divsi %scan3A_297, %jit3A : i32
      %sign3A = arith.constant 0 : i32
      %sign3A_299 = arith.cmpi sgt, %scan3A_297, %sign3A : i32
      %sign3A_300 = arith.extui %sign3A_299 : i1 to i32
      %sign3A_301 = arith.constant 0 : i32
      %sign3A_302 = arith.cmpi slt, %scan3A_297, %sign3A_301 : i32
      %sign3A_303 = arith.extui %sign3A_302 : i1 to i32
      %sign3A_304 = arith.subi %sign3A_300, %sign3A_303 : i32
      %sign3A_305 = arith.constant 0 : i32
      %sign3A_306 = arith.cmpi sgt, %jit3A, %sign3A_305 : i32
      %sign3A_307 = arith.extui %sign3A_306 : i1 to i32
      %sign3A_308 = arith.constant 0 : i32
      %sign3A_309 = arith.cmpi slt, %jit3A, %sign3A_308 : i32
      %sign3A_310 = arith.extui %sign3A_309 : i1 to i32
      %sign3A_311 = arith.subi %sign3A_307, %sign3A_310 : i32
      %ne3A = arith.cmpi ne, %sign3A_304, %sign3A_311 : i32
      %rem3A = arith.remsi %scan3A_297, %jit3A : i32
      %ne3A_312 = arith.constant 0 : i32
      %ne3A_313 = arith.cmpi ne, %rem3A, %ne3A_312 : i32
      %and3A = arith.andi %ne3A, %ne3A_313 : i1
      %sub3A = arith.constant 1 : i32
      %sub3A_314 = arith.subi %div3A, %sub3A : i32
      %select_n3A = arith.select %and3A, %sub3A_314, %div3A : i32
      %jit3A_315 = arith.constant 8 : i32
      %eq3A = arith.constant 0 : i32
      %eq3A_316 = arith.cmpi eq, %jit3A_315, %eq3A : i32
      %jit3A_317 = arith.constant 1 : i32
      %select_n3A_318 = arith.select %eq3A_316, %jit3A_317, %jit3A_315 : i32
      %rem3A_319 = arith.remsi %scan3A_297, %select_n3A_318 : i32
      %ne3A_320 = arith.constant 0 : i32
      %ne3A_321 = arith.cmpi ne, %rem3A_319, %ne3A_320 : i32
      %lt3A = arith.constant 0 : i32
      %lt3A_322 = arith.cmpi slt, %rem3A_319, %lt3A : i32
      %lt3A_323 = arith.constant 0 : i32
      %lt3A_324 = arith.cmpi slt, %select_n3A_318, %lt3A_323 : i32
      %ne3A_325 = arith.xori %lt3A_322, %lt3A_324 : i1
      %and3A_326 = arith.andi %ne3A_325, %ne3A_321 : i1
      %add3A_327 = arith.addi %rem3A_319, %select_n3A_318 : i32
      %select_n3A_328 = arith.select %and3A_326, %add3A_327, %rem3A_319 : i32
      %mul3A_329 = arith.constant 16 : i32
      %mul3A_330 = arith.muli %select_n3A_328, %mul3A_329 : i32
      %get3A = arith.index_cast %select_n3A : i32 to index
      %get3A_331 = arith.index_cast %mul3A_330 : i32 to index
      %get3A_332 = tpu.vector_load %arg22[%get3A, %get3A_331] {strides = array<i32>} : memref<5x128xf32, #tpu.memory_space<vmem>>, vector<16xf32>,
      %jit3A_333 = arith.constant 8 : i32
      %div3A_334 = arith.divsi %scan3A_297, %jit3A_333 : i32
      %sign3A_335 = arith.constant 0 : i32
      %sign3A_336 = arith.cmpi sgt, %scan3A_297, %sign3A_335 : i32
      %sign3A_337 = arith.extui %sign3A_336 : i1 to i32
      %sign3A_338 = arith.constant 0 : i32
      %sign3A_339 = arith.cmpi slt, %scan3A_297, %sign3A_338 : i32
      %sign3A_340 = arith.extui %sign3A_339 : i1 to i32
      %sign3A_341 = arith.subi %sign3A_337, %sign3A_340 : i32
      %sign3A_342 = arith.constant 0 : i32
      %sign3A_343 = arith.cmpi sgt, %jit3A_333, %sign3A_342 : i32
      %sign3A_344 = arith.extui %sign3A_343 : i1 to i32
      %sign3A_345 = arith.constant 0 : i32
      %sign3A_346 = arith.cmpi slt, %jit3A_333, %sign3A_345 : i32
      %sign3A_347 = arith.extui %sign3A_346 : i1 to i32
      %sign3A_348 = arith.subi %sign3A_344, %sign3A_347 : i32
      %ne3A_349 = arith.cmpi ne, %sign3A_341, %sign3A_348 : i32
      %rem3A_350 = arith.remsi %scan3A_297, %jit3A_333 : i32
      %ne3A_351 = arith.constant 0 : i32
      %ne3A_352 = arith.cmpi ne, %rem3A_350, %ne3A_351 : i32
      %and3A_353 = arith.andi %ne3A_349, %ne3A_352 : i1
      %sub3A_354 = arith.constant 1 : i32
      %sub3A_355 = arith.subi %div3A_334, %sub3A_354 : i32
      %select_n3A_356 = arith.select %and3A_353, %sub3A_355, %div3A_334 : i32
      %jit3A_357 = arith.constant 8 : i32
      %eq3A_358 = arith.constant 0 : i32
      %eq3A_359 = arith.cmpi eq, %jit3A_357, %eq3A_358 : i32
      %jit3A_360 = arith.constant 1 : i32
      %select_n3A_361 = arith.select %eq3A_359, %jit3A_360, %jit3A_357 : i32
      %rem3A_362 = arith.remsi %scan3A_297, %select_n3A_361 : i32
      %ne3A_363 = arith.constant 0 : i32
      %ne3A_364 = arith.cmpi ne, %rem3A_362, %ne3A_363 : i32
      %lt3A_365 = arith.constant 0 : i32
      %lt3A_366 = arith.cmpi slt, %rem3A_362, %lt3A_365 : i32
      %lt3A_367 = arith.constant 0 : i32
      %lt3A_368 = arith.cmpi slt, %select_n3A_361, %lt3A_367 : i32
      %ne3A_369 = arith.xori %lt3A_366, %lt3A_368 : i1
      %and3A_370 = arith.andi %ne3A_369, %ne3A_364 : i1
      %add3A_371 = arith.addi %rem3A_362, %select_n3A_361 : i32
      %select_n3A_372 = arith.select %and3A_370, %add3A_371, %rem3A_362 : i32
      %mul3A_373 = arith.constant 16 : i32
      %mul3A_374 = arith.muli %select_n3A_372, %mul3A_373 : i32
      %get3A_375 = arith.index_cast %select_n3A_356 : i32 to index
      %get3A_376 = arith.index_cast %mul3A_374 : i32 to index
      %get3A_377 = tpu.vector_load %arg23[%get3A_375, %get3A_376] {strides = array<i32>} : memref<5x128xf32, #tpu.memory_space<vmem>>, vector<16xf32>,
      %add3A_378 = arith.addf %get3A_332, %get3A_377 : vector<16xf32>
      %jit3A_379 = arith.constant 8 : i32
      %div3A_380 = arith.divsi %scan3A_297, %jit3A_379 : i32
      %sign3A_381 = arith.constant 0 : i32
      %sign3A_382 = arith.cmpi sgt, %scan3A_297, %sign3A_381 : i32
      %sign3A_383 = arith.extui %sign3A_382 : i1 to i32
      %sign3A_384 = arith.constant 0 : i32
      %sign3A_385 = arith.cmpi slt, %scan3A_297, %sign3A_384 : i32
      %sign3A_386 = arith.extui %sign3A_385 : i1 to i32
      %sign3A_387 = arith.subi %sign3A_383, %sign3A_386 : i32
      %sign3A_388 = arith.constant 0 : i32
      %sign3A_389 = arith.cmpi sgt, %jit3A_379, %sign3A_388 : i32
      %sign3A_390 = arith.extui %sign3A_389 : i1 to i32
      %sign3A_391 = arith.constant 0 : i32
      %sign3A_392 = arith.cmpi slt, %jit3A_379, %sign3A_391 : i32
      %sign3A_393 = arith.extui %sign3A_392 : i1 to i32
      %sign3A_394 = arith.subi %sign3A_390, %sign3A_393 : i32
      %ne3A_395 = arith.cmpi ne, %sign3A_387, %sign3A_394 : i32
      %rem3A_396 = arith.remsi %scan3A_297, %jit3A_379 : i32
      %ne3A_397 = arith.constant 0 : i32
      %ne3A_398 = arith.cmpi ne, %rem3A_396, %ne3A_397 : i32
      %and3A_399 = arith.andi %ne3A_395, %ne3A_398 : i1
      %sub3A_400 = arith.constant 1 : i32
      %sub3A_401 = arith.subi %div3A_380, %sub3A_400 : i32
      %select_n3A_402 = arith.select %and3A_399, %sub3A_401, %div3A_380 : i32
      %jit3A_403 = arith.constant 8 : i32
      %eq3A_404 = arith.constant 0 : i32
      %eq3A_405 = arith.cmpi eq, %jit3A_403, %eq3A_404 : i32
      %jit3A_406 = arith.constant 1 : i32
      %select_n3A_407 = arith.select %eq3A_405, %jit3A_406, %jit3A_403 : i32
      %rem3A_408 = arith.remsi %scan3A_297, %select_n3A_407 : i32
      %ne3A_409 = arith.constant 0 : i32
      %ne3A_410 = arith.cmpi ne, %rem3A_408, %ne3A_409 : i32
      %lt3A_411 = arith.constant 0 : i32
      %lt3A_412 = arith.cmpi slt, %rem3A_408, %lt3A_411 : i32
      %lt3A_413 = arith.constant 0 : i32
      %lt3A_414 = arith.cmpi slt, %select_n3A_407, %lt3A_413 : i32
      %ne3A_415 = arith.xori %lt3A_412, %lt3A_414 : i1
      %and3A_416 = arith.andi %ne3A_415, %ne3A_410 : i1
      %add3A_417 = arith.addi %rem3A_408, %select_n3A_407 : i32
      %select_n3A_418 = arith.select %and3A_416, %add3A_417, %rem3A_408 : i32
      %mul3A_419 = arith.constant 16 : i32
      %mul3A_420 = arith.muli %select_n3A_418, %mul3A_419 : i32
      %swap3A = arith.index_cast %select_n3A_402 : i32 to index
      %swap3A_421 = arith.index_cast %mul3A_420 : i32 to index
      %swap3A_422 = tpu.vector_load %arg22[%swap3A, %swap3A_421] {strides = array<i32>} : memref<5x128xf32, #tpu.memory_space<vmem>>, vector<16xf32>,
      tpu.vector_store %arg22[%swap3A, %swap3A_421], %add3A_378 {strides = array<i32>} : memref<5x128xf32, #tpu.memory_space<vmem>>, vector<16xf32>,
      %scan3A_423 = arith.constant 0 : i32
      scf.yield %scan3A_423 : i32
    }
    %scan3A_197 = arith.constant 40 : i32
    %mul3A_198 = arith.constant 5 : i32
    %mul3A_199 = arith.muli %mul3A_198, %arg1 : i32
    %add3A_200 = arith.constant 800 : i32
    %add3A_201 = arith.addi %add3A_200, %mul3A_199 : i32
    "tpu.region"() ({
      %run_scoped3A = tpu.sem_alloc : memref<!tpu.dma_semaphore, #tpu.memory_space<semaphore_mem>>
      %dma_start3A_297 = arith.constant 0 : i32
      %dma_start3A_298 = tpu.memref_slice %arg25[%add3A_201, %dma_start3A_297] : memref<10240x128xf32, #tpu.memory_space<vmem_shared>> -> memref<5x128xf32, #tpu.memory_space<vmem_shared>>
      %dma_start3A_299 = arith.constant 0 : i32
      %dma_start3A_300 = tpu.memref_slice %arg25[%add3A_201, %dma_start3A_299] : memref<10240x128xf32, #tpu.memory_space<vmem_shared>> -> memref<5x128xf32, #tpu.memory_space<vmem_shared>>
      tpu.enqueue_dma source(%dma_start3A_300 : memref<5x128xf32, #tpu.memory_space<vmem_shared>>) target(%arg23 : memref<5x128xf32, #tpu.memory_space<vmem>>) target_semaphore(%run_scoped3A : memref<!tpu.dma_semaphore, #tpu.memory_space<semaphore_mem>>)
      %dma_wait3A_301 = arith.constant 0 : i32
      %dma_wait3A_302 = tpu.memref_slice %arg25[%add3A_201, %dma_wait3A_301] : memref<10240x128xf32, #tpu.memory_space<vmem_shared>> -> memref<5x128xf32, #tpu.memory_space<vmem_shared>>
      %dma_wait3A_303 = arith.constant 0 : i32
      %dma_wait3A_304 = tpu.memref_slice %arg25[%add3A_201, %dma_wait3A_303] : memref<10240x128xf32, #tpu.memory_space<vmem_shared>> -> memref<5x128xf32, #tpu.memory_space<vmem_shared>>
      tpu.wait_dma2 semaphore(%run_scoped3A : memref<!tpu.dma_semaphore, #tpu.memory_space<semaphore_mem>>) src(%dma_wait3A_304 : memref<5x128xf32, #tpu.memory_space<vmem_shared>>) dst(%arg23 : memref<5x128xf32, #tpu.memory_space<vmem>>)
      tpu.yield
    }) : () -> ()
    %scan3A_202 = arith.constant 0 : i32
    %scan3A_203 = arith.constant 0 : i32
    %scan3A_204 = arith.constant 40 : i32
    %scan3A_205 = arith.addi %scan3A_203, %scan3A_204 : i32
    %scan3A_206 = arith.constant 1 : i32
    %scan3A_207 = scf.for %scan3A_297 = %scan3A_203 to %scan3A_205 step %scan3A_206 iter_args(%scan3A_298 = %scan3A_202) -> (i32)  : i32 {
      %jit3A = arith.constant 8 : i32
      %div3A = arith.divsi %scan3A_297, %jit3A : i32
      %sign3A = arith.constant 0 : i32
      %sign3A_299 = arith.cmpi sgt, %scan3A_297, %sign3A : i32
      %sign3A_300 = arith.extui %sign3A_299 : i1 to i32
      %sign3A_301 = arith.constant 0 : i32
      %sign3A_302 = arith.cmpi slt, %scan3A_297, %sign3A_301 : i32
      %sign3A_303 = arith.extui %sign3A_302 : i1 to i32
      %sign3A_304 = arith.subi %sign3A_300, %sign3A_303 : i32
      %sign3A_305 = arith.constant 0 : i32
      %sign3A_306 = arith.cmpi sgt, %jit3A, %sign3A_305 : i32
      %sign3A_307 = arith.extui %sign3A_306 : i1 to i32
      %sign3A_308 = arith.constant 0 : i32
      %sign3A_309 = arith.cmpi slt, %jit3A, %sign3A_308 : i32
      %sign3A_310 = arith.extui %sign3A_309 : i1 to i32
      %sign3A_311 = arith.subi %sign3A_307, %sign3A_310 : i32
      %ne3A = arith.cmpi ne, %sign3A_304, %sign3A_311 : i32
      %rem3A = arith.remsi %scan3A_297, %jit3A : i32
      %ne3A_312 = arith.constant 0 : i32
      %ne3A_313 = arith.cmpi ne, %rem3A, %ne3A_312 : i32
      %and3A = arith.andi %ne3A, %ne3A_313 : i1
      %sub3A = arith.constant 1 : i32
      %sub3A_314 = arith.subi %div3A, %sub3A : i32
      %select_n3A = arith.select %and3A, %sub3A_314, %div3A : i32
      %jit3A_315 = arith.constant 8 : i32
      %eq3A = arith.constant 0 : i32
      %eq3A_316 = arith.cmpi eq, %jit3A_315, %eq3A : i32
      %jit3A_317 = arith.constant 1 : i32
      %select_n3A_318 = arith.select %eq3A_316, %jit3A_317, %jit3A_315 : i32
      %rem3A_319 = arith.remsi %scan3A_297, %select_n3A_318 : i32
      %ne3A_320 = arith.constant 0 : i32
      %ne3A_321 = arith.cmpi ne, %rem3A_319, %ne3A_320 : i32
      %lt3A = arith.constant 0 : i32
      %lt3A_322 = arith.cmpi slt, %rem3A_319, %lt3A : i32
      %lt3A_323 = arith.constant 0 : i32
      %lt3A_324 = arith.cmpi slt, %select_n3A_318, %lt3A_323 : i32
      %ne3A_325 = arith.xori %lt3A_322, %lt3A_324 : i1
      %and3A_326 = arith.andi %ne3A_325, %ne3A_321 : i1
      %add3A_327 = arith.addi %rem3A_319, %select_n3A_318 : i32
      %select_n3A_328 = arith.select %and3A_326, %add3A_327, %rem3A_319 : i32
      %mul3A_329 = arith.constant 16 : i32
      %mul3A_330 = arith.muli %select_n3A_328, %mul3A_329 : i32
      %get3A = arith.index_cast %select_n3A : i32 to index
      %get3A_331 = arith.index_cast %mul3A_330 : i32 to index
      %get3A_332 = tpu.vector_load %arg22[%get3A, %get3A_331] {strides = array<i32>} : memref<5x128xf32, #tpu.memory_space<vmem>>, vector<16xf32>,
      %jit3A_333 = arith.constant 8 : i32
      %div3A_334 = arith.divsi %scan3A_297, %jit3A_333 : i32
      %sign3A_335 = arith.constant 0 : i32
      %sign3A_336 = arith.cmpi sgt, %scan3A_297, %sign3A_335 : i32
      %sign3A_337 = arith.extui %sign3A_336 : i1 to i32
      %sign3A_338 = arith.constant 0 : i32
      %sign3A_339 = arith.cmpi slt, %scan3A_297, %sign3A_338 : i32
      %sign3A_340 = arith.extui %sign3A_339 : i1 to i32
      %sign3A_341 = arith.subi %sign3A_337, %sign3A_340 : i32
      %sign3A_342 = arith.constant 0 : i32
      %sign3A_343 = arith.cmpi sgt, %jit3A_333, %sign3A_342 : i32
      %sign3A_344 = arith.extui %sign3A_343 : i1 to i32
      %sign3A_345 = arith.constant 0 : i32
      %sign3A_346 = arith.cmpi slt, %jit3A_333, %sign3A_345 : i32
      %sign3A_347 = arith.extui %sign3A_346 : i1 to i32
      %sign3A_348 = arith.subi %sign3A_344, %sign3A_347 : i32
      %ne3A_349 = arith.cmpi ne, %sign3A_341, %sign3A_348 : i32
      %rem3A_350 = arith.remsi %scan3A_297, %jit3A_333 : i32
      %ne3A_351 = arith.constant 0 : i32
      %ne3A_352 = arith.cmpi ne, %rem3A_350, %ne3A_351 : i32
      %and3A_353 = arith.andi %ne3A_349, %ne3A_352 : i1
      %sub3A_354 = arith.constant 1 : i32
      %sub3A_355 = arith.subi %div3A_334, %sub3A_354 : i32
      %select_n3A_356 = arith.select %and3A_353, %sub3A_355, %div3A_334 : i32
      %jit3A_357 = arith.constant 8 : i32
      %eq3A_358 = arith.constant 0 : i32
      %eq3A_359 = arith.cmpi eq, %jit3A_357, %eq3A_358 : i32
      %jit3A_360 = arith.constant 1 : i32
      %select_n3A_361 = arith.select %eq3A_359, %jit3A_360, %jit3A_357 : i32
      %rem3A_362 = arith.remsi %scan3A_297, %select_n3A_361 : i32
      %ne3A_363 = arith.constant 0 : i32
      %ne3A_364 = arith.cmpi ne, %rem3A_362, %ne3A_363 : i32
      %lt3A_365 = arith.constant 0 : i32
      %lt3A_366 = arith.cmpi slt, %rem3A_362, %lt3A_365 : i32
      %lt3A_367 = arith.constant 0 : i32
      %lt3A_368 = arith.cmpi slt, %select_n3A_361, %lt3A_367 : i32
      %ne3A_369 = arith.xori %lt3A_366, %lt3A_368 : i1
      %and3A_370 = arith.andi %ne3A_369, %ne3A_364 : i1
      %add3A_371 = arith.addi %rem3A_362, %select_n3A_361 : i32
      %select_n3A_372 = arith.select %and3A_370, %add3A_371, %rem3A_362 : i32
      %mul3A_373 = arith.constant 16 : i32
      %mul3A_374 = arith.muli %select_n3A_372, %mul3A_373 : i32
      %get3A_375 = arith.index_cast %select_n3A_356 : i32 to index
      %get3A_376 = arith.index_cast %mul3A_374 : i32 to index
      %get3A_377 = tpu.vector_load %arg23[%get3A_375, %get3A_376] {strides = array<i32>} : memref<5x128xf32, #tpu.memory_space<vmem>>, vector<16xf32>,
      %add3A_378 = arith.addf %get3A_332, %get3A_377 : vector<16xf32>
      %jit3A_379 = arith.constant 8 : i32
      %div3A_380 = arith.divsi %scan3A_297, %jit3A_379 : i32
      %sign3A_381 = arith.constant 0 : i32
      %sign3A_382 = arith.cmpi sgt, %scan3A_297, %sign3A_381 : i32
      %sign3A_383 = arith.extui %sign3A_382 : i1 to i32
      %sign3A_384 = arith.constant 0 : i32
      %sign3A_385 = arith.cmpi slt, %scan3A_297, %sign3A_384 : i32
      %sign3A_386 = arith.extui %sign3A_385 : i1 to i32
      %sign3A_387 = arith.subi %sign3A_383, %sign3A_386 : i32
      %sign3A_388 = arith.constant 0 : i32
      %sign3A_389 = arith.cmpi sgt, %jit3A_379, %sign3A_388 : i32
      %sign3A_390 = arith.extui %sign3A_389 : i1 to i32
      %sign3A_391 = arith.constant 0 : i32
      %sign3A_392 = arith.cmpi slt, %jit3A_379, %sign3A_391 : i32
      %sign3A_393 = arith.extui %sign3A_392 : i1 to i32
      %sign3A_394 = arith.subi %sign3A_390, %sign3A_393 : i32
      %ne3A_395 = arith.cmpi ne, %sign3A_387, %sign3A_394 : i32
      %rem3A_396 = arith.remsi %scan3A_297, %jit3A_379 : i32
      %ne3A_397 = arith.constant 0 : i32
      %ne3A_398 = arith.cmpi ne, %rem3A_396, %ne3A_397 : i32
      %and3A_399 = arith.andi %ne3A_395, %ne3A_398 : i1
      %sub3A_400 = arith.constant 1 : i32
      %sub3A_401 = arith.subi %div3A_380, %sub3A_400 : i32
      %select_n3A_402 = arith.select %and3A_399, %sub3A_401, %div3A_380 : i32
      %jit3A_403 = arith.constant 8 : i32
      %eq3A_404 = arith.constant 0 : i32
      %eq3A_405 = arith.cmpi eq, %jit3A_403, %eq3A_404 : i32
      %jit3A_406 = arith.constant 1 : i32
      %select_n3A_407 = arith.select %eq3A_405, %jit3A_406, %jit3A_403 : i32
      %rem3A_408 = arith.remsi %scan3A_297, %select_n3A_407 : i32
      %ne3A_409 = arith.constant 0 : i32
      %ne3A_410 = arith.cmpi ne, %rem3A_408, %ne3A_409 : i32
      %lt3A_411 = arith.constant 0 : i32
      %lt3A_412 = arith.cmpi slt, %rem3A_408, %lt3A_411 : i32
      %lt3A_413 = arith.constant 0 : i32
      %lt3A_414 = arith.cmpi slt, %select_n3A_407, %lt3A_413 : i32
      %ne3A_415 = arith.xori %lt3A_412, %lt3A_414 : i1
      %and3A_416 = arith.andi %ne3A_415, %ne3A_410 : i1
      %add3A_417 = arith.addi %rem3A_408, %select_n3A_407 : i32
      %select_n3A_418 = arith.select %and3A_416, %add3A_417, %rem3A_408 : i32
      %mul3A_419 = arith.constant 16 : i32
      %mul3A_420 = arith.muli %select_n3A_418, %mul3A_419 : i32
      %swap3A = arith.index_cast %select_n3A_402 : i32 to index
      %swap3A_421 = arith.index_cast %mul3A_420 : i32 to index
      %swap3A_422 = tpu.vector_load %arg22[%swap3A, %swap3A_421] {strides = array<i32>} : memref<5x128xf32, #tpu.memory_space<vmem>>, vector<16xf32>,
      tpu.vector_store %arg22[%swap3A, %swap3A_421], %add3A_378 {strides = array<i32>} : memref<5x128xf32, #tpu.memory_space<vmem>>, vector<16xf32>,
      %scan3A_423 = arith.constant 0 : i32
      scf.yield %scan3A_423 : i32
    }
    %scan3A_208 = arith.constant 40 : i32
    %mul3A_209 = arith.constant 5 : i32
    %mul3A_210 = arith.muli %mul3A_209, %arg1 : i32
    %add3A_211 = arith.constant 880 : i32
    %add3A_212 = arith.addi %add3A_211, %mul3A_210 : i32
    "tpu.region"() ({
      %run_scoped3A = tpu.sem_alloc : memref<!tpu.dma_semaphore, #tpu.memory_space<semaphore_mem>>
      %dma_start3A_297 = arith.constant 0 : i32
      %dma_start3A_298 = tpu.memref_slice %arg25[%add3A_212, %dma_start3A_297] : memref<10240x128xf32, #tpu.memory_space<vmem_shared>> -> memref<5x128xf32, #tpu.memory_space<vmem_shared>>
      %dma_start3A_299 = arith.constant 0 : i32
      %dma_start3A_300 = tpu.memref_slice %arg25[%add3A_212, %dma_start3A_299] : memref<10240x128xf32, #tpu.memory_space<vmem_shared>> -> memref<5x128xf32, #tpu.memory_space<vmem_shared>>
      tpu.enqueue_dma source(%dma_start3A_300 : memref<5x128xf32, #tpu.memory_space<vmem_shared>>) target(%arg23 : memref<5x128xf32, #tpu.memory_space<vmem>>) target_semaphore(%run_scoped3A : memref<!tpu.dma_semaphore, #tpu.memory_space<semaphore_mem>>)
      %dma_wait3A_301 = arith.constant 0 : i32
      %dma_wait3A_302 = tpu.memref_slice %arg25[%add3A_212, %dma_wait3A_301] : memref<10240x128xf32, #tpu.memory_space<vmem_shared>> -> memref<5x128xf32, #tpu.memory_space<vmem_shared>>
      %dma_wait3A_303 = arith.constant 0 : i32
      %dma_wait3A_304 = tpu.memref_slice %arg25[%add3A_212, %dma_wait3A_303] : memref<10240x128xf32, #tpu.memory_space<vmem_shared>> -> memref<5x128xf32, #tpu.memory_space<vmem_shared>>
      tpu.wait_dma2 semaphore(%run_scoped3A : memref<!tpu.dma_semaphore, #tpu.memory_space<semaphore_mem>>) src(%dma_wait3A_304 : memref<5x128xf32, #tpu.memory_space<vmem_shared>>) dst(%arg23 : memref<5x128xf32, #tpu.memory_space<vmem>>)
      tpu.yield
    }) : () -> ()
    %scan3A_213 = arith.constant 0 : i32
    %scan3A_214 = arith.constant 0 : i32
    %scan3A_215 = arith.constant 40 : i32
    %scan3A_216 = arith.addi %scan3A_214, %scan3A_215 : i32
    %scan3A_217 = arith.constant 1 : i32
    %scan3A_218 = scf.for %scan3A_297 = %scan3A_214 to %scan3A_216 step %scan3A_217 iter_args(%scan3A_298 = %scan3A_213) -> (i32)  : i32 {
      %jit3A = arith.constant 8 : i32
      %div3A = arith.divsi %scan3A_297, %jit3A : i32
      %sign3A = arith.constant 0 : i32
      %sign3A_299 = arith.cmpi sgt, %scan3A_297, %sign3A : i32
      %sign3A_300 = arith.extui %sign3A_299 : i1 to i32
      %sign3A_301 = arith.constant 0 : i32
      %sign3A_302 = arith.cmpi slt, %scan3A_297, %sign3A_301 : i32
      %sign3A_303 = arith.extui %sign3A_302 : i1 to i32
      %sign3A_304 = arith.subi %sign3A_300, %sign3A_303 : i32
      %sign3A_305 = arith.constant 0 : i32
      %sign3A_306 = arith.cmpi sgt, %jit3A, %sign3A_305 : i32
      %sign3A_307 = arith.extui %sign3A_306 : i1 to i32
      %sign3A_308 = arith.constant 0 : i32
      %sign3A_309 = arith.cmpi slt, %jit3A, %sign3A_308 : i32
      %sign3A_310 = arith.extui %sign3A_309 : i1 to i32
      %sign3A_311 = arith.subi %sign3A_307, %sign3A_310 : i32
      %ne3A = arith.cmpi ne, %sign3A_304, %sign3A_311 : i32
      %rem3A = arith.remsi %scan3A_297, %jit3A : i32
      %ne3A_312 = arith.constant 0 : i32
      %ne3A_313 = arith.cmpi ne, %rem3A, %ne3A_312 : i32
      %and3A = arith.andi %ne3A, %ne3A_313 : i1
      %sub3A = arith.constant 1 : i32
      %sub3A_314 = arith.subi %div3A, %sub3A : i32
      %select_n3A = arith.select %and3A, %sub3A_314, %div3A : i32
      %jit3A_315 = arith.constant 8 : i32
      %eq3A = arith.constant 0 : i32
      %eq3A_316 = arith.cmpi eq, %jit3A_315, %eq3A : i32
      %jit3A_317 = arith.constant 1 : i32
      %select_n3A_318 = arith.select %eq3A_316, %jit3A_317, %jit3A_315 : i32
      %rem3A_319 = arith.remsi %scan3A_297, %select_n3A_318 : i32
      %ne3A_320 = arith.constant 0 : i32
      %ne3A_321 = arith.cmpi ne, %rem3A_319, %ne3A_320 : i32
      %lt3A = arith.constant 0 : i32
      %lt3A_322 = arith.cmpi slt, %rem3A_319, %lt3A : i32
      %lt3A_323 = arith.constant 0 : i32
      %lt3A_324 = arith.cmpi slt, %select_n3A_318, %lt3A_323 : i32
      %ne3A_325 = arith.xori %lt3A_322, %lt3A_324 : i1
      %and3A_326 = arith.andi %ne3A_325, %ne3A_321 : i1
      %add3A_327 = arith.addi %rem3A_319, %select_n3A_318 : i32
      %select_n3A_328 = arith.select %and3A_326, %add3A_327, %rem3A_319 : i32
      %mul3A_329 = arith.constant 16 : i32
      %mul3A_330 = arith.muli %select_n3A_328, %mul3A_329 : i32
      %get3A = arith.index_cast %select_n3A : i32 to index
      %get3A_331 = arith.index_cast %mul3A_330 : i32 to index
      %get3A_332 = tpu.vector_load %arg22[%get3A, %get3A_331] {strides = array<i32>} : memref<5x128xf32, #tpu.memory_space<vmem>>, vector<16xf32>,
      %jit3A_333 = arith.constant 8 : i32
      %div3A_334 = arith.divsi %scan3A_297, %jit3A_333 : i32
      %sign3A_335 = arith.constant 0 : i32
      %sign3A_336 = arith.cmpi sgt, %scan3A_297, %sign3A_335 : i32
      %sign3A_337 = arith.extui %sign3A_336 : i1 to i32
      %sign3A_338 = arith.constant 0 : i32
      %sign3A_339 = arith.cmpi slt, %scan3A_297, %sign3A_338 : i32
      %sign3A_340 = arith.extui %sign3A_339 : i1 to i32
      %sign3A_341 = arith.subi %sign3A_337, %sign3A_340 : i32
      %sign3A_342 = arith.constant 0 : i32
      %sign3A_343 = arith.cmpi sgt, %jit3A_333, %sign3A_342 : i32
      %sign3A_344 = arith.extui %sign3A_343 : i1 to i32
      %sign3A_345 = arith.constant 0 : i32
      %sign3A_346 = arith.cmpi slt, %jit3A_333, %sign3A_345 : i32
      %sign3A_347 = arith.extui %sign3A_346 : i1 to i32
      %sign3A_348 = arith.subi %sign3A_344, %sign3A_347 : i32
      %ne3A_349 = arith.cmpi ne, %sign3A_341, %sign3A_348 : i32
      %rem3A_350 = arith.remsi %scan3A_297, %jit3A_333 : i32
      %ne3A_351 = arith.constant 0 : i32
      %ne3A_352 = arith.cmpi ne, %rem3A_350, %ne3A_351 : i32
      %and3A_353 = arith.andi %ne3A_349, %ne3A_352 : i1
      %sub3A_354 = arith.constant 1 : i32
      %sub3A_355 = arith.subi %div3A_334, %sub3A_354 : i32
      %select_n3A_356 = arith.select %and3A_353, %sub3A_355, %div3A_334 : i32
      %jit3A_357 = arith.constant 8 : i32
      %eq3A_358 = arith.constant 0 : i32
      %eq3A_359 = arith.cmpi eq, %jit3A_357, %eq3A_358 : i32
      %jit3A_360 = arith.constant 1 : i32
      %select_n3A_361 = arith.select %eq3A_359, %jit3A_360, %jit3A_357 : i32
      %rem3A_362 = arith.remsi %scan3A_297, %select_n3A_361 : i32
      %ne3A_363 = arith.constant 0 : i32
      %ne3A_364 = arith.cmpi ne, %rem3A_362, %ne3A_363 : i32
      %lt3A_365 = arith.constant 0 : i32
      %lt3A_366 = arith.cmpi slt, %rem3A_362, %lt3A_365 : i32
      %lt3A_367 = arith.constant 0 : i32
      %lt3A_368 = arith.cmpi slt, %select_n3A_361, %lt3A_367 : i32
      %ne3A_369 = arith.xori %lt3A_366, %lt3A_368 : i1
      %and3A_370 = arith.andi %ne3A_369, %ne3A_364 : i1
      %add3A_371 = arith.addi %rem3A_362, %select_n3A_361 : i32
      %select_n3A_372 = arith.select %and3A_370, %add3A_371, %rem3A_362 : i32
      %mul3A_373 = arith.constant 16 : i32
      %mul3A_374 = arith.muli %select_n3A_372, %mul3A_373 : i32
      %get3A_375 = arith.index_cast %select_n3A_356 : i32 to index
      %get3A_376 = arith.index_cast %mul3A_374 : i32 to index
      %get3A_377 = tpu.vector_load %arg23[%get3A_375, %get3A_376] {strides = array<i32>} : memref<5x128xf32, #tpu.memory_space<vmem>>, vector<16xf32>,
      %add3A_378 = arith.addf %get3A_332, %get3A_377 : vector<16xf32>
      %jit3A_379 = arith.constant 8 : i32
      %div3A_380 = arith.divsi %scan3A_297, %jit3A_379 : i32
      %sign3A_381 = arith.constant 0 : i32
      %sign3A_382 = arith.cmpi sgt, %scan3A_297, %sign3A_381 : i32
      %sign3A_383 = arith.extui %sign3A_382 : i1 to i32
      %sign3A_384 = arith.constant 0 : i32
      %sign3A_385 = arith.cmpi slt, %scan3A_297, %sign3A_384 : i32
      %sign3A_386 = arith.extui %sign3A_385 : i1 to i32
      %sign3A_387 = arith.subi %sign3A_383, %sign3A_386 : i32
      %sign3A_388 = arith.constant 0 : i32
      %sign3A_389 = arith.cmpi sgt, %jit3A_379, %sign3A_388 : i32
      %sign3A_390 = arith.extui %sign3A_389 : i1 to i32
      %sign3A_391 = arith.constant 0 : i32
      %sign3A_392 = arith.cmpi slt, %jit3A_379, %sign3A_391 : i32
      %sign3A_393 = arith.extui %sign3A_392 : i1 to i32
      %sign3A_394 = arith.subi %sign3A_390, %sign3A_393 : i32
      %ne3A_395 = arith.cmpi ne, %sign3A_387, %sign3A_394 : i32
      %rem3A_396 = arith.remsi %scan3A_297, %jit3A_379 : i32
      %ne3A_397 = arith.constant 0 : i32
      %ne3A_398 = arith.cmpi ne, %rem3A_396, %ne3A_397 : i32
      %and3A_399 = arith.andi %ne3A_395, %ne3A_398 : i1
      %sub3A_400 = arith.constant 1 : i32
      %sub3A_401 = arith.subi %div3A_380, %sub3A_400 : i32
      %select_n3A_402 = arith.select %and3A_399, %sub3A_401, %div3A_380 : i32
      %jit3A_403 = arith.constant 8 : i32
      %eq3A_404 = arith.constant 0 : i32
      %eq3A_405 = arith.cmpi eq, %jit3A_403, %eq3A_404 : i32
      %jit3A_406 = arith.constant 1 : i32
      %select_n3A_407 = arith.select %eq3A_405, %jit3A_406, %jit3A_403 : i32
      %rem3A_408 = arith.remsi %scan3A_297, %select_n3A_407 : i32
      %ne3A_409 = arith.constant 0 : i32
      %ne3A_410 = arith.cmpi ne, %rem3A_408, %ne3A_409 : i32
      %lt3A_411 = arith.constant 0 : i32
      %lt3A_412 = arith.cmpi slt, %rem3A_408, %lt3A_411 : i32
      %lt3A_413 = arith.constant 0 : i32
      %lt3A_414 = arith.cmpi slt, %select_n3A_407, %lt3A_413 : i32
      %ne3A_415 = arith.xori %lt3A_412, %lt3A_414 : i1
      %and3A_416 = arith.andi %ne3A_415, %ne3A_410 : i1
      %add3A_417 = arith.addi %rem3A_408, %select_n3A_407 : i32
      %select_n3A_418 = arith.select %and3A_416, %add3A_417, %rem3A_408 : i32
      %mul3A_419 = arith.constant 16 : i32
      %mul3A_420 = arith.muli %select_n3A_418, %mul3A_419 : i32
      %swap3A = arith.index_cast %select_n3A_402 : i32 to index
      %swap3A_421 = arith.index_cast %mul3A_420 : i32 to index
      %swap3A_422 = tpu.vector_load %arg22[%swap3A, %swap3A_421] {strides = array<i32>} : memref<5x128xf32, #tpu.memory_space<vmem>>, vector<16xf32>,
      tpu.vector_store %arg22[%swap3A, %swap3A_421], %add3A_378 {strides = array<i32>} : memref<5x128xf32, #tpu.memory_space<vmem>>, vector<16xf32>,
      %scan3A_423 = arith.constant 0 : i32
      scf.yield %scan3A_423 : i32
    }
    %scan3A_219 = arith.constant 40 : i32
    %mul3A_220 = arith.constant 5 : i32
    %mul3A_221 = arith.muli %mul3A_220, %arg1 : i32
    %add3A_222 = arith.constant 960 : i32
    %add3A_223 = arith.addi %add3A_222, %mul3A_221 : i32
    "tpu.region"() ({
      %run_scoped3A = tpu.sem_alloc : memref<!tpu.dma_semaphore, #tpu.memory_space<semaphore_mem>>
      %dma_start3A_297 = arith.constant 0 : i32
      %dma_start3A_298 = tpu.memref_slice %arg25[%add3A_223, %dma_start3A_297] : memref<10240x128xf32, #tpu.memory_space<vmem_shared>> -> memref<5x128xf32, #tpu.memory_space<vmem_shared>>
      %dma_start3A_299 = arith.constant 0 : i32
      %dma_start3A_300 = tpu.memref_slice %arg25[%add3A_223, %dma_start3A_299] : memref<10240x128xf32, #tpu.memory_space<vmem_shared>> -> memref<5x128xf32, #tpu.memory_space<vmem_shared>>
      tpu.enqueue_dma source(%dma_start3A_300 : memref<5x128xf32, #tpu.memory_space<vmem_shared>>) target(%arg23 : memref<5x128xf32, #tpu.memory_space<vmem>>) target_semaphore(%run_scoped3A : memref<!tpu.dma_semaphore, #tpu.memory_space<semaphore_mem>>)
      %dma_wait3A_301 = arith.constant 0 : i32
      %dma_wait3A_302 = tpu.memref_slice %arg25[%add3A_223, %dma_wait3A_301] : memref<10240x128xf32, #tpu.memory_space<vmem_shared>> -> memref<5x128xf32, #tpu.memory_space<vmem_shared>>
      %dma_wait3A_303 = arith.constant 0 : i32
      %dma_wait3A_304 = tpu.memref_slice %arg25[%add3A_223, %dma_wait3A_303] : memref<10240x128xf32, #tpu.memory_space<vmem_shared>> -> memref<5x128xf32, #tpu.memory_space<vmem_shared>>
      tpu.wait_dma2 semaphore(%run_scoped3A : memref<!tpu.dma_semaphore, #tpu.memory_space<semaphore_mem>>) src(%dma_wait3A_304 : memref<5x128xf32, #tpu.memory_space<vmem_shared>>) dst(%arg23 : memref<5x128xf32, #tpu.memory_space<vmem>>)
      tpu.yield
    }) : () -> ()
    %scan3A_224 = arith.constant 0 : i32
    %scan3A_225 = arith.constant 0 : i32
    %scan3A_226 = arith.constant 40 : i32
    %scan3A_227 = arith.addi %scan3A_225, %scan3A_226 : i32
    %scan3A_228 = arith.constant 1 : i32
    %scan3A_229 = scf.for %scan3A_297 = %scan3A_225 to %scan3A_227 step %scan3A_228 iter_args(%scan3A_298 = %scan3A_224) -> (i32)  : i32 {
      %jit3A = arith.constant 8 : i32
      %div3A = arith.divsi %scan3A_297, %jit3A : i32
      %sign3A = arith.constant 0 : i32
      %sign3A_299 = arith.cmpi sgt, %scan3A_297, %sign3A : i32
      %sign3A_300 = arith.extui %sign3A_299 : i1 to i32
      %sign3A_301 = arith.constant 0 : i32
      %sign3A_302 = arith.cmpi slt, %scan3A_297, %sign3A_301 : i32
      %sign3A_303 = arith.extui %sign3A_302 : i1 to i32
      %sign3A_304 = arith.subi %sign3A_300, %sign3A_303 : i32
      %sign3A_305 = arith.constant 0 : i32
      %sign3A_306 = arith.cmpi sgt, %jit3A, %sign3A_305 : i32
      %sign3A_307 = arith.extui %sign3A_306 : i1 to i32
      %sign3A_308 = arith.constant 0 : i32
      %sign3A_309 = arith.cmpi slt, %jit3A, %sign3A_308 : i32
      %sign3A_310 = arith.extui %sign3A_309 : i1 to i32
      %sign3A_311 = arith.subi %sign3A_307, %sign3A_310 : i32
      %ne3A = arith.cmpi ne, %sign3A_304, %sign3A_311 : i32
      %rem3A = arith.remsi %scan3A_297, %jit3A : i32
      %ne3A_312 = arith.constant 0 : i32
      %ne3A_313 = arith.cmpi ne, %rem3A, %ne3A_312 : i32
      %and3A = arith.andi %ne3A, %ne3A_313 : i1
      %sub3A = arith.constant 1 : i32
      %sub3A_314 = arith.subi %div3A, %sub3A : i32
      %select_n3A = arith.select %and3A, %sub3A_314, %div3A : i32
      %jit3A_315 = arith.constant 8 : i32
      %eq3A = arith.constant 0 : i32
      %eq3A_316 = arith.cmpi eq, %jit3A_315, %eq3A : i32
      %jit3A_317 = arith.constant 1 : i32
      %select_n3A_318 = arith.select %eq3A_316, %jit3A_317, %jit3A_315 : i32
      %rem3A_319 = arith.remsi %scan3A_297, %select_n3A_318 : i32
      %ne3A_320 = arith.constant 0 : i32
      %ne3A_321 = arith.cmpi ne, %rem3A_319, %ne3A_320 : i32
      %lt3A = arith.constant 0 : i32
      %lt3A_322 = arith.cmpi slt, %rem3A_319, %lt3A : i32
      %lt3A_323 = arith.constant 0 : i32
      %lt3A_324 = arith.cmpi slt, %select_n3A_318, %lt3A_323 : i32
      %ne3A_325 = arith.xori %lt3A_322, %lt3A_324 : i1
      %and3A_326 = arith.andi %ne3A_325, %ne3A_321 : i1
      %add3A_327 = arith.addi %rem3A_319, %select_n3A_318 : i32
      %select_n3A_328 = arith.select %and3A_326, %add3A_327, %rem3A_319 : i32
      %mul3A_329 = arith.constant 16 : i32
      %mul3A_330 = arith.muli %select_n3A_328, %mul3A_329 : i32
      %get3A = arith.index_cast %select_n3A : i32 to index
      %get3A_331 = arith.index_cast %mul3A_330 : i32 to index
      %get3A_332 = tpu.vector_load %arg22[%get3A, %get3A_331] {strides = array<i32>} : memref<5x128xf32, #tpu.memory_space<vmem>>, vector<16xf32>,
      %jit3A_333 = arith.constant 8 : i32
      %div3A_334 = arith.divsi %scan3A_297, %jit3A_333 : i32
      %sign3A_335 = arith.constant 0 : i32
      %sign3A_336 = arith.cmpi sgt, %scan3A_297, %sign3A_335 : i32
      %sign3A_337 = arith.extui %sign3A_336 : i1 to i32
      %sign3A_338 = arith.constant 0 : i32
      %sign3A_339 = arith.cmpi slt, %scan3A_297, %sign3A_338 : i32
      %sign3A_340 = arith.extui %sign3A_339 : i1 to i32
      %sign3A_341 = arith.subi %sign3A_337, %sign3A_340 : i32
      %sign3A_342 = arith.constant 0 : i32
      %sign3A_343 = arith.cmpi sgt, %jit3A_333, %sign3A_342 : i32
      %sign3A_344 = arith.extui %sign3A_343 : i1 to i32
      %sign3A_345 = arith.constant 0 : i32
      %sign3A_346 = arith.cmpi slt, %jit3A_333, %sign3A_345 : i32
      %sign3A_347 = arith.extui %sign3A_346 : i1 to i32
      %sign3A_348 = arith.subi %sign3A_344, %sign3A_347 : i32
      %ne3A_349 = arith.cmpi ne, %sign3A_341, %sign3A_348 : i32
      %rem3A_350 = arith.remsi %scan3A_297, %jit3A_333 : i32
      %ne3A_351 = arith.constant 0 : i32
      %ne3A_352 = arith.cmpi ne, %rem3A_350, %ne3A_351 : i32
      %and3A_353 = arith.andi %ne3A_349, %ne3A_352 : i1
      %sub3A_354 = arith.constant 1 : i32
      %sub3A_355 = arith.subi %div3A_334, %sub3A_354 : i32
      %select_n3A_356 = arith.select %and3A_353, %sub3A_355, %div3A_334 : i32
      %jit3A_357 = arith.constant 8 : i32
      %eq3A_358 = arith.constant 0 : i32
      %eq3A_359 = arith.cmpi eq, %jit3A_357, %eq3A_358 : i32
      %jit3A_360 = arith.constant 1 : i32
      %select_n3A_361 = arith.select %eq3A_359, %jit3A_360, %jit3A_357 : i32
      %rem3A_362 = arith.remsi %scan3A_297, %select_n3A_361 : i32
      %ne3A_363 = arith.constant 0 : i32
      %ne3A_364 = arith.cmpi ne, %rem3A_362, %ne3A_363 : i32
      %lt3A_365 = arith.constant 0 : i32
      %lt3A_366 = arith.cmpi slt, %rem3A_362, %lt3A_365 : i32
      %lt3A_367 = arith.constant 0 : i32
      %lt3A_368 = arith.cmpi slt, %select_n3A_361, %lt3A_367 : i32
      %ne3A_369 = arith.xori %lt3A_366, %lt3A_368 : i1
      %and3A_370 = arith.andi %ne3A_369, %ne3A_364 : i1
      %add3A_371 = arith.addi %rem3A_362, %select_n3A_361 : i32
      %select_n3A_372 = arith.select %and3A_370, %add3A_371, %rem3A_362 : i32
      %mul3A_373 = arith.constant 16 : i32
      %mul3A_374 = arith.muli %select_n3A_372, %mul3A_373 : i32
      %get3A_375 = arith.index_cast %select_n3A_356 : i32 to index
      %get3A_376 = arith.index_cast %mul3A_374 : i32 to index
      %get3A_377 = tpu.vector_load %arg23[%get3A_375, %get3A_376] {strides = array<i32>} : memref<5x128xf32, #tpu.memory_space<vmem>>, vector<16xf32>,
      %add3A_378 = arith.addf %get3A_332, %get3A_377 : vector<16xf32>
      %jit3A_379 = arith.constant 8 : i32
      %div3A_380 = arith.divsi %scan3A_297, %jit3A_379 : i32
      %sign3A_381 = arith.constant 0 : i32
      %sign3A_382 = arith.cmpi sgt, %scan3A_297, %sign3A_381 : i32
      %sign3A_383 = arith.extui %sign3A_382 : i1 to i32
      %sign3A_384 = arith.constant 0 : i32
      %sign3A_385 = arith.cmpi slt, %scan3A_297, %sign3A_384 : i32
      %sign3A_386 = arith.extui %sign3A_385 : i1 to i32
      %sign3A_387 = arith.subi %sign3A_383, %sign3A_386 : i32
      %sign3A_388 = arith.constant 0 : i32
      %sign3A_389 = arith.cmpi sgt, %jit3A_379, %sign3A_388 : i32
      %sign3A_390 = arith.extui %sign3A_389 : i1 to i32
      %sign3A_391 = arith.constant 0 : i32
      %sign3A_392 = arith.cmpi slt, %jit3A_379, %sign3A_391 : i32
      %sign3A_393 = arith.extui %sign3A_392 : i1 to i32
      %sign3A_394 = arith.subi %sign3A_390, %sign3A_393 : i32
      %ne3A_395 = arith.cmpi ne, %sign3A_387, %sign3A_394 : i32
      %rem3A_396 = arith.remsi %scan3A_297, %jit3A_379 : i32
      %ne3A_397 = arith.constant 0 : i32
      %ne3A_398 = arith.cmpi ne, %rem3A_396, %ne3A_397 : i32
      %and3A_399 = arith.andi %ne3A_395, %ne3A_398 : i1
      %sub3A_400 = arith.constant 1 : i32
      %sub3A_401 = arith.subi %div3A_380, %sub3A_400 : i32
      %select_n3A_402 = arith.select %and3A_399, %sub3A_401, %div3A_380 : i32
      %jit3A_403 = arith.constant 8 : i32
      %eq3A_404 = arith.constant 0 : i32
      %eq3A_405 = arith.cmpi eq, %jit3A_403, %eq3A_404 : i32
      %jit3A_406 = arith.constant 1 : i32
      %select_n3A_407 = arith.select %eq3A_405, %jit3A_406, %jit3A_403 : i32
      %rem3A_408 = arith.remsi %scan3A_297, %select_n3A_407 : i32
      %ne3A_409 = arith.constant 0 : i32
      %ne3A_410 = arith.cmpi ne, %rem3A_408, %ne3A_409 : i32
      %lt3A_411 = arith.constant 0 : i32
      %lt3A_412 = arith.cmpi slt, %rem3A_408, %lt3A_411 : i32
      %lt3A_413 = arith.constant 0 : i32
      %lt3A_414 = arith.cmpi slt, %select_n3A_407, %lt3A_413 : i32
      %ne3A_415 = arith.xori %lt3A_412, %lt3A_414 : i1
      %and3A_416 = arith.andi %ne3A_415, %ne3A_410 : i1
      %add3A_417 = arith.addi %rem3A_408, %select_n3A_407 : i32
      %select_n3A_418 = arith.select %and3A_416, %add3A_417, %rem3A_408 : i32
      %mul3A_419 = arith.constant 16 : i32
      %mul3A_420 = arith.muli %select_n3A_418, %mul3A_419 : i32
      %swap3A = arith.index_cast %select_n3A_402 : i32 to index
      %swap3A_421 = arith.index_cast %mul3A_420 : i32 to index
      %swap3A_422 = tpu.vector_load %arg22[%swap3A, %swap3A_421] {strides = array<i32>} : memref<5x128xf32, #tpu.memory_space<vmem>>, vector<16xf32>,
      tpu.vector_store %arg22[%swap3A, %swap3A_421], %add3A_378 {strides = array<i32>} : memref<5x128xf32, #tpu.memory_space<vmem>>, vector<16xf32>,
      %scan3A_423 = arith.constant 0 : i32
      scf.yield %scan3A_423 : i32
    }
    %scan3A_230 = arith.constant 40 : i32
    %mul3A_231 = arith.constant 5 : i32
    %mul3A_232 = arith.muli %mul3A_231, %arg1 : i32
    %add3A_233 = arith.constant 1040 : i32
    %add3A_234 = arith.addi %add3A_233, %mul3A_232 : i32
    "tpu.region"() ({
      %run_scoped3A = tpu.sem_alloc : memref<!tpu.dma_semaphore, #tpu.memory_space<semaphore_mem>>
      %dma_start3A_297 = arith.constant 0 : i32
      %dma_start3A_298 = tpu.memref_slice %arg25[%add3A_234, %dma_start3A_297] : memref<10240x128xf32, #tpu.memory_space<vmem_shared>> -> memref<5x128xf32, #tpu.memory_space<vmem_shared>>
      %dma_start3A_299 = arith.constant 0 : i32
      %dma_start3A_300 = tpu.memref_slice %arg25[%add3A_234, %dma_start3A_299] : memref<10240x128xf32, #tpu.memory_space<vmem_shared>> -> memref<5x128xf32, #tpu.memory_space<vmem_shared>>
      tpu.enqueue_dma source(%dma_start3A_300 : memref<5x128xf32, #tpu.memory_space<vmem_shared>>) target(%arg23 : memref<5x128xf32, #tpu.memory_space<vmem>>) target_semaphore(%run_scoped3A : memref<!tpu.dma_semaphore, #tpu.memory_space<semaphore_mem>>)
      %dma_wait3A_301 = arith.constant 0 : i32
      %dma_wait3A_302 = tpu.memref_slice %arg25[%add3A_234, %dma_wait3A_301] : memref<10240x128xf32, #tpu.memory_space<vmem_shared>> -> memref<5x128xf32, #tpu.memory_space<vmem_shared>>
      %dma_wait3A_303 = arith.constant 0 : i32
      %dma_wait3A_304 = tpu.memref_slice %arg25[%add3A_234, %dma_wait3A_303] : memref<10240x128xf32, #tpu.memory_space<vmem_shared>> -> memref<5x128xf32, #tpu.memory_space<vmem_shared>>
      tpu.wait_dma2 semaphore(%run_scoped3A : memref<!tpu.dma_semaphore, #tpu.memory_space<semaphore_mem>>) src(%dma_wait3A_304 : memref<5x128xf32, #tpu.memory_space<vmem_shared>>) dst(%arg23 : memref<5x128xf32, #tpu.memory_space<vmem>>)
      tpu.yield
    }) : () -> ()
    %scan3A_235 = arith.constant 0 : i32
    %scan3A_236 = arith.constant 0 : i32
    %scan3A_237 = arith.constant 40 : i32
    %scan3A_238 = arith.addi %scan3A_236, %scan3A_237 : i32
    %scan3A_239 = arith.constant 1 : i32
    %scan3A_240 = scf.for %scan3A_297 = %scan3A_236 to %scan3A_238 step %scan3A_239 iter_args(%scan3A_298 = %scan3A_235) -> (i32)  : i32 {
      %jit3A = arith.constant 8 : i32
      %div3A = arith.divsi %scan3A_297, %jit3A : i32
      %sign3A = arith.constant 0 : i32
      %sign3A_299 = arith.cmpi sgt, %scan3A_297, %sign3A : i32
      %sign3A_300 = arith.extui %sign3A_299 : i1 to i32
      %sign3A_301 = arith.constant 0 : i32
      %sign3A_302 = arith.cmpi slt, %scan3A_297, %sign3A_301 : i32
      %sign3A_303 = arith.extui %sign3A_302 : i1 to i32
      %sign3A_304 = arith.subi %sign3A_300, %sign3A_303 : i32
      %sign3A_305 = arith.constant 0 : i32
      %sign3A_306 = arith.cmpi sgt, %jit3A, %sign3A_305 : i32
      %sign3A_307 = arith.extui %sign3A_306 : i1 to i32
      %sign3A_308 = arith.constant 0 : i32
      %sign3A_309 = arith.cmpi slt, %jit3A, %sign3A_308 : i32
      %sign3A_310 = arith.extui %sign3A_309 : i1 to i32
      %sign3A_311 = arith.subi %sign3A_307, %sign3A_310 : i32
      %ne3A = arith.cmpi ne, %sign3A_304, %sign3A_311 : i32
      %rem3A = arith.remsi %scan3A_297, %jit3A : i32
      %ne3A_312 = arith.constant 0 : i32
      %ne3A_313 = arith.cmpi ne, %rem3A, %ne3A_312 : i32
      %and3A = arith.andi %ne3A, %ne3A_313 : i1
      %sub3A = arith.constant 1 : i32
      %sub3A_314 = arith.subi %div3A, %sub3A : i32
      %select_n3A = arith.select %and3A, %sub3A_314, %div3A : i32
      %jit3A_315 = arith.constant 8 : i32
      %eq3A = arith.constant 0 : i32
      %eq3A_316 = arith.cmpi eq, %jit3A_315, %eq3A : i32
      %jit3A_317 = arith.constant 1 : i32
      %select_n3A_318 = arith.select %eq3A_316, %jit3A_317, %jit3A_315 : i32
      %rem3A_319 = arith.remsi %scan3A_297, %select_n3A_318 : i32
      %ne3A_320 = arith.constant 0 : i32
      %ne3A_321 = arith.cmpi ne, %rem3A_319, %ne3A_320 : i32
      %lt3A = arith.constant 0 : i32
      %lt3A_322 = arith.cmpi slt, %rem3A_319, %lt3A : i32
      %lt3A_323 = arith.constant 0 : i32
      %lt3A_324 = arith.cmpi slt, %select_n3A_318, %lt3A_323 : i32
      %ne3A_325 = arith.xori %lt3A_322, %lt3A_324 : i1
      %and3A_326 = arith.andi %ne3A_325, %ne3A_321 : i1
      %add3A_327 = arith.addi %rem3A_319, %select_n3A_318 : i32
      %select_n3A_328 = arith.select %and3A_326, %add3A_327, %rem3A_319 : i32
      %mul3A_329 = arith.constant 16 : i32
      %mul3A_330 = arith.muli %select_n3A_328, %mul3A_329 : i32
      %get3A = arith.index_cast %select_n3A : i32 to index
      %get3A_331 = arith.index_cast %mul3A_330 : i32 to index
      %get3A_332 = tpu.vector_load %arg22[%get3A, %get3A_331] {strides = array<i32>} : memref<5x128xf32, #tpu.memory_space<vmem>>, vector<16xf32>,
      %jit3A_333 = arith.constant 8 : i32
      %div3A_334 = arith.divsi %scan3A_297, %jit3A_333 : i32
      %sign3A_335 = arith.constant 0 : i32
      %sign3A_336 = arith.cmpi sgt, %scan3A_297, %sign3A_335 : i32
      %sign3A_337 = arith.extui %sign3A_336 : i1 to i32
      %sign3A_338 = arith.constant 0 : i32
      %sign3A_339 = arith.cmpi slt, %scan3A_297, %sign3A_338 : i32
      %sign3A_340 = arith.extui %sign3A_339 : i1 to i32
      %sign3A_341 = arith.subi %sign3A_337, %sign3A_340 : i32
      %sign3A_342 = arith.constant 0 : i32
      %sign3A_343 = arith.cmpi sgt, %jit3A_333, %sign3A_342 : i32
      %sign3A_344 = arith.extui %sign3A_343 : i1 to i32
      %sign3A_345 = arith.constant 0 : i32
      %sign3A_346 = arith.cmpi slt, %jit3A_333, %sign3A_345 : i32
      %sign3A_347 = arith.extui %sign3A_346 : i1 to i32
      %sign3A_348 = arith.subi %sign3A_344, %sign3A_347 : i32
      %ne3A_349 = arith.cmpi ne, %sign3A_341, %sign3A_348 : i32
      %rem3A_350 = arith.remsi %scan3A_297, %jit3A_333 : i32
      %ne3A_351 = arith.constant 0 : i32
      %ne3A_352 = arith.cmpi ne, %rem3A_350, %ne3A_351 : i32
      %and3A_353 = arith.andi %ne3A_349, %ne3A_352 : i1
      %sub3A_354 = arith.constant 1 : i32
      %sub3A_355 = arith.subi %div3A_334, %sub3A_354 : i32
      %select_n3A_356 = arith.select %and3A_353, %sub3A_355, %div3A_334 : i32
      %jit3A_357 = arith.constant 8 : i32
      %eq3A_358 = arith.constant 0 : i32
      %eq3A_359 = arith.cmpi eq, %jit3A_357, %eq3A_358 : i32
      %jit3A_360 = arith.constant 1 : i32
      %select_n3A_361 = arith.select %eq3A_359, %jit3A_360, %jit3A_357 : i32
      %rem3A_362 = arith.remsi %scan3A_297, %select_n3A_361 : i32
      %ne3A_363 = arith.constant 0 : i32
      %ne3A_364 = arith.cmpi ne, %rem3A_362, %ne3A_363 : i32
      %lt3A_365 = arith.constant 0 : i32
      %lt3A_366 = arith.cmpi slt, %rem3A_362, %lt3A_365 : i32
      %lt3A_367 = arith.constant 0 : i32
      %lt3A_368 = arith.cmpi slt, %select_n3A_361, %lt3A_367 : i32
      %ne3A_369 = arith.xori %lt3A_366, %lt3A_368 : i1
      %and3A_370 = arith.andi %ne3A_369, %ne3A_364 : i1
      %add3A_371 = arith.addi %rem3A_362, %select_n3A_361 : i32
      %select_n3A_372 = arith.select %and3A_370, %add3A_371, %rem3A_362 : i32
      %mul3A_373 = arith.constant 16 : i32
      %mul3A_374 = arith.muli %select_n3A_372, %mul3A_373 : i32
      %get3A_375 = arith.index_cast %select_n3A_356 : i32 to index
      %get3A_376 = arith.index_cast %mul3A_374 : i32 to index
      %get3A_377 = tpu.vector_load %arg23[%get3A_375, %get3A_376] {strides = array<i32>} : memref<5x128xf32, #tpu.memory_space<vmem>>, vector<16xf32>,
      %add3A_378 = arith.addf %get3A_332, %get3A_377 : vector<16xf32>
      %jit3A_379 = arith.constant 8 : i32
      %div3A_380 = arith.divsi %scan3A_297, %jit3A_379 : i32
      %sign3A_381 = arith.constant 0 : i32
      %sign3A_382 = arith.cmpi sgt, %scan3A_297, %sign3A_381 : i32
      %sign3A_383 = arith.extui %sign3A_382 : i1 to i32
      %sign3A_384 = arith.constant 0 : i32
      %sign3A_385 = arith.cmpi slt, %scan3A_297, %sign3A_384 : i32
      %sign3A_386 = arith.extui %sign3A_385 : i1 to i32
      %sign3A_387 = arith.subi %sign3A_383, %sign3A_386 : i32
      %sign3A_388 = arith.constant 0 : i32
      %sign3A_389 = arith.cmpi sgt, %jit3A_379, %sign3A_388 : i32
      %sign3A_390 = arith.extui %sign3A_389 : i1 to i32
      %sign3A_391 = arith.constant 0 : i32
      %sign3A_392 = arith.cmpi slt, %jit3A_379, %sign3A_391 : i32
      %sign3A_393 = arith.extui %sign3A_392 : i1 to i32
      %sign3A_394 = arith.subi %sign3A_390, %sign3A_393 : i32
      %ne3A_395 = arith.cmpi ne, %sign3A_387, %sign3A_394 : i32
      %rem3A_396 = arith.remsi %scan3A_297, %jit3A_379 : i32
      %ne3A_397 = arith.constant 0 : i32
      %ne3A_398 = arith.cmpi ne, %rem3A_396, %ne3A_397 : i32
      %and3A_399 = arith.andi %ne3A_395, %ne3A_398 : i1
      %sub3A_400 = arith.constant 1 : i32
      %sub3A_401 = arith.subi %div3A_380, %sub3A_400 : i32
      %select_n3A_402 = arith.select %and3A_399, %sub3A_401, %div3A_380 : i32
      %jit3A_403 = arith.constant 8 : i32
      %eq3A_404 = arith.constant 0 : i32
      %eq3A_405 = arith.cmpi eq, %jit3A_403, %eq3A_404 : i32
      %jit3A_406 = arith.constant 1 : i32
      %select_n3A_407 = arith.select %eq3A_405, %jit3A_406, %jit3A_403 : i32
      %rem3A_408 = arith.remsi %scan3A_297, %select_n3A_407 : i32
      %ne3A_409 = arith.constant 0 : i32
      %ne3A_410 = arith.cmpi ne, %rem3A_408, %ne3A_409 : i32
      %lt3A_411 = arith.constant 0 : i32
      %lt3A_412 = arith.cmpi slt, %rem3A_408, %lt3A_411 : i32
      %lt3A_413 = arith.constant 0 : i32
      %lt3A_414 = arith.cmpi slt, %select_n3A_407, %lt3A_413 : i32
      %ne3A_415 = arith.xori %lt3A_412, %lt3A_414 : i1
      %and3A_416 = arith.andi %ne3A_415, %ne3A_410 : i1
      %add3A_417 = arith.addi %rem3A_408, %select_n3A_407 : i32
      %select_n3A_418 = arith.select %and3A_416, %add3A_417, %rem3A_408 : i32
      %mul3A_419 = arith.constant 16 : i32
      %mul3A_420 = arith.muli %select_n3A_418, %mul3A_419 : i32
      %swap3A = arith.index_cast %select_n3A_402 : i32 to index
      %swap3A_421 = arith.index_cast %mul3A_420 : i32 to index
      %swap3A_422 = tpu.vector_load %arg22[%swap3A, %swap3A_421] {strides = array<i32>} : memref<5x128xf32, #tpu.memory_space<vmem>>, vector<16xf32>,
      tpu.vector_store %arg22[%swap3A, %swap3A_421], %add3A_378 {strides = array<i32>} : memref<5x128xf32, #tpu.memory_space<vmem>>, vector<16xf32>,
      %scan3A_423 = arith.constant 0 : i32
      scf.yield %scan3A_423 : i32
    }
    %scan3A_241 = arith.constant 40 : i32
    %mul3A_242 = arith.constant 5 : i32
    %mul3A_243 = arith.muli %mul3A_242, %arg1 : i32
    %add3A_244 = arith.constant 1120 : i32
    %add3A_245 = arith.addi %add3A_244, %mul3A_243 : i32
    "tpu.region"() ({
      %run_scoped3A = tpu.sem_alloc : memref<!tpu.dma_semaphore, #tpu.memory_space<semaphore_mem>>
      %dma_start3A_297 = arith.constant 0 : i32
      %dma_start3A_298 = tpu.memref_slice %arg25[%add3A_245, %dma_start3A_297] : memref<10240x128xf32, #tpu.memory_space<vmem_shared>> -> memref<5x128xf32, #tpu.memory_space<vmem_shared>>
      %dma_start3A_299 = arith.constant 0 : i32
      %dma_start3A_300 = tpu.memref_slice %arg25[%add3A_245, %dma_start3A_299] : memref<10240x128xf32, #tpu.memory_space<vmem_shared>> -> memref<5x128xf32, #tpu.memory_space<vmem_shared>>
      tpu.enqueue_dma source(%dma_start3A_300 : memref<5x128xf32, #tpu.memory_space<vmem_shared>>) target(%arg23 : memref<5x128xf32, #tpu.memory_space<vmem>>) target_semaphore(%run_scoped3A : memref<!tpu.dma_semaphore, #tpu.memory_space<semaphore_mem>>)
      %dma_wait3A_301 = arith.constant 0 : i32
      %dma_wait3A_302 = tpu.memref_slice %arg25[%add3A_245, %dma_wait3A_301] : memref<10240x128xf32, #tpu.memory_space<vmem_shared>> -> memref<5x128xf32, #tpu.memory_space<vmem_shared>>
      %dma_wait3A_303 = arith.constant 0 : i32
      %dma_wait3A_304 = tpu.memref_slice %arg25[%add3A_245, %dma_wait3A_303] : memref<10240x128xf32, #tpu.memory_space<vmem_shared>> -> memref<5x128xf32, #tpu.memory_space<vmem_shared>>
      tpu.wait_dma2 semaphore(%run_scoped3A : memref<!tpu.dma_semaphore, #tpu.memory_space<semaphore_mem>>) src(%dma_wait3A_304 : memref<5x128xf32, #tpu.memory_space<vmem_shared>>) dst(%arg23 : memref<5x128xf32, #tpu.memory_space<vmem>>)
      tpu.yield
    }) : () -> ()
    %scan3A_246 = arith.constant 0 : i32
    %scan3A_247 = arith.constant 0 : i32
    %scan3A_248 = arith.constant 40 : i32
    %scan3A_249 = arith.addi %scan3A_247, %scan3A_248 : i32
    %scan3A_250 = arith.constant 1 : i32
    %scan3A_251 = scf.for %scan3A_297 = %scan3A_247 to %scan3A_249 step %scan3A_250 iter_args(%scan3A_298 = %scan3A_246) -> (i32)  : i32 {
      %jit3A = arith.constant 8 : i32
      %div3A = arith.divsi %scan3A_297, %jit3A : i32
      %sign3A = arith.constant 0 : i32
      %sign3A_299 = arith.cmpi sgt, %scan3A_297, %sign3A : i32
      %sign3A_300 = arith.extui %sign3A_299 : i1 to i32
      %sign3A_301 = arith.constant 0 : i32
      %sign3A_302 = arith.cmpi slt, %scan3A_297, %sign3A_301 : i32
      %sign3A_303 = arith.extui %sign3A_302 : i1 to i32
      %sign3A_304 = arith.subi %sign3A_300, %sign3A_303 : i32
      %sign3A_305 = arith.constant 0 : i32
      %sign3A_306 = arith.cmpi sgt, %jit3A, %sign3A_305 : i32
      %sign3A_307 = arith.extui %sign3A_306 : i1 to i32
      %sign3A_308 = arith.constant 0 : i32
      %sign3A_309 = arith.cmpi slt, %jit3A, %sign3A_308 : i32
      %sign3A_310 = arith.extui %sign3A_309 : i1 to i32
      %sign3A_311 = arith.subi %sign3A_307, %sign3A_310 : i32
      %ne3A = arith.cmpi ne, %sign3A_304, %sign3A_311 : i32
      %rem3A = arith.remsi %scan3A_297, %jit3A : i32
      %ne3A_312 = arith.constant 0 : i32
      %ne3A_313 = arith.cmpi ne, %rem3A, %ne3A_312 : i32
      %and3A = arith.andi %ne3A, %ne3A_313 : i1
      %sub3A = arith.constant 1 : i32
      %sub3A_314 = arith.subi %div3A, %sub3A : i32
      %select_n3A = arith.select %and3A, %sub3A_314, %div3A : i32
      %jit3A_315 = arith.constant 8 : i32
      %eq3A = arith.constant 0 : i32
      %eq3A_316 = arith.cmpi eq, %jit3A_315, %eq3A : i32
      %jit3A_317 = arith.constant 1 : i32
      %select_n3A_318 = arith.select %eq3A_316, %jit3A_317, %jit3A_315 : i32
      %rem3A_319 = arith.remsi %scan3A_297, %select_n3A_318 : i32
      %ne3A_320 = arith.constant 0 : i32
      %ne3A_321 = arith.cmpi ne, %rem3A_319, %ne3A_320 : i32
      %lt3A = arith.constant 0 : i32
      %lt3A_322 = arith.cmpi slt, %rem3A_319, %lt3A : i32
      %lt3A_323 = arith.constant 0 : i32
      %lt3A_324 = arith.cmpi slt, %select_n3A_318, %lt3A_323 : i32
      %ne3A_325 = arith.xori %lt3A_322, %lt3A_324 : i1
      %and3A_326 = arith.andi %ne3A_325, %ne3A_321 : i1
      %add3A_327 = arith.addi %rem3A_319, %select_n3A_318 : i32
      %select_n3A_328 = arith.select %and3A_326, %add3A_327, %rem3A_319 : i32
      %mul3A_329 = arith.constant 16 : i32
      %mul3A_330 = arith.muli %select_n3A_328, %mul3A_329 : i32
      %get3A = arith.index_cast %select_n3A : i32 to index
      %get3A_331 = arith.index_cast %mul3A_330 : i32 to index
      %get3A_332 = tpu.vector_load %arg22[%get3A, %get3A_331] {strides = array<i32>} : memref<5x128xf32, #tpu.memory_space<vmem>>, vector<16xf32>,
      %jit3A_333 = arith.constant 8 : i32
      %div3A_334 = arith.divsi %scan3A_297, %jit3A_333 : i32
      %sign3A_335 = arith.constant 0 : i32
      %sign3A_336 = arith.cmpi sgt, %scan3A_297, %sign3A_335 : i32
      %sign3A_337 = arith.extui %sign3A_336 : i1 to i32
      %sign3A_338 = arith.constant 0 : i32
      %sign3A_339 = arith.cmpi slt, %scan3A_297, %sign3A_338 : i32
      %sign3A_340 = arith.extui %sign3A_339 : i1 to i32
      %sign3A_341 = arith.subi %sign3A_337, %sign3A_340 : i32
      %sign3A_342 = arith.constant 0 : i32
      %sign3A_343 = arith.cmpi sgt, %jit3A_333, %sign3A_342 : i32
      %sign3A_344 = arith.extui %sign3A_343 : i1 to i32
      %sign3A_345 = arith.constant 0 : i32
      %sign3A_346 = arith.cmpi slt, %jit3A_333, %sign3A_345 : i32
      %sign3A_347 = arith.extui %sign3A_346 : i1 to i32
      %sign3A_348 = arith.subi %sign3A_344, %sign3A_347 : i32
      %ne3A_349 = arith.cmpi ne, %sign3A_341, %sign3A_348 : i32
      %rem3A_350 = arith.remsi %scan3A_297, %jit3A_333 : i32
      %ne3A_351 = arith.constant 0 : i32
      %ne3A_352 = arith.cmpi ne, %rem3A_350, %ne3A_351 : i32
      %and3A_353 = arith.andi %ne3A_349, %ne3A_352 : i1
      %sub3A_354 = arith.constant 1 : i32
      %sub3A_355 = arith.subi %div3A_334, %sub3A_354 : i32
      %select_n3A_356 = arith.select %and3A_353, %sub3A_355, %div3A_334 : i32
      %jit3A_357 = arith.constant 8 : i32
      %eq3A_358 = arith.constant 0 : i32
      %eq3A_359 = arith.cmpi eq, %jit3A_357, %eq3A_358 : i32
      %jit3A_360 = arith.constant 1 : i32
      %select_n3A_361 = arith.select %eq3A_359, %jit3A_360, %jit3A_357 : i32
      %rem3A_362 = arith.remsi %scan3A_297, %select_n3A_361 : i32
      %ne3A_363 = arith.constant 0 : i32
      %ne3A_364 = arith.cmpi ne, %rem3A_362, %ne3A_363 : i32
      %lt3A_365 = arith.constant 0 : i32
      %lt3A_366 = arith.cmpi slt, %rem3A_362, %lt3A_365 : i32
      %lt3A_367 = arith.constant 0 : i32
      %lt3A_368 = arith.cmpi slt, %select_n3A_361, %lt3A_367 : i32
      %ne3A_369 = arith.xori %lt3A_366, %lt3A_368 : i1
      %and3A_370 = arith.andi %ne3A_369, %ne3A_364 : i1
      %add3A_371 = arith.addi %rem3A_362, %select_n3A_361 : i32
      %select_n3A_372 = arith.select %and3A_370, %add3A_371, %rem3A_362 : i32
      %mul3A_373 = arith.constant 16 : i32
      %mul3A_374 = arith.muli %select_n3A_372, %mul3A_373 : i32
      %get3A_375 = arith.index_cast %select_n3A_356 : i32 to index
      %get3A_376 = arith.index_cast %mul3A_374 : i32 to index
      %get3A_377 = tpu.vector_load %arg23[%get3A_375, %get3A_376] {strides = array<i32>} : memref<5x128xf32, #tpu.memory_space<vmem>>, vector<16xf32>,
      %add3A_378 = arith.addf %get3A_332, %get3A_377 : vector<16xf32>
      %jit3A_379 = arith.constant 8 : i32
      %div3A_380 = arith.divsi %scan3A_297, %jit3A_379 : i32
      %sign3A_381 = arith.constant 0 : i32
      %sign3A_382 = arith.cmpi sgt, %scan3A_297, %sign3A_381 : i32
      %sign3A_383 = arith.extui %sign3A_382 : i1 to i32
      %sign3A_384 = arith.constant 0 : i32
      %sign3A_385 = arith.cmpi slt, %scan3A_297, %sign3A_384 : i32
      %sign3A_386 = arith.extui %sign3A_385 : i1 to i32
      %sign3A_387 = arith.subi %sign3A_383, %sign3A_386 : i32
      %sign3A_388 = arith.constant 0 : i32
      %sign3A_389 = arith.cmpi sgt, %jit3A_379, %sign3A_388 : i32
      %sign3A_390 = arith.extui %sign3A_389 : i1 to i32
      %sign3A_391 = arith.constant 0 : i32
      %sign3A_392 = arith.cmpi slt, %jit3A_379, %sign3A_391 : i32
      %sign3A_393 = arith.extui %sign3A_392 : i1 to i32
      %sign3A_394 = arith.subi %sign3A_390, %sign3A_393 : i32
      %ne3A_395 = arith.cmpi ne, %sign3A_387, %sign3A_394 : i32
      %rem3A_396 = arith.remsi %scan3A_297, %jit3A_379 : i32
      %ne3A_397 = arith.constant 0 : i32
      %ne3A_398 = arith.cmpi ne, %rem3A_396, %ne3A_397 : i32
      %and3A_399 = arith.andi %ne3A_395, %ne3A_398 : i1
      %sub3A_400 = arith.constant 1 : i32
      %sub3A_401 = arith.subi %div3A_380, %sub3A_400 : i32
      %select_n3A_402 = arith.select %and3A_399, %sub3A_401, %div3A_380 : i32
      %jit3A_403 = arith.constant 8 : i32
      %eq3A_404 = arith.constant 0 : i32
      %eq3A_405 = arith.cmpi eq, %jit3A_403, %eq3A_404 : i32
      %jit3A_406 = arith.constant 1 : i32
      %select_n3A_407 = arith.select %eq3A_405, %jit3A_406, %jit3A_403 : i32
      %rem3A_408 = arith.remsi %scan3A_297, %select_n3A_407 : i32
      %ne3A_409 = arith.constant 0 : i32
      %ne3A_410 = arith.cmpi ne, %rem3A_408, %ne3A_409 : i32
      %lt3A_411 = arith.constant 0 : i32
      %lt3A_412 = arith.cmpi slt, %rem3A_408, %lt3A_411 : i32
      %lt3A_413 = arith.constant 0 : i32
      %lt3A_414 = arith.cmpi slt, %select_n3A_407, %lt3A_413 : i32
      %ne3A_415 = arith.xori %lt3A_412, %lt3A_414 : i1
      %and3A_416 = arith.andi %ne3A_415, %ne3A_410 : i1
      %add3A_417 = arith.addi %rem3A_408, %select_n3A_407 : i32
      %select_n3A_418 = arith.select %and3A_416, %add3A_417, %rem3A_408 : i32
      %mul3A_419 = arith.constant 16 : i32
      %mul3A_420 = arith.muli %select_n3A_418, %mul3A_419 : i32
      %swap3A = arith.index_cast %select_n3A_402 : i32 to index
      %swap3A_421 = arith.index_cast %mul3A_420 : i32 to index
      %swap3A_422 = tpu.vector_load %arg22[%swap3A, %swap3A_421] {strides = array<i32>} : memref<5x128xf32, #tpu.memory_space<vmem>>, vector<16xf32>,
      tpu.vector_store %arg22[%swap3A, %swap3A_421], %add3A_378 {strides = array<i32>} : memref<5x128xf32, #tpu.memory_space<vmem>>, vector<16xf32>,
      %scan3A_423 = arith.constant 0 : i32
      scf.yield %scan3A_423 : i32
    }
    %scan3A_252 = arith.constant 40 : i32
    %mul3A_253 = arith.constant 5 : i32
    %mul3A_254 = arith.muli %mul3A_253, %arg1 : i32
    %add3A_255 = arith.constant 1200 : i32
    %add3A_256 = arith.addi %add3A_255, %mul3A_254 : i32
    "tpu.region"() ({
      %run_scoped3A = tpu.sem_alloc : memref<!tpu.dma_semaphore, #tpu.memory_space<semaphore_mem>>
      %dma_start3A_297 = arith.constant 0 : i32
      %dma_start3A_298 = tpu.memref_slice %arg25[%add3A_256, %dma_start3A_297] : memref<10240x128xf32, #tpu.memory_space<vmem_shared>> -> memref<5x128xf32, #tpu.memory_space<vmem_shared>>
      %dma_start3A_299 = arith.constant 0 : i32
      %dma_start3A_300 = tpu.memref_slice %arg25[%add3A_256, %dma_start3A_299] : memref<10240x128xf32, #tpu.memory_space<vmem_shared>> -> memref<5x128xf32, #tpu.memory_space<vmem_shared>>
      tpu.enqueue_dma source(%dma_start3A_300 : memref<5x128xf32, #tpu.memory_space<vmem_shared>>) target(%arg23 : memref<5x128xf32, #tpu.memory_space<vmem>>) target_semaphore(%run_scoped3A : memref<!tpu.dma_semaphore, #tpu.memory_space<semaphore_mem>>)
      %dma_wait3A_301 = arith.constant 0 : i32
      %dma_wait3A_302 = tpu.memref_slice %arg25[%add3A_256, %dma_wait3A_301] : memref<10240x128xf32, #tpu.memory_space<vmem_shared>> -> memref<5x128xf32, #tpu.memory_space<vmem_shared>>
      %dma_wait3A_303 = arith.constant 0 : i32
      %dma_wait3A_304 = tpu.memref_slice %arg25[%add3A_256, %dma_wait3A_303] : memref<10240x128xf32, #tpu.memory_space<vmem_shared>> -> memref<5x128xf32, #tpu.memory_space<vmem_shared>>
      tpu.wait_dma2 semaphore(%run_scoped3A : memref<!tpu.dma_semaphore, #tpu.memory_space<semaphore_mem>>) src(%dma_wait3A_304 : memref<5x128xf32, #tpu.memory_space<vmem_shared>>) dst(%arg23 : memref<5x128xf32, #tpu.memory_space<vmem>>)
      tpu.yield
    }) : () -> ()
    %scan3A_257 = arith.constant 0 : i32
    %scan3A_258 = arith.constant 0 : i32
    %scan3A_259 = arith.constant 40 : i32
    %scan3A_260 = arith.addi %scan3A_258, %scan3A_259 : i32
    %scan3A_261 = arith.constant 1 : i32
    %scan3A_262 = scf.for %scan3A_297 = %scan3A_258 to %scan3A_260 step %scan3A_261 iter_args(%scan3A_298 = %scan3A_257) -> (i32)  : i32 {
      %jit3A = arith.constant 8 : i32
      %div3A = arith.divsi %scan3A_297, %jit3A : i32
      %sign3A = arith.constant 0 : i32
      %sign3A_299 = arith.cmpi sgt, %scan3A_297, %sign3A : i32
      %sign3A_300 = arith.extui %sign3A_299 : i1 to i32
      %sign3A_301 = arith.constant 0 : i32
      %sign3A_302 = arith.cmpi slt, %scan3A_297, %sign3A_301 : i32
      %sign3A_303 = arith.extui %sign3A_302 : i1 to i32
      %sign3A_304 = arith.subi %sign3A_300, %sign3A_303 : i32
      %sign3A_305 = arith.constant 0 : i32
      %sign3A_306 = arith.cmpi sgt, %jit3A, %sign3A_305 : i32
      %sign3A_307 = arith.extui %sign3A_306 : i1 to i32
      %sign3A_308 = arith.constant 0 : i32
      %sign3A_309 = arith.cmpi slt, %jit3A, %sign3A_308 : i32
      %sign3A_310 = arith.extui %sign3A_309 : i1 to i32
      %sign3A_311 = arith.subi %sign3A_307, %sign3A_310 : i32
      %ne3A = arith.cmpi ne, %sign3A_304, %sign3A_311 : i32
      %rem3A = arith.remsi %scan3A_297, %jit3A : i32
      %ne3A_312 = arith.constant 0 : i32
      %ne3A_313 = arith.cmpi ne, %rem3A, %ne3A_312 : i32
      %and3A = arith.andi %ne3A, %ne3A_313 : i1
      %sub3A = arith.constant 1 : i32
      %sub3A_314 = arith.subi %div3A, %sub3A : i32
      %select_n3A = arith.select %and3A, %sub3A_314, %div3A : i32
      %jit3A_315 = arith.constant 8 : i32
      %eq3A = arith.constant 0 : i32
      %eq3A_316 = arith.cmpi eq, %jit3A_315, %eq3A : i32
      %jit3A_317 = arith.constant 1 : i32
      %select_n3A_318 = arith.select %eq3A_316, %jit3A_317, %jit3A_315 : i32
      %rem3A_319 = arith.remsi %scan3A_297, %select_n3A_318 : i32
      %ne3A_320 = arith.constant 0 : i32
      %ne3A_321 = arith.cmpi ne, %rem3A_319, %ne3A_320 : i32
      %lt3A = arith.constant 0 : i32
      %lt3A_322 = arith.cmpi slt, %rem3A_319, %lt3A : i32
      %lt3A_323 = arith.constant 0 : i32
      %lt3A_324 = arith.cmpi slt, %select_n3A_318, %lt3A_323 : i32
      %ne3A_325 = arith.xori %lt3A_322, %lt3A_324 : i1
      %and3A_326 = arith.andi %ne3A_325, %ne3A_321 : i1
      %add3A_327 = arith.addi %rem3A_319, %select_n3A_318 : i32
      %select_n3A_328 = arith.select %and3A_326, %add3A_327, %rem3A_319 : i32
      %mul3A_329 = arith.constant 16 : i32
      %mul3A_330 = arith.muli %select_n3A_328, %mul3A_329 : i32
      %get3A = arith.index_cast %select_n3A : i32 to index
      %get3A_331 = arith.index_cast %mul3A_330 : i32 to index
      %get3A_332 = tpu.vector_load %arg22[%get3A, %get3A_331] {strides = array<i32>} : memref<5x128xf32, #tpu.memory_space<vmem>>, vector<16xf32>,
      %jit3A_333 = arith.constant 8 : i32
      %div3A_334 = arith.divsi %scan3A_297, %jit3A_333 : i32
      %sign3A_335 = arith.constant 0 : i32
      %sign3A_336 = arith.cmpi sgt, %scan3A_297, %sign3A_335 : i32
      %sign3A_337 = arith.extui %sign3A_336 : i1 to i32
      %sign3A_338 = arith.constant 0 : i32
      %sign3A_339 = arith.cmpi slt, %scan3A_297, %sign3A_338 : i32
      %sign3A_340 = arith.extui %sign3A_339 : i1 to i32
      %sign3A_341 = arith.subi %sign3A_337, %sign3A_340 : i32
      %sign3A_342 = arith.constant 0 : i32
      %sign3A_343 = arith.cmpi sgt, %jit3A_333, %sign3A_342 : i32
      %sign3A_344 = arith.extui %sign3A_343 : i1 to i32
      %sign3A_345 = arith.constant 0 : i32
      %sign3A_346 = arith.cmpi slt, %jit3A_333, %sign3A_345 : i32
      %sign3A_347 = arith.extui %sign3A_346 : i1 to i32
      %sign3A_348 = arith.subi %sign3A_344, %sign3A_347 : i32
      %ne3A_349 = arith.cmpi ne, %sign3A_341, %sign3A_348 : i32
      %rem3A_350 = arith.remsi %scan3A_297, %jit3A_333 : i32
      %ne3A_351 = arith.constant 0 : i32
      %ne3A_352 = arith.cmpi ne, %rem3A_350, %ne3A_351 : i32
      %and3A_353 = arith.andi %ne3A_349, %ne3A_352 : i1
      %sub3A_354 = arith.constant 1 : i32
      %sub3A_355 = arith.subi %div3A_334, %sub3A_354 : i32
      %select_n3A_356 = arith.select %and3A_353, %sub3A_355, %div3A_334 : i32
      %jit3A_357 = arith.constant 8 : i32
      %eq3A_358 = arith.constant 0 : i32
      %eq3A_359 = arith.cmpi eq, %jit3A_357, %eq3A_358 : i32
      %jit3A_360 = arith.constant 1 : i32
      %select_n3A_361 = arith.select %eq3A_359, %jit3A_360, %jit3A_357 : i32
      %rem3A_362 = arith.remsi %scan3A_297, %select_n3A_361 : i32
      %ne3A_363 = arith.constant 0 : i32
      %ne3A_364 = arith.cmpi ne, %rem3A_362, %ne3A_363 : i32
      %lt3A_365 = arith.constant 0 : i32
      %lt3A_366 = arith.cmpi slt, %rem3A_362, %lt3A_365 : i32
      %lt3A_367 = arith.constant 0 : i32
      %lt3A_368 = arith.cmpi slt, %select_n3A_361, %lt3A_367 : i32
      %ne3A_369 = arith.xori %lt3A_366, %lt3A_368 : i1
      %and3A_370 = arith.andi %ne3A_369, %ne3A_364 : i1
      %add3A_371 = arith.addi %rem3A_362, %select_n3A_361 : i32
      %select_n3A_372 = arith.select %and3A_370, %add3A_371, %rem3A_362 : i32
      %mul3A_373 = arith.constant 16 : i32
      %mul3A_374 = arith.muli %select_n3A_372, %mul3A_373 : i32
      %get3A_375 = arith.index_cast %select_n3A_356 : i32 to index
      %get3A_376 = arith.index_cast %mul3A_374 : i32 to index
      %get3A_377 = tpu.vector_load %arg23[%get3A_375, %get3A_376] {strides = array<i32>} : memref<5x128xf32, #tpu.memory_space<vmem>>, vector<16xf32>,
      %add3A_378 = arith.addf %get3A_332, %get3A_377 : vector<16xf32>
      %jit3A_379 = arith.constant 8 : i32
      %div3A_380 = arith.divsi %scan3A_297, %jit3A_379 : i32
      %sign3A_381 = arith.constant 0 : i32
      %sign3A_382 = arith.cmpi sgt, %scan3A_297, %sign3A_381 : i32
      %sign3A_383 = arith.extui %sign3A_382 : i1 to i32
      %sign3A_384 = arith.constant 0 : i32
      %sign3A_385 = arith.cmpi slt, %scan3A_297, %sign3A_384 : i32
      %sign3A_386 = arith.extui %sign3A_385 : i1 to i32
      %sign3A_387 = arith.subi %sign3A_383, %sign3A_386 : i32
      %sign3A_388 = arith.constant 0 : i32
      %sign3A_389 = arith.cmpi sgt, %jit3A_379, %sign3A_388 : i32
      %sign3A_390 = arith.extui %sign3A_389 : i1 to i32
      %sign3A_391 = arith.constant 0 : i32
      %sign3A_392 = arith.cmpi slt, %jit3A_379, %sign3A_391 : i32
      %sign3A_393 = arith.extui %sign3A_392 : i1 to i32
      %sign3A_394 = arith.subi %sign3A_390, %sign3A_393 : i32
      %ne3A_395 = arith.cmpi ne, %sign3A_387, %sign3A_394 : i32
      %rem3A_396 = arith.remsi %scan3A_297, %jit3A_379 : i32
      %ne3A_397 = arith.constant 0 : i32
      %ne3A_398 = arith.cmpi ne, %rem3A_396, %ne3A_397 : i32
      %and3A_399 = arith.andi %ne3A_395, %ne3A_398 : i1
      %sub3A_400 = arith.constant 1 : i32
      %sub3A_401 = arith.subi %div3A_380, %sub3A_400 : i32
      %select_n3A_402 = arith.select %and3A_399, %sub3A_401, %div3A_380 : i32
      %jit3A_403 = arith.constant 8 : i32
      %eq3A_404 = arith.constant 0 : i32
      %eq3A_405 = arith.cmpi eq, %jit3A_403, %eq3A_404 : i32
      %jit3A_406 = arith.constant 1 : i32
      %select_n3A_407 = arith.select %eq3A_405, %jit3A_406, %jit3A_403 : i32
      %rem3A_408 = arith.remsi %scan3A_297, %select_n3A_407 : i32
      %ne3A_409 = arith.constant 0 : i32
      %ne3A_410 = arith.cmpi ne, %rem3A_408, %ne3A_409 : i32
      %lt3A_411 = arith.constant 0 : i32
      %lt3A_412 = arith.cmpi slt, %rem3A_408, %lt3A_411 : i32
      %lt3A_413 = arith.constant 0 : i32
      %lt3A_414 = arith.cmpi slt, %select_n3A_407, %lt3A_413 : i32
      %ne3A_415 = arith.xori %lt3A_412, %lt3A_414 : i1
      %and3A_416 = arith.andi %ne3A_415, %ne3A_410 : i1
      %add3A_417 = arith.addi %rem3A_408, %select_n3A_407 : i32
      %select_n3A_418 = arith.select %and3A_416, %add3A_417, %rem3A_408 : i32
      %mul3A_419 = arith.constant 16 : i32
      %mul3A_420 = arith.muli %select_n3A_418, %mul3A_419 : i32
      %swap3A = arith.index_cast %select_n3A_402 : i32 to index
      %swap3A_421 = arith.index_cast %mul3A_420 : i32 to index
      %swap3A_422 = tpu.vector_load %arg22[%swap3A, %swap3A_421] {strides = array<i32>} : memref<5x128xf32, #tpu.memory_space<vmem>>, vector<16xf32>,
      tpu.vector_store %arg22[%swap3A, %swap3A_421], %add3A_378 {strides = array<i32>} : memref<5x128xf32, #tpu.memory_space<vmem>>, vector<16xf32>,
      %scan3A_423 = arith.constant 0 : i32
      scf.yield %scan3A_423 : i32
    }
    %scan3A_263 = arith.constant 40 : i32
    %scan3A_264 = arith.constant 0 : i32
    %scan3A_265 = arith.constant 0 : i32
    %scan3A_266 = arith.constant 40 : i32
    %scan3A_267 = arith.addi %scan3A_265, %scan3A_266 : i32
    %scan3A_268 = arith.constant 1 : i32
    %scan3A_269 = scf.for %scan3A_297 = %scan3A_265 to %scan3A_267 step %scan3A_268 iter_args(%scan3A_298 = %scan3A_264) -> (i32)  : i32 {
      %jit3A = arith.constant 8 : i32
      %div3A = arith.divsi %scan3A_297, %jit3A : i32
      %sign3A = arith.constant 0 : i32
      %sign3A_299 = arith.cmpi sgt, %scan3A_297, %sign3A : i32
      %sign3A_300 = arith.extui %sign3A_299 : i1 to i32
      %sign3A_301 = arith.constant 0 : i32
      %sign3A_302 = arith.cmpi slt, %scan3A_297, %sign3A_301 : i32
      %sign3A_303 = arith.extui %sign3A_302 : i1 to i32
      %sign3A_304 = arith.subi %sign3A_300, %sign3A_303 : i32
      %sign3A_305 = arith.constant 0 : i32
      %sign3A_306 = arith.cmpi sgt, %jit3A, %sign3A_305 : i32
      %sign3A_307 = arith.extui %sign3A_306 : i1 to i32
      %sign3A_308 = arith.constant 0 : i32
      %sign3A_309 = arith.cmpi slt, %jit3A, %sign3A_308 : i32
      %sign3A_310 = arith.extui %sign3A_309 : i1 to i32
      %sign3A_311 = arith.subi %sign3A_307, %sign3A_310 : i32
      %ne3A = arith.cmpi ne, %sign3A_304, %sign3A_311 : i32
      %rem3A = arith.remsi %scan3A_297, %jit3A : i32
      %ne3A_312 = arith.constant 0 : i32
      %ne3A_313 = arith.cmpi ne, %rem3A, %ne3A_312 : i32
      %and3A = arith.andi %ne3A, %ne3A_313 : i1
      %sub3A = arith.constant 1 : i32
      %sub3A_314 = arith.subi %div3A, %sub3A : i32
      %select_n3A = arith.select %and3A, %sub3A_314, %div3A : i32
      %jit3A_315 = arith.constant 8 : i32
      %eq3A = arith.constant 0 : i32
      %eq3A_316 = arith.cmpi eq, %jit3A_315, %eq3A : i32
      %jit3A_317 = arith.constant 1 : i32
      %select_n3A_318 = arith.select %eq3A_316, %jit3A_317, %jit3A_315 : i32
      %rem3A_319 = arith.remsi %scan3A_297, %select_n3A_318 : i32
      %ne3A_320 = arith.constant 0 : i32
      %ne3A_321 = arith.cmpi ne, %rem3A_319, %ne3A_320 : i32
      %lt3A = arith.constant 0 : i32
      %lt3A_322 = arith.cmpi slt, %rem3A_319, %lt3A : i32
      %lt3A_323 = arith.constant 0 : i32
      %lt3A_324 = arith.cmpi slt, %select_n3A_318, %lt3A_323 : i32
      %ne3A_325 = arith.xori %lt3A_322, %lt3A_324 : i1
      %and3A_326 = arith.andi %ne3A_325, %ne3A_321 : i1
      %add3A_327 = arith.addi %rem3A_319, %select_n3A_318 : i32
      %select_n3A_328 = arith.select %and3A_326, %add3A_327, %rem3A_319 : i32
      %mul3A_329 = arith.constant 16 : i32
      %mul3A_330 = arith.muli %select_n3A_328, %mul3A_329 : i32
      %get3A = arith.index_cast %select_n3A : i32 to index
      %get3A_331 = arith.index_cast %mul3A_330 : i32 to index
      %get3A_332 = tpu.vector_load %arg22[%get3A, %get3A_331] {strides = array<i32>} : memref<5x128xf32, #tpu.memory_space<vmem>>, vector<16xf32>,
      %bitcast_convert_type3A = tpu.bitcast %get3A_332 : vector<16xf32> -> vector<16xi32>
      %shift_right_arithmetic3A = arith.constant 1 : i32
      %shift_right_arithmetic3A_333 = vector.broadcast %shift_right_arithmetic3A : i32 to vector<16xi32>
      %shift_right_arithmetic3A_334 = arith.shrsi %bitcast_convert_type3A, %shift_right_arithmetic3A_333 : vector<16xi32>
      %sub3A_335 = arith.constant 1597463007 : i32
      %sub3A_336 = vector.broadcast %sub3A_335 : i32 to vector<16xi32>
      %sub3A_337 = arith.subi %sub3A_336, %shift_right_arithmetic3A_334 : vector<16xi32>
      %bitcast_convert_type3A_338 = tpu.bitcast %sub3A_337 : vector<16xi32> -> vector<16xf32>
      %mul3A_339 = arith.constant 5.000000e-01 : f32
      %mul3A_340 = vector.broadcast %mul3A_339 : f32 to vector<16xf32>
      %mul3A_341 = arith.mulf %mul3A_340, %get3A_332 : vector<16xf32>
      %mul3A_342 = arith.mulf %mul3A_341, %bitcast_convert_type3A_338 : vector<16xf32>
      %mul3A_343 = arith.mulf %mul3A_342, %bitcast_convert_type3A_338 : vector<16xf32>
      %sub3A_344 = arith.constant 1.500000e+00 : f32
      %sub3A_345 = vector.broadcast %sub3A_344 : f32 to vector<16xf32>
      %sub3A_346 = arith.subf %sub3A_345, %mul3A_343 : vector<16xf32>
      %mul3A_347 = arith.mulf %bitcast_convert_type3A_338, %sub3A_346 : vector<16xf32>
      %mul3A_348 = arith.constant 5.000000e-01 : f32
      %mul3A_349 = vector.broadcast %mul3A_348 : f32 to vector<16xf32>
      %mul3A_350 = arith.mulf %mul3A_349, %get3A_332 : vector<16xf32>
      %mul3A_351 = arith.mulf %mul3A_350, %mul3A_347 : vector<16xf32>
      %mul3A_352 = arith.mulf %mul3A_351, %mul3A_347 : vector<16xf32>
      %sub3A_353 = arith.constant 1.500000e+00 : f32
      %sub3A_354 = vector.broadcast %sub3A_353 : f32 to vector<16xf32>
      %sub3A_355 = arith.subf %sub3A_354, %mul3A_352 : vector<16xf32>
      %mul3A_356 = arith.mulf %mul3A_347, %sub3A_355 : vector<16xf32>
      %mul3A_357 = arith.constant 5.000000e-01 : f32
      %mul3A_358 = vector.broadcast %mul3A_357 : f32 to vector<16xf32>
      %mul3A_359 = arith.mulf %mul3A_358, %get3A_332 : vector<16xf32>
      %mul3A_360 = arith.mulf %mul3A_359, %mul3A_356 : vector<16xf32>
      %mul3A_361 = arith.mulf %mul3A_360, %mul3A_356 : vector<16xf32>
      %sub3A_362 = arith.constant 1.500000e+00 : f32
      %sub3A_363 = vector.broadcast %sub3A_362 : f32 to vector<16xf32>
      %sub3A_364 = arith.subf %sub3A_363, %mul3A_361 : vector<16xf32>
      %mul3A_365 = arith.mulf %mul3A_356, %sub3A_364 : vector<16xf32>
      %gt3A = arith.constant 0.000000e+00 : f32
      %gt3A_366 = vector.broadcast %gt3A : f32 to vector<16xf32>
      %gt3A_367 = arith.cmpf ogt, %get3A_332, %gt3A_366 : vector<16xf32>
      %jit3A_368 = arith.constant 0.000000e+00 : f32
      %broadcast_in_dim3A = vector.broadcast %jit3A_368 : f32 to vector<16xf32>
      %select_n3A_369 = arith.select %gt3A_367, %mul3A_365, %broadcast_in_dim3A : vector<16xi1>, vector<16xf32>
      %mul3A_370 = arith.constant 16 : i32
      %mul3A_371 = arith.muli %scan3A_297, %mul3A_370 : i32
      %swap3A = arith.index_cast %mul3A_371 : i32 to index
      %swap3A_372 = tpu.vector_load %arg8[%swap3A] {strides = array<i32>} : memref<640xf32, #tpu.memory_space<vmem>>, vector<16xf32>,
      tpu.vector_store %arg8[%swap3A], %select_n3A_369 {strides = array<i32>} : memref<640xf32, #tpu.memory_space<vmem>>, vector<16xf32>,
      %scan3A_373 = arith.constant 0 : i32
      scf.yield %scan3A_373 : i32
    }
    %scan3A_270 = arith.constant 40 : i32
    %scan3A_271 = arith.constant 0 : i32
    %scan3A_272 = arith.constant 0 : i32
    %scan3A_273 = arith.constant 80 : i32
    %scan3A_274 = arith.addi %scan3A_272, %scan3A_273 : i32
    %scan3A_275 = arith.constant 1 : i32
    %scan3A_276 = scf.for %scan3A_297 = %scan3A_272 to %scan3A_274 step %scan3A_275 iter_args(%scan3A_298 = %scan3A_271) -> (i32)  : i32 {
      %broadcast_in_dim3A = arith.constant 0.000000e+00 : f32
      %broadcast_in_dim3A_299 = vector.broadcast %broadcast_in_dim3A : f32 to vector<16xf32>
      %swap3A = arith.index_cast %scan3A_297 : i32 to index
      %swap3A_300 = arith.constant 0 : index
      %swap3A_301 = tpu.vector_load %arg20[%swap3A, %swap3A_300] {strides = array<i32>} : memref<80x128xf32, #tpu.memory_space<vmem>>, vector<16xf32>,
      tpu.vector_store %arg20[%swap3A, %swap3A_300], %broadcast_in_dim3A_299 {strides = array<i32>} : memref<80x128xf32, #tpu.memory_space<vmem>>, vector<16xf32>,
      %broadcast_in_dim3A_302 = arith.constant 0.000000e+00 : f32
      %broadcast_in_dim3A_303 = vector.broadcast %broadcast_in_dim3A_302 : f32 to vector<16xf32>
      %swap3A_304 = arith.index_cast %scan3A_297 : i32 to index
      %swap3A_305 = arith.constant 16 : index
      %swap3A_306 = tpu.vector_load %arg20[%swap3A_304, %swap3A_305] {strides = array<i32>} : memref<80x128xf32, #tpu.memory_space<vmem>>, vector<16xf32>,
      tpu.vector_store %arg20[%swap3A_304, %swap3A_305], %broadcast_in_dim3A_303 {strides = array<i32>} : memref<80x128xf32, #tpu.memory_space<vmem>>, vector<16xf32>,
      %broadcast_in_dim3A_307 = arith.constant 0.000000e+00 : f32
      %broadcast_in_dim3A_308 = vector.broadcast %broadcast_in_dim3A_307 : f32 to vector<16xf32>
      %swap3A_309 = arith.index_cast %scan3A_297 : i32 to index
      %swap3A_310 = arith.constant 32 : index
      %swap3A_311 = tpu.vector_load %arg20[%swap3A_309, %swap3A_310] {strides = array<i32>} : memref<80x128xf32, #tpu.memory_space<vmem>>, vector<16xf32>,
      tpu.vector_store %arg20[%swap3A_309, %swap3A_310], %broadcast_in_dim3A_308 {strides = array<i32>} : memref<80x128xf32, #tpu.memory_space<vmem>>, vector<16xf32>,
      %broadcast_in_dim3A_312 = arith.constant 0.000000e+00 : f32
      %broadcast_in_dim3A_313 = vector.broadcast %broadcast_in_dim3A_312 : f32 to vector<16xf32>
      %swap3A_314 = arith.index_cast %scan3A_297 : i32 to index
      %swap3A_315 = arith.constant 48 : index
      %swap3A_316 = tpu.vector_load %arg20[%swap3A_314, %swap3A_315] {strides = array<i32>} : memref<80x128xf32, #tpu.memory_space<vmem>>, vector<16xf32>,
      tpu.vector_store %arg20[%swap3A_314, %swap3A_315], %broadcast_in_dim3A_313 {strides = array<i32>} : memref<80x128xf32, #tpu.memory_space<vmem>>, vector<16xf32>,
      %broadcast_in_dim3A_317 = arith.constant 0.000000e+00 : f32
      %broadcast_in_dim3A_318 = vector.broadcast %broadcast_in_dim3A_317 : f32 to vector<16xf32>
      %swap3A_319 = arith.index_cast %scan3A_297 : i32 to index
      %swap3A_320 = arith.constant 64 : index
      %swap3A_321 = tpu.vector_load %arg20[%swap3A_319, %swap3A_320] {strides = array<i32>} : memref<80x128xf32, #tpu.memory_space<vmem>>, vector<16xf32>,
      tpu.vector_store %arg20[%swap3A_319, %swap3A_320], %broadcast_in_dim3A_318 {strides = array<i32>} : memref<80x128xf32, #tpu.memory_space<vmem>>, vector<16xf32>,
      %broadcast_in_dim3A_322 = arith.constant 0.000000e+00 : f32
      %broadcast_in_dim3A_323 = vector.broadcast %broadcast_in_dim3A_322 : f32 to vector<16xf32>
      %swap3A_324 = arith.index_cast %scan3A_297 : i32 to index
      %swap3A_325 = arith.constant 80 : index
      %swap3A_326 = tpu.vector_load %arg20[%swap3A_324, %swap3A_325] {strides = array<i32>} : memref<80x128xf32, #tpu.memory_space<vmem>>, vector<16xf32>,
      tpu.vector_store %arg20[%swap3A_324, %swap3A_325], %broadcast_in_dim3A_323 {strides = array<i32>} : memref<80x128xf32, #tpu.memory_space<vmem>>, vector<16xf32>,
      %broadcast_in_dim3A_327 = arith.constant 0.000000e+00 : f32
      %broadcast_in_dim3A_328 = vector.broadcast %broadcast_in_dim3A_327 : f32 to vector<16xf32>
      %swap3A_329 = arith.index_cast %scan3A_297 : i32 to index
      %swap3A_330 = arith.constant 96 : index
      %swap3A_331 = tpu.vector_load %arg20[%swap3A_329, %swap3A_330] {strides = array<i32>} : memref<80x128xf32, #tpu.memory_space<vmem>>, vector<16xf32>,
      tpu.vector_store %arg20[%swap3A_329, %swap3A_330], %broadcast_in_dim3A_328 {strides = array<i32>} : memref<80x128xf32, #tpu.memory_space<vmem>>, vector<16xf32>,
      %broadcast_in_dim3A_332 = arith.constant 0.000000e+00 : f32
      %broadcast_in_dim3A_333 = vector.broadcast %broadcast_in_dim3A_332 : f32 to vector<16xf32>
      %swap3A_334 = arith.index_cast %scan3A_297 : i32 to index
      %swap3A_335 = arith.constant 112 : index
      %swap3A_336 = tpu.vector_load %arg20[%swap3A_334, %swap3A_335] {strides = array<i32>} : memref<80x128xf32, #tpu.memory_space<vmem>>, vector<16xf32>,
      tpu.vector_store %arg20[%swap3A_334, %swap3A_335], %broadcast_in_dim3A_333 {strides = array<i32>} : memref<80x128xf32, #tpu.memory_space<vmem>>, vector<16xf32>,
      %scan3A_337 = arith.constant 0 : i32
      scf.yield %scan3A_337 : i32
    }
    %scan3A_277 = arith.constant 80 : i32
    %mul3A_278 = arith.constant 80 : i32
    %mul3A_279 = arith.muli %arg1, %mul3A_278 : i32
    "tpu.region"() ({
      %run_scoped3A = tpu.sem_alloc : memref<!tpu.dma_semaphore, #tpu.memory_space<semaphore_mem>>
      %dma_start3A_297 = arith.constant 0 : i32
      %dma_start3A_298 = tpu.memref_slice %arg25[%mul3A_279, %dma_start3A_297] : memref<10240x128xf32, #tpu.memory_space<vmem_shared>> -> memref<80x128xf32, #tpu.memory_space<vmem_shared>>
      %dma_start3A_299 = arith.constant 0 : i32
      %dma_start3A_300 = tpu.memref_slice %arg25[%mul3A_279, %dma_start3A_299] : memref<10240x128xf32, #tpu.memory_space<vmem_shared>> -> memref<80x128xf32, #tpu.memory_space<vmem_shared>>
      tpu.enqueue_dma source(%arg20 : memref<80x128xf32, #tpu.memory_space<vmem>>) target(%dma_start3A_300 : memref<80x128xf32, #tpu.memory_space<vmem_shared>>) target_semaphore(%run_scoped3A : memref<!tpu.dma_semaphore, #tpu.memory_space<semaphore_mem>>)
      %dma_wait3A_301 = arith.constant 0 : i32
      %dma_wait3A_302 = tpu.memref_slice %arg25[%mul3A_279, %dma_wait3A_301] : memref<10240x128xf32, #tpu.memory_space<vmem_shared>> -> memref<80x128xf32, #tpu.memory_space<vmem_shared>>
      %dma_wait3A_303 = arith.constant 0 : i32
      %dma_wait3A_304 = tpu.memref_slice %arg25[%mul3A_279, %dma_wait3A_303] : memref<10240x128xf32, #tpu.memory_space<vmem_shared>> -> memref<80x128xf32, #tpu.memory_space<vmem_shared>>
      tpu.wait_dma2 semaphore(%run_scoped3A : memref<!tpu.dma_semaphore, #tpu.memory_space<semaphore_mem>>) src(%arg20 : memref<80x128xf32, #tpu.memory_space<vmem>>) dst(%dma_wait3A_304 : memref<80x128xf32, #tpu.memory_space<vmem_shared>>)
      tpu.yield
    }) : () -> ()
    %mul3A_280 = arith.constant 640 : i32
    %mul3A_281 = arith.muli %arg1, %mul3A_280 : i32
    "tpu.region"() ({
      %run_scoped3A = tpu.sem_alloc : memref<!tpu.dma_semaphore, #tpu.memory_space<semaphore_mem>>
      %dma_start3A_297 = tpu.memref_slice %arg24[%mul3A_281] : memref<10240xf32, #tpu.memory_space<vmem_shared>> -> memref<640xf32, #tpu.memory_space<vmem_shared>>
      %dma_start3A_298 = tpu.memref_slice %arg24[%mul3A_281] : memref<10240xf32, #tpu.memory_space<vmem_shared>> -> memref<640xf32, #tpu.memory_space<vmem_shared>>
      tpu.enqueue_dma source(%arg8 : memref<640xf32, #tpu.memory_space<vmem>>) target(%dma_start3A_298 : memref<640xf32, #tpu.memory_space<vmem_shared>>) target_semaphore(%run_scoped3A : memref<!tpu.dma_semaphore, #tpu.memory_space<semaphore_mem>>)
      %dma_wait3A_299 = tpu.memref_slice %arg24[%mul3A_281] : memref<10240xf32, #tpu.memory_space<vmem_shared>> -> memref<640xf32, #tpu.memory_space<vmem_shared>>
      %dma_wait3A_300 = tpu.memref_slice %arg24[%mul3A_281] : memref<10240xf32, #tpu.memory_space<vmem_shared>> -> memref<640xf32, #tpu.memory_space<vmem_shared>>
      tpu.wait_dma2 semaphore(%run_scoped3A : memref<!tpu.dma_semaphore, #tpu.memory_space<semaphore_mem>>) src(%arg8 : memref<640xf32, #tpu.memory_space<vmem>>) dst(%dma_wait3A_300 : memref<640xf32, #tpu.memory_space<vmem_shared>>)
      tpu.yield
    }) : () -> ()
    %barrier3A_282 = arith.constant 0 : index
    tpu.barrier barrier_id(%barrier3A_282)
    "tpu.region"() ({
      %run_scoped3A = tpu.sem_alloc : memref<!tpu.dma_semaphore, #tpu.memory_space<semaphore_mem>>
      tpu.enqueue_dma source(%arg24 : memref<10240xf32, #tpu.memory_space<vmem_shared>>) target(%arg7 : memref<10240xf32, #tpu.memory_space<vmem>>) target_semaphore(%run_scoped3A : memref<!tpu.dma_semaphore, #tpu.memory_space<semaphore_mem>>)
      tpu.wait_dma2 semaphore(%run_scoped3A : memref<!tpu.dma_semaphore, #tpu.memory_space<semaphore_mem>>) src(%arg24 : memref<10240xf32, #tpu.memory_space<vmem_shared>>) dst(%arg7 : memref<10240xf32, #tpu.memory_space<vmem>>)
      tpu.yield
    }) : () -> ()
    %mul3A_283 = arith.constant 10000 : i32
    %mul3A_284 = arith.muli %add3A, %mul3A_283 : i32
    %scan3A_285 = arith.constant 0 : i32
    %scan3A_286 = arith.constant 0 : i32
    %scan3A_287 = arith.constant 5 : i32
    %scan3A_288 = arith.addi %scan3A_286, %scan3A_287 : i32
    %scan3A_289 = arith.constant 1 : i32
    %scan3A_290 = scf.for %scan3A_297 = %scan3A_286 to %scan3A_288 step %scan3A_289 iter_args(%scan3A_298 = %scan3A_285) -> (i32)  : i32 {
      %mul3A_299 = arith.constant 2000 : i32
      %mul3A_300 = arith.muli %scan3A_297, %mul3A_299 : i32
      %add3A_301 = arith.addi %mul3A_284, %mul3A_300 : i32
      "tpu.region"() ({
        %run_scoped3A = tpu.sem_alloc : memref<!tpu.dma_semaphore, #tpu.memory_space<semaphore_mem>>
        %dma_start3A_466 = tpu.memref_slice %arg2[%add3A_301] : memref<320000xi32, #tpu.memory_space<hbm>> -> memref<2000xi32, #tpu.memory_space<hbm>>
        %dma_start3A_467 = tpu.memref_slice %arg2[%add3A_301] : memref<320000xi32, #tpu.memory_space<hbm>> -> memref<2000xi32, #tpu.memory_space<hbm>>
        tpu.enqueue_dma source(%dma_start3A_467 : memref<2000xi32, #tpu.memory_space<hbm>>) target(%arg17 : memref<2000xi32, #tpu.memory_space<vmem>>) target_semaphore(%run_scoped3A : memref<!tpu.dma_semaphore, #tpu.memory_space<semaphore_mem>>)
        %dma_wait3A_468 = tpu.memref_slice %arg2[%add3A_301] : memref<320000xi32, #tpu.memory_space<hbm>> -> memref<2000xi32, #tpu.memory_space<hbm>>
        %dma_wait3A_469 = tpu.memref_slice %arg2[%add3A_301] : memref<320000xi32, #tpu.memory_space<hbm>> -> memref<2000xi32, #tpu.memory_space<hbm>>
        tpu.wait_dma2 semaphore(%run_scoped3A : memref<!tpu.dma_semaphore, #tpu.memory_space<semaphore_mem>>) src(%dma_wait3A_469 : memref<2000xi32, #tpu.memory_space<hbm>>) dst(%arg17 : memref<2000xi32, #tpu.memory_space<vmem>>)
        tpu.yield
      }) : () -> ()
      "tpu.region"() ({
        %run_scoped3A = tpu.sem_alloc : memref<!tpu.dma_semaphore, #tpu.memory_space<semaphore_mem>>
        %dma_start3A_466 = tpu.memref_slice %arg3[%add3A_301] : memref<320000xi32, #tpu.memory_space<hbm>> -> memref<2000xi32, #tpu.memory_space<hbm>>
        %dma_start3A_467 = tpu.memref_slice %arg3[%add3A_301] : memref<320000xi32, #tpu.memory_space<hbm>> -> memref<2000xi32, #tpu.memory_space<hbm>>
        tpu.enqueue_dma source(%dma_start3A_467 : memref<2000xi32, #tpu.memory_space<hbm>>) target(%arg18 : memref<2000xi32, #tpu.memory_space<vmem>>) target_semaphore(%run_scoped3A : memref<!tpu.dma_semaphore, #tpu.memory_space<semaphore_mem>>)
        %dma_wait3A_468 = tpu.memref_slice %arg3[%add3A_301] : memref<320000xi32, #tpu.memory_space<hbm>> -> memref<2000xi32, #tpu.memory_space<hbm>>
        %dma_wait3A_469 = tpu.memref_slice %arg3[%add3A_301] : memref<320000xi32, #tpu.memory_space<hbm>> -> memref<2000xi32, #tpu.memory_space<hbm>>
        tpu.wait_dma2 semaphore(%run_scoped3A : memref<!tpu.dma_semaphore, #tpu.memory_space<semaphore_mem>>) src(%dma_wait3A_469 : memref<2000xi32, #tpu.memory_space<hbm>>) dst(%arg18 : memref<2000xi32, #tpu.memory_space<vmem>>)
        tpu.yield
      }) : () -> ()
      "tpu.region"() ({
        %run_scoped3A = tpu.sem_alloc : memref<!tpu.dma_semaphore, #tpu.memory_space<semaphore_mem>>
        %dma_start3A_466 = tpu.memref_slice %arg4[%add3A_301] : memref<320000xf32, #tpu.memory_space<hbm>> -> memref<2000xf32, #tpu.memory_space<hbm>>
        %dma_start3A_467 = tpu.memref_slice %arg4[%add3A_301] : memref<320000xf32, #tpu.memory_space<hbm>> -> memref<2000xf32, #tpu.memory_space<hbm>>
        tpu.enqueue_dma source(%dma_start3A_467 : memref<2000xf32, #tpu.memory_space<hbm>>) target(%arg19 : memref<2000xf32, #tpu.memory_space<vmem>>) target_semaphore(%run_scoped3A : memref<!tpu.dma_semaphore, #tpu.memory_space<semaphore_mem>>)
        %dma_wait3A_468 = tpu.memref_slice %arg4[%add3A_301] : memref<320000xf32, #tpu.memory_space<hbm>> -> memref<2000xf32, #tpu.memory_space<hbm>>
        %dma_wait3A_469 = tpu.memref_slice %arg4[%add3A_301] : memref<320000xf32, #tpu.memory_space<hbm>> -> memref<2000xf32, #tpu.memory_space<hbm>>
        tpu.wait_dma2 semaphore(%run_scoped3A : memref<!tpu.dma_semaphore, #tpu.memory_space<semaphore_mem>>) src(%dma_wait3A_469 : memref<2000xf32, #tpu.memory_space<hbm>>) dst(%arg19 : memref<2000xf32, #tpu.memory_space<vmem>>)
        tpu.yield
      }) : () -> ()
      %get3A = arith.constant 0 : index
      %get3A_302 = tpu.vector_load %arg17[%get3A] {strides = array<i32>} : memref<2000xi32, #tpu.memory_space<vmem>>, vector<16xi32>,
      %swap3A = arith.constant 0 : index
      %swap3A_303 = tpu.vector_load %arg10[%swap3A] {strides = array<i32>} : memref<80xi32, #tpu.memory_space<vmem>>, vector<16xi32>,
      tpu.vector_store %arg10[%swap3A], %get3A_302 {strides = array<i32>} : memref<80xi32, #tpu.memory_space<vmem>>, vector<16xi32>,
      %get3A_304 = arith.constant 16 : index
      %get3A_305 = tpu.vector_load %arg17[%get3A_304] {strides = array<i32>} : memref<2000xi32, #tpu.memory_space<vmem>>, vector<16xi32>,
      %swap3A_306 = arith.constant 16 : index
      %swap3A_307 = tpu.vector_load %arg10[%swap3A_306] {strides = array<i32>} : memref<80xi32, #tpu.memory_space<vmem>>, vector<16xi32>,
      tpu.vector_store %arg10[%swap3A_306], %get3A_305 {strides = array<i32>} : memref<80xi32, #tpu.memory_space<vmem>>, vector<16xi32>,
      %get3A_308 = arith.constant 32 : index
      %get3A_309 = tpu.vector_load %arg17[%get3A_308] {strides = array<i32>} : memref<2000xi32, #tpu.memory_space<vmem>>, vector<16xi32>,
      %swap3A_310 = arith.constant 32 : index
      %swap3A_311 = tpu.vector_load %arg10[%swap3A_310] {strides = array<i32>} : memref<80xi32, #tpu.memory_space<vmem>>, vector<16xi32>,
      tpu.vector_store %arg10[%swap3A_310], %get3A_309 {strides = array<i32>} : memref<80xi32, #tpu.memory_space<vmem>>, vector<16xi32>,
      %get3A_312 = arith.constant 48 : index
      %get3A_313 = tpu.vector_load %arg17[%get3A_312] {strides = array<i32>} : memref<2000xi32, #tpu.memory_space<vmem>>, vector<16xi32>,
      %swap3A_314 = arith.constant 48 : index
      %swap3A_315 = tpu.vector_load %arg10[%swap3A_314] {strides = array<i32>} : memref<80xi32, #tpu.memory_space<vmem>>, vector<16xi32>,
      tpu.vector_store %arg10[%swap3A_314], %get3A_313 {strides = array<i32>} : memref<80xi32, #tpu.memory_space<vmem>>, vector<16xi32>,
      %get3A_316 = arith.constant 64 : index
      %get3A_317 = tpu.vector_load %arg17[%get3A_316] {strides = array<i32>} : memref<2000xi32, #tpu.memory_space<vmem>>, vector<16xi32>,
      %swap3A_318 = arith.constant 64 : index
      %swap3A_319 = tpu.vector_load %arg10[%swap3A_318] {strides = array<i32>} : memref<80xi32, #tpu.memory_space<vmem>>, vector<16xi32>,
      tpu.vector_store %arg10[%swap3A_318], %get3A_317 {strides = array<i32>} : memref<80xi32, #tpu.memory_space<vmem>>, vector<16xi32>,
      %dma_start3A_320 = arith.constant 0 : i32
      %dma_start3A_321 = arith.constant 0 : i32
      %dma_start3A_322 = tpu.memref_slice %arg5[%dma_start3A_320, %dma_start3A_321] : memref<10000x128xf32, #tpu.memory_space<hbm>> -> memref<10000x128xf32, #tpu.memory_space<hbm>>
      tpu.enqueue_indirect_dma source(%dma_start3A_322 : memref<10000x128xf32, #tpu.memory_space<hbm>>) target(%arg20 : memref<80x128xf32, #tpu.memory_space<vmem>>) offsets(%arg10 : memref<80xi32, #tpu.memory_space<vmem>>) semaphore(%arg26 : memref<!tpu.dma_semaphore, #tpu.memory_space<semaphore_mem>>)
      %get3A_323 = arith.constant 80 : index
      %get3A_324 = tpu.vector_load %arg17[%get3A_323] {strides = array<i32>} : memref<2000xi32, #tpu.memory_space<vmem>>, vector<16xi32>,
      %swap3A_325 = arith.constant 0 : index
      %swap3A_326 = tpu.vector_load %arg11[%swap3A_325] {strides = array<i32>} : memref<80xi32, #tpu.memory_space<vmem>>, vector<16xi32>,
      tpu.vector_store %arg11[%swap3A_325], %get3A_324 {strides = array<i32>} : memref<80xi32, #tpu.memory_space<vmem>>, vector<16xi32>,
      %get3A_327 = arith.constant 96 : index
      %get3A_328 = tpu.vector_load %arg17[%get3A_327] {strides = array<i32>} : memref<2000xi32, #tpu.memory_space<vmem>>, vector<16xi32>,
      %swap3A_329 = arith.constant 16 : index
      %swap3A_330 = tpu.vector_load %arg11[%swap3A_329] {strides = array<i32>} : memref<80xi32, #tpu.memory_space<vmem>>, vector<16xi32>,
      tpu.vector_store %arg11[%swap3A_329], %get3A_328 {strides = array<i32>} : memref<80xi32, #tpu.memory_space<vmem>>, vector<16xi32>,
      %get3A_331 = arith.constant 112 : index
      %get3A_332 = tpu.vector_load %arg17[%get3A_331] {strides = array<i32>} : memref<2000xi32, #tpu.memory_space<vmem>>, vector<16xi32>,
      %swap3A_333 = arith.constant 32 : index
      %swap3A_334 = tpu.vector_load %arg11[%swap3A_333] {strides = array<i32>} : memref<80xi32, #tpu.memory_space<vmem>>, vector<16xi32>,
      tpu.vector_store %arg11[%swap3A_333], %get3A_332 {strides = array<i32>} : memref<80xi32, #tpu.memory_space<vmem>>, vector<16xi32>,
      %get3A_335 = arith.constant 128 : index
      %get3A_336 = tpu.vector_load %arg17[%get3A_335] {strides = array<i32>} : memref<2000xi32, #tpu.memory_space<vmem>>, vector<16xi32>,
      %swap3A_337 = arith.constant 48 : index
      %swap3A_338 = tpu.vector_load %arg11[%swap3A_337] {strides = array<i32>} : memref<80xi32, #tpu.memory_space<vmem>>, vector<16xi32>,
      tpu.vector_store %arg11[%swap3A_337], %get3A_336 {strides = array<i32>} : memref<80xi32, #tpu.memory_space<vmem>>, vector<16xi32>,
      %get3A_339 = arith.constant 144 : index
      %get3A_340 = tpu.vector_load %arg17[%get3A_339] {strides = array<i32>} : memref<2000xi32, #tpu.memory_space<vmem>>, vector<16xi32>,
      %swap3A_341 = arith.constant 64 : index
      %swap3A_342 = tpu.vector_load %arg11[%swap3A_341] {strides = array<i32>} : memref<80xi32, #tpu.memory_space<vmem>>, vector<16xi32>,
      tpu.vector_store %arg11[%swap3A_341], %get3A_340 {strides = array<i32>} : memref<80xi32, #tpu.memory_space<vmem>>, vector<16xi32>,
      %dma_start3A_343 = arith.constant 0 : i32
      %dma_start3A_344 = arith.constant 0 : i32
      %dma_start3A_345 = tpu.memref_slice %arg5[%dma_start3A_343, %dma_start3A_344] : memref<10000x128xf32, #tpu.memory_space<hbm>> -> memref<10000x128xf32, #tpu.memory_space<hbm>>
      tpu.enqueue_indirect_dma source(%dma_start3A_345 : memref<10000x128xf32, #tpu.memory_space<hbm>>) target(%arg21 : memref<80x128xf32, #tpu.memory_space<vmem>>) offsets(%arg11 : memref<80xi32, #tpu.memory_space<vmem>>) semaphore(%arg27 : memref<!tpu.dma_semaphore, #tpu.memory_space<semaphore_mem>>)
      %dma_wait3A_346 = arith.constant 0 : i32
      %dma_wait3A_347 = arith.constant 0 : i32
      %dma_wait3A_348 = tpu.memref_slice %arg5[%dma_wait3A_346, %dma_wait3A_347] : memref<10000x128xf32, #tpu.memory_space<hbm>> -> memref<10000x128xf32, #tpu.memory_space<hbm>>
      tpu.wait_indirect_dma semaphore(%arg26 : memref<!tpu.dma_semaphore, #tpu.memory_space<semaphore_mem>>) src(%dma_wait3A_348 : memref<10000x128xf32, #tpu.memory_space<hbm>>) dst(%arg20 : memref<80x128xf32, #tpu.memory_space<vmem>>)
      %get3A_349 = arith.constant 0 : index
      %get3A_350 = tpu.vector_load %arg17[%get3A_349] {strides = array<i32>} : memref<2000xi32, #tpu.memory_space<vmem>>, vector<16xi32>,
      %get3A_351 = arith.constant 0 : index
      %get3A_352 = tpu.vector_load %arg18[%get3A_351] {strides = array<i32>} : memref<2000xi32, #tpu.memory_space<vmem>>, vector<16xi32>,
      %get3A_353 = arith.constant 0 : index
      %get3A_354 = tpu.vector_load %arg19[%get3A_353] {strides = array<i32>} : memref<2000xf32, #tpu.memory_space<vmem>>, vector<16xf32>,
      %gather3A = tpu.vector_load_idx %arg7[%get3A_350] : memref<10240xf32, #tpu.memory_space<vmem>>[vector<16xi32>], vector<16xf32>,
      %gather3A_355 = tpu.vector_load_idx %arg7[%get3A_352] : memref<10240xf32, #tpu.memory_space<vmem>>[vector<16xi32>], vector<16xf32>,
      %mul3A_356 = arith.mulf %gather3A, %get3A_354 : vector<16xf32>
      %mul3A_357 = arith.mulf %mul3A_356, %gather3A_355 : vector<16xf32>
      %swap3A_358 = arith.constant 0 : index
      %swap3A_359 = tpu.vector_load %arg9[%swap3A_358] {strides = array<i32>} : memref<80xf32, #tpu.memory_space<vmem>>, vector<16xf32>,
      tpu.vector_store %arg9[%swap3A_358], %mul3A_357 {strides = array<i32>} : memref<80xf32, #tpu.memory_space<vmem>>, vector<16xf32>,
      %get3A_360 = arith.constant 16 : index
      %get3A_361 = tpu.vector_load %arg17[%get3A_360] {strides = array<i32>} : memref<2000xi32, #tpu.memory_space<vmem>>, vector<16xi32>,
      %get3A_362 = arith.constant 16 : index
      %get3A_363 = tpu.vector_load %arg18[%get3A_362] {strides = array<i32>} : memref<2000xi32, #tpu.memory_space<vmem>>, vector<16xi32>,
      %get3A_364 = arith.constant 16 : index
      %get3A_365 = tpu.vector_load %arg19[%get3A_364] {strides = array<i32>} : memref<2000xf32, #tpu.memory_space<vmem>>, vector<16xf32>,
      %gather3A_366 = tpu.vector_load_idx %arg7[%get3A_361] : memref<10240xf32, #tpu.memory_space<vmem>>[vector<16xi32>], vector<16xf32>,
      %gather3A_367 = tpu.vector_load_idx %arg7[%get3A_363] : memref<10240xf32, #tpu.memory_space<vmem>>[vector<16xi32>], vector<16xf32>,
      %mul3A_368 = arith.mulf %gather3A_366, %get3A_365 : vector<16xf32>
      %mul3A_369 = arith.mulf %mul3A_368, %gather3A_367 : vector<16xf32>
      %swap3A_370 = arith.constant 16 : index
      %swap3A_371 = tpu.vector_load %arg9[%swap3A_370] {strides = array<i32>} : memref<80xf32, #tpu.memory_space<vmem>>, vector<16xf32>,
      tpu.vector_store %arg9[%swap3A_370], %mul3A_369 {strides = array<i32>} : memref<80xf32, #tpu.memory_space<vmem>>, vector<16xf32>,
      %get3A_372 = arith.constant 32 : index
      %get3A_373 = tpu.vector_load %arg17[%get3A_372] {strides = array<i32>} : memref<2000xi32, #tpu.memory_space<vmem>>, vector<16xi32>,
      %get3A_374 = arith.constant 32 : index
      %get3A_375 = tpu.vector_load %arg18[%get3A_374] {strides = array<i32>} : memref<2000xi32, #tpu.memory_space<vmem>>, vector<16xi32>,
      %get3A_376 = arith.constant 32 : index
      %get3A_377 = tpu.vector_load %arg19[%get3A_376] {strides = array<i32>} : memref<2000xf32, #tpu.memory_space<vmem>>, vector<16xf32>,
      %gather3A_378 = tpu.vector_load_idx %arg7[%get3A_373] : memref<10240xf32, #tpu.memory_space<vmem>>[vector<16xi32>], vector<16xf32>,
      %gather3A_379 = tpu.vector_load_idx %arg7[%get3A_375] : memref<10240xf32, #tpu.memory_space<vmem>>[vector<16xi32>], vector<16xf32>,
      %mul3A_380 = arith.mulf %gather3A_378, %get3A_377 : vector<16xf32>
      %mul3A_381 = arith.mulf %mul3A_380, %gather3A_379 : vector<16xf32>
      %swap3A_382 = arith.constant 32 : index
      %swap3A_383 = tpu.vector_load %arg9[%swap3A_382] {strides = array<i32>} : memref<80xf32, #tpu.memory_space<vmem>>, vector<16xf32>,
      tpu.vector_store %arg9[%swap3A_382], %mul3A_381 {strides = array<i32>} : memref<80xf32, #tpu.memory_space<vmem>>, vector<16xf32>,
      %get3A_384 = arith.constant 48 : index
      %get3A_385 = tpu.vector_load %arg17[%get3A_384] {strides = array<i32>} : memref<2000xi32, #tpu.memory_space<vmem>>, vector<16xi32>,
      %get3A_386 = arith.constant 48 : index
      %get3A_387 = tpu.vector_load %arg18[%get3A_386] {strides = array<i32>} : memref<2000xi32, #tpu.memory_space<vmem>>, vector<16xi32>,
      %get3A_388 = arith.constant 48 : index
      %get3A_389 = tpu.vector_load %arg19[%get3A_388] {strides = array<i32>} : memref<2000xf32, #tpu.memory_space<vmem>>, vector<16xf32>,
      %gather3A_390 = tpu.vector_load_idx %arg7[%get3A_385] : memref<10240xf32, #tpu.memory_space<vmem>>[vector<16xi32>], vector<16xf32>,
      %gather3A_391 = tpu.vector_load_idx %arg7[%get3A_387] : memref<10240xf32, #tpu.memory_space<vmem>>[vector<16xi32>], vector<16xf32>,
      %mul3A_392 = arith.mulf %gather3A_390, %get3A_389 : vector<16xf32>
      %mul3A_393 = arith.mulf %mul3A_392, %gather3A_391 : vector<16xf32>
      %swap3A_394 = arith.constant 48 : index
      %swap3A_395 = tpu.vector_load %arg9[%swap3A_394] {strides = array<i32>} : memref<80xf32, #tpu.memory_space<vmem>>, vector<16xf32>,
      tpu.vector_store %arg9[%swap3A_394], %mul3A_393 {strides = array<i32>} : memref<80xf32, #tpu.memory_space<vmem>>, vector<16xf32>,
      %get3A_396 = arith.constant 64 : index
      %get3A_397 = tpu.vector_load %arg17[%get3A_396] {strides = array<i32>} : memref<2000xi32, #tpu.memory_space<vmem>>, vector<16xi32>,
      %get3A_398 = arith.constant 64 : index
      %get3A_399 = tpu.vector_load %arg18[%get3A_398] {strides = array<i32>} : memref<2000xi32, #tpu.memory_space<vmem>>, vector<16xi32>,
      %get3A_400 = arith.constant 64 : index
      %get3A_401 = tpu.vector_load %arg19[%get3A_400] {strides = array<i32>} : memref<2000xf32, #tpu.memory_space<vmem>>, vector<16xf32>,
      %gather3A_402 = tpu.vector_load_idx %arg7[%get3A_397] : memref<10240xf32, #tpu.memory_space<vmem>>[vector<16xi32>], vector<16xf32>,
      %gather3A_403 = tpu.vector_load_idx %arg7[%get3A_399] : memref<10240xf32, #tpu.memory_space<vmem>>[vector<16xi32>], vector<16xf32>,
      %mul3A_404 = arith.mulf %gather3A_402, %get3A_401 : vector<16xf32>
      %mul3A_405 = arith.mulf %mul3A_404, %gather3A_403 : vector<16xf32>
      %swap3A_406 = arith.constant 64 : index
      %swap3A_407 = tpu.vector_load %arg9[%swap3A_406] {strides = array<i32>} : memref<80xf32, #tpu.memory_space<vmem>>, vector<16xf32>,
      tpu.vector_store %arg9[%swap3A_406], %mul3A_405 {strides = array<i32>} : memref<80xf32, #tpu.memory_space<vmem>>, vector<16xf32>,
      %scan3A_408 = arith.constant 0 : i32
      %scan3A_409 = arith.constant 0 : i32
      %scan3A_410 = arith.constant 40 : i32
      %scan3A_411 = arith.addi %scan3A_409, %scan3A_410 : i32
      %scan3A_412 = arith.constant 1 : i32
      %scan3A_413 = scf.for %scan3A_466 = %scan3A_409 to %scan3A_411 step %scan3A_412 iter_args(%scan3A_467 = %scan3A_408) -> (i32)  : i32 {
        %mul3A_468 = arith.constant 2 : i32
        %mul3A_469 = arith.muli %mul3A_468, %scan3A_466 : i32
        %add3A_470 = arith.constant 0 : i32
        %add3A_471 = arith.addi %mul3A_469, %add3A_470 : i32
        %broadcast_in_dim3A = vector.broadcast %add3A_471 : i32 to vector<16xi32>
        %gather3A_472 = tpu.vector_load_idx %arg9[%broadcast_in_dim3A] : memref<80xf32, #tpu.memory_space<vmem>>[vector<16xi32>], vector<16xf32>,
        %get3A_473 = arith.index_cast %add3A_471 : i32 to index
        %get3A_474 = arith.constant 0 : index
        %get3A_475 = tpu.vector_load %arg20[%get3A_473, %get3A_474] {strides = array<i32>} : memref<80x128xf32, #tpu.memory_space<vmem>>, vector<16xf32>,
        %mul3A_476 = arith.mulf %get3A_475, %gather3A_472 : vector<16xf32>
        %swap3A_477 = arith.index_cast %add3A_471 : i32 to index
        %swap3A_478 = arith.constant 0 : index
        %swap3A_479 = tpu.vector_load %arg20[%swap3A_477, %swap3A_478] {strides = array<i32>} : memref<80x128xf32, #tpu.memory_space<vmem>>, vector<16xf32>,
        tpu.vector_store %arg20[%swap3A_477, %swap3A_478], %mul3A_476 {strides = array<i32>} : memref<80x128xf32, #tpu.memory_space<vmem>>, vector<16xf32>,
        %get3A_480 = arith.index_cast %add3A_471 : i32 to index
        %get3A_481 = arith.constant 16 : index
        %get3A_482 = tpu.vector_load %arg20[%get3A_480, %get3A_481] {strides = array<i32>} : memref<80x128xf32, #tpu.memory_space<vmem>>, vector<16xf32>,
        %mul3A_483 = arith.mulf %get3A_482, %gather3A_472 : vector<16xf32>
        %swap3A_484 = arith.index_cast %add3A_471 : i32 to index
        %swap3A_485 = arith.constant 16 : index
        %swap3A_486 = tpu.vector_load %arg20[%swap3A_484, %swap3A_485] {strides = array<i32>} : memref<80x128xf32, #tpu.memory_space<vmem>>, vector<16xf32>,
        tpu.vector_store %arg20[%swap3A_484, %swap3A_485], %mul3A_483 {strides = array<i32>} : memref<80x128xf32, #tpu.memory_space<vmem>>, vector<16xf32>,
        %get3A_487 = arith.index_cast %add3A_471 : i32 to index
        %get3A_488 = arith.constant 32 : index
        %get3A_489 = tpu.vector_load %arg20[%get3A_487, %get3A_488] {strides = array<i32>} : memref<80x128xf32, #tpu.memory_space<vmem>>, vector<16xf32>,
        %mul3A_490 = arith.mulf %get3A_489, %gather3A_472 : vector<16xf32>
        %swap3A_491 = arith.index_cast %add3A_471 : i32 to index
        %swap3A_492 = arith.constant 32 : index
        %swap3A_493 = tpu.vector_load %arg20[%swap3A_491, %swap3A_492] {strides = array<i32>} : memref<80x128xf32, #tpu.memory_space<vmem>>, vector<16xf32>,
        tpu.vector_store %arg20[%swap3A_491, %swap3A_492], %mul3A_490 {strides = array<i32>} : memref<80x128xf32, #tpu.memory_space<vmem>>, vector<16xf32>,
        %get3A_494 = arith.index_cast %add3A_471 : i32 to index
        %get3A_495 = arith.constant 48 : index
        %get3A_496 = tpu.vector_load %arg20[%get3A_494, %get3A_495] {strides = array<i32>} : memref<80x128xf32, #tpu.memory_space<vmem>>, vector<16xf32>,
        %mul3A_497 = arith.mulf %get3A_496, %gather3A_472 : vector<16xf32>
        %swap3A_498 = arith.index_cast %add3A_471 : i32 to index
        %swap3A_499 = arith.constant 48 : index
        %swap3A_500 = tpu.vector_load %arg20[%swap3A_498, %swap3A_499] {strides = array<i32>} : memref<80x128xf32, #tpu.memory_space<vmem>>, vector<16xf32>,
        tpu.vector_store %arg20[%swap3A_498, %swap3A_499], %mul3A_497 {strides = array<i32>} : memref<80x128xf32, #tpu.memory_space<vmem>>, vector<16xf32>,
        %get3A_501 = arith.index_cast %add3A_471 : i32 to index
        %get3A_502 = arith.constant 64 : index
        %get3A_503 = tpu.vector_load %arg20[%get3A_501, %get3A_502] {strides = array<i32>} : memref<80x128xf32, #tpu.memory_space<vmem>>, vector<16xf32>,
        %mul3A_504 = arith.mulf %get3A_503, %gather3A_472 : vector<16xf32>
        %swap3A_505 = arith.index_cast %add3A_471 : i32 to index
        %swap3A_506 = arith.constant 64 : index
        %swap3A_507 = tpu.vector_load %arg20[%swap3A_505, %swap3A_506] {strides = array<i32>} : memref<80x128xf32, #tpu.memory_space<vmem>>, vector<16xf32>,
        tpu.vector_store %arg20[%swap3A_505, %swap3A_506], %mul3A_504 {strides = array<i32>} : memref<80x128xf32, #tpu.memory_space<vmem>>, vector<16xf32>,
        %get3A_508 = arith.index_cast %add3A_471 : i32 to index
        %get3A_509 = arith.constant 80 : index
        %get3A_510 = tpu.vector_load %arg20[%get3A_508, %get3A_509] {strides = array<i32>} : memref<80x128xf32, #tpu.memory_space<vmem>>, vector<16xf32>,
        %mul3A_511 = arith.mulf %get3A_510, %gather3A_472 : vector<16xf32>
        %swap3A_512 = arith.index_cast %add3A_471 : i32 to index
        %swap3A_513 = arith.constant 80 : index
        %swap3A_514 = tpu.vector_load %arg20[%swap3A_512, %swap3A_513] {strides = array<i32>} : memref<80x128xf32, #tpu.memory_space<vmem>>, vector<16xf32>,
        tpu.vector_store %arg20[%swap3A_512, %swap3A_513], %mul3A_511 {strides = array<i32>} : memref<80x128xf32, #tpu.memory_space<vmem>>, vector<16xf32>,
        %get3A_515 = arith.index_cast %add3A_471 : i32 to index
        %get3A_516 = arith.constant 96 : index
        %get3A_517 = tpu.vector_load %arg20[%get3A_515, %get3A_516] {strides = array<i32>} : memref<80x128xf32, #tpu.memory_space<vmem>>, vector<16xf32>,
        %mul3A_518 = arith.mulf %get3A_517, %gather3A_472 : vector<16xf32>
        %swap3A_519 = arith.index_cast %add3A_471 : i32 to index
        %swap3A_520 = arith.constant 96 : index
        %swap3A_521 = tpu.vector_load %arg20[%swap3A_519, %swap3A_520] {strides = array<i32>} : memref<80x128xf32, #tpu.memory_space<vmem>>, vector<16xf32>,
        tpu.vector_store %arg20[%swap3A_519, %swap3A_520], %mul3A_518 {strides = array<i32>} : memref<80x128xf32, #tpu.memory_space<vmem>>, vector<16xf32>,
        %get3A_522 = arith.index_cast %add3A_471 : i32 to index
        %get3A_523 = arith.constant 112 : index
        %get3A_524 = tpu.vector_load %arg20[%get3A_522, %get3A_523] {strides = array<i32>} : memref<80x128xf32, #tpu.memory_space<vmem>>, vector<16xf32>,
        %mul3A_525 = arith.mulf %get3A_524, %gather3A_472 : vector<16xf32>
        %swap3A_526 = arith.index_cast %add3A_471 : i32 to index
        %swap3A_527 = arith.constant 112 : index
        %swap3A_528 = tpu.vector_load %arg20[%swap3A_526, %swap3A_527] {strides = array<i32>} : memref<80x128xf32, #tpu.memory_space<vmem>>, vector<16xf32>,
        tpu.vector_store %arg20[%swap3A_526, %swap3A_527], %mul3A_525 {strides = array<i32>} : memref<80x128xf32, #tpu.memory_space<vmem>>, vector<16xf32>,
        %mul3A_529 = arith.constant 2 : i32
        %mul3A_530 = arith.muli %mul3A_529, %scan3A_466 : i32
        %add3A_531 = arith.constant 1 : i32
        %add3A_532 = arith.addi %mul3A_530, %add3A_531 : i32
        %broadcast_in_dim3A_533 = vector.broadcast %add3A_532 : i32 to vector<16xi32>
        %gather3A_534 = tpu.vector_load_idx %arg9[%broadcast_in_dim3A_533] : memref<80xf32, #tpu.memory_space<vmem>>[vector<16xi32>], vector<16xf32>,
        %get3A_535 = arith.index_cast %add3A_532 : i32 to index
        %get3A_536 = arith.constant 0 : index
        %get3A_537 = tpu.vector_load %arg20[%get3A_535, %get3A_536] {strides = array<i32>} : memref<80x128xf32, #tpu.memory_space<vmem>>, vector<16xf32>,
        %mul3A_538 = arith.mulf %get3A_537, %gather3A_534 : vector<16xf32>
        %swap3A_539 = arith.index_cast %add3A_532 : i32 to index
        %swap3A_540 = arith.constant 0 : index
        %swap3A_541 = tpu.vector_load %arg20[%swap3A_539, %swap3A_540] {strides = array<i32>} : memref<80x128xf32, #tpu.memory_space<vmem>>, vector<16xf32>,
        tpu.vector_store %arg20[%swap3A_539, %swap3A_540], %mul3A_538 {strides = array<i32>} : memref<80x128xf32, #tpu.memory_space<vmem>>, vector<16xf32>,
        %get3A_542 = arith.index_cast %add3A_532 : i32 to index
        %get3A_543 = arith.constant 16 : index
        %get3A_544 = tpu.vector_load %arg20[%get3A_542, %get3A_543] {strides = array<i32>} : memref<80x128xf32, #tpu.memory_space<vmem>>, vector<16xf32>,
        %mul3A_545 = arith.mulf %get3A_544, %gather3A_534 : vector<16xf32>
        %swap3A_546 = arith.index_cast %add3A_532 : i32 to index
        %swap3A_547 = arith.constant 16 : index
        %swap3A_548 = tpu.vector_load %arg20[%swap3A_546, %swap3A_547] {strides = array<i32>} : memref<80x128xf32, #tpu.memory_space<vmem>>, vector<16xf32>,
        tpu.vector_store %arg20[%swap3A_546, %swap3A_547], %mul3A_545 {strides = array<i32>} : memref<80x128xf32, #tpu.memory_space<vmem>>, vector<16xf32>,
        %get3A_549 = arith.index_cast %add3A_532 : i32 to index
        %get3A_550 = arith.constant 32 : index
        %get3A_551 = tpu.vector_load %arg20[%get3A_549, %get3A_550] {strides = array<i32>} : memref<80x128xf32, #tpu.memory_space<vmem>>, vector<16xf32>,
        %mul3A_552 = arith.mulf %get3A_551, %gather3A_534 : vector<16xf32>
        %swap3A_553 = arith.index_cast %add3A_532 : i32 to index
        %swap3A_554 = arith.constant 32 : index
        %swap3A_555 = tpu.vector_load %arg20[%swap3A_553, %swap3A_554] {strides = array<i32>} : memref<80x128xf32, #tpu.memory_space<vmem>>, vector<16xf32>,
        tpu.vector_store %arg20[%swap3A_553, %swap3A_554], %mul3A_552 {strides = array<i32>} : memref<80x128xf32, #tpu.memory_space<vmem>>, vector<16xf32>,
        %get3A_556 = arith.index_cast %add3A_532 : i32 to index
        %get3A_557 = arith.constant 48 : index
        %get3A_558 = tpu.vector_load %arg20[%get3A_556, %get3A_557] {strides = array<i32>} : memref<80x128xf32, #tpu.memory_space<vmem>>, vector<16xf32>,
        %mul3A_559 = arith.mulf %get3A_558, %gather3A_534 : vector<16xf32>
        %swap3A_560 = arith.index_cast %add3A_532 : i32 to index
        %swap3A_561 = arith.constant 48 : index
        %swap3A_562 = tpu.vector_load %arg20[%swap3A_560, %swap3A_561] {strides = array<i32>} : memref<80x128xf32, #tpu.memory_space<vmem>>, vector<16xf32>,
        tpu.vector_store %arg20[%swap3A_560, %swap3A_561], %mul3A_559 {strides = array<i32>} : memref<80x128xf32, #tpu.memory_space<vmem>>, vector<16xf32>,
        %get3A_563 = arith.index_cast %add3A_532 : i32 to index
        %get3A_564 = arith.constant 64 : index
        %get3A_565 = tpu.vector_load %arg20[%get3A_563, %get3A_564] {strides = array<i32>} : memref<80x128xf32, #tpu.memory_space<vmem>>, vector<16xf32>,
        %mul3A_566 = arith.mulf %get3A_565, %gather3A_534 : vector<16xf32>
        %swap3A_567 = arith.index_cast %add3A_532 : i32 to index
        %swap3A_568 = arith.constant 64 : index
        %swap3A_569 = tpu.vector_load %arg20[%swap3A_567, %swap3A_568] {strides = array<i32>} : memref<80x128xf32, #tpu.memory_space<vmem>>, vector<16xf32>,
        tpu.vector_store %arg20[%swap3A_567, %swap3A_568], %mul3A_566 {strides = array<i32>} : memref<80x128xf32, #tpu.memory_space<vmem>>, vector<16xf32>,
        %get3A_570 = arith.index_cast %add3A_532 : i32 to index
        %get3A_571 = arith.constant 80 : index
        %get3A_572 = tpu.vector_load %arg20[%get3A_570, %get3A_571] {strides = array<i32>} : memref<80x128xf32, #tpu.memory_space<vmem>>, vector<16xf32>,
        %mul3A_573 = arith.mulf %get3A_572, %gather3A_534 : vector<16xf32>
        %swap3A_574 = arith.index_cast %add3A_532 : i32 to index
        %swap3A_575 = arith.constant 80 : index
        %swap3A_576 = tpu.vector_load %arg20[%swap3A_574, %swap3A_575] {strides = array<i32>} : memref<80x128xf32, #tpu.memory_space<vmem>>, vector<16xf32>,
        tpu.vector_store %arg20[%swap3A_574, %swap3A_575], %mul3A_573 {strides = array<i32>} : memref<80x128xf32, #tpu.memory_space<vmem>>, vector<16xf32>,
        %get3A_577 = arith.index_cast %add3A_532 : i32 to index
        %get3A_578 = arith.constant 96 : index
        %get3A_579 = tpu.vector_load %arg20[%get3A_577, %get3A_578] {strides = array<i32>} : memref<80x128xf32, #tpu.memory_space<vmem>>, vector<16xf32>,
        %mul3A_580 = arith.mulf %get3A_579, %gather3A_534 : vector<16xf32>
        %swap3A_581 = arith.index_cast %add3A_532 : i32 to index
        %swap3A_582 = arith.constant 96 : index
        %swap3A_583 = tpu.vector_load %arg20[%swap3A_581, %swap3A_582] {strides = array<i32>} : memref<80x128xf32, #tpu.memory_space<vmem>>, vector<16xf32>,
        tpu.vector_store %arg20[%swap3A_581, %swap3A_582], %mul3A_580 {strides = array<i32>} : memref<80x128xf32, #tpu.memory_space<vmem>>, vector<16xf32>,
        %get3A_584 = arith.index_cast %add3A_532 : i32 to index
        %get3A_585 = arith.constant 112 : index
        %get3A_586 = tpu.vector_load %arg20[%get3A_584, %get3A_585] {strides = array<i32>} : memref<80x128xf32, #tpu.memory_space<vmem>>, vector<16xf32>,
        %mul3A_587 = arith.mulf %get3A_586, %gather3A_534 : vector<16xf32>
        %swap3A_588 = arith.index_cast %add3A_532 : i32 to index
        %swap3A_589 = arith.constant 112 : index
        %swap3A_590 = tpu.vector_load %arg20[%swap3A_588, %swap3A_589] {strides = array<i32>} : memref<80x128xf32, #tpu.memory_space<vmem>>, vector<16xf32>,
        tpu.vector_store %arg20[%swap3A_588, %swap3A_589], %mul3A_587 {strides = array<i32>} : memref<80x128xf32, #tpu.memory_space<vmem>>, vector<16xf32>,
        %scan3A_591 = arith.constant 0 : i32
        scf.yield %scan3A_591 : i32
      }
      %scan3A_414 = arith.constant 40 : i32
      %get3A_415 = arith.constant 0 : index
      %get3A_416 = tpu.vector_load %arg18[%get3A_415] {strides = array<i32>} : memref<2000xi32, #tpu.memory_space<vmem>>, vector<16xi32>,
      %swap3A_417 = arith.constant 0 : index
      %swap3A_418 = tpu.vector_load %arg12[%swap3A_417] {strides = array<i32>} : memref<80xi32, #tpu.memory_space<vmem>>, vector<16xi32>,
      tpu.vector_store %arg12[%swap3A_417], %get3A_416 {strides = array<i32>} : memref<80xi32, #tpu.memory_space<vmem>>, vector<16xi32>,
      %get3A_419 = arith.constant 16 : index
      %get3A_420 = tpu.vector_load %arg18[%get3A_419] {strides = array<i32>} : memref<2000xi32, #tpu.memory_space<vmem>>, vector<16xi32>,
      %swap3A_421 = arith.constant 16 : index
      %swap3A_422 = tpu.vector_load %arg12[%swap3A_421] {strides = array<i32>} : memref<80xi32, #tpu.memory_space<vmem>>, vector<16xi32>,
      tpu.vector_store %arg12[%swap3A_421], %get3A_420 {strides = array<i32>} : memref<80xi32, #tpu.memory_space<vmem>>, vector<16xi32>,
      %get3A_423 = arith.constant 32 : index
      %get3A_424 = tpu.vector_load %arg18[%get3A_423] {strides = array<i32>} : memref<2000xi32, #tpu.memory_space<vmem>>, vector<16xi32>,
      %swap3A_425 = arith.constant 32 : index
      %swap3A_426 = tpu.vector_load %arg12[%swap3A_425] {strides = array<i32>} : memref<80xi32, #tpu.memory_space<vmem>>, vector<16xi32>,
      tpu.vector_store %arg12[%swap3A_425], %get3A_424 {strides = array<i32>} : memref<80xi32, #tpu.memory_space<vmem>>, vector<16xi32>,
      %get3A_427 = arith.constant 48 : index
      %get3A_428 = tpu.vector_load %arg18[%get3A_427] {strides = array<i32>} : memref<2000xi32, #tpu.memory_space<vmem>>, vector<16xi32>,
      %swap3A_429 = arith.constant 48 : index
      %swap3A_430 = tpu.vector_load %arg12[%swap3A_429] {strides = array<i32>} : memref<80xi32, #tpu.memory_space<vmem>>, vector<16xi32>,
      tpu.vector_store %arg12[%swap3A_429], %get3A_428 {strides = array<i32>} : memref<80xi32, #tpu.memory_space<vmem>>, vector<16xi32>,
      %get3A_431 = arith.constant 64 : index
      %get3A_432 = tpu.vector_load %arg18[%get3A_431] {strides = array<i32>} : memref<2000xi32, #tpu.memory_space<vmem>>, vector<16xi32>,
      %swap3A_433 = arith.constant 64 : index
      %swap3A_434 = tpu.vector_load %arg12[%swap3A_433] {strides = array<i32>} : memref<80xi32, #tpu.memory_space<vmem>>, vector<16xi32>,
      tpu.vector_store %arg12[%swap3A_433], %get3A_432 {strides = array<i32>} : memref<80xi32, #tpu.memory_space<vmem>>, vector<16xi32>,
      "tpu.region"() ({
        %run_scoped3A = tpu.sem_alloc : memref<!tpu.dma_semaphore, #tpu.memory_space<semaphore_mem>>
        %dma_start3A_466 = arith.constant 0 : i32
        %dma_start3A_467 = arith.constant 0 : i32
        %dma_start3A_468 = tpu.memref_slice %arg25[%dma_start3A_466, %dma_start3A_467] : memref<10240x128xf32, #tpu.memory_space<vmem_shared>> -> memref<10240x128xf32, #tpu.memory_space<vmem_shared>>
        tpu.enqueue_indirect_dma source(%arg20 : memref<80x128xf32, #tpu.memory_space<vmem>>) target(%dma_start3A_468 : memref<10240x128xf32, #tpu.memory_space<vmem_shared>>) offsets(%arg12 : memref<80xi32, #tpu.memory_space<vmem>>) semaphore(%run_scoped3A : memref<!tpu.dma_semaphore, #tpu.memory_space<semaphore_mem>>) {add = true}
        %dma_wait3A_469 = arith.constant 0 : i32
        %dma_wait3A_470 = arith.constant 0 : i32
        %dma_wait3A_471 = tpu.memref_slice %arg25[%dma_wait3A_469, %dma_wait3A_470] : memref<10240x128xf32, #tpu.memory_space<vmem_shared>> -> memref<10240x128xf32, #tpu.memory_space<vmem_shared>>
        tpu.wait_indirect_dma semaphore(%run_scoped3A : memref<!tpu.dma_semaphore, #tpu.memory_space<semaphore_mem>>) src(%arg20 : memref<80x128xf32, #tpu.memory_space<vmem>>) dst(%dma_wait3A_471 : memref<10240x128xf32, #tpu.memory_space<vmem_shared>>)
        tpu.yield
      }) : () -> ()
      %get3A_435 = arith.constant 160 : index
      %get3A_436 = tpu.vector_load %arg17[%get3A_435] {strides = array<i32>} : memref<2000xi32, #tpu.memory_space<vmem>>, vector<16xi32>,
      %swap3A_437 = arith.constant 0 : index
      %swap3A_438 = tpu.vector_load %arg10[%swap3A_437] {strides = array<i32>} : memref<80xi32, #tpu.memory_space<vmem>>, vector<16xi32>,
      tpu.vector_store %arg10[%swap3A_437], %get3A_436 {strides = array<i32>} : memref<80xi32, #tpu.memory_space<vmem>>, vector<16xi32>,
      %get3A_439 = arith.constant 176 : index
      %get3A_440 = tpu.vector_load %arg17[%get3A_439] {strides = array<i32>} : memref<2000xi32, #tpu.memory_space<vmem>>, vector<16xi32>,
      %swap3A_441 = arith.constant 16 : index
      %swap3A_442 = tpu.vector_load %arg10[%swap3A_441] {strides = array<i32>} : memref<80xi32, #tpu.memory_space<vmem>>, vector<16xi32>,
      tpu.vector_store %arg10[%swap3A_441], %get3A_440 {strides = array<i32>} : memref<80xi32, #tpu.memory_space<vmem>>, vector<16xi32>,
      %get3A_443 = arith.constant 192 : index
      %get3A_444 = tpu.vector_load %arg17[%get3A_443] {strides = array<i32>} : memref<2000xi32, #tpu.memory_space<vmem>>, vector<16xi32>,
      %swap3A_445 = arith.constant 32 : index
      %swap3A_446 = tpu.vector_load %arg10[%swap3A_445] {strides = array<i32>} : memref<80xi32, #tpu.memory_space<vmem>>, vector<16xi32>,
      tpu.vector_store %arg10[%swap3A_445], %get3A_444 {strides = array<i32>} : memref<80xi32, #tpu.memory_space<vmem>>, vector<16xi32>,
      %get3A_447 = arith.constant 208 : index
      %get3A_448 = tpu.vector_load %arg17[%get3A_447] {strides = array<i32>} : memref<2000xi32, #tpu.memory_space<vmem>>, vector<16xi32>,
      %swap3A_449 = arith.constant 48 : index
      %swap3A_450 = tpu.vector_load %arg10[%swap3A_449] {strides = array<i32>} : memref<80xi32, #tpu.memory_space<vmem>>, vector<16xi32>,
      tpu.vector_store %arg10[%swap3A_449], %get3A_448 {strides = array<i32>} : memref<80xi32, #tpu.memory_space<vmem>>, vector<16xi32>,
      %get3A_451 = arith.constant 224 : index
      %get3A_452 = tpu.vector_load %arg17[%get3A_451] {strides = array<i32>} : memref<2000xi32, #tpu.memory_space<vmem>>, vector<16xi32>,
      %swap3A_453 = arith.constant 64 : index
      %swap3A_454 = tpu.vector_load %arg10[%swap3A_453] {strides = array<i32>} : memref<80xi32, #tpu.memory_space<vmem>>, vector<16xi32>,
      tpu.vector_store %arg10[%swap3A_453], %get3A_452 {strides = array<i32>} : memref<80xi32, #tpu.memory_space<vmem>>, vector<16xi32>,
      %dma_start3A_455 = arith.constant 0 : i32
      %dma_start3A_456 = arith.constant 0 : i32
      %dma_start3A_457 = tpu.memref_slice %arg5[%dma_start3A_455, %dma_start3A_456] : memref<10000x128xf32, #tpu.memory_space<hbm>> -> memref<10000x128xf32, #tpu.memory_space<hbm>>
      tpu.enqueue_indirect_dma source(%dma_start3A_457 : memref<10000x128xf32, #tpu.memory_space<hbm>>) target(%arg20 : memref<80x128xf32, #tpu.memory_space<vmem>>) offsets(%arg10 : memref<80xi32, #tpu.memory_space<vmem>>) semaphore(%arg26 : memref<!tpu.dma_semaphore, #tpu.memory_space<semaphore_mem>>)
      %scan3A_458 = arith.constant 0 : i32
      %scan3A_459 = arith.constant 0 : i32
      %scan3A_460 = arith.constant 12 : i32
      %scan3A_461 = arith.addi %scan3A_459, %scan3A_460 : i32
      %scan3A_462 = arith.constant 1 : i32
      %scan3A_463 = scf.for %scan3A_466 = %scan3A_459 to %scan3A_461 step %scan3A_462 iter_args(%scan3A_467 = %scan3A_458) -> (i32)  : i32 {
        %mul3A_468 = arith.constant 2 : i32
        %mul3A_469 = arith.muli %mul3A_468, %scan3A_466 : i32
        %add3A_470 = arith.constant 1 : i32
        %add3A_471 = arith.addi %add3A_470, %mul3A_469 : i32
        %add3A_472 = arith.constant 0 : i32
        %add3A_473 = arith.addi %add3A_471, %add3A_472 : i32
        %dma_wait3A_474 = arith.constant 0 : i32
        %dma_wait3A_475 = arith.constant 0 : i32
        %dma_wait3A_476 = tpu.memref_slice %arg5[%dma_wait3A_474, %dma_wait3A_475] : memref<10000x128xf32, #tpu.memory_space<hbm>> -> memref<10000x128xf32, #tpu.memory_space<hbm>>
        tpu.wait_indirect_dma semaphore(%arg27 : memref<!tpu.dma_semaphore, #tpu.memory_space<semaphore_mem>>) src(%dma_wait3A_476 : memref<10000x128xf32, #tpu.memory_space<hbm>>) dst(%arg21 : memref<80x128xf32, #tpu.memory_space<vmem>>)
        %mul3A_477 = arith.constant 80 : i32
        %mul3A_478 = arith.muli %add3A_473, %mul3A_477 : i32
        %add3A_479 = arith.constant 0 : i32
        %add3A_480 = arith.addi %mul3A_478, %add3A_479 : i32
        %get3A_481 = arith.index_cast %add3A_480 : i32 to index
        %get3A_482 = tpu.vector_load %arg17[%get3A_481] {strides = array<i32>} : memref<2000xi32, #tpu.memory_space<vmem>>, vector<16xi32>,
        %mul3A_483 = arith.constant 80 : i32
        %mul3A_484 = arith.muli %add3A_473, %mul3A_483 : i32
        %add3A_485 = arith.constant 0 : i32
        %add3A_486 = arith.addi %mul3A_484, %add3A_485 : i32
        %get3A_487 = arith.index_cast %add3A_486 : i32 to index
        %get3A_488 = tpu.vector_load %arg18[%get3A_487] {strides = array<i32>} : memref<2000xi32, #tpu.memory_space<vmem>>, vector<16xi32>,
        %mul3A_489 = arith.constant 80 : i32
        %mul3A_490 = arith.muli %add3A_473, %mul3A_489 : i32
        %add3A_491 = arith.constant 0 : i32
        %add3A_492 = arith.addi %mul3A_490, %add3A_491 : i32
        %get3A_493 = arith.index_cast %add3A_492 : i32 to index
        %get3A_494 = tpu.vector_load %arg19[%get3A_493] {strides = array<i32>} : memref<2000xf32, #tpu.memory_space<vmem>>, vector<16xf32>,
        %gather3A_495 = tpu.vector_load_idx %arg7[%get3A_482] : memref<10240xf32, #tpu.memory_space<vmem>>[vector<16xi32>], vector<16xf32>,
        %gather3A_496 = tpu.vector_load_idx %arg7[%get3A_488] : memref<10240xf32, #tpu.memory_space<vmem>>[vector<16xi32>], vector<16xf32>,
        %mul3A_497 = arith.mulf %gather3A_495, %get3A_494 : vector<16xf32>
        %mul3A_498 = arith.mulf %mul3A_497, %gather3A_496 : vector<16xf32>
        %swap3A_499 = arith.constant 0 : index
        %swap3A_500 = tpu.vector_load %arg9[%swap3A_499] {strides = array<i32>} : memref<80xf32, #tpu.memory_space<vmem>>, vector<16xf32>,
        tpu.vector_store %arg9[%swap3A_499], %mul3A_498 {strides = array<i32>} : memref<80xf32, #tpu.memory_space<vmem>>, vector<16xf32>,
        %mul3A_501 = arith.constant 80 : i32
        %mul3A_502 = arith.muli %add3A_473, %mul3A_501 : i32
        %add3A_503 = arith.constant 16 : i32
        %add3A_504 = arith.addi %mul3A_502, %add3A_503 : i32
        %get3A_505 = arith.index_cast %add3A_504 : i32 to index
        %get3A_506 = tpu.vector_load %arg17[%get3A_505] {strides = array<i32>} : memref<2000xi32, #tpu.memory_space<vmem>>, vector<16xi32>,
        %mul3A_507 = arith.constant 80 : i32
        %mul3A_508 = arith.muli %add3A_473, %mul3A_507 : i32
        %add3A_509 = arith.constant 16 : i32
        %add3A_510 = arith.addi %mul3A_508, %add3A_509 : i32
        %get3A_511 = arith.index_cast %add3A_510 : i32 to index
        %get3A_512 = tpu.vector_load %arg18[%get3A_511] {strides = array<i32>} : memref<2000xi32, #tpu.memory_space<vmem>>, vector<16xi32>,
        %mul3A_513 = arith.constant 80 : i32
        %mul3A_514 = arith.muli %add3A_473, %mul3A_513 : i32
        %add3A_515 = arith.constant 16 : i32
        %add3A_516 = arith.addi %mul3A_514, %add3A_515 : i32
        %get3A_517 = arith.index_cast %add3A_516 : i32 to index
        %get3A_518 = tpu.vector_load %arg19[%get3A_517] {strides = array<i32>} : memref<2000xf32, #tpu.memory_space<vmem>>, vector<16xf32>,
        %gather3A_519 = tpu.vector_load_idx %arg7[%get3A_506] : memref<10240xf32, #tpu.memory_space<vmem>>[vector<16xi32>], vector<16xf32>,
        %gather3A_520 = tpu.vector_load_idx %arg7[%get3A_512] : memref<10240xf32, #tpu.memory_space<vmem>>[vector<16xi32>], vector<16xf32>,
        %mul3A_521 = arith.mulf %gather3A_519, %get3A_518 : vector<16xf32>
        %mul3A_522 = arith.mulf %mul3A_521, %gather3A_520 : vector<16xf32>
        %swap3A_523 = arith.constant 16 : index
        %swap3A_524 = tpu.vector_load %arg9[%swap3A_523] {strides = array<i32>} : memref<80xf32, #tpu.memory_space<vmem>>, vector<16xf32>,
        tpu.vector_store %arg9[%swap3A_523], %mul3A_522 {strides = array<i32>} : memref<80xf32, #tpu.memory_space<vmem>>, vector<16xf32>,
        %mul3A_525 = arith.constant 80 : i32
        %mul3A_526 = arith.muli %add3A_473, %mul3A_525 : i32
        %add3A_527 = arith.constant 32 : i32
        %add3A_528 = arith.addi %mul3A_526, %add3A_527 : i32
        %get3A_529 = arith.index_cast %add3A_528 : i32 to index
        %get3A_530 = tpu.vector_load %arg17[%get3A_529] {strides = array<i32>} : memref<2000xi32, #tpu.memory_space<vmem>>, vector<16xi32>,
        %mul3A_531 = arith.constant 80 : i32
        %mul3A_532 = arith.muli %add3A_473, %mul3A_531 : i32
        %add3A_533 = arith.constant 32 : i32
        %add3A_534 = arith.addi %mul3A_532, %add3A_533 : i32
        %get3A_535 = arith.index_cast %add3A_534 : i32 to index
        %get3A_536 = tpu.vector_load %arg18[%get3A_535] {strides = array<i32>} : memref<2000xi32, #tpu.memory_space<vmem>>, vector<16xi32>,
        %mul3A_537 = arith.constant 80 : i32
        %mul3A_538 = arith.muli %add3A_473, %mul3A_537 : i32
        %add3A_539 = arith.constant 32 : i32
        %add3A_540 = arith.addi %mul3A_538, %add3A_539 : i32
        %get3A_541 = arith.index_cast %add3A_540 : i32 to index
        %get3A_542 = tpu.vector_load %arg19[%get3A_541] {strides = array<i32>} : memref<2000xf32, #tpu.memory_space<vmem>>, vector<16xf32>,
        %gather3A_543 = tpu.vector_load_idx %arg7[%get3A_530] : memref<10240xf32, #tpu.memory_space<vmem>>[vector<16xi32>], vector<16xf32>,
        %gather3A_544 = tpu.vector_load_idx %arg7[%get3A_536] : memref<10240xf32, #tpu.memory_space<vmem>>[vector<16xi32>], vector<16xf32>,
        %mul3A_545 = arith.mulf %gather3A_543, %get3A_542 : vector<16xf32>
        %mul3A_546 = arith.mulf %mul3A_545, %gather3A_544 : vector<16xf32>
        %swap3A_547 = arith.constant 32 : index
        %swap3A_548 = tpu.vector_load %arg9[%swap3A_547] {strides = array<i32>} : memref<80xf32, #tpu.memory_space<vmem>>, vector<16xf32>,
        tpu.vector_store %arg9[%swap3A_547], %mul3A_546 {strides = array<i32>} : memref<80xf32, #tpu.memory_space<vmem>>, vector<16xf32>,
        %mul3A_549 = arith.constant 80 : i32
        %mul3A_550 = arith.muli %add3A_473, %mul3A_549 : i32
        %add3A_551 = arith.constant 48 : i32
        %add3A_552 = arith.addi %mul3A_550, %add3A_551 : i32
        %get3A_553 = arith.index_cast %add3A_552 : i32 to index
        %get3A_554 = tpu.vector_load %arg17[%get3A_553] {strides = array<i32>} : memref<2000xi32, #tpu.memory_space<vmem>>, vector<16xi32>,
        %mul3A_555 = arith.constant 80 : i32
        %mul3A_556 = arith.muli %add3A_473, %mul3A_555 : i32
        %add3A_557 = arith.constant 48 : i32
        %add3A_558 = arith.addi %mul3A_556, %add3A_557 : i32
        %get3A_559 = arith.index_cast %add3A_558 : i32 to index
        %get3A_560 = tpu.vector_load %arg18[%get3A_559] {strides = array<i32>} : memref<2000xi32, #tpu.memory_space<vmem>>, vector<16xi32>,
        %mul3A_561 = arith.constant 80 : i32
        %mul3A_562 = arith.muli %add3A_473, %mul3A_561 : i32
        %add3A_563 = arith.constant 48 : i32
        %add3A_564 = arith.addi %mul3A_562, %add3A_563 : i32
        %get3A_565 = arith.index_cast %add3A_564 : i32 to index
        %get3A_566 = tpu.vector_load %arg19[%get3A_565] {strides = array<i32>} : memref<2000xf32, #tpu.memory_space<vmem>>, vector<16xf32>,
        %gather3A_567 = tpu.vector_load_idx %arg7[%get3A_554] : memref<10240xf32, #tpu.memory_space<vmem>>[vector<16xi32>], vector<16xf32>,
        %gather3A_568 = tpu.vector_load_idx %arg7[%get3A_560] : memref<10240xf32, #tpu.memory_space<vmem>>[vector<16xi32>], vector<16xf32>,
        %mul3A_569 = arith.mulf %gather3A_567, %get3A_566 : vector<16xf32>
        %mul3A_570 = arith.mulf %mul3A_569, %gather3A_568 : vector<16xf32>
        %swap3A_571 = arith.constant 48 : index
        %swap3A_572 = tpu.vector_load %arg9[%swap3A_571] {strides = array<i32>} : memref<80xf32, #tpu.memory_space<vmem>>, vector<16xf32>,
        tpu.vector_store %arg9[%swap3A_571], %mul3A_570 {strides = array<i32>} : memref<80xf32, #tpu.memory_space<vmem>>, vector<16xf32>,
        %mul3A_573 = arith.constant 80 : i32
        %mul3A_574 = arith.muli %add3A_473, %mul3A_573 : i32
        %add3A_575 = arith.constant 64 : i32
        %add3A_576 = arith.addi %mul3A_574, %add3A_575 : i32
        %get3A_577 = arith.index_cast %add3A_576 : i32 to index
        %get3A_578 = tpu.vector_load %arg17[%get3A_577] {strides = array<i32>} : memref<2000xi32, #tpu.memory_space<vmem>>, vector<16xi32>,
        %mul3A_579 = arith.constant 80 : i32
        %mul3A_580 = arith.muli %add3A_473, %mul3A_579 : i32
        %add3A_581 = arith.constant 64 : i32
        %add3A_582 = arith.addi %mul3A_580, %add3A_581 : i32
        %get3A_583 = arith.index_cast %add3A_582 : i32 to index
        %get3A_584 = tpu.vector_load %arg18[%get3A_583] {strides = array<i32>} : memref<2000xi32, #tpu.memory_space<vmem>>, vector<16xi32>,
        %mul3A_585 = arith.constant 80 : i32
        %mul3A_586 = arith.muli %add3A_473, %mul3A_585 : i32
        %add3A_587 = arith.constant 64 : i32
        %add3A_588 = arith.addi %mul3A_586, %add3A_587 : i32
        %get3A_589 = arith.index_cast %add3A_588 : i32 to index
        %get3A_590 = tpu.vector_load %arg19[%get3A_589] {strides = array<i32>} : memref<2000xf32, #tpu.memory_space<vmem>>, vector<16xf32>,
        %gather3A_591 = tpu.vector_load_idx %arg7[%get3A_578] : memref<10240xf32, #tpu.memory_space<vmem>>[vector<16xi32>], vector<16xf32>,
        %gather3A_592 = tpu.vector_load_idx %arg7[%get3A_584] : memref<10240xf32, #tpu.memory_space<vmem>>[vector<16xi32>], vector<16xf32>,
        %mul3A_593 = arith.mulf %gather3A_591, %get3A_590 : vector<16xf32>
        %mul3A_594 = arith.mulf %mul3A_593, %gather3A_592 : vector<16xf32>
        %swap3A_595 = arith.constant 64 : index
        %swap3A_596 = tpu.vector_load %arg9[%swap3A_595] {strides = array<i32>} : memref<80xf32, #tpu.memory_space<vmem>>, vector<16xf32>,
        tpu.vector_store %arg9[%swap3A_595], %mul3A_594 {strides = array<i32>} : memref<80xf32, #tpu.memory_space<vmem>>, vector<16xf32>,
        %scan3A_597 = arith.constant 0 : i32
        %scan3A_598 = arith.constant 0 : i32
        %scan3A_599 = arith.constant 40 : i32
        %scan3A_600 = arith.addi %scan3A_598, %scan3A_599 : i32
        %scan3A_601 = arith.constant 1 : i32
        %scan3A_602 = scf.for %scan3A_832 = %scan3A_598 to %scan3A_600 step %scan3A_601 iter_args(%scan3A_833 = %scan3A_597) -> (i32)  : i32 {
          %mul3A_834 = arith.constant 2 : i32
          %mul3A_835 = arith.muli %mul3A_834, %scan3A_832 : i32
          %add3A_836 = arith.constant 0 : i32
          %add3A_837 = arith.addi %mul3A_835, %add3A_836 : i32
          %broadcast_in_dim3A = vector.broadcast %add3A_837 : i32 to vector<16xi32>
          %gather3A_838 = tpu.vector_load_idx %arg9[%broadcast_in_dim3A] : memref<80xf32, #tpu.memory_space<vmem>>[vector<16xi32>], vector<16xf32>,
          %get3A_839 = arith.index_cast %add3A_837 : i32 to index
          %get3A_840 = arith.constant 0 : index
          %get3A_841 = tpu.vector_load %arg21[%get3A_839, %get3A_840] {strides = array<i32>} : memref<80x128xf32, #tpu.memory_space<vmem>>, vector<16xf32>,
          %mul3A_842 = arith.mulf %get3A_841, %gather3A_838 : vector<16xf32>
          %swap3A_843 = arith.index_cast %add3A_837 : i32 to index
          %swap3A_844 = arith.constant 0 : index
          %swap3A_845 = tpu.vector_load %arg21[%swap3A_843, %swap3A_844] {strides = array<i32>} : memref<80x128xf32, #tpu.memory_space<vmem>>, vector<16xf32>,
          tpu.vector_store %arg21[%swap3A_843, %swap3A_844], %mul3A_842 {strides = array<i32>} : memref<80x128xf32, #tpu.memory_space<vmem>>, vector<16xf32>,
          %get3A_846 = arith.index_cast %add3A_837 : i32 to index
          %get3A_847 = arith.constant 16 : index
          %get3A_848 = tpu.vector_load %arg21[%get3A_846, %get3A_847] {strides = array<i32>} : memref<80x128xf32, #tpu.memory_space<vmem>>, vector<16xf32>,
          %mul3A_849 = arith.mulf %get3A_848, %gather3A_838 : vector<16xf32>
          %swap3A_850 = arith.index_cast %add3A_837 : i32 to index
          %swap3A_851 = arith.constant 16 : index
          %swap3A_852 = tpu.vector_load %arg21[%swap3A_850, %swap3A_851] {strides = array<i32>} : memref<80x128xf32, #tpu.memory_space<vmem>>, vector<16xf32>,
          tpu.vector_store %arg21[%swap3A_850, %swap3A_851], %mul3A_849 {strides = array<i32>} : memref<80x128xf32, #tpu.memory_space<vmem>>, vector<16xf32>,
          %get3A_853 = arith.index_cast %add3A_837 : i32 to index
          %get3A_854 = arith.constant 32 : index
          %get3A_855 = tpu.vector_load %arg21[%get3A_853, %get3A_854] {strides = array<i32>} : memref<80x128xf32, #tpu.memory_space<vmem>>, vector<16xf32>,
          %mul3A_856 = arith.mulf %get3A_855, %gather3A_838 : vector<16xf32>
          %swap3A_857 = arith.index_cast %add3A_837 : i32 to index
          %swap3A_858 = arith.constant 32 : index
          %swap3A_859 = tpu.vector_load %arg21[%swap3A_857, %swap3A_858] {strides = array<i32>} : memref<80x128xf32, #tpu.memory_space<vmem>>, vector<16xf32>,
          tpu.vector_store %arg21[%swap3A_857, %swap3A_858], %mul3A_856 {strides = array<i32>} : memref<80x128xf32, #tpu.memory_space<vmem>>, vector<16xf32>,
          %get3A_860 = arith.index_cast %add3A_837 : i32 to index
          %get3A_861 = arith.constant 48 : index
          %get3A_862 = tpu.vector_load %arg21[%get3A_860, %get3A_861] {strides = array<i32>} : memref<80x128xf32, #tpu.memory_space<vmem>>, vector<16xf32>,
          %mul3A_863 = arith.mulf %get3A_862, %gather3A_838 : vector<16xf32>
          %swap3A_864 = arith.index_cast %add3A_837 : i32 to index
          %swap3A_865 = arith.constant 48 : index
          %swap3A_866 = tpu.vector_load %arg21[%swap3A_864, %swap3A_865] {strides = array<i32>} : memref<80x128xf32, #tpu.memory_space<vmem>>, vector<16xf32>,
          tpu.vector_store %arg21[%swap3A_864, %swap3A_865], %mul3A_863 {strides = array<i32>} : memref<80x128xf32, #tpu.memory_space<vmem>>, vector<16xf32>,
          %get3A_867 = arith.index_cast %add3A_837 : i32 to index
          %get3A_868 = arith.constant 64 : index
          %get3A_869 = tpu.vector_load %arg21[%get3A_867, %get3A_868] {strides = array<i32>} : memref<80x128xf32, #tpu.memory_space<vmem>>, vector<16xf32>,
          %mul3A_870 = arith.mulf %get3A_869, %gather3A_838 : vector<16xf32>
          %swap3A_871 = arith.index_cast %add3A_837 : i32 to index
          %swap3A_872 = arith.constant 64 : index
          %swap3A_873 = tpu.vector_load %arg21[%swap3A_871, %swap3A_872] {strides = array<i32>} : memref<80x128xf32, #tpu.memory_space<vmem>>, vector<16xf32>,
          tpu.vector_store %arg21[%swap3A_871, %swap3A_872], %mul3A_870 {strides = array<i32>} : memref<80x128xf32, #tpu.memory_space<vmem>>, vector<16xf32>,
          %get3A_874 = arith.index_cast %add3A_837 : i32 to index
          %get3A_875 = arith.constant 80 : index
          %get3A_876 = tpu.vector_load %arg21[%get3A_874, %get3A_875] {strides = array<i32>} : memref<80x128xf32, #tpu.memory_space<vmem>>, vector<16xf32>,
          %mul3A_877 = arith.mulf %get3A_876, %gather3A_838 : vector<16xf32>
          %swap3A_878 = arith.index_cast %add3A_837 : i32 to index
          %swap3A_879 = arith.constant 80 : index
          %swap3A_880 = tpu.vector_load %arg21[%swap3A_878, %swap3A_879] {strides = array<i32>} : memref<80x128xf32, #tpu.memory_space<vmem>>, vector<16xf32>,
          tpu.vector_store %arg21[%swap3A_878, %swap3A_879], %mul3A_877 {strides = array<i32>} : memref<80x128xf32, #tpu.memory_space<vmem>>, vector<16xf32>,
          %get3A_881 = arith.index_cast %add3A_837 : i32 to index
          %get3A_882 = arith.constant 96 : index
          %get3A_883 = tpu.vector_load %arg21[%get3A_881, %get3A_882] {strides = array<i32>} : memref<80x128xf32, #tpu.memory_space<vmem>>, vector<16xf32>,
          %mul3A_884 = arith.mulf %get3A_883, %gather3A_838 : vector<16xf32>
          %swap3A_885 = arith.index_cast %add3A_837 : i32 to index
          %swap3A_886 = arith.constant 96 : index
          %swap3A_887 = tpu.vector_load %arg21[%swap3A_885, %swap3A_886] {strides = array<i32>} : memref<80x128xf32, #tpu.memory_space<vmem>>, vector<16xf32>,
          tpu.vector_store %arg21[%swap3A_885, %swap3A_886], %mul3A_884 {strides = array<i32>} : memref<80x128xf32, #tpu.memory_space<vmem>>, vector<16xf32>,
          %get3A_888 = arith.index_cast %add3A_837 : i32 to index
          %get3A_889 = arith.constant 112 : index
          %get3A_890 = tpu.vector_load %arg21[%get3A_888, %get3A_889] {strides = array<i32>} : memref<80x128xf32, #tpu.memory_space<vmem>>, vector<16xf32>,
          %mul3A_891 = arith.mulf %get3A_890, %gather3A_838 : vector<16xf32>
          %swap3A_892 = arith.index_cast %add3A_837 : i32 to index
          %swap3A_893 = arith.constant 112 : index
          %swap3A_894 = tpu.vector_load %arg21[%swap3A_892, %swap3A_893] {strides = array<i32>} : memref<80x128xf32, #tpu.memory_space<vmem>>, vector<16xf32>,
          tpu.vector_store %arg21[%swap3A_892, %swap3A_893], %mul3A_891 {strides = array<i32>} : memref<80x128xf32, #tpu.memory_space<vmem>>, vector<16xf32>,
          %mul3A_895 = arith.constant 2 : i32
          %mul3A_896 = arith.muli %mul3A_895, %scan3A_832 : i32
          %add3A_897 = arith.constant 1 : i32
          %add3A_898 = arith.addi %mul3A_896, %add3A_897 : i32
          %broadcast_in_dim3A_899 = vector.broadcast %add3A_898 : i32 to vector<16xi32>
          %gather3A_900 = tpu.vector_load_idx %arg9[%broadcast_in_dim3A_899] : memref<80xf32, #tpu.memory_space<vmem>>[vector<16xi32>], vector<16xf32>,
          %get3A_901 = arith.index_cast %add3A_898 : i32 to index
          %get3A_902 = arith.constant 0 : index
          %get3A_903 = tpu.vector_load %arg21[%get3A_901, %get3A_902] {strides = array<i32>} : memref<80x128xf32, #tpu.memory_space<vmem>>, vector<16xf32>,
          %mul3A_904 = arith.mulf %get3A_903, %gather3A_900 : vector<16xf32>
          %swap3A_905 = arith.index_cast %add3A_898 : i32 to index
          %swap3A_906 = arith.constant 0 : index
          %swap3A_907 = tpu.vector_load %arg21[%swap3A_905, %swap3A_906] {strides = array<i32>} : memref<80x128xf32, #tpu.memory_space<vmem>>, vector<16xf32>,
          tpu.vector_store %arg21[%swap3A_905, %swap3A_906], %mul3A_904 {strides = array<i32>} : memref<80x128xf32, #tpu.memory_space<vmem>>, vector<16xf32>,
          %get3A_908 = arith.index_cast %add3A_898 : i32 to index
          %get3A_909 = arith.constant 16 : index
          %get3A_910 = tpu.vector_load %arg21[%get3A_908, %get3A_909] {strides = array<i32>} : memref<80x128xf32, #tpu.memory_space<vmem>>, vector<16xf32>,
          %mul3A_911 = arith.mulf %get3A_910, %gather3A_900 : vector<16xf32>
          %swap3A_912 = arith.index_cast %add3A_898 : i32 to index
          %swap3A_913 = arith.constant 16 : index
          %swap3A_914 = tpu.vector_load %arg21[%swap3A_912, %swap3A_913] {strides = array<i32>} : memref<80x128xf32, #tpu.memory_space<vmem>>, vector<16xf32>,
          tpu.vector_store %arg21[%swap3A_912, %swap3A_913], %mul3A_911 {strides = array<i32>} : memref<80x128xf32, #tpu.memory_space<vmem>>, vector<16xf32>,
          %get3A_915 = arith.index_cast %add3A_898 : i32 to index
          %get3A_916 = arith.constant 32 : index
          %get3A_917 = tpu.vector_load %arg21[%get3A_915, %get3A_916] {strides = array<i32>} : memref<80x128xf32, #tpu.memory_space<vmem>>, vector<16xf32>,
          %mul3A_918 = arith.mulf %get3A_917, %gather3A_900 : vector<16xf32>
          %swap3A_919 = arith.index_cast %add3A_898 : i32 to index
          %swap3A_920 = arith.constant 32 : index
          %swap3A_921 = tpu.vector_load %arg21[%swap3A_919, %swap3A_920] {strides = array<i32>} : memref<80x128xf32, #tpu.memory_space<vmem>>, vector<16xf32>,
          tpu.vector_store %arg21[%swap3A_919, %swap3A_920], %mul3A_918 {strides = array<i32>} : memref<80x128xf32, #tpu.memory_space<vmem>>, vector<16xf32>,
          %get3A_922 = arith.index_cast %add3A_898 : i32 to index
          %get3A_923 = arith.constant 48 : index
          %get3A_924 = tpu.vector_load %arg21[%get3A_922, %get3A_923] {strides = array<i32>} : memref<80x128xf32, #tpu.memory_space<vmem>>, vector<16xf32>,
          %mul3A_925 = arith.mulf %get3A_924, %gather3A_900 : vector<16xf32>
          %swap3A_926 = arith.index_cast %add3A_898 : i32 to index
          %swap3A_927 = arith.constant 48 : index
          %swap3A_928 = tpu.vector_load %arg21[%swap3A_926, %swap3A_927] {strides = array<i32>} : memref<80x128xf32, #tpu.memory_space<vmem>>, vector<16xf32>,
          tpu.vector_store %arg21[%swap3A_926, %swap3A_927], %mul3A_925 {strides = array<i32>} : memref<80x128xf32, #tpu.memory_space<vmem>>, vector<16xf32>,
          %get3A_929 = arith.index_cast %add3A_898 : i32 to index
          %get3A_930 = arith.constant 64 : index
          %get3A_931 = tpu.vector_load %arg21[%get3A_929, %get3A_930] {strides = array<i32>} : memref<80x128xf32, #tpu.memory_space<vmem>>, vector<16xf32>,
          %mul3A_932 = arith.mulf %get3A_931, %gather3A_900 : vector<16xf32>
          %swap3A_933 = arith.index_cast %add3A_898 : i32 to index
          %swap3A_934 = arith.constant 64 : index
          %swap3A_935 = tpu.vector_load %arg21[%swap3A_933, %swap3A_934] {strides = array<i32>} : memref<80x128xf32, #tpu.memory_space<vmem>>, vector<16xf32>,
          tpu.vector_store %arg21[%swap3A_933, %swap3A_934], %mul3A_932 {strides = array<i32>} : memref<80x128xf32, #tpu.memory_space<vmem>>, vector<16xf32>,
          %get3A_936 = arith.index_cast %add3A_898 : i32 to index
          %get3A_937 = arith.constant 80 : index
          %get3A_938 = tpu.vector_load %arg21[%get3A_936, %get3A_937] {strides = array<i32>} : memref<80x128xf32, #tpu.memory_space<vmem>>, vector<16xf32>,
          %mul3A_939 = arith.mulf %get3A_938, %gather3A_900 : vector<16xf32>
          %swap3A_940 = arith.index_cast %add3A_898 : i32 to index
          %swap3A_941 = arith.constant 80 : index
          %swap3A_942 = tpu.vector_load %arg21[%swap3A_940, %swap3A_941] {strides = array<i32>} : memref<80x128xf32, #tpu.memory_space<vmem>>, vector<16xf32>,
          tpu.vector_store %arg21[%swap3A_940, %swap3A_941], %mul3A_939 {strides = array<i32>} : memref<80x128xf32, #tpu.memory_space<vmem>>, vector<16xf32>,
          %get3A_943 = arith.index_cast %add3A_898 : i32 to index
          %get3A_944 = arith.constant 96 : index
          %get3A_945 = tpu.vector_load %arg21[%get3A_943, %get3A_944] {strides = array<i32>} : memref<80x128xf32, #tpu.memory_space<vmem>>, vector<16xf32>,
          %mul3A_946 = arith.mulf %get3A_945, %gather3A_900 : vector<16xf32>
          %swap3A_947 = arith.index_cast %add3A_898 : i32 to index
          %swap3A_948 = arith.constant 96 : index
          %swap3A_949 = tpu.vector_load %arg21[%swap3A_947, %swap3A_948] {strides = array<i32>} : memref<80x128xf32, #tpu.memory_space<vmem>>, vector<16xf32>,
          tpu.vector_store %arg21[%swap3A_947, %swap3A_948], %mul3A_946 {strides = array<i32>} : memref<80x128xf32, #tpu.memory_space<vmem>>, vector<16xf32>,
          %get3A_950 = arith.index_cast %add3A_898 : i32 to index
          %get3A_951 = arith.constant 112 : index
          %get3A_952 = tpu.vector_load %arg21[%get3A_950, %get3A_951] {strides = array<i32>} : memref<80x128xf32, #tpu.memory_space<vmem>>, vector<16xf32>,
          %mul3A_953 = arith.mulf %get3A_952, %gather3A_900 : vector<16xf32>
          %swap3A_954 = arith.index_cast %add3A_898 : i32 to index
          %swap3A_955 = arith.constant 112 : index
          %swap3A_956 = tpu.vector_load %arg21[%swap3A_954, %swap3A_955] {strides = array<i32>} : memref<80x128xf32, #tpu.memory_space<vmem>>, vector<16xf32>,
          tpu.vector_store %arg21[%swap3A_954, %swap3A_955], %mul3A_953 {strides = array<i32>} : memref<80x128xf32, #tpu.memory_space<vmem>>, vector<16xf32>,
          %scan3A_957 = arith.constant 0 : i32
          scf.yield %scan3A_957 : i32
        }
        %scan3A_603 = arith.constant 40 : i32
        %mul3A_604 = arith.constant 80 : i32
        %mul3A_605 = arith.muli %add3A_473, %mul3A_604 : i32
        %add3A_606 = arith.constant 0 : i32
        %add3A_607 = arith.addi %mul3A_605, %add3A_606 : i32
        %get3A_608 = arith.index_cast %add3A_607 : i32 to index
        %get3A_609 = tpu.vector_load %arg18[%get3A_608] {strides = array<i32>} : memref<2000xi32, #tpu.memory_space<vmem>>, vector<16xi32>,
        %swap3A_610 = arith.constant 0 : index
        %swap3A_611 = tpu.vector_load %arg12[%swap3A_610] {strides = array<i32>} : memref<80xi32, #tpu.memory_space<vmem>>, vector<16xi32>,
        tpu.vector_store %arg12[%swap3A_610], %get3A_609 {strides = array<i32>} : memref<80xi32, #tpu.memory_space<vmem>>, vector<16xi32>,
        %mul3A_612 = arith.constant 80 : i32
        %mul3A_613 = arith.muli %add3A_473, %mul3A_612 : i32
        %add3A_614 = arith.constant 16 : i32
        %add3A_615 = arith.addi %mul3A_613, %add3A_614 : i32
        %get3A_616 = arith.index_cast %add3A_615 : i32 to index
        %get3A_617 = tpu.vector_load %arg18[%get3A_616] {strides = array<i32>} : memref<2000xi32, #tpu.memory_space<vmem>>, vector<16xi32>,
        %swap3A_618 = arith.constant 16 : index
        %swap3A_619 = tpu.vector_load %arg12[%swap3A_618] {strides = array<i32>} : memref<80xi32, #tpu.memory_space<vmem>>, vector<16xi32>,
        tpu.vector_store %arg12[%swap3A_618], %get3A_617 {strides = array<i32>} : memref<80xi32, #tpu.memory_space<vmem>>, vector<16xi32>,
        %mul3A_620 = arith.constant 80 : i32
        %mul3A_621 = arith.muli %add3A_473, %mul3A_620 : i32
        %add3A_622 = arith.constant 32 : i32
        %add3A_623 = arith.addi %mul3A_621, %add3A_622 : i32
        %get3A_624 = arith.index_cast %add3A_623 : i32 to index
        %get3A_625 = tpu.vector_load %arg18[%get3A_624] {strides = array<i32>} : memref<2000xi32, #tpu.memory_space<vmem>>, vector<16xi32>,
        %swap3A_626 = arith.constant 32 : index
        %swap3A_627 = tpu.vector_load %arg12[%swap3A_626] {strides = array<i32>} : memref<80xi32, #tpu.memory_space<vmem>>, vector<16xi32>,
        tpu.vector_store %arg12[%swap3A_626], %get3A_625 {strides = array<i32>} : memref<80xi32, #tpu.memory_space<vmem>>, vector<16xi32>,
        %mul3A_628 = arith.constant 80 : i32
        %mul3A_629 = arith.muli %add3A_473, %mul3A_628 : i32
        %add3A_630 = arith.constant 48 : i32
        %add3A_631 = arith.addi %mul3A_629, %add3A_630 : i32
        %get3A_632 = arith.index_cast %add3A_631 : i32 to index
        %get3A_633 = tpu.vector_load %arg18[%get3A_632] {strides = array<i32>} : memref<2000xi32, #tpu.memory_space<vmem>>, vector<16xi32>,
        %swap3A_634 = arith.constant 48 : index
        %swap3A_635 = tpu.vector_load %arg12[%swap3A_634] {strides = array<i32>} : memref<80xi32, #tpu.memory_space<vmem>>, vector<16xi32>,
        tpu.vector_store %arg12[%swap3A_634], %get3A_633 {strides = array<i32>} : memref<80xi32, #tpu.memory_space<vmem>>, vector<16xi32>,
        %mul3A_636 = arith.constant 80 : i32
        %mul3A_637 = arith.muli %add3A_473, %mul3A_636 : i32
        %add3A_638 = arith.constant 64 : i32
        %add3A_639 = arith.addi %mul3A_637, %add3A_638 : i32
        %get3A_640 = arith.index_cast %add3A_639 : i32 to index
        %get3A_641 = tpu.vector_load %arg18[%get3A_640] {strides = array<i32>} : memref<2000xi32, #tpu.memory_space<vmem>>, vector<16xi32>,
        %swap3A_642 = arith.constant 64 : index
        %swap3A_643 = tpu.vector_load %arg12[%swap3A_642] {strides = array<i32>} : memref<80xi32, #tpu.memory_space<vmem>>, vector<16xi32>,
        tpu.vector_store %arg12[%swap3A_642], %get3A_641 {strides = array<i32>} : memref<80xi32, #tpu.memory_space<vmem>>, vector<16xi32>,
        "tpu.region"() ({
          %run_scoped3A = tpu.sem_alloc : memref<!tpu.dma_semaphore, #tpu.memory_space<semaphore_mem>>
          %dma_start3A_832 = arith.constant 0 : i32
          %dma_start3A_833 = arith.constant 0 : i32
          %dma_start3A_834 = tpu.memref_slice %arg25[%dma_start3A_832, %dma_start3A_833] : memref<10240x128xf32, #tpu.memory_space<vmem_shared>> -> memref<10240x128xf32, #tpu.memory_space<vmem_shared>>
          tpu.enqueue_indirect_dma source(%arg21 : memref<80x128xf32, #tpu.memory_space<vmem>>) target(%dma_start3A_834 : memref<10240x128xf32, #tpu.memory_space<vmem_shared>>) offsets(%arg12 : memref<80xi32, #tpu.memory_space<vmem>>) semaphore(%run_scoped3A : memref<!tpu.dma_semaphore, #tpu.memory_space<semaphore_mem>>) {add = true}
          %dma_wait3A_835 = arith.constant 0 : i32
          %dma_wait3A_836 = arith.constant 0 : i32
          %dma_wait3A_837 = tpu.memref_slice %arg25[%dma_wait3A_835, %dma_wait3A_836] : memref<10240x128xf32, #tpu.memory_space<vmem_shared>> -> memref<10240x128xf32, #tpu.memory_space<vmem_shared>>
          tpu.wait_indirect_dma semaphore(%run_scoped3A : memref<!tpu.dma_semaphore, #tpu.memory_space<semaphore_mem>>) src(%arg21 : memref<80x128xf32, #tpu.memory_space<vmem>>) dst(%dma_wait3A_837 : memref<10240x128xf32, #tpu.memory_space<vmem_shared>>)
          tpu.yield
        }) : () -> ()
        %add3A_644 = arith.constant 2 : i32
        %add3A_645 = arith.addi %add3A_473, %add3A_644 : i32
        %le3A = arith.constant 24 : i32
        %le3A_646 = arith.cmpi sle, %add3A_645, %le3A : i32
        %convert_element_type3A = arith.extui %le3A_646 : i1 to i32
        %cond3A = arith.constant 0 : i32
        %cond3A_647 = arith.cmpi ne, %convert_element_type3A, %cond3A : i32
        scf.if %cond3A_647 {
          %add3A_832 = arith.constant 2 : i32
          %add3A_833 = arith.addi %add3A_473, %add3A_832 : i32
          %mul3A_834 = arith.constant 80 : i32
          %mul3A_835 = arith.muli %add3A_833, %mul3A_834 : i32
          %add3A_836 = arith.constant 0 : i32
          %add3A_837 = arith.addi %mul3A_835, %add3A_836 : i32
          %get3A_838 = arith.index_cast %add3A_837 : i32 to index
          %get3A_839 = tpu.vector_load %arg17[%get3A_838] {strides = array<i32>} : memref<2000xi32, #tpu.memory_space<vmem>>, vector<16xi32>,
          %swap3A_840 = arith.constant 0 : index
          %swap3A_841 = tpu.vector_load %arg11[%swap3A_840] {strides = array<i32>} : memref<80xi32, #tpu.memory_space<vmem>>, vector<16xi32>,
          tpu.vector_store %arg11[%swap3A_840], %get3A_839 {strides = array<i32>} : memref<80xi32, #tpu.memory_space<vmem>>, vector<16xi32>,
          %mul3A_842 = arith.constant 80 : i32
          %mul3A_843 = arith.muli %add3A_833, %mul3A_842 : i32
          %add3A_844 = arith.constant 16 : i32
          %add3A_845 = arith.addi %mul3A_843, %add3A_844 : i32
          %get3A_846 = arith.index_cast %add3A_845 : i32 to index
          %get3A_847 = tpu.vector_load %arg17[%get3A_846] {strides = array<i32>} : memref<2000xi32, #tpu.memory_space<vmem>>, vector<16xi32>,
          %swap3A_848 = arith.constant 16 : index
          %swap3A_849 = tpu.vector_load %arg11[%swap3A_848] {strides = array<i32>} : memref<80xi32, #tpu.memory_space<vmem>>, vector<16xi32>,
          tpu.vector_store %arg11[%swap3A_848], %get3A_847 {strides = array<i32>} : memref<80xi32, #tpu.memory_space<vmem>>, vector<16xi32>,
          %mul3A_850 = arith.constant 80 : i32
          %mul3A_851 = arith.muli %add3A_833, %mul3A_850 : i32
          %add3A_852 = arith.constant 32 : i32
          %add3A_853 = arith.addi %mul3A_851, %add3A_852 : i32
          %get3A_854 = arith.index_cast %add3A_853 : i32 to index
          %get3A_855 = tpu.vector_load %arg17[%get3A_854] {strides = array<i32>} : memref<2000xi32, #tpu.memory_space<vmem>>, vector<16xi32>,
          %swap3A_856 = arith.constant 32 : index
          %swap3A_857 = tpu.vector_load %arg11[%swap3A_856] {strides = array<i32>} : memref<80xi32, #tpu.memory_space<vmem>>, vector<16xi32>,
          tpu.vector_store %arg11[%swap3A_856], %get3A_855 {strides = array<i32>} : memref<80xi32, #tpu.memory_space<vmem>>, vector<16xi32>,
          %mul3A_858 = arith.constant 80 : i32
          %mul3A_859 = arith.muli %add3A_833, %mul3A_858 : i32
          %add3A_860 = arith.constant 48 : i32
          %add3A_861 = arith.addi %mul3A_859, %add3A_860 : i32
          %get3A_862 = arith.index_cast %add3A_861 : i32 to index
          %get3A_863 = tpu.vector_load %arg17[%get3A_862] {strides = array<i32>} : memref<2000xi32, #tpu.memory_space<vmem>>, vector<16xi32>,
          %swap3A_864 = arith.constant 48 : index
          %swap3A_865 = tpu.vector_load %arg11[%swap3A_864] {strides = array<i32>} : memref<80xi32, #tpu.memory_space<vmem>>, vector<16xi32>,
          tpu.vector_store %arg11[%swap3A_864], %get3A_863 {strides = array<i32>} : memref<80xi32, #tpu.memory_space<vmem>>, vector<16xi32>,
          %mul3A_866 = arith.constant 80 : i32
          %mul3A_867 = arith.muli %add3A_833, %mul3A_866 : i32
          %add3A_868 = arith.constant 64 : i32
          %add3A_869 = arith.addi %mul3A_867, %add3A_868 : i32
          %get3A_870 = arith.index_cast %add3A_869 : i32 to index
          %get3A_871 = tpu.vector_load %arg17[%get3A_870] {strides = array<i32>} : memref<2000xi32, #tpu.memory_space<vmem>>, vector<16xi32>,
          %swap3A_872 = arith.constant 64 : index
          %swap3A_873 = tpu.vector_load %arg11[%swap3A_872] {strides = array<i32>} : memref<80xi32, #tpu.memory_space<vmem>>, vector<16xi32>,
          tpu.vector_store %arg11[%swap3A_872], %get3A_871 {strides = array<i32>} : memref<80xi32, #tpu.memory_space<vmem>>, vector<16xi32>,
          %dma_start3A_874 = arith.constant 0 : i32
          %dma_start3A_875 = arith.constant 0 : i32
          %dma_start3A_876 = tpu.memref_slice %arg5[%dma_start3A_874, %dma_start3A_875] : memref<10000x128xf32, #tpu.memory_space<hbm>> -> memref<10000x128xf32, #tpu.memory_space<hbm>>
          tpu.enqueue_indirect_dma source(%dma_start3A_876 : memref<10000x128xf32, #tpu.memory_space<hbm>>) target(%arg21 : memref<80x128xf32, #tpu.memory_space<vmem>>) offsets(%arg11 : memref<80xi32, #tpu.memory_space<vmem>>) semaphore(%arg27 : memref<!tpu.dma_semaphore, #tpu.memory_space<semaphore_mem>>)
        } else {
        }
        %mul3A_648 = arith.constant 2 : i32
        %mul3A_649 = arith.muli %mul3A_648, %scan3A_466 : i32
        %add3A_650 = arith.constant 1 : i32
        %add3A_651 = arith.addi %add3A_650, %mul3A_649 : i32
        %add3A_652 = arith.constant 1 : i32
        %add3A_653 = arith.addi %add3A_651, %add3A_652 : i32
        %dma_wait3A_654 = arith.constant 0 : i32
        %dma_wait3A_655 = arith.constant 0 : i32
        %dma_wait3A_656 = tpu.memref_slice %arg5[%dma_wait3A_654, %dma_wait3A_655] : memref<10000x128xf32, #tpu.memory_space<hbm>> -> memref<10000x128xf32, #tpu.memory_space<hbm>>
        tpu.wait_indirect_dma semaphore(%arg26 : memref<!tpu.dma_semaphore, #tpu.memory_space<semaphore_mem>>) src(%dma_wait3A_656 : memref<10000x128xf32, #tpu.memory_space<hbm>>) dst(%arg20 : memref<80x128xf32, #tpu.memory_space<vmem>>)
        %mul3A_657 = arith.constant 80 : i32
        %mul3A_658 = arith.muli %add3A_653, %mul3A_657 : i32
        %add3A_659 = arith.constant 0 : i32
        %add3A_660 = arith.addi %mul3A_658, %add3A_659 : i32
        %get3A_661 = arith.index_cast %add3A_660 : i32 to index
        %get3A_662 = tpu.vector_load %arg17[%get3A_661] {strides = array<i32>} : memref<2000xi32, #tpu.memory_space<vmem>>, vector<16xi32>,
        %mul3A_663 = arith.constant 80 : i32
        %mul3A_664 = arith.muli %add3A_653, %mul3A_663 : i32
        %add3A_665 = arith.constant 0 : i32
        %add3A_666 = arith.addi %mul3A_664, %add3A_665 : i32
        %get3A_667 = arith.index_cast %add3A_666 : i32 to index
        %get3A_668 = tpu.vector_load %arg18[%get3A_667] {strides = array<i32>} : memref<2000xi32, #tpu.memory_space<vmem>>, vector<16xi32>,
        %mul3A_669 = arith.constant 80 : i32
        %mul3A_670 = arith.muli %add3A_653, %mul3A_669 : i32
        %add3A_671 = arith.constant 0 : i32
        %add3A_672 = arith.addi %mul3A_670, %add3A_671 : i32
        %get3A_673 = arith.index_cast %add3A_672 : i32 to index
        %get3A_674 = tpu.vector_load %arg19[%get3A_673] {strides = array<i32>} : memref<2000xf32, #tpu.memory_space<vmem>>, vector<16xf32>,
        %gather3A_675 = tpu.vector_load_idx %arg7[%get3A_662] : memref<10240xf32, #tpu.memory_space<vmem>>[vector<16xi32>], vector<16xf32>,
        %gather3A_676 = tpu.vector_load_idx %arg7[%get3A_668] : memref<10240xf32, #tpu.memory_space<vmem>>[vector<16xi32>], vector<16xf32>,
        %mul3A_677 = arith.mulf %gather3A_675, %get3A_674 : vector<16xf32>
        %mul3A_678 = arith.mulf %mul3A_677, %gather3A_676 : vector<16xf32>
        %swap3A_679 = arith.constant 0 : index
        %swap3A_680 = tpu.vector_load %arg9[%swap3A_679] {strides = array<i32>} : memref<80xf32, #tpu.memory_space<vmem>>, vector<16xf32>,
        tpu.vector_store %arg9[%swap3A_679], %mul3A_678 {strides = array<i32>} : memref<80xf32, #tpu.memory_space<vmem>>, vector<16xf32>,
        %mul3A_681 = arith.constant 80 : i32
        %mul3A_682 = arith.muli %add3A_653, %mul3A_681 : i32
        %add3A_683 = arith.constant 16 : i32
        %add3A_684 = arith.addi %mul3A_682, %add3A_683 : i32
        %get3A_685 = arith.index_cast %add3A_684 : i32 to index
        %get3A_686 = tpu.vector_load %arg17[%get3A_685] {strides = array<i32>} : memref<2000xi32, #tpu.memory_space<vmem>>, vector<16xi32>,
        %mul3A_687 = arith.constant 80 : i32
        %mul3A_688 = arith.muli %add3A_653, %mul3A_687 : i32
        %add3A_689 = arith.constant 16 : i32
        %add3A_690 = arith.addi %mul3A_688, %add3A_689 : i32
        %get3A_691 = arith.index_cast %add3A_690 : i32 to index
        %get3A_692 = tpu.vector_load %arg18[%get3A_691] {strides = array<i32>} : memref<2000xi32, #tpu.memory_space<vmem>>, vector<16xi32>,
        %mul3A_693 = arith.constant 80 : i32
        %mul3A_694 = arith.muli %add3A_653, %mul3A_693 : i32
        %add3A_695 = arith.constant 16 : i32
        %add3A_696 = arith.addi %mul3A_694, %add3A_695 : i32
        %get3A_697 = arith.index_cast %add3A_696 : i32 to index
        %get3A_698 = tpu.vector_load %arg19[%get3A_697] {strides = array<i32>} : memref<2000xf32, #tpu.memory_space<vmem>>, vector<16xf32>,
        %gather3A_699 = tpu.vector_load_idx %arg7[%get3A_686] : memref<10240xf32, #tpu.memory_space<vmem>>[vector<16xi32>], vector<16xf32>,
        %gather3A_700 = tpu.vector_load_idx %arg7[%get3A_692] : memref<10240xf32, #tpu.memory_space<vmem>>[vector<16xi32>], vector<16xf32>,
        %mul3A_701 = arith.mulf %gather3A_699, %get3A_698 : vector<16xf32>
        %mul3A_702 = arith.mulf %mul3A_701, %gather3A_700 : vector<16xf32>
        %swap3A_703 = arith.constant 16 : index
        %swap3A_704 = tpu.vector_load %arg9[%swap3A_703] {strides = array<i32>} : memref<80xf32, #tpu.memory_space<vmem>>, vector<16xf32>,
        tpu.vector_store %arg9[%swap3A_703], %mul3A_702 {strides = array<i32>} : memref<80xf32, #tpu.memory_space<vmem>>, vector<16xf32>,
        %mul3A_705 = arith.constant 80 : i32
        %mul3A_706 = arith.muli %add3A_653, %mul3A_705 : i32
        %add3A_707 = arith.constant 32 : i32
        %add3A_708 = arith.addi %mul3A_706, %add3A_707 : i32
        %get3A_709 = arith.index_cast %add3A_708 : i32 to index
        %get3A_710 = tpu.vector_load %arg17[%get3A_709] {strides = array<i32>} : memref<2000xi32, #tpu.memory_space<vmem>>, vector<16xi32>,
        %mul3A_711 = arith.constant 80 : i32
        %mul3A_712 = arith.muli %add3A_653, %mul3A_711 : i32
        %add3A_713 = arith.constant 32 : i32
        %add3A_714 = arith.addi %mul3A_712, %add3A_713 : i32
        %get3A_715 = arith.index_cast %add3A_714 : i32 to index
        %get3A_716 = tpu.vector_load %arg18[%get3A_715] {strides = array<i32>} : memref<2000xi32, #tpu.memory_space<vmem>>, vector<16xi32>,
        %mul3A_717 = arith.constant 80 : i32
        %mul3A_718 = arith.muli %add3A_653, %mul3A_717 : i32
        %add3A_719 = arith.constant 32 : i32
        %add3A_720 = arith.addi %mul3A_718, %add3A_719 : i32
        %get3A_721 = arith.index_cast %add3A_720 : i32 to index
        %get3A_722 = tpu.vector_load %arg19[%get3A_721] {strides = array<i32>} : memref<2000xf32, #tpu.memory_space<vmem>>, vector<16xf32>,
        %gather3A_723 = tpu.vector_load_idx %arg7[%get3A_710] : memref<10240xf32, #tpu.memory_space<vmem>>[vector<16xi32>], vector<16xf32>,
        %gather3A_724 = tpu.vector_load_idx %arg7[%get3A_716] : memref<10240xf32, #tpu.memory_space<vmem>>[vector<16xi32>], vector<16xf32>,
        %mul3A_725 = arith.mulf %gather3A_723, %get3A_722 : vector<16xf32>
        %mul3A_726 = arith.mulf %mul3A_725, %gather3A_724 : vector<16xf32>
        %swap3A_727 = arith.constant 32 : index
        %swap3A_728 = tpu.vector_load %arg9[%swap3A_727] {strides = array<i32>} : memref<80xf32, #tpu.memory_space<vmem>>, vector<16xf32>,
        tpu.vector_store %arg9[%swap3A_727], %mul3A_726 {strides = array<i32>} : memref<80xf32, #tpu.memory_space<vmem>>, vector<16xf32>,
        %mul3A_729 = arith.constant 80 : i32
        %mul3A_730 = arith.muli %add3A_653, %mul3A_729 : i32
        %add3A_731 = arith.constant 48 : i32
        %add3A_732 = arith.addi %mul3A_730, %add3A_731 : i32
        %get3A_733 = arith.index_cast %add3A_732 : i32 to index
        %get3A_734 = tpu.vector_load %arg17[%get3A_733] {strides = array<i32>} : memref<2000xi32, #tpu.memory_space<vmem>>, vector<16xi32>,
        %mul3A_735 = arith.constant 80 : i32
        %mul3A_736 = arith.muli %add3A_653, %mul3A_735 : i32
        %add3A_737 = arith.constant 48 : i32
        %add3A_738 = arith.addi %mul3A_736, %add3A_737 : i32
        %get3A_739 = arith.index_cast %add3A_738 : i32 to index
        %get3A_740 = tpu.vector_load %arg18[%get3A_739] {strides = array<i32>} : memref<2000xi32, #tpu.memory_space<vmem>>, vector<16xi32>,
        %mul3A_741 = arith.constant 80 : i32
        %mul3A_742 = arith.muli %add3A_653, %mul3A_741 : i32
        %add3A_743 = arith.constant 48 : i32
        %add3A_744 = arith.addi %mul3A_742, %add3A_743 : i32
        %get3A_745 = arith.index_cast %add3A_744 : i32 to index
        %get3A_746 = tpu.vector_load %arg19[%get3A_745] {strides = array<i32>} : memref<2000xf32, #tpu.memory_space<vmem>>, vector<16xf32>,
        %gather3A_747 = tpu.vector_load_idx %arg7[%get3A_734] : memref<10240xf32, #tpu.memory_space<vmem>>[vector<16xi32>], vector<16xf32>,
        %gather3A_748 = tpu.vector_load_idx %arg7[%get3A_740] : memref<10240xf32, #tpu.memory_space<vmem>>[vector<16xi32>], vector<16xf32>,
        %mul3A_749 = arith.mulf %gather3A_747, %get3A_746 : vector<16xf32>
        %mul3A_750 = arith.mulf %mul3A_749, %gather3A_748 : vector<16xf32>
        %swap3A_751 = arith.constant 48 : index
        %swap3A_752 = tpu.vector_load %arg9[%swap3A_751] {strides = array<i32>} : memref<80xf32, #tpu.memory_space<vmem>>, vector<16xf32>,
        tpu.vector_store %arg9[%swap3A_751], %mul3A_750 {strides = array<i32>} : memref<80xf32, #tpu.memory_space<vmem>>, vector<16xf32>,
        %mul3A_753 = arith.constant 80 : i32
        %mul3A_754 = arith.muli %add3A_653, %mul3A_753 : i32
        %add3A_755 = arith.constant 64 : i32
        %add3A_756 = arith.addi %mul3A_754, %add3A_755 : i32
        %get3A_757 = arith.index_cast %add3A_756 : i32 to index
        %get3A_758 = tpu.vector_load %arg17[%get3A_757] {strides = array<i32>} : memref<2000xi32, #tpu.memory_space<vmem>>, vector<16xi32>,
        %mul3A_759 = arith.constant 80 : i32
        %mul3A_760 = arith.muli %add3A_653, %mul3A_759 : i32
        %add3A_761 = arith.constant 64 : i32
        %add3A_762 = arith.addi %mul3A_760, %add3A_761 : i32
        %get3A_763 = arith.index_cast %add3A_762 : i32 to index
        %get3A_764 = tpu.vector_load %arg18[%get3A_763] {strides = array<i32>} : memref<2000xi32, #tpu.memory_space<vmem>>, vector<16xi32>,
        %mul3A_765 = arith.constant 80 : i32
        %mul3A_766 = arith.muli %add3A_653, %mul3A_765 : i32
        %add3A_767 = arith.constant 64 : i32
        %add3A_768 = arith.addi %mul3A_766, %add3A_767 : i32
        %get3A_769 = arith.index_cast %add3A_768 : i32 to index
        %get3A_770 = tpu.vector_load %arg19[%get3A_769] {strides = array<i32>} : memref<2000xf32, #tpu.memory_space<vmem>>, vector<16xf32>,
        %gather3A_771 = tpu.vector_load_idx %arg7[%get3A_758] : memref<10240xf32, #tpu.memory_space<vmem>>[vector<16xi32>], vector<16xf32>,
        %gather3A_772 = tpu.vector_load_idx %arg7[%get3A_764] : memref<10240xf32, #tpu.memory_space<vmem>>[vector<16xi32>], vector<16xf32>,
        %mul3A_773 = arith.mulf %gather3A_771, %get3A_770 : vector<16xf32>
        %mul3A_774 = arith.mulf %mul3A_773, %gather3A_772 : vector<16xf32>
        %swap3A_775 = arith.constant 64 : index
        %swap3A_776 = tpu.vector_load %arg9[%swap3A_775] {strides = array<i32>} : memref<80xf32, #tpu.memory_space<vmem>>, vector<16xf32>,
        tpu.vector_store %arg9[%swap3A_775], %mul3A_774 {strides = array<i32>} : memref<80xf32, #tpu.memory_space<vmem>>, vector<16xf32>,
        %scan3A_777 = arith.constant 0 : i32
        %scan3A_778 = arith.constant 0 : i32
        %scan3A_779 = arith.constant 40 : i32
        %scan3A_780 = arith.addi %scan3A_778, %scan3A_779 : i32
        %scan3A_781 = arith.constant 1 : i32
        %scan3A_782 = scf.for %scan3A_832 = %scan3A_778 to %scan3A_780 step %scan3A_781 iter_args(%scan3A_833 = %scan3A_777) -> (i32)  : i32 {
          %mul3A_834 = arith.constant 2 : i32
          %mul3A_835 = arith.muli %mul3A_834, %scan3A_832 : i32
          %add3A_836 = arith.constant 0 : i32
          %add3A_837 = arith.addi %mul3A_835, %add3A_836 : i32
          %broadcast_in_dim3A = vector.broadcast %add3A_837 : i32 to vector<16xi32>
          %gather3A_838 = tpu.vector_load_idx %arg9[%broadcast_in_dim3A] : memref<80xf32, #tpu.memory_space<vmem>>[vector<16xi32>], vector<16xf32>,
          %get3A_839 = arith.index_cast %add3A_837 : i32 to index
          %get3A_840 = arith.constant 0 : index
          %get3A_841 = tpu.vector_load %arg20[%get3A_839, %get3A_840] {strides = array<i32>} : memref<80x128xf32, #tpu.memory_space<vmem>>, vector<16xf32>,
          %mul3A_842 = arith.mulf %get3A_841, %gather3A_838 : vector<16xf32>
          %swap3A_843 = arith.index_cast %add3A_837 : i32 to index
          %swap3A_844 = arith.constant 0 : index
          %swap3A_845 = tpu.vector_load %arg20[%swap3A_843, %swap3A_844] {strides = array<i32>} : memref<80x128xf32, #tpu.memory_space<vmem>>, vector<16xf32>,
          tpu.vector_store %arg20[%swap3A_843, %swap3A_844], %mul3A_842 {strides = array<i32>} : memref<80x128xf32, #tpu.memory_space<vmem>>, vector<16xf32>,
          %get3A_846 = arith.index_cast %add3A_837 : i32 to index
          %get3A_847 = arith.constant 16 : index
          %get3A_848 = tpu.vector_load %arg20[%get3A_846, %get3A_847] {strides = array<i32>} : memref<80x128xf32, #tpu.memory_space<vmem>>, vector<16xf32>,
          %mul3A_849 = arith.mulf %get3A_848, %gather3A_838 : vector<16xf32>
          %swap3A_850 = arith.index_cast %add3A_837 : i32 to index
          %swap3A_851 = arith.constant 16 : index
          %swap3A_852 = tpu.vector_load %arg20[%swap3A_850, %swap3A_851] {strides = array<i32>} : memref<80x128xf32, #tpu.memory_space<vmem>>, vector<16xf32>,
          tpu.vector_store %arg20[%swap3A_850, %swap3A_851], %mul3A_849 {strides = array<i32>} : memref<80x128xf32, #tpu.memory_space<vmem>>, vector<16xf32>,
          %get3A_853 = arith.index_cast %add3A_837 : i32 to index
          %get3A_854 = arith.constant 32 : index
          %get3A_855 = tpu.vector_load %arg20[%get3A_853, %get3A_854] {strides = array<i32>} : memref<80x128xf32, #tpu.memory_space<vmem>>, vector<16xf32>,
          %mul3A_856 = arith.mulf %get3A_855, %gather3A_838 : vector<16xf32>
          %swap3A_857 = arith.index_cast %add3A_837 : i32 to index
          %swap3A_858 = arith.constant 32 : index
          %swap3A_859 = tpu.vector_load %arg20[%swap3A_857, %swap3A_858] {strides = array<i32>} : memref<80x128xf32, #tpu.memory_space<vmem>>, vector<16xf32>,
          tpu.vector_store %arg20[%swap3A_857, %swap3A_858], %mul3A_856 {strides = array<i32>} : memref<80x128xf32, #tpu.memory_space<vmem>>, vector<16xf32>,
          %get3A_860 = arith.index_cast %add3A_837 : i32 to index
          %get3A_861 = arith.constant 48 : index
          %get3A_862 = tpu.vector_load %arg20[%get3A_860, %get3A_861] {strides = array<i32>} : memref<80x128xf32, #tpu.memory_space<vmem>>, vector<16xf32>,
          %mul3A_863 = arith.mulf %get3A_862, %gather3A_838 : vector<16xf32>
          %swap3A_864 = arith.index_cast %add3A_837 : i32 to index
          %swap3A_865 = arith.constant 48 : index
          %swap3A_866 = tpu.vector_load %arg20[%swap3A_864, %swap3A_865] {strides = array<i32>} : memref<80x128xf32, #tpu.memory_space<vmem>>, vector<16xf32>,
          tpu.vector_store %arg20[%swap3A_864, %swap3A_865], %mul3A_863 {strides = array<i32>} : memref<80x128xf32, #tpu.memory_space<vmem>>, vector<16xf32>,
          %get3A_867 = arith.index_cast %add3A_837 : i32 to index
          %get3A_868 = arith.constant 64 : index
          %get3A_869 = tpu.vector_load %arg20[%get3A_867, %get3A_868] {strides = array<i32>} : memref<80x128xf32, #tpu.memory_space<vmem>>, vector<16xf32>,
          %mul3A_870 = arith.mulf %get3A_869, %gather3A_838 : vector<16xf32>
          %swap3A_871 = arith.index_cast %add3A_837 : i32 to index
          %swap3A_872 = arith.constant 64 : index
          %swap3A_873 = tpu.vector_load %arg20[%swap3A_871, %swap3A_872] {strides = array<i32>} : memref<80x128xf32, #tpu.memory_space<vmem>>, vector<16xf32>,
          tpu.vector_store %arg20[%swap3A_871, %swap3A_872], %mul3A_870 {strides = array<i32>} : memref<80x128xf32, #tpu.memory_space<vmem>>, vector<16xf32>,
          %get3A_874 = arith.index_cast %add3A_837 : i32 to index
          %get3A_875 = arith.constant 80 : index
          %get3A_876 = tpu.vector_load %arg20[%get3A_874, %get3A_875] {strides = array<i32>} : memref<80x128xf32, #tpu.memory_space<vmem>>, vector<16xf32>,
          %mul3A_877 = arith.mulf %get3A_876, %gather3A_838 : vector<16xf32>
          %swap3A_878 = arith.index_cast %add3A_837 : i32 to index
          %swap3A_879 = arith.constant 80 : index
          %swap3A_880 = tpu.vector_load %arg20[%swap3A_878, %swap3A_879] {strides = array<i32>} : memref<80x128xf32, #tpu.memory_space<vmem>>, vector<16xf32>,
          tpu.vector_store %arg20[%swap3A_878, %swap3A_879], %mul3A_877 {strides = array<i32>} : memref<80x128xf32, #tpu.memory_space<vmem>>, vector<16xf32>,
          %get3A_881 = arith.index_cast %add3A_837 : i32 to index
          %get3A_882 = arith.constant 96 : index
          %get3A_883 = tpu.vector_load %arg20[%get3A_881, %get3A_882] {strides = array<i32>} : memref<80x128xf32, #tpu.memory_space<vmem>>, vector<16xf32>,
          %mul3A_884 = arith.mulf %get3A_883, %gather3A_838 : vector<16xf32>
          %swap3A_885 = arith.index_cast %add3A_837 : i32 to index
          %swap3A_886 = arith.constant 96 : index
          %swap3A_887 = tpu.vector_load %arg20[%swap3A_885, %swap3A_886] {strides = array<i32>} : memref<80x128xf32, #tpu.memory_space<vmem>>, vector<16xf32>,
          tpu.vector_store %arg20[%swap3A_885, %swap3A_886], %mul3A_884 {strides = array<i32>} : memref<80x128xf32, #tpu.memory_space<vmem>>, vector<16xf32>,
          %get3A_888 = arith.index_cast %add3A_837 : i32 to index
          %get3A_889 = arith.constant 112 : index
          %get3A_890 = tpu.vector_load %arg20[%get3A_888, %get3A_889] {strides = array<i32>} : memref<80x128xf32, #tpu.memory_space<vmem>>, vector<16xf32>,
          %mul3A_891 = arith.mulf %get3A_890, %gather3A_838 : vector<16xf32>
          %swap3A_892 = arith.index_cast %add3A_837 : i32 to index
          %swap3A_893 = arith.constant 112 : index
          %swap3A_894 = tpu.vector_load %arg20[%swap3A_892, %swap3A_893] {strides = array<i32>} : memref<80x128xf32, #tpu.memory_space<vmem>>, vector<16xf32>,
          tpu.vector_store %arg20[%swap3A_892, %swap3A_893], %mul3A_891 {strides = array<i32>} : memref<80x128xf32, #tpu.memory_space<vmem>>, vector<16xf32>,
          %mul3A_895 = arith.constant 2 : i32
          %mul3A_896 = arith.muli %mul3A_895, %scan3A_832 : i32
          %add3A_897 = arith.constant 1 : i32
          %add3A_898 = arith.addi %mul3A_896, %add3A_897 : i32
          %broadcast_in_dim3A_899 = vector.broadcast %add3A_898 : i32 to vector<16xi32>
          %gather3A_900 = tpu.vector_load_idx %arg9[%broadcast_in_dim3A_899] : memref<80xf32, #tpu.memory_space<vmem>>[vector<16xi32>], vector<16xf32>,
          %get3A_901 = arith.index_cast %add3A_898 : i32 to index
          %get3A_902 = arith.constant 0 : index
          %get3A_903 = tpu.vector_load %arg20[%get3A_901, %get3A_902] {strides = array<i32>} : memref<80x128xf32, #tpu.memory_space<vmem>>, vector<16xf32>,
          %mul3A_904 = arith.mulf %get3A_903, %gather3A_900 : vector<16xf32>
          %swap3A_905 = arith.index_cast %add3A_898 : i32 to index
          %swap3A_906 = arith.constant 0 : index
          %swap3A_907 = tpu.vector_load %arg20[%swap3A_905, %swap3A_906] {strides = array<i32>} : memref<80x128xf32, #tpu.memory_space<vmem>>, vector<16xf32>,
          tpu.vector_store %arg20[%swap3A_905, %swap3A_906], %mul3A_904 {strides = array<i32>} : memref<80x128xf32, #tpu.memory_space<vmem>>, vector<16xf32>,
          %get3A_908 = arith.index_cast %add3A_898 : i32 to index
          %get3A_909 = arith.constant 16 : index
          %get3A_910 = tpu.vector_load %arg20[%get3A_908, %get3A_909] {strides = array<i32>} : memref<80x128xf32, #tpu.memory_space<vmem>>, vector<16xf32>,
          %mul3A_911 = arith.mulf %get3A_910, %gather3A_900 : vector<16xf32>
          %swap3A_912 = arith.index_cast %add3A_898 : i32 to index
          %swap3A_913 = arith.constant 16 : index
          %swap3A_914 = tpu.vector_load %arg20[%swap3A_912, %swap3A_913] {strides = array<i32>} : memref<80x128xf32, #tpu.memory_space<vmem>>, vector<16xf32>,
          tpu.vector_store %arg20[%swap3A_912, %swap3A_913], %mul3A_911 {strides = array<i32>} : memref<80x128xf32, #tpu.memory_space<vmem>>, vector<16xf32>,
          %get3A_915 = arith.index_cast %add3A_898 : i32 to index
          %get3A_916 = arith.constant 32 : index
          %get3A_917 = tpu.vector_load %arg20[%get3A_915, %get3A_916] {strides = array<i32>} : memref<80x128xf32, #tpu.memory_space<vmem>>, vector<16xf32>,
          %mul3A_918 = arith.mulf %get3A_917, %gather3A_900 : vector<16xf32>
          %swap3A_919 = arith.index_cast %add3A_898 : i32 to index
          %swap3A_920 = arith.constant 32 : index
          %swap3A_921 = tpu.vector_load %arg20[%swap3A_919, %swap3A_920] {strides = array<i32>} : memref<80x128xf32, #tpu.memory_space<vmem>>, vector<16xf32>,
          tpu.vector_store %arg20[%swap3A_919, %swap3A_920], %mul3A_918 {strides = array<i32>} : memref<80x128xf32, #tpu.memory_space<vmem>>, vector<16xf32>,
          %get3A_922 = arith.index_cast %add3A_898 : i32 to index
          %get3A_923 = arith.constant 48 : index
          %get3A_924 = tpu.vector_load %arg20[%get3A_922, %get3A_923] {strides = array<i32>} : memref<80x128xf32, #tpu.memory_space<vmem>>, vector<16xf32>,
          %mul3A_925 = arith.mulf %get3A_924, %gather3A_900 : vector<16xf32>
          %swap3A_926 = arith.index_cast %add3A_898 : i32 to index
          %swap3A_927 = arith.constant 48 : index
          %swap3A_928 = tpu.vector_load %arg20[%swap3A_926, %swap3A_927] {strides = array<i32>} : memref<80x128xf32, #tpu.memory_space<vmem>>, vector<16xf32>,
          tpu.vector_store %arg20[%swap3A_926, %swap3A_927], %mul3A_925 {strides = array<i32>} : memref<80x128xf32, #tpu.memory_space<vmem>>, vector<16xf32>,
          %get3A_929 = arith.index_cast %add3A_898 : i32 to index
          %get3A_930 = arith.constant 64 : index
          %get3A_931 = tpu.vector_load %arg20[%get3A_929, %get3A_930] {strides = array<i32>} : memref<80x128xf32, #tpu.memory_space<vmem>>, vector<16xf32>,
          %mul3A_932 = arith.mulf %get3A_931, %gather3A_900 : vector<16xf32>
          %swap3A_933 = arith.index_cast %add3A_898 : i32 to index
          %swap3A_934 = arith.constant 64 : index
          %swap3A_935 = tpu.vector_load %arg20[%swap3A_933, %swap3A_934] {strides = array<i32>} : memref<80x128xf32, #tpu.memory_space<vmem>>, vector<16xf32>,
          tpu.vector_store %arg20[%swap3A_933, %swap3A_934], %mul3A_932 {strides = array<i32>} : memref<80x128xf32, #tpu.memory_space<vmem>>, vector<16xf32>,
          %get3A_936 = arith.index_cast %add3A_898 : i32 to index
          %get3A_937 = arith.constant 80 : index
          %get3A_938 = tpu.vector_load %arg20[%get3A_936, %get3A_937] {strides = array<i32>} : memref<80x128xf32, #tpu.memory_space<vmem>>, vector<16xf32>,
          %mul3A_939 = arith.mulf %get3A_938, %gather3A_900 : vector<16xf32>
          %swap3A_940 = arith.index_cast %add3A_898 : i32 to index
          %swap3A_941 = arith.constant 80 : index
          %swap3A_942 = tpu.vector_load %arg20[%swap3A_940, %swap3A_941] {strides = array<i32>} : memref<80x128xf32, #tpu.memory_space<vmem>>, vector<16xf32>,
          tpu.vector_store %arg20[%swap3A_940, %swap3A_941], %mul3A_939 {strides = array<i32>} : memref<80x128xf32, #tpu.memory_space<vmem>>, vector<16xf32>,
          %get3A_943 = arith.index_cast %add3A_898 : i32 to index
          %get3A_944 = arith.constant 96 : index
          %get3A_945 = tpu.vector_load %arg20[%get3A_943, %get3A_944] {strides = array<i32>} : memref<80x128xf32, #tpu.memory_space<vmem>>, vector<16xf32>,
          %mul3A_946 = arith.mulf %get3A_945, %gather3A_900 : vector<16xf32>
          %swap3A_947 = arith.index_cast %add3A_898 : i32 to index
          %swap3A_948 = arith.constant 96 : index
          %swap3A_949 = tpu.vector_load %arg20[%swap3A_947, %swap3A_948] {strides = array<i32>} : memref<80x128xf32, #tpu.memory_space<vmem>>, vector<16xf32>,
          tpu.vector_store %arg20[%swap3A_947, %swap3A_948], %mul3A_946 {strides = array<i32>} : memref<80x128xf32, #tpu.memory_space<vmem>>, vector<16xf32>,
          %get3A_950 = arith.index_cast %add3A_898 : i32 to index
          %get3A_951 = arith.constant 112 : index
          %get3A_952 = tpu.vector_load %arg20[%get3A_950, %get3A_951] {strides = array<i32>} : memref<80x128xf32, #tpu.memory_space<vmem>>, vector<16xf32>,
          %mul3A_953 = arith.mulf %get3A_952, %gather3A_900 : vector<16xf32>
          %swap3A_954 = arith.index_cast %add3A_898 : i32 to index
          %swap3A_955 = arith.constant 112 : index
          %swap3A_956 = tpu.vector_load %arg20[%swap3A_954, %swap3A_955] {strides = array<i32>} : memref<80x128xf32, #tpu.memory_space<vmem>>, vector<16xf32>,
          tpu.vector_store %arg20[%swap3A_954, %swap3A_955], %mul3A_953 {strides = array<i32>} : memref<80x128xf32, #tpu.memory_space<vmem>>, vector<16xf32>,
          %scan3A_957 = arith.constant 0 : i32
          scf.yield %scan3A_957 : i32
        }
        %scan3A_783 = arith.constant 40 : i32
        %mul3A_784 = arith.constant 80 : i32
        %mul3A_785 = arith.muli %add3A_653, %mul3A_784 : i32
        %add3A_786 = arith.constant 0 : i32
        %add3A_787 = arith.addi %mul3A_785, %add3A_786 : i32
        %get3A_788 = arith.index_cast %add3A_787 : i32 to index
        %get3A_789 = tpu.vector_load %arg18[%get3A_788] {strides = array<i32>} : memref<2000xi32, #tpu.memory_space<vmem>>, vector<16xi32>,
        %swap3A_790 = arith.constant 0 : index
        %swap3A_791 = tpu.vector_load %arg12[%swap3A_790] {strides = array<i32>} : memref<80xi32, #tpu.memory_space<vmem>>, vector<16xi32>,
        tpu.vector_store %arg12[%swap3A_790], %get3A_789 {strides = array<i32>} : memref<80xi32, #tpu.memory_space<vmem>>, vector<16xi32>,
        %mul3A_792 = arith.constant 80 : i32
        %mul3A_793 = arith.muli %add3A_653, %mul3A_792 : i32
        %add3A_794 = arith.constant 16 : i32
        %add3A_795 = arith.addi %mul3A_793, %add3A_794 : i32
        %get3A_796 = arith.index_cast %add3A_795 : i32 to index
        %get3A_797 = tpu.vector_load %arg18[%get3A_796] {strides = array<i32>} : memref<2000xi32, #tpu.memory_space<vmem>>, vector<16xi32>,
        %swap3A_798 = arith.constant 16 : index
        %swap3A_799 = tpu.vector_load %arg12[%swap3A_798] {strides = array<i32>} : memref<80xi32, #tpu.memory_space<vmem>>, vector<16xi32>,
        tpu.vector_store %arg12[%swap3A_798], %get3A_797 {strides = array<i32>} : memref<80xi32, #tpu.memory_space<vmem>>, vector<16xi32>,
        %mul3A_800 = arith.constant 80 : i32
        %mul3A_801 = arith.muli %add3A_653, %mul3A_800 : i32
        %add3A_802 = arith.constant 32 : i32
        %add3A_803 = arith.addi %mul3A_801, %add3A_802 : i32
        %get3A_804 = arith.index_cast %add3A_803 : i32 to index
        %get3A_805 = tpu.vector_load %arg18[%get3A_804] {strides = array<i32>} : memref<2000xi32, #tpu.memory_space<vmem>>, vector<16xi32>,
        %swap3A_806 = arith.constant 32 : index
        %swap3A_807 = tpu.vector_load %arg12[%swap3A_806] {strides = array<i32>} : memref<80xi32, #tpu.memory_space<vmem>>, vector<16xi32>,
        tpu.vector_store %arg12[%swap3A_806], %get3A_805 {strides = array<i32>} : memref<80xi32, #tpu.memory_space<vmem>>, vector<16xi32>,
        %mul3A_808 = arith.constant 80 : i32
        %mul3A_809 = arith.muli %add3A_653, %mul3A_808 : i32
        %add3A_810 = arith.constant 48 : i32
        %add3A_811 = arith.addi %mul3A_809, %add3A_810 : i32
        %get3A_812 = arith.index_cast %add3A_811 : i32 to index
        %get3A_813 = tpu.vector_load %arg18[%get3A_812] {strides = array<i32>} : memref<2000xi32, #tpu.memory_space<vmem>>, vector<16xi32>,
        %swap3A_814 = arith.constant 48 : index
        %swap3A_815 = tpu.vector_load %arg12[%swap3A_814] {strides = array<i32>} : memref<80xi32, #tpu.memory_space<vmem>>, vector<16xi32>,
        tpu.vector_store %arg12[%swap3A_814], %get3A_813 {strides = array<i32>} : memref<80xi32, #tpu.memory_space<vmem>>, vector<16xi32>,
        %mul3A_816 = arith.constant 80 : i32
        %mul3A_817 = arith.muli %add3A_653, %mul3A_816 : i32
        %add3A_818 = arith.constant 64 : i32
        %add3A_819 = arith.addi %mul3A_817, %add3A_818 : i32
        %get3A_820 = arith.index_cast %add3A_819 : i32 to index
        %get3A_821 = tpu.vector_load %arg18[%get3A_820] {strides = array<i32>} : memref<2000xi32, #tpu.memory_space<vmem>>, vector<16xi32>,
        %swap3A_822 = arith.constant 64 : index
        %swap3A_823 = tpu.vector_load %arg12[%swap3A_822] {strides = array<i32>} : memref<80xi32, #tpu.memory_space<vmem>>, vector<16xi32>,
        tpu.vector_store %arg12[%swap3A_822], %get3A_821 {strides = array<i32>} : memref<80xi32, #tpu.memory_space<vmem>>, vector<16xi32>,
        "tpu.region"() ({
          %run_scoped3A = tpu.sem_alloc : memref<!tpu.dma_semaphore, #tpu.memory_space<semaphore_mem>>
          %dma_start3A_832 = arith.constant 0 : i32
          %dma_start3A_833 = arith.constant 0 : i32
          %dma_start3A_834 = tpu.memref_slice %arg25[%dma_start3A_832, %dma_start3A_833] : memref<10240x128xf32, #tpu.memory_space<vmem_shared>> -> memref<10240x128xf32, #tpu.memory_space<vmem_shared>>
          tpu.enqueue_indirect_dma source(%arg20 : memref<80x128xf32, #tpu.memory_space<vmem>>) target(%dma_start3A_834 : memref<10240x128xf32, #tpu.memory_space<vmem_shared>>) offsets(%arg12 : memref<80xi32, #tpu.memory_space<vmem>>) semaphore(%run_scoped3A : memref<!tpu.dma_semaphore, #tpu.memory_space<semaphore_mem>>) {add = true}
          %dma_wait3A_835 = arith.constant 0 : i32
          %dma_wait3A_836 = arith.constant 0 : i32
          %dma_wait3A_837 = tpu.memref_slice %arg25[%dma_wait3A_835, %dma_wait3A_836] : memref<10240x128xf32, #tpu.memory_space<vmem_shared>> -> memref<10240x128xf32, #tpu.memory_space<vmem_shared>>
          tpu.wait_indirect_dma semaphore(%run_scoped3A : memref<!tpu.dma_semaphore, #tpu.memory_space<semaphore_mem>>) src(%arg20 : memref<80x128xf32, #tpu.memory_space<vmem>>) dst(%dma_wait3A_837 : memref<10240x128xf32, #tpu.memory_space<vmem_shared>>)
          tpu.yield
        }) : () -> ()
        %add3A_824 = arith.constant 2 : i32
        %add3A_825 = arith.addi %add3A_653, %add3A_824 : i32
        %le3A_826 = arith.constant 24 : i32
        %le3A_827 = arith.cmpi sle, %add3A_825, %le3A_826 : i32
        %convert_element_type3A_828 = arith.extui %le3A_827 : i1 to i32
        %cond3A_829 = arith.constant 0 : i32
        %cond3A_830 = arith.cmpi ne, %convert_element_type3A_828, %cond3A_829 : i32
        scf.if %cond3A_830 {
          %add3A_832 = arith.constant 2 : i32
          %add3A_833 = arith.addi %add3A_653, %add3A_832 : i32
          %mul3A_834 = arith.constant 80 : i32
          %mul3A_835 = arith.muli %add3A_833, %mul3A_834 : i32
          %add3A_836 = arith.constant 0 : i32
          %add3A_837 = arith.addi %mul3A_835, %add3A_836 : i32
          %get3A_838 = arith.index_cast %add3A_837 : i32 to index
          %get3A_839 = tpu.vector_load %arg17[%get3A_838] {strides = array<i32>} : memref<2000xi32, #tpu.memory_space<vmem>>, vector<16xi32>,
          %swap3A_840 = arith.constant 0 : index
          %swap3A_841 = tpu.vector_load %arg10[%swap3A_840] {strides = array<i32>} : memref<80xi32, #tpu.memory_space<vmem>>, vector<16xi32>,
          tpu.vector_store %arg10[%swap3A_840], %get3A_839 {strides = array<i32>} : memref<80xi32, #tpu.memory_space<vmem>>, vector<16xi32>,
          %mul3A_842 = arith.constant 80 : i32
          %mul3A_843 = arith.muli %add3A_833, %mul3A_842 : i32
          %add3A_844 = arith.constant 16 : i32
          %add3A_845 = arith.addi %mul3A_843, %add3A_844 : i32
          %get3A_846 = arith.index_cast %add3A_845 : i32 to index
          %get3A_847 = tpu.vector_load %arg17[%get3A_846] {strides = array<i32>} : memref<2000xi32, #tpu.memory_space<vmem>>, vector<16xi32>,
          %swap3A_848 = arith.constant 16 : index
          %swap3A_849 = tpu.vector_load %arg10[%swap3A_848] {strides = array<i32>} : memref<80xi32, #tpu.memory_space<vmem>>, vector<16xi32>,
          tpu.vector_store %arg10[%swap3A_848], %get3A_847 {strides = array<i32>} : memref<80xi32, #tpu.memory_space<vmem>>, vector<16xi32>,
          %mul3A_850 = arith.constant 80 : i32
          %mul3A_851 = arith.muli %add3A_833, %mul3A_850 : i32
          %add3A_852 = arith.constant 32 : i32
          %add3A_853 = arith.addi %mul3A_851, %add3A_852 : i32
          %get3A_854 = arith.index_cast %add3A_853 : i32 to index
          %get3A_855 = tpu.vector_load %arg17[%get3A_854] {strides = array<i32>} : memref<2000xi32, #tpu.memory_space<vmem>>, vector<16xi32>,
          %swap3A_856 = arith.constant 32 : index
          %swap3A_857 = tpu.vector_load %arg10[%swap3A_856] {strides = array<i32>} : memref<80xi32, #tpu.memory_space<vmem>>, vector<16xi32>,
          tpu.vector_store %arg10[%swap3A_856], %get3A_855 {strides = array<i32>} : memref<80xi32, #tpu.memory_space<vmem>>, vector<16xi32>,
          %mul3A_858 = arith.constant 80 : i32
          %mul3A_859 = arith.muli %add3A_833, %mul3A_858 : i32
          %add3A_860 = arith.constant 48 : i32
          %add3A_861 = arith.addi %mul3A_859, %add3A_860 : i32
          %get3A_862 = arith.index_cast %add3A_861 : i32 to index
          %get3A_863 = tpu.vector_load %arg17[%get3A_862] {strides = array<i32>} : memref<2000xi32, #tpu.memory_space<vmem>>, vector<16xi32>,
          %swap3A_864 = arith.constant 48 : index
          %swap3A_865 = tpu.vector_load %arg10[%swap3A_864] {strides = array<i32>} : memref<80xi32, #tpu.memory_space<vmem>>, vector<16xi32>,
          tpu.vector_store %arg10[%swap3A_864], %get3A_863 {strides = array<i32>} : memref<80xi32, #tpu.memory_space<vmem>>, vector<16xi32>,
          %mul3A_866 = arith.constant 80 : i32
          %mul3A_867 = arith.muli %add3A_833, %mul3A_866 : i32
          %add3A_868 = arith.constant 64 : i32
          %add3A_869 = arith.addi %mul3A_867, %add3A_868 : i32
          %get3A_870 = arith.index_cast %add3A_869 : i32 to index
          %get3A_871 = tpu.vector_load %arg17[%get3A_870] {strides = array<i32>} : memref<2000xi32, #tpu.memory_space<vmem>>, vector<16xi32>,
          %swap3A_872 = arith.constant 64 : index
          %swap3A_873 = tpu.vector_load %arg10[%swap3A_872] {strides = array<i32>} : memref<80xi32, #tpu.memory_space<vmem>>, vector<16xi32>,
          tpu.vector_store %arg10[%swap3A_872], %get3A_871 {strides = array<i32>} : memref<80xi32, #tpu.memory_space<vmem>>, vector<16xi32>,
          %dma_start3A_874 = arith.constant 0 : i32
          %dma_start3A_875 = arith.constant 0 : i32
          %dma_start3A_876 = tpu.memref_slice %arg5[%dma_start3A_874, %dma_start3A_875] : memref<10000x128xf32, #tpu.memory_space<hbm>> -> memref<10000x128xf32, #tpu.memory_space<hbm>>
          tpu.enqueue_indirect_dma source(%dma_start3A_876 : memref<10000x128xf32, #tpu.memory_space<hbm>>) target(%arg20 : memref<80x128xf32, #tpu.memory_space<vmem>>) offsets(%arg10 : memref<80xi32, #tpu.memory_space<vmem>>) semaphore(%arg26 : memref<!tpu.dma_semaphore, #tpu.memory_space<semaphore_mem>>)
        } else {
        }
        %scan3A_831 = arith.constant 0 : i32
        scf.yield %scan3A_831 : i32
      }
      %scan3A_464 = arith.constant 12 : i32
      %scan3A_465 = arith.constant 0 : i32
      scf.yield %scan3A_465 : i32
    }
    %scan3A_291 = arith.constant 5 : i32
    %barrier3A_292 = arith.constant 0 : index
    tpu.barrier barrier_id(%barrier3A_292)
    %mul3A_293 = arith.constant 640 : i32
    %mul3A_294 = arith.muli %arg1, %mul3A_293 : i32
    %mul3A_295 = arith.constant 640 : i32
    %mul3A_296 = arith.muli %arg1, %mul3A_295 : i32
    "tpu.region"() ({
      %run_scoped3A = tpu.sem_alloc : memref<!tpu.dma_semaphore, #tpu.memory_space<semaphore_mem>>
      %dma_start3A_297 = arith.constant 0 : i32
      %dma_start3A_298 = tpu.memref_slice %arg6[%arg0, %mul3A_296, %dma_start3A_297] : memref<2x10240x128xf32, #tpu.memory_space<hbm>> -> memref<1x640x128xf32, #tpu.memory_space<hbm>>
      %dma_start3A_299 = tpu.memref_squeeze %dma_start3A_298 : memref<1x640x128xf32, #tpu.memory_space<hbm>> -> memref<640x128xf32, #tpu.memory_space<hbm>>
      %dma_start3A_300 = arith.constant 0 : i32
      %dma_start3A_301 = tpu.memref_slice %arg25[%mul3A_294, %dma_start3A_300] : memref<10240x128xf32, #tpu.memory_space<vmem_shared>> -> memref<640x128xf32, #tpu.memory_space<vmem_shared>>
      tpu.enqueue_dma source(%dma_start3A_301 : memref<640x128xf32, #tpu.memory_space<vmem_shared>>) target(%dma_start3A_299 : memref<640x128xf32, #tpu.memory_space<hbm>>) target_semaphore(%run_scoped3A : memref<!tpu.dma_semaphore, #tpu.memory_space<semaphore_mem>>)
      %dma_wait3A_302 = arith.constant 0 : i32
      %dma_wait3A_303 = tpu.memref_slice %arg6[%arg0, %mul3A_296, %dma_wait3A_302] : memref<2x10240x128xf32, #tpu.memory_space<hbm>> -> memref<1x640x128xf32, #tpu.memory_space<hbm>>
      %dma_wait3A_304 = tpu.memref_squeeze %dma_wait3A_303 : memref<1x640x128xf32, #tpu.memory_space<hbm>> -> memref<640x128xf32, #tpu.memory_space<hbm>>
      %dma_wait3A_305 = arith.constant 0 : i32
      %dma_wait3A_306 = tpu.memref_slice %arg25[%mul3A_294, %dma_wait3A_305] : memref<10240x128xf32, #tpu.memory_space<vmem_shared>> -> memref<640x128xf32, #tpu.memory_space<vmem_shared>>
      tpu.wait_dma2 semaphore(%run_scoped3A : memref<!tpu.dma_semaphore, #tpu.memory_space<semaphore_mem>>) src(%dma_wait3A_306 : memref<640x128xf32, #tpu.memory_space<vmem_shared>>) dst(%dma_wait3A_304 : memref<640x128xf32, #tpu.memory_space<hbm>>)
      tpu.yield
    }) : () -> ()
    return
  }
}

module attributes {stable_mosaic.version = 14 : i64} {
  func.func @_tc_body(%arg0: i32, %arg1: memref<1000x128xf32, #tpu.memory_space<vmem>>, %arg2: memref<1000x128xf32, #tpu.memory_space<vmem>>, %arg3: memref<1000x128xf32, #tpu.memory_space<vmem>>, %arg4: memref<128x128xf32, #tpu.memory_space<vmem>>, %arg5: memref<128x128xf32, #tpu.memory_space<vmem>>, %arg6: memref<1000x128xf32, #tpu.memory_space<vmem>>) attributes {dimension_semantics = [#tpu.dimension_semantics<arbitrary>], iteration_bounds = array<i64: 10>, scalar_prefetch = 0 : i64, scratch_operands = 0 : i64, tpu.core_type = #tpu.core_type<tc>, window_params = [{transform_indices = @transform_0, window_bounds = array<i64: 1000, 128>}, {transform_indices = @transform_1, window_bounds = array<i64: 1000, 128>}, {transform_indices = @transform_2, window_bounds = array<i64: 1000, 128>}, {pipeline_mode = #tpu.pipeline_mode<synchronous>, transform_indices = @transform_3, window_bounds = array<i64: 128, 128>}, {pipeline_mode = #tpu.pipeline_mode<synchronous>, transform_indices = @transform_4, window_bounds = array<i64: 128, 128>}, {transform_indices = @transform_5, window_bounds = array<i64: 1000, 128>}]} {
    %get3A = arith.constant 0 : index
    %get3A_0 = arith.constant 0 : index
    %get3A_1 = vector.load %arg2[%get3A, %get3A_0] : memref<1000x128xf32, #tpu.memory_space<vmem>>, vector<1000x128xf32>
    %get3A_2 = arith.constant 0 : index
    %get3A_3 = arith.constant 0 : index
    %get3A_4 = vector.load %arg3[%get3A_2, %get3A_3] : memref<1000x128xf32, #tpu.memory_space<vmem>>, vector<1000x128xf32>
    %add3A = arith.addf %get3A_1, %get3A_4 : vector<1000x128xf32>
    %get3A_5 = arith.constant 0 : index
    %get3A_6 = arith.constant 0 : index
    %get3A_7 = vector.load %arg1[%get3A_5, %get3A_6] : memref<1000x128xf32, #tpu.memory_space<vmem>>, vector<1000x128xf32>
    %get3A_8 = arith.constant 0 : index
    %get3A_9 = arith.constant 0 : index
    %get3A_10 = vector.load %arg4[%get3A_8, %get3A_9] : memref<128x128xf32, #tpu.memory_space<vmem>>, vector<128x128xf32>
    %dot_general3A = arith.constant dense<0.000000e+00> : vector<1000x128xf32>
    %dot_general3A_11 = tpu.matmul %get3A_7, %get3A_10, %dot_general3A {dimension_numbers = #tpu.dot_dimension_numbers<[1], [1], [0], [0], [0, 0, 1, 0], [], []>, precision = #tpu.contract_precision<fp32>, transpose_lhs_hint = false} : vector<1000x128xf32>, vector<128x128xf32>, vector<1000x128xf32> -> vector<1000x128xf32>
    %get3A_12 = arith.constant 0 : index
    %get3A_13 = arith.constant 0 : index
    %get3A_14 = vector.load %arg5[%get3A_12, %get3A_13] : memref<128x128xf32, #tpu.memory_space<vmem>>, vector<128x128xf32>
    %dot_general3A_15 = arith.constant dense<0.000000e+00> : vector<1000x128xf32>
    %dot_general3A_16 = tpu.matmul %add3A, %get3A_14, %dot_general3A_15 {dimension_numbers = #tpu.dot_dimension_numbers<[1], [1], [0], [0], [0, 0, 1, 0], [], []>, precision = #tpu.contract_precision<fp32>, transpose_lhs_hint = false} : vector<1000x128xf32>, vector<128x128xf32>, vector<1000x128xf32> -> vector<1000x128xf32>
    %add3A_17 = arith.addf %dot_general3A_11, %dot_general3A_16 : vector<1000x128xf32>
    %swap3A = arith.constant 0 : index
    %swap3A_18 = arith.constant 0 : index
    %swap3A_19 = vector.load %arg6[%swap3A, %swap3A_18] : memref<1000x128xf32, #tpu.memory_space<vmem>>, vector<1000x128xf32>
    tpu.vector_store %arg6[%swap3A, %swap3A_18], %add3A_17 {strides = array<i32>} : memref<1000x128xf32, #tpu.memory_space<vmem>>, vector<1000x128xf32>,
    return
  }
  func.func @transform_0(%arg0: i32) -> (i32, i32) {
    %c0_i32 = arith.constant 0 : i32
    %c0_i32_0 = arith.constant 0 : i32
    return %arg0, %c0_i32 : i32, i32
  }
  func.func @transform_1(%arg0: i32) -> (i32, i32) {
    %c0_i32 = arith.constant 0 : i32
    %c0_i32_0 = arith.constant 0 : i32
    return %arg0, %c0_i32 : i32, i32
  }
  func.func @transform_2(%arg0: i32) -> (i32, i32) {
    %c0_i32 = arith.constant 0 : i32
    %c0_i32_0 = arith.constant 0 : i32
    return %arg0, %c0_i32 : i32, i32
  }
  func.func @transform_3(%arg0: i32) -> (i32, i32) {
    %c0_i32 = arith.constant 0 : i32
    %c0_i32_0 = arith.constant 0 : i32
    %c0_i32_1 = arith.constant 0 : i32
    return %c0_i32, %c0_i32_0 : i32, i32
  }
  func.func @transform_4(%arg0: i32) -> (i32, i32) {
    %c0_i32 = arith.constant 0 : i32
    %c0_i32_0 = arith.constant 0 : i32
    %c0_i32_1 = arith.constant 0 : i32
    return %c0_i32, %c0_i32_0 : i32, i32
  }
  func.func @transform_5(%arg0: i32) -> (i32, i32) {
    %c0_i32 = arith.constant 0 : i32
    %c0_i32_0 = arith.constant 0 : i32
    return %arg0, %c0_i32 : i32, i32
  }
}

</mosaic_0001>

<sc_bundles>
// kernel: kernel.4.cloned.1.call-start
scs
__scs_entry_jumppad:
0x0: {  	(pc) =	sbr.rel $0x88, $3  }
0x1: {  	(tag) =	ssettag $0x0;
	lr =	simm.s32 $0x1  }
0x2: {  	[smem:$0x3F9C] =	sst lr;
	_ =	strace $0xD0000000  }
0x3: {  	_ = 	snop  }
0x4: {  	_ = 	snop  }
0x5: {  	_ = 	snop  }
0x6: {  	_ = 	snop  }
0x7: {  	_ = 	snop  }
__scs_overlays_trampoline_lowered:
0x8: {  	[smem:$0x3FAB] =	sst s0  }
0x9: {  	[smem:$0x3FAC] =	sst s1  }
0xa: {  	[smem:$0x3FAD] =	sst s2  }
0xb: {  	[smem:$0x3FAE] =	sst s3  }
0xc: {  	[smem:$0x3FAF] =	sst s4  }
0xd: {  	[smem:$0x3FB0] =	sst s5  }
0xe: {  	[smem:$0x3FB1] =	sst s6  }
0xf: {  	[smem:$0x3FB2] =	sst s7  }
0x10: {  	[smem:$0x3FB3] =	sst s8  }
0x11: {  	[smem:$0x3FB4] =	sst s9;
	s0 =	simm.s32 @!p0 $0x0  }
0x12: {  	s1 =	sld [smem:$0x3F9A];
	s0 =	simm.s32 @p0 $0x1  }
0x13: {  	[smem:$0x3FB5] =	sst s0;
	s0 =	simm.s32 @!p1 $0x0  }
0x14: {  	s2 =	sld [smem:$0x3F99];
	s0 =	simm.s32 @p1 $0x1  }
0x15: {  	[smem:$0x3FB6] =	sst s0;
	s0 =	simm.s32 @!p2 $0x0  }
0x16: {  	s3 =	sld [smem:$0x3FDB];
	s0 =	simm.s32 @p2 $0x1  }
0x17: {  	s4 =	simm.s32 $0x1BF5;
	[smem:$0x3FB8] =	sst s0  }
0x18: {  	s0 =	sld [smem:$0x3F9B];
	_ =	swait.ge [sflag:s4], $0x0  }
0x19: {  	s7 =	sld [smem:$0x3F9C]  }
0x1a: {  	s8 =	sadd.s32 $0xFFFFE003, lr  }
0x1b: {  	s9 =	sadd.s32 $0xFFFFFEF7, lr;
	s5 =	simm.s32 $0xFFFFFFFF;
	p2 =	slt.u32 s8, $0xFFFFF086  }
0x1c: {  	p1 =	slt.u32 s9, $0xF7A;
	s5 =	simm.s32 @!p2 $0x0  }
0x1d: {  	s5 =	simm.s32 @p1 $0x1;
	p0 =	seq.s32 s7, s2  }
0x1e: {  	s7 =	smul.u32 @!p0 $0xF7A, s2;
	p2 =	seq.s32 @!p0 s5, $0x0  }
0x1f: {  	s9 =	smul.u32 $0xF7A, s1;
	s8 =	simm.s32 @!p0 $0x1BF5;
	p2 =	por !p2, p0  }
0x20: {  	[sflag:s8] =	ssyncset.s32 @!p0 $0xFFFFF086;
	s6 =	sadd.s32 @!p0 s3, s7;
	s7 =	simm.s32 @!p0 $0x108  }
0x21: {  	s3 =	sadd.s32 s3, s9;
	s6 =	sadd.s32 @!p0 $0x88, s6;
	s7 =	simm.s32 @p2 $0x1082  }
0x22: {  	[simem:s7], [sflag:s8] =	dma.local @!p0 [hbm:s6], $0xF7A  }
0x23: {  	s9 =	sor.u32 $0xD0000000, s2;
	s6 =	simm.s32 $0x108;
	_ =	swait.ge @!p0 [sflag:s8], $0x0  }
0x24: {  	s3 =	sadd.s32 $0x88, s3;
	s6 =	simm.s32 @!p1 $0x1082;
	[sflag:s4] =	ssyncset.s32 $0xFFFFF086  }
0x25: {  	[simem:s6], [sflag:s4] =	dma.local [hbm:s3], $0xF7A  }
0x26: {  	[smem:$0x3F9C] =	sst s1;
	(tag) =	ssettag s2;
	_ =	strace s9  }
0x27: {  	s1 =	sld [smem:$0x3FAC]  }
0x28: {  	s2 =	sld [smem:$0x3FAD]  }
0x29: {  	s4 =	sld [smem:$0x3FAF]  }
0x2a: {  	p0 =	seq.s32 s5, $0x0;
	s5 =	sld [smem:$0x3FB0]  }
0x2b: {  	s6 =	sld [smem:$0x3FB1]  }
0x2c: {  	s7 =	sld [smem:$0x3FB2]  }
0x2d: {  	s3 =	simm.s32 $0x108;
	s8 =	sld [smem:$0x3FB3]  }
0x2e: {  	s3 =	simm.s32 @!p0 $0x1082;
	s9 =	sld [smem:$0x3FB4]  }
0x2f: {  	lr =	sadd.s32 s0, s3;
	s0 =	sld [smem:$0x3FAB]  }
0x30: {  	s3 =	sld [smem:$0x3FAE]  }
0x31: {  	[smem:$0x3FB7] =	sst s10  }
0x32: {  	s10 =	sld [smem:$0x3FB5];
	_ =	sdelay $0x3  }
0x33: {  	p0 =	seq.s32 s10, $0x1;
	s10 =	sld [smem:$0x3FB7];
	_ =	sdelay $0x3  }
0x34: {  	[smem:$0x3FB7] =	sst s10  }
0x35: {  	s10 =	sld [smem:$0x3FB6];
	_ =	sdelay $0x3  }
0x36: {  	p1 =	seq.s32 s10, $0x1;
	s10 =	sld [smem:$0x3FB7];
	_ =	sdelay $0x3  }
0x37: {  	[smem:$0x3FB7] =	sst s10  }
0x38: {  	s10 =	sld [smem:$0x3FB8]  }
0x39: {  	_ = 	snop;
	(pc) =	sbr.ind lr, $3  }
0x3a: {  	_ = 	snop  }
0x3b: {  	_ = 	snop  }
0x3c: {  	p2 =	seq.s32 s10, $0x1;
	s10 =	sld [smem:$0x3FB7]  }
0x3d: {  	_ =	shalt  }
0x3e: {  	_ =	shalt  }
0x3f: {  	_ =	shalt  }
0x40: {  	_ =	shalt  }
0x41: {  	_ =	shalt  }
0x42: {  	_ =	shalt  }
0x43: {  	_ =	shalt  }
0x44: {  	_ =	shalt  }
0x45: {  	_ =	shalt  }
0x46: {  	_ =	shalt  }
0x47: {  	_ =	shalt  }
0x48: {  	_ =	shalt  }
0x49: {  	_ =	shalt  }
0x4a: {  	_ =	shalt  }
0x4b: {  	_ =	shalt  }
0x4c: {  	_ =	shalt  }
0x4d: {  	_ =	shalt  }
0x4e: {  	_ =	shalt  }
0x4f: {  	_ =	shalt  }
0x50: {  	_ =	shalt  }
0x51: {  	_ =	shalt  }
0x52: {  	_ =	shalt  }
0x53: {  	_ =	shalt  }
0x54: {  	_ =	shalt  }
0x55: {  	_ =	shalt  }
0x56: {  	_ =	shalt  }
0x57: {  	_ =	shalt  }
0x58: {  	_ =	shalt  }
0x59: {  	_ =	shalt  }
0x5a: {  	_ =	shalt  }
0x5b: {  	_ =	shalt  }
0x5c: {  	_ =	shalt  }
0x5d: {  	_ =	shalt  }
0x5e: {  	_ =	shalt  }
0x5f: {  	_ =	shalt  }
0x60: {  	_ =	shalt  }
0x61: {  	_ =	shalt  }
0x62: {  	_ =	shalt  }
0x63: {  	_ =	shalt  }
0x64: {  	_ =	shalt  }
0x65: {  	_ =	shalt  }
0x66: {  	_ =	shalt  }
0x67: {  	_ =	shalt  }
0x68: {  	_ =	shalt  }
0x69: {  	_ =	shalt  }
0x6a: {  	_ =	shalt  }
0x6b: {  	_ =	shalt  }
0x6c: {  	_ =	shalt  }
0x6d: {  	_ =	shalt  }
0x6e: {  	_ =	shalt  }
0x6f: {  	_ =	shalt  }
0x70: {  	_ =	shalt  }
0x71: {  	_ =	shalt  }
0x72: {  	_ =	shalt  }
0x73: {  	_ =	shalt  }
0x74: {  	_ =	shalt  }
0x75: {  	_ =	shalt  }
0x76: {  	_ =	shalt  }
0x77: {  	_ =	shalt  }
0x78: {  	_ =	shalt  }
0x79: {  	_ =	shalt  }
0x7a: {  	_ =	shalt  }
0x7b: {  	_ =	shalt  }
0x7c: {  	_ =	shalt  }
0x7d: {  	_ =	shalt  }
0x7e: {  	_ =	shalt  }
0x7f: {  	_ =	shalt  }
0x80: {  	_ =	shalt  }
0x81: {  	_ =	shalt  }
0x82: {  	_ =	shalt  }
0x83: {  	_ =	shalt  }
0x84: {  	_ =	shalt  }
0x85: {  	_ =	shalt  }
0x86: {  	_ =	shalt  }
0x87: {  	_ =	shalt  }
.Lfunc_end0:
.L_simem_size_0:
called_computation_lowered:
.L_overlay_start_0:
0x88: {  	s2 =	sld [smem:$0x3FD9]  }
0x89: {  	s3 =	sld [smem:$0x3FFE];
	_ =	sdelay $0x1  }
0x8a: {  	s1 =	srdreg.scid  }
0x8b: {  	s0 =	sand.u32 $0x1, s1  }
0x8c: {  	s17 =	sshll.u32 s0, $0xA;
	s2 =	sadd.s32 s3, s2  }
0x8d: {  	s2 =	sadd.s32 s2, s17  }
0x8e: {  	[smem:$0x3FC3] =	sst s2  }
0x8f: {  	_ = 	snop  }
0x90: {  	s2 =	sld [smem:$0x3FC9]  }
0x91: {  	s18 =	sld [smem:$0x3FC7]  }
0x92: {  	s4 =	sld [smem:$0x3FD0];
	(tm) =	ssettm $0x1  }
0x93: {  	s5 =	sld [smem:$0x3FFB];
	_ =	sdelay $0x3  }
0x94: {  	_ =	strace s5  }
0x95: {  	s5 =	sld [smem:$0x3FFC];
	_ =	sdelay $0x3  }
0x96: {  	_ =	strace s5  }
0x97: {  	s5 =	sld [smem:$0x3FFD];
	_ =	sdelay $0x3  }
0x98: {  	_ =	strace s5  }
0x99: {  	_ =	strace $0x8FFFFFFF  }
0x9a: {  	s19 =	sld [smem:$0x3FDB];
	_ =	sdelay $0x1  }
0x9b: {  	s6 =	simm.s32 $_scs_section_size  }
0x9c: {  	s7 =	simm.s32 $_size__tile_overlayer_lowered;
	s8 =	simm.s32 $_tile_overlayer_lowered  }
0x9d: {  	s22 =	simm.s32 $0x1BFF;
	s21 =	sshll.u32 s8, $0x1;
	s5 =	sadd.s32 s6, s19  }
0x9e: {  	s9 =	simm.s32 $0x0;
	s20 =	sshll.u32 s7, $0x1;
	s7 =	sadd.s32 s21, s5  }
0x9f: {  	[timem:s9], [sflag:s22] =	dma.local [hbm:s7], s20  }
0xa0: {  	_ =	swait.ge [sflag:s22], s20  }
0xa1: {  	s6 =	ssub.s32 $0x0, s20;
	[sflag:s22] =	ssyncset.done $0x0  }
0xa2: {  	[sflag:s22] =	ssyncadd.s32 s6;
	_ =	sdelay $0x1  }
0xa3: {  	s23 =	simm.s32 $0x1B8B  }
0xa4: {  	_ =	swait.ge [sflag:s23], $0x1  }
0xa5: {  	[sflag:s23] =	ssyncset.done $0x0  }
0xa6: {  	s25 =	simm.s32 $0x1B8E;
	s24 =	sld [smem:$0x3FFE];
	[sflag:s23] =	ssyncadd.s32 $0xFFFFFFFF  }
0xa7: {  	s26 =	simm.s32 $execute0_lowered;
	[smem:$0x3FD2] =	sst s25  }
0xa8: {  	s7 =	sshll.u32 s26, $0x1;
	_ =	strace $0x80000046;
	[dreg:$0x1] =	wrdreg $0xFFFFFFFF  }
0xa9: {  	s28 =	simm.s32 $_size_execute0_lowered;
	s5 =	sadd.s32 s5, s7;
	[dreg:$0x0] =	wrdreg $0x0  }
0xaa: {  	s7 =	sshll.u32 s28, $0x1;
	[dreg:$0x2] =	wrdreg s5  }
0xab: {  	[dreg:$0x3] =	wrdreg s7  }
0xac: {  	[dreg:$0x4] =	wrdreg $0xC0  }
0xad: {  	_ =	task [dreg:s9], $0x5FFFF  }
0xae: {  	[dreg:$0x1] =	wrdreg $0xFFFFFFFF  }
0xaf: {  	[dreg:$0x0] =	wrdreg $0x60  }
0xb0: {  	[dreg:$0x2] =	wrdreg s24  }
0xb1: {  	[dreg:$0x3] =	wrdreg s4  }
0xb2: {  	[dreg:$0x4] =	wrdreg s18  }
0xb3: {  	[dreg:$0x5] =	wrdreg s2  }
0xb4: {  	[dreg:$0x6] =	wrdreg $0xAD000  }
0xb5: {  	[dreg:$0x7] =	wrdreg $0xAA800  }
0xb6: {  	[dreg:$0x8] =	wrdreg $0x9  }
0xb7: {  	_ =	task.clear_ibuf [dreg:s9], $0x9FFFF;
	_ =	strace $0x90000046  }
0xb8: {  	s29 =	simm.s32 $0x9;
	_ =	strace $0x80000048  }
0xb9: {  	_ =	swait.ge [sflag:s29], $0x1  }
0xba: {  	[sflag:s29] =	ssyncadd.s32 $0xFFFFFFFF  }
0xbb: {  	_ =	strace $0x90000048  }
0xbc: {  	_ =	sfence  }
0xbd: {  	s30 =	sld [smem:$0x0];
	_ =	sdelay $0x2  }
0xbe: {  	s31 =	sshll.u32 s1, $0xD;
	s1 =	sshrl.u32 s1, $0x2  }
0xbf: {  	s3 =	sand.u32 $0x4000, s31;
	s1 =	sadd.s32 s1, s30  }
0xc0: {  	s0 =	sor.u32 s3, s0;
	s1 =	sshll.u32 s1, $0x11  }
0xc1: {  	s0 =	sor.u32 s1, s0  }
0xc2: {  	s0 =	sadd.s32 $0x8F2B, s0  }
0xc3: {  	[sflag:s0] =	ssyncadd.remote.s32 $0x1  }
0xc4: {  	_ =	sfence.sel $0xFFFF  }
0xc5: {  	[dreg:$0x0] =	wrdreg $0xFFFFFFFF;
	(pc) =	sbr.abs _section_cstart, $3  }
0xc6: {  	[dreg:$0x1] =	wrdreg $0xFFFFFFFF  }
0xc7: {  	_ =	task.clear_ibuf [dreg:s9], $0x2FFFF;
	_ =	strace $0x9FFFFFFF  }
0xc8: {  	(tm) =	ssettm $0x7FFFFFFF  }
0xc9: {  	_ =	shalt  }
tec
execute0_lowered:
.L_overlay_start_1:
0x0: {  	(tag) =	ssettag $0x1  }
0x1: {  	s3 =	rddreg [dreg:$0x0]  }
0x2: {  	s0 =	rddreg [dreg:$0x1]  }
0x3: {  	s1 =	rddreg [dreg:$0x2]  }
0x4: {  	s2 =	rddreg [dreg:$0x3]  }
0x5: {  	s5 =	rddreg [dreg:$0x4];
	s12 =	stileid.u32  }
0x6: {  	s4 =	srdreg.scid;
	s8 =	smul.u32 $0x14000, s12  }
0x7: {  	s13 =	rddreg [dreg:$0x5];
	s9 =	smul.u32 $0x50000, s12  }
0x8: {  	s7 =	simm.s32 $0x0;
	s4 =	sand.u32 $0x1, s4;
	s17 =	smul.u32 $0x4E20, s12  }
0x9: {  	[smem:$0x7FF] =	sst s7;
	s15 =	sadd.s32 $0xA00, s3;
	s23 =	smul.u32 $0xA000, s12  }
0xa: {  	s6 =	smul.u32 $0x140000, s4;
	_ =	strace $0x80000047;
	[dreg:$0x7] =	wrdreg s15  }
0xb: {  	s10 =	ssub.s32 $0x2, s4;
	s4 =	sshll.u32 s4, $0x4;
	s21 =	sshrl.u32 s17, $0x3  }
0xc: {  	s16 =	sshrl.u32 s10, $0x1;
	s9 =	sshrl.u32 s9, $0x2;
	s22 =	sadd.s32 s0, s21  }
0xd: {  	s4 =	sor.u32 s12, s4;
	s14 =	sadd.s32 s1, s21;
	[dreg:$0xd] =	wrdreg s22  }
0xe: {  	s6 =	sadd.s32 s8, s6;
	s8 =	sadd.s32 s9, s5;
	[dreg:$0xe] =	wrdreg s14  }
0xf: {  	s12 =	smul.u32 $0xA00, s12;
	s18 =	sadd.s32 $0x2800, s8;
	[dreg:$0x8] =	wrdreg s8  }
0x10: {  	s25 =	sshrl.u32 s23, $0x2;
	s19 =	sadd.s32 $0x5000, s8;
	[dreg:$0x9] =	wrdreg s18  }
0x11: {  	s23 =	smul.u32 $0x2710, s4;
	s20 =	sadd.s32 $0x7800, s8;
	[dreg:$0xa] =	wrdreg s19  }
0x12: {  	s6 =	sshrl.u32 s6, $0x3;
	s11 =	sadd.s32 $0xA000, s8;
	[dreg:$0xb] =	wrdreg s20  }
0x13: {  	s26 =	sshrl.u32 s12, $0x2;
	s29 =	sadd.s32 $0xC800, s8;
	[dreg:$0xc] =	wrdreg s11  }
0x14: {  	s4 =	sadd.s32 $0xF000, s8;
	s3 =	sadd.s32 s6, s3;
	[dreg:$0x16] =	wrdreg s29  }
0x15: {  	s6 =	ssub.s32 s10, s16;
	s9 =	sadd.s32 s26, s5;
	[dreg:$0x17] =	wrdreg s4  }
0x16: {  	s10 =	sadd.s32 $0x64, s21;
	s20 =	sadd.s32 s25, s5;
	[dreg:$0x12] =	wrdreg s9  }
0x17: {  	s24 =	sadd.s32 s0, s10;
	[dreg:$0x11] =	wrdreg s20  }
0x18: {  	s10 =	sadd.s32 s1, s10;
	[dreg:$0xf] =	wrdreg s24  }
0x19: {  	s3 =	sadd.s32 $0xA800, s3;
	[dreg:$0x10] =	wrdreg s10  }
0x1a: {  	s28 =	smax.u32 s6, $0x1;
	[dreg:$0x14] =	wrdreg s3  }
0x1b: {  	s6 =	sadd.s32 $0x11800, s8;
	[dreg:$0x15] =	wrdreg s28  }
0x1c: {  	s11 =	sadd.s32 $0x5000, s9;
	[dreg:$0x18] =	wrdreg s6  }
0x1d: {  	s30 =	simm.s32 $0x3;
	s12 =	sadd.s32 $0x7800, s9;
	[dreg:$0x1a] =	wrdreg s11  }
0x1e: {  	s31 =	simm.s32 $0x4;
	s14 =	sadd.s32 $0xC800, s9;
	[dreg:$0x1b] =	wrdreg s12  }
0x1f: {  	s18 =	sadd.s32 $0x640, s17;
	s15 =	sadd.s32 $0xF000, s9;
	[dreg:$0x1d] =	wrdreg s14  }
0x20: {  	s19 =	sadd.s32 $0x960, s17;
	s16 =	sadd.s32 $0x11800, s9;
	[dreg:$0x1e] =	wrdreg s15  }
0x21: {  	s4 =	simm.s32 $0x0;
	s17 =	sadd.s32 $0x14000, s9;
	[dreg:$0x1f] =	wrdreg s16  }
0x22: {  	s21 =	sadd.s32 $0x16800, s9;
	s22 =	sadd.s32 $0x19000, s9;
	[smem:$0x7F6] =	sst s17  }
0x23: {  	s25 =	sadd.s32 $0x1E000, s9;
	s29 =	sadd.s32 $0x25800, s9;
	[smem:$0x7F7] =	sst s21  }
0x24: {  	s10 =	sadd.s32 s26, s13;
	s13 =	sadd.s32 $0xA000, s9;
	[smem:$0x7F8] =	sst s22  }
0x25: {  	s24 =	sadd.s32 $0x1B800, s9;
	[smem:$0x7FA] =	sst s25;
	s26 =	sadd.s32 $0x20800, s9  }
0x26: {  	s28 =	sadd.s32 $0x23000, s9;
	[smem:$0x7FD] =	sst s29;
	s25 =	simm.s32 $0x5280  }
0x27: {  	s21 =	simm.s32 $0x3380;
	s22 =	simm.s32 $0xA680;
	[dreg:$0x13] =	wrdreg s10  }
.Ltmp0:
0x28: {  	s11 =	simm.s32 $0x50;
	[dreg:$0x1c] =	wrdreg s13;
	(pc) =	sbr.rel .LBB2_1-.Ltmp0, $4  }
0x29: {  	s12 =	simm.s32 $0x2B00;
	s14 =	simm.s32 $0x7A80;
	[smem:$0x7F9] =	sst s24  }
0x2a: {  	s15 =	simm.s32 $0x2A80;
	s16 =	simm.s32 $0x2C00;
	[smem:$0x7FB] =	sst s26  }
0x2b: {  	s17 =	simm.s32 $0x2;
	s10 =	sadd.s32 $0x2800, s9;
	[smem:$0x7FC] =	sst s28  }
0x2c: {  	v0 =	vimm.f32 $0.0e+00;
	s26 =	simm.s32 $0x5;
	s13 =	simm.s32 $0x2C80;
	[dreg:$0x19] =	wrdreg s10  }
.LBB2_60:
0x2d: {  	s3 =	stileid.u32;
	[bflag:$0x0] =	sbarrier.arrive $0xFFFF  }
0x2e: {  	s3 =	sshll.u32 s3, $0x6;
	s8 =	rddreg [dreg:$0x8]  }
0x2f: {  	s6 =	rddreg [dreg:$0x14];
	s3 =	sor.u32 $0x1C05, s3;
	s4 =	sshrl.u32 s8, $0x3  }
0x30: {  	[hbm:s6], [sflag:s3] =	dma.local [spmem:s4], $0x2800  }
0x31: {  	_ =	swait.ge [sflag:s26], $0x2800  }
0x32: {  	s28 =	sld [smem:$0x7F5];
	_ =	sdelay $0x2  }
0x33: {  	s29 =	rddreg [dreg:$0x15];
	s4 =	sadd.s32 $0x1, s28  }
0x34: {  	p0 =	sne.s32 s4, s29  }
.Ltmp1:
0x35: {  	_ = 	snop;
	(pc) =	sbr.rel @!p0 .LBB2_61-.Ltmp1, $3  }
0x36: {  	_ =	sdelay $0x1  }
0x37: {  	s13 =	simm.s32 $0x2C80;
	s21 =	simm.s32 $0x3380;
	[sflag:s26] =	ssyncset.done $0x0  }
0x38: {  	s22 =	simm.s32 $0xA680;
	s20 =	rddreg [dreg:$0x11];
	[sflag:s26] =	ssyncadd.s32 $0xFFFFD800  }
.LBB2_1:
0x39: {  	[smem:$0x7F5] =	sst s4;
	s3 =	simm.s32 $0x0;
	s4 =	simm.s32 $0x200  }
.LBB2_2:
0x3a: {  	p0 =	sne.s32 s4, $0x9E00;
	[tilespmem:s3+$0x52F0] =	vst v0  }
0x3b: {  	[tilespmem:s3+$0x5280] =	vst v0  }
0x3c: {  	[tilespmem:s3+$0x5290] =	vst v0  }
.Ltmp2:
0x3d: {  	[tilespmem:s3+$0x52A0] =	vst v0;
	(pc) =	sbr.rel @p0 .LBB2_2-.Ltmp2, $4  }
0x3e: {  	[tilespmem:s3+$0x52B0] =	vst v0  }
0x3f: {  	[tilespmem:s3+$0x52C0] =	vst v0  }
0x40: {  	[tilespmem:s3+$0x52D0] =	vst v0  }
0x41: {  	[tilespmem:s3+$0x52E0] =	vst v0;
	s3 =	sshra.s32 s4, $0x2;
	s4 =	sadd.s32 $0x200, s4  }
0x42: {  	[tilespmem:s3+$0x52F0] =	vst v0  }
0x43: {  	[tilespmem:s3+$0x5280] =	vst v0  }
0x44: {  	[tilespmem:s3+$0x5290] =	vst v0  }
0x45: {  	[tilespmem:s3+$0x52A0] =	vst v0  }
0x46: {  	[tilespmem:s3+$0x52B0] =	vst v0  }
0x47: {  	[tilespmem:s3+$0x52C0] =	vst v0  }
0x48: {  	[tilespmem:s3+$0x52D0] =	vst v0  }
0x49: {  	[tilespmem:s3+$0x52E0] =	vst v0  }
0x4a: {  	[tilespmem:$0x2800] =	vst v0  }
0x4b: {  	[tilespmem:$0x2810] =	vst v0  }
0x4c: {  	[tilespmem:$0x2820] =	vst v0  }
0x4d: {  	[tilespmem:$0x2830] =	vst v0  }
0x4e: {  	[tilespmem:$0x2840] =	vst v0  }
0x4f: {  	[tilespmem:$0x2850] =	vst v0  }
0x50: {  	[tilespmem:$0x2860] =	vst v0  }
0x51: {  	[tilespmem:$0x2870] =	vst v0  }
0x52: {  	[tilespmem:$0x2880] =	vst v0  }
0x53: {  	[tilespmem:$0x2890] =	vst v0  }
0x54: {  	[tilespmem:$0x28A0] =	vst v0  }
0x55: {  	[tilespmem:$0x28B0] =	vst v0  }
0x56: {  	[tilespmem:$0x28C0] =	vst v0  }
0x57: {  	[tilespmem:$0x28D0] =	vst v0  }
0x58: {  	[tilespmem:$0x28E0] =	vst v0  }
0x59: {  	[tilespmem:$0x28F0] =	vst v0  }
0x5a: {  	[tilespmem:$0x2900] =	vst v0  }
0x5b: {  	[tilespmem:$0x2910] =	vst v0  }
0x5c: {  	[tilespmem:$0x2920] =	vst v0  }
0x5d: {  	[tilespmem:$0x2930] =	vst v0  }
0x5e: {  	[tilespmem:$0x2940] =	vst v0  }
0x5f: {  	[tilespmem:$0x2950] =	vst v0  }
0x60: {  	[tilespmem:$0x2960] =	vst v0  }
0x61: {  	[tilespmem:$0x2970] =	vst v0  }
0x62: {  	[tilespmem:$0x2980] =	vst v0  }
0x63: {  	[tilespmem:$0x2990] =	vst v0  }
0x64: {  	[tilespmem:$0x29A0] =	vst v0  }
0x65: {  	[tilespmem:$0x29B0] =	vst v0  }
0x66: {  	[tilespmem:$0x29C0] =	vst v0  }
0x67: {  	[tilespmem:$0x29D0] =	vst v0  }
0x68: {  	[tilespmem:$0x29E0] =	vst v0  }
0x69: {  	[tilespmem:$0x29F0] =	vst v0  }
0x6a: {  	[tilespmem:$0x2A00] =	vst v0  }
0x6b: {  	[tilespmem:$0x2A10] =	vst v0  }
0x6c: {  	[tilespmem:$0x2A20] =	vst v0  }
0x6d: {  	[tilespmem:$0x2A30] =	vst v0  }
0x6e: {  	[tilespmem:$0x2A40] =	vst v0  }
0x6f: {  	[tilespmem:$0x2A50] =	vst v0  }
0x70: {  	[tilespmem:$0x2A60] =	vst v0  }
0x71: {  	[tilespmem:$0x2A70] =	vst v0  }
0x72: {  	[spmem:s8] =	stream.linear.scatter [tilespmem:s25], [sflag:$0x5], $0x2800, $0x38;
	[tilespmem:$0x1ED00] =	vst v63  }
0x73: {  	_ =	swait.ge [sflag:s26], $0x2800  }
0x74: {  	[sflag:s26] =	ssyncset.done $0x0  }
0x75: {  	s24 =	rddreg [dreg:$0x9];
	[sflag:s26] =	ssyncadd.s32 $0xFFFFD800  }
0x76: {  	[spmem:s24] =	stream.linear.scatter [tilespmem:s25], [sflag:$0x5], $0x2800, $0x38;
	[tilespmem:$0x1ED00] =	vst v63  }
0x77: {  	_ =	swait.ge [sflag:s26], $0x2800  }
0x78: {  	[sflag:s26] =	ssyncset.done $0x0  }
0x79: {  	s28 =	rddreg [dreg:$0xa];
	[sflag:s26] =	ssyncadd.s32 $0xFFFFD800  }
0x7a: {  	[spmem:s28] =	stream.linear.scatter [tilespmem:s25], [sflag:$0x5], $0x2800, $0x38;
	[tilespmem:$0x1ED00] =	vst v63  }
0x7b: {  	_ =	swait.ge [sflag:s26], $0x2800  }
0x7c: {  	[sflag:s26] =	ssyncset.done $0x0  }
0x7d: {  	s29 =	rddreg [dreg:$0xb];
	[sflag:s26] =	ssyncadd.s32 $0xFFFFD800  }
0x7e: {  	[spmem:s29] =	stream.linear.scatter [tilespmem:s25], [sflag:$0x5], $0x2800, $0x38;
	[tilespmem:$0x1ED00] =	vst v63  }
0x7f: {  	_ =	swait.ge [sflag:s26], $0x2800  }
0x80: {  	[sflag:s26] =	ssyncset.done $0x0  }
0x81: {  	s4 =	rddreg [dreg:$0xc];
	[sflag:s26] =	ssyncadd.s32 $0xFFFFD800  }
0x82: {  	[spmem:s4] =	stream.linear.scatter [tilespmem:s25], [sflag:$0x5], $0x2800, $0x38;
	[tilespmem:$0x1ED00] =	vst v63  }
0x83: {  	_ =	swait.ge [sflag:s26], $0x2800  }
0x84: {  	[sflag:s26] =	ssyncset.done $0x0  }
0x85: {  	s6 =	rddreg [dreg:$0x16];
	[sflag:s26] =	ssyncadd.s32 $0xFFFFD800  }
0x86: {  	[spmem:s6] =	stream.linear.scatter [tilespmem:s25], [sflag:$0x5], $0x2800, $0x38;
	[tilespmem:$0x1ED00] =	vst v63  }
0x87: {  	_ =	swait.ge [sflag:s26], $0x2800  }
0x88: {  	[sflag:s26] =	ssyncset.done $0x0  }
0x89: {  	s8 =	rddreg [dreg:$0x17];
	[sflag:s26] =	ssyncadd.s32 $0xFFFFD800  }
0x8a: {  	[spmem:s8] =	stream.linear.scatter [tilespmem:s25], [sflag:$0x5], $0x2800, $0x38;
	[tilespmem:$0x1ED00] =	vst v63  }
0x8b: {  	_ =	swait.ge [sflag:s26], $0x2800  }
0x8c: {  	[sflag:s26] =	ssyncset.done $0x0  }
0x8d: {  	s9 =	rddreg [dreg:$0x18];
	[sflag:s26] =	ssyncadd.s32 $0xFFFFD800  }
0x8e: {  	[spmem:s9] =	stream.linear.scatter [tilespmem:s25], [sflag:$0x5], $0x2800, $0x38;
	[tilespmem:$0x1ED00] =	vst v63  }
0x8f: {  	_ =	swait.ge [sflag:s26], $0x2800  }
0x90: {  	[sflag:s26] =	ssyncset.done $0x0  }
0x91: {  	[sflag:s26] =	ssyncadd.s32 $0xFFFFD800  }
0x92: {  	[bflag:$0x0] =	sbarrier.arrive $0xFFFF  }
0x93: {  	s3 =	simm.s32 $0x0;
	s4 =	rddreg [dreg:$0xd]  }
0x94: {  	[tilespmem:s13], [sflag:$0x3] =	stream.linear.gather [hbm4b:s4+s3], $0x320, $0x38;
	[tilespmem:$0x1ED00] =	vst v63  }
0x95: {  	s10 =	rddreg [dreg:$0xe]  }
0x96: {  	[tilespmem:s21], [sflag:$0x3] =	stream.linear.gather [hbm4b:s10+s3], $0x320, $0x38;
	[tilespmem:$0x1ED00] =	vst v63  }
0x97: {  	_ =	swait.ge [sflag:s30], $0x320  }
0x98: {  	[sflag:s30] =	ssyncset.done $0x0  }
0x99: {  	[sflag:s30] =	ssyncadd.s32 $0xFFFFFCE0  }
0x9a: {  	_ =	swait.ge [sflag:s30], $0x320  }
0x9b: {  	s29 =	simm.s32 $0x3700;
	[sflag:s30] =	ssyncset.done $0x0  }
0x9c: {  	s6 =	simm.s32 $0x3000;
	s24 =	rddreg [dreg:$0xf];
	[sflag:s30] =	ssyncadd.s32 $0xFFFFFCE0  }
0x9d: {  	[tilespmem:s6], [sflag:$0x4] =	stream.linear.gather [hbm4b:s24+s3], $0x320, $0x38;
	[tilespmem:$0x1ED00] =	vst v63  }
0x9e: {  	s4 =	simm.s32 $0x40;
	s28 =	rddreg [dreg:$0x10];
	s6 =	simm.s32 $0x0  }
0x9f: {  	[tilespmem:s29], [sflag:$0x4] =	stream.linear.gather [hbm4b:s28+s3], $0x320, $0x38;
	[tilespmem:$0x1ED00] =	vst v63  }
.LBB2_4:
0xa0: {  	p0 =	sne.s32 s4, $0xC40;
	v1 =	vld [tilespmem:s6+$0x2C80];
	_ =	sdelay $0x2  }
0xa1: {  	v2 =	vld [tilespmem:s6+$0x3380]  }
.Ltmp3:
0xa2: {  	(pc) =	sbr.rel @p0 .LBB2_4-.Ltmp3, $2  }
0xa3: {  	_ =	sdelay $0x2  }
0xa4: {  	s6 =	sshra.s32 s4, $0x2;
	s4 =	sadd.s32 $0x40, s4;
	[tilespmem:v1+s25+$0x0] =	vst.idx.add.f32.msk $0xffff, v2  }
0xa5: {  	v1 =	vld [tilespmem:s6+$0x2C80];
	_ =	sdelay $0x2  }
0xa6: {  	v2 =	vld [tilespmem:s6+$0x3380];
	_ =	sdelay $0x4  }
0xa7: {  	[tilespmem:v1+s25+$0x0] =	vst.idx.add.f32.msk $0xffff, v2  }
.LBB2_6:
0xa8: {  	_ =	swait.ge [sflag:s31], $0x320  }
0xa9: {  	s4 =	smul.u32 $0x640, s3;
	[sflag:s31] =	ssyncset.done $0x0  }
0xaa: {  	[sflag:s31] =	ssyncadd.s32 $0xFFFFFCE0  }
0xab: {  	s6 =	sadd.s32 s4, s18;
	_ =	swait.ge [sflag:s31], $0x320  }
0xac: {  	s6 =	sshrl.u32 s6, $0x3;
	[sflag:s31] =	ssyncset.done $0x0  }
0xad: {  	s10 =	simm.s32 $0x0;
	s9 =	sadd.s32 s0, s6;
	[sflag:s31] =	ssyncadd.s32 $0xFFFFFCE0  }
0xae: {  	[tilespmem:s13], [sflag:$0x3] =	stream.linear.gather [hbm4b:s9+s10], $0x320, $0x38;
	[tilespmem:$0x1ED00] =	vst v63  }
0xaf: {  	s6 =	sadd.s32 s1, s6  }
0xb0: {  	[tilespmem:s21], [sflag:$0x3] =	stream.linear.gather [hbm4b:s6+s10], $0x320, $0x38;
	[tilespmem:$0x1ED00] =	vst v63  }
0xb1: {  	s9 =	simm.s32 $0x0;
	s6 =	simm.s32 $0x40  }
.LBB2_7:
0xb2: {  	p0 =	sne.s32 s6, $0xC40;
	v1 =	vld [tilespmem:s9+$0x3000];
	_ =	sdelay $0x2  }
0xb3: {  	v2 =	vld [tilespmem:s9+$0x3700]  }
.Ltmp4:
0xb4: {  	(pc) =	sbr.rel @p0 .LBB2_7-.Ltmp4, $2  }
0xb5: {  	_ =	sdelay $0x2  }
0xb6: {  	s9 =	sshra.s32 s6, $0x2;
	s6 =	sadd.s32 $0x40, s6;
	[tilespmem:v1+s25+$0x0] =	vst.idx.add.f32.msk $0xffff, v2  }
0xb7: {  	v1 =	vld [tilespmem:s9+$0x3000];
	_ =	sdelay $0x2  }
0xb8: {  	v2 =	vld [tilespmem:s9+$0x3700];
	_ =	sdelay $0x4  }
0xb9: {  	[tilespmem:v1+s25+$0x0] =	vst.idx.add.f32.msk $0xffff, v2  }
0xba: {  	_ =	swait.ge [sflag:s30], $0x320  }
0xbb: {  	[sflag:s30] =	ssyncset.done $0x0  }
0xbc: {  	p0 =	seq.s32 s3, $0xB;
	[sflag:s30] =	ssyncadd.s32 $0xFFFFFCE0  }
0xbd: {  	s4 =	sadd.s32 @!p0 s4, s19;
	_ =	swait.ge [sflag:s30], $0x320  }
0xbe: {  	s9 =	simm.s32 @!p0 $0x0;
	s4 =	sshrl.u32 @!p0 s4, $0x3;
	[sflag:s30] =	ssyncset.done $0x0  }
0xbf: {  	s10 =	simm.s32 @!p0 $0x3000;
	s6 =	sadd.s32 @!p0 s0, s4;
	[sflag:s30] =	ssyncadd.s32 $0xFFFFFCE0  }
0xc0: {  	[tilespmem:s10], [sflag:$0x4] =	stream.linear.gather @!p0 [hbm4b:s6+s9], $0x320, $0x38;
	[tilespmem:$0x1ED00] =	vst v63  }
0xc1: {  	s4 =	sadd.s32 @!p0 s1, s4;
	s6 =	simm.s32 @!p0 $0x3700  }
0xc2: {  	[tilespmem:s6], [sflag:$0x4] =	stream.linear.gather @!p0 [hbm4b:s4+s9], $0x320, $0x38;
	[tilespmem:$0x1ED00] =	vst v63  }
0xc3: {  	s6 =	simm.s32 $0x0;
	s4 =	simm.s32 $0x40  }
.LBB2_9:
0xc4: {  	p0 =	sne.s32 s4, $0xC40;
	v1 =	vld [tilespmem:s6+$0x2C80];
	_ =	sdelay $0x2  }
0xc5: {  	v2 =	vld [tilespmem:s6+$0x3380]  }
.Ltmp5:
0xc6: {  	(pc) =	sbr.rel @p0 .LBB2_9-.Ltmp5, $2  }
0xc7: {  	_ =	sdelay $0x2  }
0xc8: {  	s6 =	sshra.s32 s4, $0x2;
	s4 =	sadd.s32 $0x40, s4;
	[tilespmem:v1+s25+$0x0] =	vst.idx.add.f32.msk $0xffff, v2  }
0xc9: {  	v1 =	vld [tilespmem:s6+$0x2C80];
	_ =	sdelay $0x1  }
0xca: {  	s3 =	sadd.s32 $0x1, s3  }
0xcb: {  	v2 =	vld [tilespmem:s6+$0x3380];
	p0 =	sne.s32 s3, $0xC  }
.Ltmp6:
0xcc: {  	_ = 	snop;
	(pc) =	sbr.rel @p0 .LBB2_6-.Ltmp6, $2  }
0xcd: {  	_ =	sdelay $0x2  }
0xce: {  	[tilespmem:v1+s25+$0x0] =	vst.idx.add.f32.msk $0xffff, v2  }
0xcf: {  	[spmem:s20] =	stream.linear.scatter [tilespmem:s25], [sflag:$0x5], $0x2800, $0x38;
	[tilespmem:$0x1ED00] =	vst v63  }
0xd0: {  	s3 =	simm.s32 $0x0;
	_ =	swait.ge [sflag:s26], $0x2800  }
0xd1: {  	s4 =	sand.u32 $0xE00, s3;
	[sflag:s26] =	ssyncset.done $0x0  }
0xd2: {  	s6 =	sand.u32 $0x70, s3;
	s9 =	sshrl.u32 s4, $0x2;
	[sflag:s26] =	ssyncadd.s32 $0xFFFFD800  }
0xd3: {  	s4 =	simm.s32 $0x40;
	s6 =	sor.u32 s6, s9;
	[bflag:$0x0] =	sbarrier.arrive $0xFFFF  }
.LBB2_12:
0xd4: {  	p0 =	sne.s32 s4, $0x9C0  }
0xd5: {  	[tilespmem:s6+$0xA280] =	vst v0;
	s3 =	sadd.s32 $0x10, s3;
	s6 =	smov.u32 s4;
	s4 =	sadd.s32 $0x40, s4  }
.Ltmp7:
0xd6: {  	(pc) =	sbr.rel @p0 .LBB2_12-.Ltmp7, $4  }
0xd7: {  	_ = 	snop  }
0xd8: {  	s6 =	sand.u32 $0xE00, s6  }
0xd9: {  	s9 =	sand.u32 $0x70, s3;
	s6 =	sshrl.u32 s6, $0x2  }
0xda: {  	s6 =	sor.u32 s9, s6  }
0xdb: {  	[tilespmem:s6+$0xA280] =	vst v0;
	s3 =	rddreg [dreg:$0x12]  }
0xdc: {  	[tilespmem:s22], [sflag:$0x5] =	stream.linear.gather [spmem:s3], $0x280, $0x38;
	[tilespmem:$0x1ED00] =	vst v63  }
0xdd: {  	_ =	swait.ge [sflag:s26], $0x280  }
0xde: {  	[sflag:s26] =	ssyncset.done $0x0  }
0xdf: {  	s3 =	simm.s32 $0x0;
	[sflag:s26] =	ssyncadd.s32 $0xFFFFFD80  }
0xe0: {  	s4 =	simm.s32 $0x40;
	v1 =	vld [tilespmem:s3+$0xA680]  }
.LBB2_14:
0xe1: {  	p0 =	sne.s32 s4, $0x9C0;
	v2 =	vld [tilespmem:s3+$0xA280];
	_ =	sdelay $0x2  }
.Ltmp8:
0xe2: {  	(pc) =	sbr.rel @p0 .LBB2_14-.Ltmp8, $4  }
0xe3: {  	_ = 	snop  }
0xe4: {  	v2 =	vadd.f32 v1, v2  }
0xe5: {  	s6 =	sshra.s32 s4, $0x2  }
0xe6: {  	s4 =	sadd.s32 $0x40, s4;
	v1 =	vld [tilespmem:s6+$0xA680];
	[tilespmem:s3+$0xA280] =	vst v2;
	s3 =	smov.u32 s6  }
0xe7: {  	v2 =	vld [tilespmem:s3+$0xA280];
	_ =	sdelay $0x4  }
0xe8: {  	v1 =	vadd.f32 v1, v2;
	_ =	sdelay $0x1  }
0xe9: {  	s29 =	rddreg [dreg:$0x19];
	[tilespmem:s3+$0xA280] =	vst v1  }
0xea: {  	[tilespmem:s22], [sflag:$0x5] =	stream.linear.gather [spmem:s29], $0x280, $0x38;
	[tilespmem:$0x1ED00] =	vst v63  }
0xeb: {  	_ =	swait.ge [sflag:s26], $0x280  }
0xec: {  	[sflag:s26] =	ssyncset.done $0x0  }
0xed: {  	s3 =	simm.s32 $0x0;
	[sflag:s26] =	ssyncadd.s32 $0xFFFFFD80  }
0xee: {  	s4 =	simm.s32 $0x40;
	v1 =	vld [tilespmem:s3+$0xA680]  }
.LBB2_16:
0xef: {  	p0 =	sne.s32 s4, $0x9C0;
	v2 =	vld [tilespmem:s3+$0xA280];
	_ =	sdelay $0x2  }
.Ltmp9:
0xf0: {  	(pc) =	sbr.rel @p0 .LBB2_16-.Ltmp9, $4  }
0xf1: {  	_ = 	snop  }
0xf2: {  	v2 =	vadd.f32 v1, v2  }
0xf3: {  	s6 =	sshra.s32 s4, $0x2  }
0xf4: {  	s4 =	sadd.s32 $0x40, s4;
	v1 =	vld [tilespmem:s6+$0xA680];
	[tilespmem:s3+$0xA280] =	vst v2;
	s3 =	smov.u32 s6  }
0xf5: {  	v2 =	vld [tilespmem:s3+$0xA280];
	_ =	sdelay $0x4  }
0xf6: {  	v1 =	vadd.f32 v1, v2;
	_ =	sdelay $0x1  }
0xf7: {  	s29 =	rddreg [dreg:$0x1a];
	[tilespmem:s3+$0xA280] =	vst v1  }
0xf8: {  	[tilespmem:s22], [sflag:$0x5] =	stream.linear.gather [spmem:s29], $0x280, $0x38;
	[tilespmem:$0x1ED00] =	vst v63  }
0xf9: {  	_ =	swait.ge [sflag:s26], $0x280  }
0xfa: {  	[sflag:s26] =	ssyncset.done $0x0  }
0xfb: {  	s3 =	simm.s32 $0x0;
	[sflag:s26] =	ssyncadd.s32 $0xFFFFFD80  }
0xfc: {  	s4 =	simm.s32 $0x40;
	v1 =	vld [tilespmem:s3+$0xA680]  }
.LBB2_18:
0xfd: {  	p0 =	sne.s32 s4, $0x9C0;
	v2 =	vld [tilespmem:s3+$0xA280];
	_ =	sdelay $0x2  }
.Ltmp10:
0xfe: {  	(pc) =	sbr.rel @p0 .LBB2_18-.Ltmp10, $4  }
0xff: {  	_ = 	snop  }
0x100: {  	v2 =	vadd.f32 v1, v2  }
0x101: {  	s6 =	sshra.s32 s4, $0x2  }
0x102: {  	s4 =	sadd.s32 $0x40, s4;
	v1 =	vld [tilespmem:s6+$0xA680];
	[tilespmem:s3+$0xA280] =	vst v2;
	s3 =	smov.u32 s6  }
0x103: {  	v2 =	vld [tilespmem:s3+$0xA280];
	_ =	sdelay $0x4  }
0x104: {  	v1 =	vadd.f32 v1, v2;
	_ =	sdelay $0x1  }
0x105: {  	s29 =	rddreg [dreg:$0x1b];
	[tilespmem:s3+$0xA280] =	vst v1  }
0x106: {  	[tilespmem:s22], [sflag:$0x5] =	stream.linear.gather [spmem:s29], $0x280, $0x38;
	[tilespmem:$0x1ED00] =	vst v63  }
0x107: {  	_ =	swait.ge [sflag:s26], $0x280  }
0x108: {  	[sflag:s26] =	ssyncset.done $0x0  }
0x109: {  	s3 =	simm.s32 $0x0;
	[sflag:s26] =	ssyncadd.s32 $0xFFFFFD80  }
0x10a: {  	s4 =	simm.s32 $0x40;
	v1 =	vld [tilespmem:s3+$0xA680]  }
.LBB2_20:
0x10b: {  	p0 =	sne.s32 s4, $0x9C0;
	v2 =	vld [tilespmem:s3+$0xA280];
	_ =	sdelay $0x2  }
.Ltmp11:
0x10c: {  	(pc) =	sbr.rel @p0 .LBB2_20-.Ltmp11, $4  }
0x10d: {  	_ = 	snop  }
0x10e: {  	v2 =	vadd.f32 v1, v2  }
0x10f: {  	s6 =	sshra.s32 s4, $0x2  }
0x110: {  	s4 =	sadd.s32 $0x40, s4;
	v1 =	vld [tilespmem:s6+$0xA680];
	[tilespmem:s3+$0xA280] =	vst v2;
	s3 =	smov.u32 s6  }
0x111: {  	v2 =	vld [tilespmem:s3+$0xA280];
	_ =	sdelay $0x4  }
0x112: {  	v1 =	vadd.f32 v1, v2;
	_ =	sdelay $0x1  }
0x113: {  	s29 =	rddreg [dreg:$0x1c];
	[tilespmem:s3+$0xA280] =	vst v1  }
0x114: {  	[tilespmem:s22], [sflag:$0x5] =	stream.linear.gather [spmem:s29], $0x280, $0x38;
	[tilespmem:$0x1ED00] =	vst v63  }
0x115: {  	_ =	swait.ge [sflag:s26], $0x280  }
0x116: {  	[sflag:s26] =	ssyncset.done $0x0  }
0x117: {  	s3 =	simm.s32 $0x0;
	[sflag:s26] =	ssyncadd.s32 $0xFFFFFD80  }
0x118: {  	s4 =	simm.s32 $0x40;
	v1 =	vld [tilespmem:s3+$0xA680]  }
.LBB2_22:
0x119: {  	p0 =	sne.s32 s4, $0x9C0;
	v2 =	vld [tilespmem:s3+$0xA280];
	_ =	sdelay $0x2  }
.Ltmp12:
0x11a: {  	(pc) =	sbr.rel @p0 .LBB2_22-.Ltmp12, $4  }
0x11b: {  	_ = 	snop  }
0x11c: {  	v2 =	vadd.f32 v1, v2  }
0x11d: {  	s6 =	sshra.s32 s4, $0x2  }
0x11e: {  	s4 =	sadd.s32 $0x40, s4;
	v1 =	vld [tilespmem:s6+$0xA680];
	[tilespmem:s3+$0xA280] =	vst v2;
	s3 =	smov.u32 s6  }
0x11f: {  	v2 =	vld [tilespmem:s3+$0xA280];
	_ =	sdelay $0x4  }
0x120: {  	v1 =	vadd.f32 v1, v2;
	_ =	sdelay $0x1  }
0x121: {  	s29 =	rddreg [dreg:$0x1d];
	[tilespmem:s3+$0xA280] =	vst v1  }
0x122: {  	[tilespmem:s22], [sflag:$0x5] =	stream.linear.gather [spmem:s29], $0x280, $0x38;
	[tilespmem:$0x1ED00] =	vst v63  }
0x123: {  	_ =	swait.ge [sflag:s26], $0x280  }
0x124: {  	[sflag:s26] =	ssyncset.done $0x0  }
0x125: {  	s3 =	simm.s32 $0x0;
	[sflag:s26] =	ssyncadd.s32 $0xFFFFFD80  }
0x126: {  	s4 =	simm.s32 $0x40;
	v1 =	vld [tilespmem:s3+$0xA680]  }
.LBB2_24:
0x127: {  	p0 =	sne.s32 s4, $0x9C0;
	v2 =	vld [tilespmem:s3+$0xA280];
	_ =	sdelay $0x2  }
.Ltmp13:
0x128: {  	(pc) =	sbr.rel @p0 .LBB2_24-.Ltmp13, $4  }
0x129: {  	_ = 	snop  }
0x12a: {  	v2 =	vadd.f32 v1, v2  }
0x12b: {  	s6 =	sshra.s32 s4, $0x2  }
0x12c: {  	s4 =	sadd.s32 $0x40, s4;
	v1 =	vld [tilespmem:s6+$0xA680];
	[tilespmem:s3+$0xA280] =	vst v2;
	s3 =	smov.u32 s6  }
0x12d: {  	v2 =	vld [tilespmem:s3+$0xA280];
	_ =	sdelay $0x4  }
0x12e: {  	v1 =	vadd.f32 v1, v2;
	_ =	sdelay $0x1  }
0x12f: {  	s29 =	rddreg [dreg:$0x1e];
	[tilespmem:s3+$0xA280] =	vst v1  }
0x130: {  	[tilespmem:s22], [sflag:$0x5] =	stream.linear.gather [spmem:s29], $0x280, $0x38;
	[tilespmem:$0x1ED00] =	vst v63  }
0x131: {  	_ =	swait.ge [sflag:s26], $0x280  }
0x132: {  	[sflag:s26] =	ssyncset.done $0x0  }
0x133: {  	s3 =	simm.s32 $0x0;
	[sflag:s26] =	ssyncadd.s32 $0xFFFFFD80  }
0x134: {  	s4 =	simm.s32 $0x40;
	v1 =	vld [tilespmem:s3+$0xA680]  }
.LBB2_26:
0x135: {  	p0 =	sne.s32 s4, $0x9C0;
	v2 =	vld [tilespmem:s3+$0xA280];
	_ =	sdelay $0x2  }
.Ltmp14:
0x136: {  	(pc) =	sbr.rel @p0 .LBB2_26-.Ltmp14, $4  }
0x137: {  	_ = 	snop  }
0x138: {  	v2 =	vadd.f32 v1, v2  }
0x139: {  	s6 =	sshra.s32 s4, $0x2  }
0x13a: {  	s4 =	sadd.s32 $0x40, s4;
	v1 =	vld [tilespmem:s6+$0xA680];
	[tilespmem:s3+$0xA280] =	vst v2;
	s3 =	smov.u32 s6  }
0x13b: {  	v2 =	vld [tilespmem:s3+$0xA280];
	_ =	sdelay $0x4  }
0x13c: {  	v1 =	vadd.f32 v1, v2;
	_ =	sdelay $0x1  }
0x13d: {  	s29 =	rddreg [dreg:$0x1f];
	[tilespmem:s3+$0xA280] =	vst v1  }
0x13e: {  	[tilespmem:s22], [sflag:$0x5] =	stream.linear.gather [spmem:s29], $0x280, $0x38;
	[tilespmem:$0x1ED00] =	vst v63  }
0x13f: {  	_ =	swait.ge [sflag:s26], $0x280  }
0x140: {  	[sflag:s26] =	ssyncset.done $0x0  }
0x141: {  	s3 =	simm.s32 $0x0;
	[sflag:s26] =	ssyncadd.s32 $0xFFFFFD80  }
0x142: {  	s4 =	simm.s32 $0x40;
	v1 =	vld [tilespmem:s3+$0xA680]  }
.LBB2_28:
0x143: {  	p0 =	sne.s32 s4, $0x9C0;
	v2 =	vld [tilespmem:s3+$0xA280];
	_ =	sdelay $0x2  }
.Ltmp15:
0x144: {  	(pc) =	sbr.rel @p0 .LBB2_28-.Ltmp15, $4  }
0x145: {  	_ = 	snop  }
0x146: {  	v2 =	vadd.f32 v1, v2  }
0x147: {  	s6 =	sshra.s32 s4, $0x2  }
0x148: {  	s4 =	sadd.s32 $0x40, s4;
	v1 =	vld [tilespmem:s6+$0xA680];
	[tilespmem:s3+$0xA280] =	vst v2;
	s3 =	smov.u32 s6  }
0x149: {  	v2 =	vld [tilespmem:s3+$0xA280];
	_ =	sdelay $0x4  }
0x14a: {  	s29 =	sld [smem:$0x7F6];
	v1 =	vadd.f32 v1, v2;
	_ =	sdelay $0x1  }
0x14b: {  	[tilespmem:s3+$0xA280] =	vst v1  }
0x14c: {  	[tilespmem:s22], [sflag:$0x5] =	stream.linear.gather [spmem:s29], $0x280, $0x38;
	[tilespmem:$0x1ED00] =	vst v63  }
0x14d: {  	_ =	swait.ge [sflag:s26], $0x280  }
0x14e: {  	[sflag:s26] =	ssyncset.done $0x0  }
0x14f: {  	s3 =	simm.s32 $0x0;
	[sflag:s26] =	ssyncadd.s32 $0xFFFFFD80  }
0x150: {  	s4 =	simm.s32 $0x40;
	v1 =	vld [tilespmem:s3+$0xA680]  }
.LBB2_30:
0x151: {  	p0 =	sne.s32 s4, $0x9C0;
	v2 =	vld [tilespmem:s3+$0xA280];
	_ =	sdelay $0x2  }
.Ltmp16:
0x152: {  	(pc) =	sbr.rel @p0 .LBB2_30-.Ltmp16, $4  }
0x153: {  	_ = 	snop  }
0x154: {  	v2 =	vadd.f32 v1, v2  }
0x155: {  	s6 =	sshra.s32 s4, $0x2  }
0x156: {  	s4 =	sadd.s32 $0x40, s4;
	v1 =	vld [tilespmem:s6+$0xA680];
	[tilespmem:s3+$0xA280] =	vst v2;
	s3 =	smov.u32 s6  }
0x157: {  	v2 =	vld [tilespmem:s3+$0xA280];
	_ =	sdelay $0x4  }
0x158: {  	s29 =	sld [smem:$0x7F7];
	v1 =	vadd.f32 v1, v2;
	_ =	sdelay $0x1  }
0x159: {  	[tilespmem:s3+$0xA280] =	vst v1  }
0x15a: {  	[tilespmem:s22], [sflag:$0x5] =	stream.linear.gather [spmem:s29], $0x280, $0x38;
	[tilespmem:$0x1ED00] =	vst v63  }
0x15b: {  	_ =	swait.ge [sflag:s26], $0x280  }
0x15c: {  	[sflag:s26] =	ssyncset.done $0x0  }
0x15d: {  	s3 =	simm.s32 $0x0;
	[sflag:s26] =	ssyncadd.s32 $0xFFFFFD80  }
0x15e: {  	s4 =	simm.s32 $0x40;
	v1 =	vld [tilespmem:s3+$0xA680]  }
.LBB2_32:
0x15f: {  	p0 =	sne.s32 s4, $0x9C0;
	v2 =	vld [tilespmem:s3+$0xA280];
	_ =	sdelay $0x2  }
.Ltmp17:
0x160: {  	(pc) =	sbr.rel @p0 .LBB2_32-.Ltmp17, $4  }
0x161: {  	_ = 	snop  }
0x162: {  	v2 =	vadd.f32 v1, v2  }
0x163: {  	s6 =	sshra.s32 s4, $0x2  }
0x164: {  	s4 =	sadd.s32 $0x40, s4;
	v1 =	vld [tilespmem:s6+$0xA680];
	[tilespmem:s3+$0xA280] =	vst v2;
	s3 =	smov.u32 s6  }
0x165: {  	v2 =	vld [tilespmem:s3+$0xA280];
	_ =	sdelay $0x4  }
0x166: {  	s29 =	sld [smem:$0x7F8];
	v1 =	vadd.f32 v1, v2;
	_ =	sdelay $0x1  }
0x167: {  	[tilespmem:s3+$0xA280] =	vst v1  }
0x168: {  	[tilespmem:s22], [sflag:$0x5] =	stream.linear.gather [spmem:s29], $0x280, $0x38;
	[tilespmem:$0x1ED00] =	vst v63  }
0x169: {  	_ =	swait.ge [sflag:s26], $0x280  }
0x16a: {  	[sflag:s26] =	ssyncset.done $0x0  }
0x16b: {  	s3 =	simm.s32 $0x0;
	[sflag:s26] =	ssyncadd.s32 $0xFFFFFD80  }
0x16c: {  	s4 =	simm.s32 $0x40;
	v1 =	vld [tilespmem:s3+$0xA680]  }
.LBB2_34:
0x16d: {  	p0 =	sne.s32 s4, $0x9C0;
	v2 =	vld [tilespmem:s3+$0xA280];
	_ =	sdelay $0x2  }
.Ltmp18:
0x16e: {  	(pc) =	sbr.rel @p0 .LBB2_34-.Ltmp18, $4  }
0x16f: {  	_ = 	snop  }
0x170: {  	v2 =	vadd.f32 v1, v2  }
0x171: {  	s6 =	sshra.s32 s4, $0x2  }
0x172: {  	s4 =	sadd.s32 $0x40, s4;
	v1 =	vld [tilespmem:s6+$0xA680];
	[tilespmem:s3+$0xA280] =	vst v2;
	s3 =	smov.u32 s6  }
0x173: {  	v2 =	vld [tilespmem:s3+$0xA280];
	_ =	sdelay $0x4  }
0x174: {  	s29 =	sld [smem:$0x7F9];
	v1 =	vadd.f32 v1, v2;
	_ =	sdelay $0x1  }
0x175: {  	[tilespmem:s3+$0xA280] =	vst v1  }
0x176: {  	[tilespmem:s22], [sflag:$0x5] =	stream.linear.gather [spmem:s29], $0x280, $0x38;
	[tilespmem:$0x1ED00] =	vst v63  }
0x177: {  	_ =	swait.ge [sflag:s26], $0x280  }
0x178: {  	[sflag:s26] =	ssyncset.done $0x0  }
0x179: {  	s3 =	simm.s32 $0x0;
	[sflag:s26] =	ssyncadd.s32 $0xFFFFFD80  }
0x17a: {  	s4 =	simm.s32 $0x40;
	v1 =	vld [tilespmem:s3+$0xA680]  }
.LBB2_36:
0x17b: {  	p0 =	sne.s32 s4, $0x9C0;
	v2 =	vld [tilespmem:s3+$0xA280];
	_ =	sdelay $0x2  }
.Ltmp19:
0x17c: {  	(pc) =	sbr.rel @p0 .LBB2_36-.Ltmp19, $4  }
0x17d: {  	_ = 	snop  }
0x17e: {  	v2 =	vadd.f32 v1, v2  }
0x17f: {  	s6 =	sshra.s32 s4, $0x2  }
0x180: {  	s4 =	sadd.s32 $0x40, s4;
	v1 =	vld [tilespmem:s6+$0xA680];
	[tilespmem:s3+$0xA280] =	vst v2;
	s3 =	smov.u32 s6  }
0x181: {  	v2 =	vld [tilespmem:s3+$0xA280];
	_ =	sdelay $0x4  }
0x182: {  	s29 =	sld [smem:$0x7FA];
	v1 =	vadd.f32 v1, v2;
	_ =	sdelay $0x1  }
0x183: {  	[tilespmem:s3+$0xA280] =	vst v1  }
0x184: {  	[tilespmem:s22], [sflag:$0x5] =	stream.linear.gather [spmem:s29], $0x280, $0x38;
	[tilespmem:$0x1ED00] =	vst v63  }
0x185: {  	_ =	swait.ge [sflag:s26], $0x280  }
0x186: {  	[sflag:s26] =	ssyncset.done $0x0  }
0x187: {  	s3 =	simm.s32 $0x0;
	[sflag:s26] =	ssyncadd.s32 $0xFFFFFD80  }
0x188: {  	s4 =	simm.s32 $0x40;
	v1 =	vld [tilespmem:s3+$0xA680]  }
.LBB2_38:
0x189: {  	p0 =	sne.s32 s4, $0x9C0;
	v2 =	vld [tilespmem:s3+$0xA280];
	_ =	sdelay $0x2  }
.Ltmp20:
0x18a: {  	(pc) =	sbr.rel @p0 .LBB2_38-.Ltmp20, $4  }
0x18b: {  	_ = 	snop  }
0x18c: {  	v2 =	vadd.f32 v1, v2  }
0x18d: {  	s6 =	sshra.s32 s4, $0x2  }
0x18e: {  	s4 =	sadd.s32 $0x40, s4;
	v1 =	vld [tilespmem:s6+$0xA680];
	[tilespmem:s3+$0xA280] =	vst v2;
	s3 =	smov.u32 s6  }
0x18f: {  	v2 =	vld [tilespmem:s3+$0xA280];
	_ =	sdelay $0x4  }
0x190: {  	s29 =	sld [smem:$0x7FB];
	v1 =	vadd.f32 v1, v2;
	_ =	sdelay $0x1  }
0x191: {  	[tilespmem:s3+$0xA280] =	vst v1  }
0x192: {  	[tilespmem:s22], [sflag:$0x5] =	stream.linear.gather [spmem:s29], $0x280, $0x38;
	[tilespmem:$0x1ED00] =	vst v63  }
0x193: {  	_ =	swait.ge [sflag:s26], $0x280  }
0x194: {  	[sflag:s26] =	ssyncset.done $0x0  }
0x195: {  	s3 =	simm.s32 $0x0;
	[sflag:s26] =	ssyncadd.s32 $0xFFFFFD80  }
0x196: {  	s4 =	simm.s32 $0x40;
	v1 =	vld [tilespmem:s3+$0xA680]  }
.LBB2_40:
0x197: {  	p0 =	sne.s32 s4, $0x9C0;
	v2 =	vld [tilespmem:s3+$0xA280];
	_ =	sdelay $0x2  }
.Ltmp21:
0x198: {  	(pc) =	sbr.rel @p0 .LBB2_40-.Ltmp21, $4  }
0x199: {  	_ = 	snop  }
0x19a: {  	v2 =	vadd.f32 v1, v2  }
0x19b: {  	s6 =	sshra.s32 s4, $0x2  }
0x19c: {  	s4 =	sadd.s32 $0x40, s4;
	v1 =	vld [tilespmem:s6+$0xA680];
	[tilespmem:s3+$0xA280] =	vst v2;
	s3 =	smov.u32 s6  }
0x19d: {  	v2 =	vld [tilespmem:s3+$0xA280];
	_ =	sdelay $0x4  }
0x19e: {  	s29 =	sld [smem:$0x7FC];
	v1 =	vadd.f32 v1, v2;
	_ =	sdelay $0x1  }
0x19f: {  	[tilespmem:s3+$0xA280] =	vst v1  }
0x1a0: {  	[tilespmem:s22], [sflag:$0x5] =	stream.linear.gather [spmem:s29], $0x280, $0x38;
	[tilespmem:$0x1ED00] =	vst v63  }
0x1a1: {  	_ =	swait.ge [sflag:s26], $0x280  }
0x1a2: {  	[sflag:s26] =	ssyncset.done $0x0  }
0x1a3: {  	s3 =	simm.s32 $0x0;
	[sflag:s26] =	ssyncadd.s32 $0xFFFFFD80  }
0x1a4: {  	s4 =	simm.s32 $0x40;
	v1 =	vld [tilespmem:s3+$0xA680]  }
.LBB2_42:
0x1a5: {  	p0 =	sne.s32 s4, $0x9C0;
	v2 =	vld [tilespmem:s3+$0xA280];
	_ =	sdelay $0x2  }
.Ltmp22:
0x1a6: {  	(pc) =	sbr.rel @p0 .LBB2_42-.Ltmp22, $4  }
0x1a7: {  	_ = 	snop  }
0x1a8: {  	v2 =	vadd.f32 v1, v2  }
0x1a9: {  	s6 =	sshra.s32 s4, $0x2  }
0x1aa: {  	s4 =	sadd.s32 $0x40, s4;
	v1 =	vld [tilespmem:s6+$0xA680];
	[tilespmem:s3+$0xA280] =	vst v2;
	s3 =	smov.u32 s6  }
0x1ab: {  	v2 =	vld [tilespmem:s3+$0xA280];
	_ =	sdelay $0x4  }
0x1ac: {  	s29 =	sld [smem:$0x7FD];
	v1 =	vadd.f32 v1, v2;
	_ =	sdelay $0x1  }
0x1ad: {  	[tilespmem:s3+$0xA280] =	vst v1  }
0x1ae: {  	[tilespmem:s22], [sflag:$0x5] =	stream.linear.gather [spmem:s29], $0x280, $0x38;
	[tilespmem:$0x1ED00] =	vst v63  }
0x1af: {  	_ =	swait.ge [sflag:s26], $0x280  }
0x1b0: {  	[sflag:s26] =	ssyncset.done $0x0  }
0x1b1: {  	s3 =	simm.s32 $0x0;
	[sflag:s26] =	ssyncadd.s32 $0xFFFFFD80  }
0x1b2: {  	s4 =	simm.s32 $0x0;
	s6 =	simm.s32 $0x40;
	v1 =	vld [tilespmem:s3+$0xA680]  }
.LBB2_44:
0x1b3: {  	p0 =	sne.s32 s6, $0x9C0;
	v2 =	vld [tilespmem:s3+$0xA280];
	_ =	sdelay $0x2  }
.Ltmp23:
0x1b4: {  	(pc) =	sbr.rel @p0 .LBB2_44-.Ltmp23, $4  }
0x1b5: {  	_ = 	snop  }
0x1b6: {  	v2 =	vadd.f32 v1, v2  }
0x1b7: {  	s9 =	sshra.s32 s6, $0x2  }
0x1b8: {  	s6 =	sadd.s32 $0x40, s6;
	v1 =	vld [tilespmem:s9+$0xA680];
	[tilespmem:s3+$0xA280] =	vst v2;
	s3 =	smov.u32 s9  }
0x1b9: {  	v2 =	vld [tilespmem:s3+$0xA280];
	_ =	sdelay $0x4  }
0x1ba: {  	s6 =	sand.u32 $0xE00, s4;
	v1 =	vadd.f32 v1, v2  }
0x1bb: {  	s28 =	sand.u32 $0x70, s4;
	s6 =	sshrl.u32 s6, $0x2  }
0x1bc: {  	s29 =	sor.u32 s28, s6;
	[tilespmem:s3+$0xA280] =	vst v1  }
0x1bd: {  	v2 =	vld [tilespmem:s29+$0xA280];
	_ =	sdelay $0x4  }
0x1be: {  	v1 =	vshra.s32 v2, $0x1;
	v3 =	vmul.f32 $5.000000000e-01, v2  }
0x1bf: {  	v1 =	vsub.s32 $0x5F3759DF, v1  }
0x1c0: {  	v4 =	vmul.f32 v1, v3;
	_ =	sdelay $0x1  }
0x1c1: {  	v4 =	vmul.f32 v1, v4;
	_ =	sdelay $0x1  }
0x1c2: {  	v4 =	vsub.f32 $1.500000000e+00, v4;
	_ =	sdelay $0x1  }
0x1c3: {  	v1 =	vmul.f32 v1, v4;
	_ =	sdelay $0x1  }
0x1c4: {  	v4 =	vmul.f32 v1, v3;
	_ =	sdelay $0x1  }
0x1c5: {  	v4 =	vmul.f32 v4, v1;
	_ =	sdelay $0x1  }
0x1c6: {  	v4 =	vsub.f32 $1.500000000e+00, v4;
	_ =	sdelay $0x1  }
0x1c7: {  	v1 =	vmul.f32 v4, v1;
	_ =	sdelay $0x1  }
0x1c8: {  	v3 =	vmul.f32 v1, v3;
	_ =	sdelay $0x1  }
0x1c9: {  	v3 =	vmul.f32 v3, v1;
	_ =	sdelay $0x1  }
0x1ca: {  	v3 =	vsub.f32 $1.500000000e+00, v3;
	_ =	sdelay $0x1  }
0x1cb: {  	s4 =	simm.s32 $0x10;
	s3 =	simm.s32 $0x40;
	v1 =	vmul.f32 v3, v1  }
0x1cc: {  	s9 =	simm.s32 $0x0;
	s6 =	simm.s32 $0x80;
	s10 =	sand.u32 $0xE00, s3;
	vm0 =	vgt.f32 v2, $0.0e+00  }
.LBB2_46:
0x1cd: {  	p0 =	sne.s32 s6, $0x9C0;
	s13 =	sand.u32 $0x70, s4;
	s10 =	sshrl.u32 s10, $0x2;
	v1 =	vnsel vm0, $0x0, v1  }
0x1ce: {  	s10 =	sor.u32 s13, s10;
	[tilespmem:s9+$0x2800] =	vst v1;
	s9 =	smov.u32 s3;
	s3 =	smov.u32 s6  }
0x1cf: {  	v2 =	vld [tilespmem:s10+$0xA280];
	_ =	sdelay $0x4  }
0x1d0: {  	v1 =	vshra.s32 v2, $0x1;
	v3 =	vmul.f32 $5.000000000e-01, v2  }
0x1d1: {  	v1 =	vsub.s32 $0x5F3759DF, v1  }
0x1d2: {  	v4 =	vmul.f32 v1, v3;
	_ =	sdelay $0x1  }
0x1d3: {  	v4 =	vmul.f32 v1, v4;
	_ =	sdelay $0x1  }
0x1d4: {  	v4 =	vsub.f32 $1.500000000e+00, v4;
	_ =	sdelay $0x1  }
0x1d5: {  	v1 =	vmul.f32 v1, v4;
	_ =	sdelay $0x1  }
0x1d6: {  	v4 =	vmul.f32 v1, v3;
	_ =	sdelay $0x1  }
0x1d7: {  	v4 =	vmul.f32 v4, v1;
	_ =	sdelay $0x1  }
0x1d8: {  	v4 =	vsub.f32 $1.500000000e+00, v4;
	_ =	sdelay $0x1  }
0x1d9: {  	v1 =	vmul.f32 v4, v1;
	_ =	sdelay $0x1  }
0x1da: {  	v3 =	vmul.f32 v1, v3;
	_ =	sdelay $0x1  }
0x1db: {  	v3 =	vmul.f32 v3, v1  }
.Ltmp24:
0x1dc: {  	(pc) =	sbr.rel @p0 .LBB2_46-.Ltmp24, $3  }
0x1dd: {  	v3 =	vsub.f32 $1.500000000e+00, v3;
	_ =	sdelay $0x1  }
0x1de: {  	s4 =	sadd.s32 $0x10, s4;
	v1 =	vmul.f32 v3, v1  }
0x1df: {  	s6 =	sadd.s32 $0x40, s6;
	s10 =	sand.u32 $0xE00, s3;
	s9 =	sshra.s32 s9, $0x2;
	vm0 =	vgt.f32 v2, $0.0e+00  }
0x1e0: {  	s4 =	sand.u32 $0x70, s4;
	s6 =	sshrl.u32 s10, $0x2;
	v1 =	vnsel vm0, $0x0, v1  }
0x1e1: {  	s4 =	sor.u32 s4, s6;
	[tilespmem:s9+$0x2800] =	vst v1  }
0x1e2: {  	v1 =	vld [tilespmem:s4+$0xA280];
	_ =	sdelay $0x4  }
0x1e3: {  	v2 =	vshra.s32 v1, $0x1;
	v3 =	vmul.f32 $5.000000000e-01, v1  }
0x1e4: {  	v2 =	vsub.s32 $0x5F3759DF, v2  }
0x1e5: {  	v4 =	vmul.f32 v2, v3;
	_ =	sdelay $0x1  }
0x1e6: {  	v4 =	vmul.f32 v2, v4;
	_ =	sdelay $0x1  }
0x1e7: {  	v4 =	vsub.f32 $1.500000000e+00, v4;
	_ =	sdelay $0x1  }
0x1e8: {  	v2 =	vmul.f32 v2, v4;
	_ =	sdelay $0x1  }
0x1e9: {  	v4 =	vmul.f32 v2, v3;
	_ =	sdelay $0x1  }
0x1ea: {  	v4 =	vmul.f32 v4, v2;
	_ =	sdelay $0x1  }
0x1eb: {  	v4 =	vsub.f32 $1.500000000e+00, v4;
	_ =	sdelay $0x1  }
0x1ec: {  	v2 =	vmul.f32 v4, v2;
	_ =	sdelay $0x1  }
0x1ed: {  	v3 =	vmul.f32 v2, v3;
	_ =	sdelay $0x1  }
0x1ee: {  	v3 =	vmul.f32 v3, v2;
	_ =	sdelay $0x1  }
0x1ef: {  	v3 =	vsub.f32 $1.500000000e+00, v3;
	_ =	sdelay $0x1  }
0x1f0: {  	v2 =	vmul.f32 v3, v2  }
0x1f1: {  	vm15 =	vgt.f32 v1, $0.0e+00  }
0x1f2: {  	s3 =	sshra.s32 s3, $0x2;
	v1 =	vnsel vm15, $0x0, v2  }
0x1f3: {  	s4 =	simm.s32 $0x200;
	[tilespmem:s3+$0x2800] =	vst v1;
	s3 =	simm.s32 $0x0  }
.LBB2_48:
0x1f4: {  	p0 =	sne.s32 s4, $0x9E00;
	[tilespmem:s3+$0x52F0] =	vst v0  }
0x1f5: {  	[tilespmem:s3+$0x5280] =	vst v0  }
0x1f6: {  	[tilespmem:s3+$0x5290] =	vst v0  }
.Ltmp25:
0x1f7: {  	[tilespmem:s3+$0x52A0] =	vst v0;
	(pc) =	sbr.rel @p0 .LBB2_48-.Ltmp25, $4  }
0x1f8: {  	[tilespmem:s3+$0x52B0] =	vst v0  }
0x1f9: {  	[tilespmem:s3+$0x52C0] =	vst v0  }
0x1fa: {  	[tilespmem:s3+$0x52D0] =	vst v0  }
0x1fb: {  	[tilespmem:s3+$0x52E0] =	vst v0;
	s3 =	sshra.s32 s4, $0x2;
	s4 =	sadd.s32 $0x200, s4  }
0x1fc: {  	[tilespmem:s3+$0x52F0] =	vst v0  }
0x1fd: {  	[tilespmem:s3+$0x5280] =	vst v0  }
0x1fe: {  	[tilespmem:s3+$0x5290] =	vst v0  }
0x1ff: {  	[tilespmem:s3+$0x52A0] =	vst v0  }
0x200: {  	[tilespmem:s3+$0x52B0] =	vst v0  }
0x201: {  	[tilespmem:s3+$0x52C0] =	vst v0  }
0x202: {  	[tilespmem:s3+$0x52D0] =	vst v0  }
0x203: {  	[tilespmem:s3+$0x52E0] =	vst v0  }
0x204: {  	[spmem:s20] =	stream.linear.scatter [tilespmem:s25], [sflag:$0x5], $0x2800, $0x38;
	[tilespmem:$0x1ED00] =	vst v63  }
0x205: {  	_ =	swait.ge [sflag:s26], $0x2800  }
0x206: {  	[sflag:s26] =	ssyncset.done $0x0  }
0x207: {  	s4 =	simm.s32 $0x2800;
	s28 =	rddreg [dreg:$0x13];
	[sflag:s26] =	ssyncadd.s32 $0xFFFFD800  }
0x208: {  	[spmem:s28] =	stream.linear.scatter [tilespmem:s4], [sflag:$0x5], $0x280, $0x38;
	[tilespmem:$0x1ED00] =	vst v63  }
0x209: {  	_ =	swait.ge [sflag:s26], $0x280  }
0x20a: {  	[sflag:s26] =	ssyncset.done $0x0  }
0x20b: {  	[sflag:s26] =	ssyncadd.s32 $0xFFFFFD80  }
0x20c: {  	[bflag:$0x0] =	sbarrier.arrive $0xFFFF  }
.Ltmp26:
0x20d: {  	s24 =	simm.s32 $0x0;
	s29 =	rddreg [dreg:$0x5];
	(pc) =	sbr.rel .LBB2_50-.Ltmp26, $4  }
0x20e: {  	[tilespmem:s24], [sflag:$0x5] =	stream.linear.gather [spmem:s29], $0x2800, $0x38;
	[tilespmem:$0x1ED00] =	vst v63  }
0x20f: {  	_ =	swait.ge [sflag:s26], $0x2800  }
0x210: {  	[sflag:s26] =	ssyncset.done $0x0  }
0x211: {  	[sflag:s26] =	ssyncadd.s32 $0xFFFFD800  }
.LBB2_59:
0x212: {  	s24 =	sadd.s32 $0x1, s24  }
0x213: {  	p0 =	sne.s32 s24, $0x5  }
.Ltmp27:
0x214: {  	_ = 	snop;
	(pc) =	sbr.rel @!p0 .LBB2_60-.Ltmp27, $1  }
0x215: {  	_ =	sdelay $0x3  }
.LBB2_50:
0x216: {  	s3 =	smul.u32 $0x7D0, s24;
	_ =	sdelay $0x1  }
0x217: {  	s3 =	sadd.s32 s23, s3  }
0x218: {  	s4 =	rddreg [dreg:$0x7];
	s3 =	sshrl.u32 s3, $0x3  }
0x219: {  	s6 =	simm.s32 $0x3A80;
	s4 =	sadd.s32 s4, s3  }
0x21a: {  	[tilespmem:s6], [sflag:$0x5] =	stream.linear.gather [hbm4b:s4+s7], $0x7D0, $0x38;
	[tilespmem:$0x1ED00] =	vst v63  }
0x21b: {  	_ =	swait.ge [sflag:s26], $0x7D0  }
0x21c: {  	[sflag:s26] =	ssyncset.done $0x0  }
0x21d: {  	s20 =	simm.s32 $0x4280;
	s13 =	sadd.s32 s0, s3;
	[sflag:s26] =	ssyncadd.s32 $0xFFFFF830  }
0x21e: {  	[tilespmem:s20], [sflag:$0x5] =	stream.linear.gather [hbm4b:s13+s7], $0x7D0, $0x38;
	[tilespmem:$0x1ED00] =	vst v63  }
0x21f: {  	_ =	swait.ge [sflag:s26], $0x7D0  }
0x220: {  	[sflag:s26] =	ssyncset.done $0x0  }
0x221: {  	s21 =	simm.s32 $0x4A80;
	s3 =	sadd.s32 s1, s3;
	[sflag:s26] =	ssyncadd.s32 $0xFFFFF830  }
0x222: {  	[tilespmem:s21], [sflag:$0x5] =	stream.linear.gather [hbm4b:s3+s7], $0x7D0, $0x38;
	[tilespmem:$0x1ED00] =	vst v63  }
0x223: {  	_ =	swait.ge [sflag:s26], $0x7D0  }
0x224: {  	[sflag:s26] =	ssyncset.done $0x0  }
0x225: {  	[sflag:s26] =	ssyncadd.s32 $0xFFFFF830  }
0x226: {  	v1 =	vld [tilespmem:$0x3A80]  }
0x227: {  	v2 =	vld [tilespmem:$0x3A90]  }
0x228: {  	v3 =	vld [tilespmem:$0x3AA0]  }
0x229: {  	v4 =	vld [tilespmem:$0x3AB0]  }
0x22a: {  	v5 =	vld [tilespmem:$0x3AC0]  }
0x22b: {  	[tilespmem:$0x2B00] =	vst v1  }
0x22c: {  	[tilespmem:$0x2B10] =	vst v2  }
0x22d: {  	[tilespmem:$0x2B20] =	vst v3  }
0x22e: {  	[tilespmem:$0x2B30] =	vst v4  }
0x22f: {  	[tilespmem:$0x2B40] =	vst v5  }
0x230: {  	[tilespmem:s25], [sflag:$0x1] =	stream.indirect.gather [hbm4b:s2+s11], $0x80, s12, s11, $0xb8;
	[tilespmem:$0x1ED00] =	vst v63  }
0x231: {  	v1 =	vld [tilespmem:$0x3AD0]  }
0x232: {  	v2 =	vld [tilespmem:$0x3AE0]  }
0x233: {  	v3 =	vld [tilespmem:$0x3AF0]  }
0x234: {  	v4 =	vld [tilespmem:$0x3B00]  }
0x235: {  	v5 =	vld [tilespmem:$0x3B10]  }
0x236: {  	[tilespmem:$0x2B80] =	vst v1  }
0x237: {  	[tilespmem:$0x2B90] =	vst v2  }
0x238: {  	[tilespmem:$0x2BA0] =	vst v3  }
0x239: {  	[tilespmem:$0x2BB0] =	vst v4  }
0x23a: {  	s22 =	simm.s32 $0x2B80;
	s28 =	simm.s32 $0x1;
	[tilespmem:$0x2BC0] =	vst v5  }
0x23b: {  	[tilespmem:s14], [sflag:$0x2] =	stream.indirect.gather [hbm4b:s2+s11], $0x80, s22, s11, $0xb8;
	[tilespmem:$0x1ED00] =	vst v63  }
0x23c: {  	_ =	swait.ge [sflag:s28], $0x2800  }
0x23d: {  	[sflag:s28] =	ssyncset.done $0x0  }
0x23e: {  	[sflag:s28] =	ssyncadd.s32 $0xFFFFD800  }
0x23f: {  	v1 =	vld [tilespmem:$0x3A80];
	_ =	sdelay $0x1  }
0x240: {  	v2 =	vld [tilespmem:$0x4280];
	_ =	sdelay $0x4  }
0x241: {  	v3 =	vld [tilespmem:$0x4A80]  }
0x242: {  	v1 =	vld.idx.msk [tilespmem:v1+s7+$0x0], $0xffff  }
0x243: {  	v4 =	vld [tilespmem:$0x3A90]  }
0x244: {  	v2 =	vld.idx.msk [tilespmem:v2+s7+$0x0], $0xffff  }
0x245: {  	v5 =	vld [tilespmem:$0x4290];
	_ =	sdelay $0x1  }
0x246: {  	v1 =	vmul.f32 v1, v3;
	_ =	sdelay $0x1  }
0x247: {  	v1 =	vmul.f32 v2, v1;
	_ =	sdelay $0x1  }
0x248: {  	[tilespmem:$0x2A80] =	vst v1;
	v1 =	vld [tilespmem:$0x4A90]  }
0x249: {  	v2 =	vld.idx.msk [tilespmem:v4+s7+$0x0], $0xffff  }
0x24a: {  	v3 =	vld.idx.msk [tilespmem:v5+s7+$0x0], $0xffff  }
0x24b: {  	v4 =	vld [tilespmem:$0x3AA0]  }
0x24c: {  	v5 =	vld [tilespmem:$0x42A0];
	_ =	sdelay $0x1  }
0x24d: {  	v1 =	vmul.f32 v2, v1;
	_ =	sdelay $0x1  }
0x24e: {  	v1 =	vmul.f32 v3, v1;
	_ =	sdelay $0x1  }
0x24f: {  	[tilespmem:$0x2A90] =	vst v1;
	v1 =	vld [tilespmem:$0x4AA0]  }
0x250: {  	v2 =	vld.idx.msk [tilespmem:v4+s7+$0x0], $0xffff  }
0x251: {  	v3 =	vld.idx.msk [tilespmem:v5+s7+$0x0], $0xffff  }
0x252: {  	v4 =	vld [tilespmem:$0x3AB0]  }
0x253: {  	v5 =	vld [tilespmem:$0x42B0];
	_ =	sdelay $0x1  }
0x254: {  	v1 =	vmul.f32 v2, v1;
	_ =	sdelay $0x1  }
0x255: {  	v1 =	vmul.f32 v3, v1;
	_ =	sdelay $0x1  }
0x256: {  	[tilespmem:$0x2AA0] =	vst v1;
	v1 =	vld [tilespmem:$0x4AB0]  }
0x257: {  	v2 =	vld.idx.msk [tilespmem:v4+s7+$0x0], $0xffff  }
0x258: {  	v3 =	vld.idx.msk [tilespmem:v5+s7+$0x0], $0xffff  }
0x259: {  	v4 =	vld [tilespmem:$0x3AC0];
	_ =	sdelay $0x2  }
0x25a: {  	v1 =	vmul.f32 v2, v1  }
0x25b: {  	v5 =	vld [tilespmem:$0x42C0]  }
0x25c: {  	v1 =	vmul.f32 v3, v1;
	_ =	sdelay $0x1  }
0x25d: {  	[tilespmem:$0x2AB0] =	vst v1;
	v1 =	vld [tilespmem:$0x4AC0]  }
0x25e: {  	v2 =	vld.idx.msk [tilespmem:v4+s7+$0x0], $0xffff;
	_ =	sdelay $0x3  }
0x25f: {  	s29 =	simm.s32 $0x0;
	v3 =	vld.idx.msk [tilespmem:v5+s7+$0x0], $0xffff  }
0x260: {  	v1 =	vmul.f32 v2, v1;
	v2 =	vmov s29  }
0x261: {  	v2 =	vand.u32 $0xFFFFFFFE, v2  }
0x262: {  	v2 =	vbroadcast v2, $0x0;
	_ =	sdelay $0x1  }
0x263: {  	v1 =	vmul.f32 v3, v1;
	_ =	sdelay $0x1  }
0x264: {  	s9 =	simm.s32 $0x5300;
	[tilespmem:$0x2AC0] =	vst v1  }
0x265: {  	v5 =	vld [tilespmem:s9+$0xFFFFFFF0]  }
0x266: {  	v6 =	vld.idx.msk [tilespmem:v2+s15+$0x0], $0xffff  }
0x267: {  	v7 =	vld [tilespmem:s9+$0xFFFFFF80]  }
0x268: {  	v8 =	vld [tilespmem:s9+$0xFFFFFFA0]  }
0x269: {  	v4 =	vld [tilespmem:s9+$0xFFFFFFB0]  }
0x26a: {  	v3 =	vld [tilespmem:s9+$0xFFFFFFD0]  }
0x26b: {  	v9 =	vld [tilespmem:s9+$0xFFFFFFE0];
	v5 =	vmul.f32 v5, v6  }
0x26c: {  	v10 =	vld [tilespmem:s9+$0xFFFFFF90];
	v7 =	vmul.f32 v7, v6  }
0x26d: {  	v11 =	vld [tilespmem:s9+$0xFFFFFFC0];
	v8 =	vmul.f32 v8, v6;
	[tilespmem:s9+$0xFFFFFFF0] =	vst v5  }
0x26e: {  	v4 =	vmul.f32 v4, v6;
	[tilespmem:s9+$0xFFFFFF80] =	vst v7  }
0x26f: {  	v3 =	vmul.f32 v3, v6;
	[tilespmem:s9+$0xFFFFFFA0] =	vst v8  }
0x270: {  	v5 =	vmul.f32 v9, v6;
	[tilespmem:s9+$0xFFFFFFB0] =	vst v4;
	v7 =	vmov s28  }
0x271: {  	v1 =	vld [tilespmem:s9+$0x0];
	v4 =	vmul.f32 v10, v6;
	[tilespmem:s9+$0xFFFFFFD0] =	vst v3  }
0x272: {  	v2 =	vld [tilespmem:s9+$0x10];
	v3 =	vmul.f32 v11, v6;
	[tilespmem:s9+$0xFFFFFFE0] =	vst v5  }
0x273: {  	[tilespmem:s9+$0xFFFFFF90] =	vst v4;
	v5 =	vld [tilespmem:s9+$0x20]  }
0x274: {  	[tilespmem:s9+$0xFFFFFFC0] =	vst v3;
	v4 =	vld [tilespmem:s9+$0x70]  }
0x275: {  	s4 =	simm.s32 $0x5300;
	s3 =	simm.s32 $0x3;
	v3 =	vld.idx.msk [tilespmem:v7+s15+$0x0], $0xffff  }
.LBB2_51:
0x276: {  	p0 =	sne.s32 s3, $0x4F  }
0x277: {  	v6 =	vld [tilespmem:s9+$0x50];
	s4 =	sadd.s32 $0x100, s4;
	s6 =	smov.u32 s3;
	s3 =	sadd.s32 $0x2, s3  }
0x278: {  	v7 =	vld [tilespmem:s9+$0x30]  }
0x279: {  	v8 =	vld [tilespmem:s9+$0x40]  }
0x27a: {  	v9 =	vld [tilespmem:s9+$0x60];
	_ =	sdelay $0x1  }
0x27b: {  	v1 =	vmul.f32 v1, v3;
	v2 =	vmul.f32 v2, v3  }
0x27c: {  	s10 =	sadd.s32 $0xFFFFFFFF, s6;
	v5 =	vmul.f32 v5, v3;
	v7 =	vmul.f32 v7, v3  }
0x27d: {  	v10 =	vmov s10;
	v6 =	vmul.f32 v6, v3;
	[tilespmem:s9+$0x0] =	vst v1;
	v8 =	vmul.f32 v8, v3  }
0x27e: {  	v10 =	vand.u32 $0xFFFFFFFE, v10;
	v1 =	vld [tilespmem:s4+$0x0];
	[tilespmem:s9+$0x20] =	vst v5;
	v5 =	vmul.f32 v9, v3;
	v3 =	vmul.f32 v4, v3  }
0x27f: {  	v4 =	vbroadcast v10, $0x0;
	[tilespmem:s9+$0x10] =	vst v2  }
0x280: {  	[tilespmem:s9+$0x30] =	vst v7  }
0x281: {  	v7 =	vld [tilespmem:s4+$0xFFFFFFD0];
	[tilespmem:s9+$0x70] =	vst v3  }
0x282: {  	v3 =	vld [tilespmem:s4+$0xFFFFFFB0];
	[tilespmem:s9+$0x50] =	vst v6  }
0x283: {  	v6 =	vld [tilespmem:s4+$0xFFFFFFE0];
	[tilespmem:s9+$0x60] =	vst v5  }
0x284: {  	v5 =	vld [tilespmem:s4+$0xFFFFFFF0];
	[tilespmem:s9+$0x40] =	vst v8;
	s9 =	smov.u32 s4  }
0x285: {  	v4 =	vld.idx.msk [tilespmem:v4+s15+$0x0], $0xffff  }
0x286: {  	v8 =	vld [tilespmem:s4+$0xFFFFFF80]  }
0x287: {  	v9 =	vld [tilespmem:s4+$0xFFFFFFA0]  }
0x288: {  	v10 =	vld [tilespmem:s4+$0xFFFFFF90]  }
0x289: {  	v11 =	vld [tilespmem:s4+$0xFFFFFFC0]  }
0x28a: {  	v2 =	vld [tilespmem:s4+$0x10]  }
0x28b: {  	v5 =	vmul.f32 v5, v4;
	v8 =	vmul.f32 v8, v4  }
0x28c: {  	v6 =	vmul.f32 v6, v4;
	v9 =	vmul.f32 v9, v4  }
0x28d: {  	v3 =	vmul.f32 v3, v4;
	v10 =	vmul.f32 v10, v4;
	[tilespmem:s4+$0xFFFFFFF0] =	vst v5  }
0x28e: {  	[tilespmem:s4+$0xFFFFFF80] =	vst v8;
	v8 =	vmul.f32 v11, v4;
	v4 =	vmul.f32 v7, v4  }
0x28f: {  	[tilespmem:s4+$0xFFFFFFA0] =	vst v9  }
0x290: {  	[tilespmem:s4+$0xFFFFFFB0] =	vst v3;
	v3 =	vmov s6  }
.Ltmp28:
0x291: {  	[tilespmem:s4+$0xFFFFFFD0] =	vst v4;
	(pc) =	sbr.rel @p0 .LBB2_51-.Ltmp28, $4  }
0x292: {  	[tilespmem:s4+$0xFFFFFFE0] =	vst v6  }
0x293: {  	[tilespmem:s4+$0xFFFFFF90] =	vst v10;
	v5 =	vld [tilespmem:s4+$0x20]  }
0x294: {  	[tilespmem:s4+$0xFFFFFFC0] =	vst v8;
	v4 =	vld [tilespmem:s4+$0x70]  }
0x295: {  	v3 =	vld.idx.msk [tilespmem:v3+s15+$0x0], $0xffff  }
0x296: {  	_ =	sdelay $0x2  }
0x297: {  	v6 =	vld [tilespmem:s9+$0x30]  }
0x298: {  	v7 =	vld [tilespmem:s9+$0x50];
	v1 =	vmul.f32 v1, v3  }
0x299: {  	v8 =	vld [tilespmem:s9+$0x60];
	v5 =	vmul.f32 v5, v3  }
0x29a: {  	v9 =	vld [tilespmem:s9+$0x40];
	v2 =	vmul.f32 v2, v3;
	[tilespmem:s9+$0x0] =	vst v1  }
0x29b: {  	v4 =	vmul.f32 v4, v3;
	[tilespmem:s9+$0x20] =	vst v5  }
0x29c: {  	v1 =	vmul.f32 v6, v3;
	[tilespmem:s9+$0x10] =	vst v2  }
0x29d: {  	v2 =	vmul.f32 v7, v3;
	[tilespmem:s9+$0x70] =	vst v4  }
0x29e: {  	[tilespmem:s9+$0x30] =	vst v1;
	v1 =	vmul.f32 v8, v3  }
0x29f: {  	v3 =	vmul.f32 v9, v3;
	[tilespmem:s9+$0x50] =	vst v2  }
0x2a0: {  	[tilespmem:s9+$0x60] =	vst v1  }
0x2a1: {  	[tilespmem:s9+$0x40] =	vst v3  }
0x2a2: {  	v1 =	vld [tilespmem:$0x4280]  }
0x2a3: {  	v2 =	vld [tilespmem:$0x4290]  }
0x2a4: {  	v3 =	vld [tilespmem:$0x42A0]  }
0x2a5: {  	v4 =	vld [tilespmem:$0x42B0]  }
0x2a6: {  	v5 =	vld [tilespmem:$0x42C0]  }
0x2a7: {  	[tilespmem:$0x2C00] =	vst v1  }
0x2a8: {  	[tilespmem:$0x2C10] =	vst v2  }
0x2a9: {  	[tilespmem:$0x2C20] =	vst v3  }
0x2aa: {  	[tilespmem:$0x2C30] =	vst v4  }
0x2ab: {  	[tilespmem:$0x2C40] =	vst v5  }
0x2ac: {  	[spmem:s5] =	stream.indirect.scatter.add.f32 [tilespmem:s25], [sflag:$0x5], $0x80, s16, s11, $0xb8;
	[tilespmem:$0x1ED00] =	vst v63  }
0x2ad: {  	_ =	swait.ge [sflag:s26], $0x2800  }
0x2ae: {  	[sflag:s26] =	ssyncset.done $0x0  }
0x2af: {  	[sflag:s26] =	ssyncadd.s32 $0xFFFFD800  }
0x2b0: {  	v1 =	vld [tilespmem:$0x3B20]  }
0x2b1: {  	v2 =	vld [tilespmem:$0x3B30]  }
0x2b2: {  	v3 =	vld [tilespmem:$0x3B40]  }
0x2b3: {  	v62 =	vld [tilespmem:$0x3B50]  }
0x2b4: {  	v63 =	vld [tilespmem:$0x3B60]  }
0x2b5: {  	[tilespmem:$0x2B00] =	vst v1  }
0x2b6: {  	[tilespmem:$0x2B10] =	vst v2  }
0x2b7: {  	[tilespmem:$0x2B20] =	vst v3  }
0x2b8: {  	[tilespmem:$0x2B30] =	vst v62  }
0x2b9: {  	s21 =	simm.s32 $0x0;
	[tilespmem:$0x2B40] =	vst v63  }
0x2ba: {  	[tilespmem:s25], [sflag:$0x1] =	stream.indirect.gather [hbm4b:s2+s11], $0x80, s12, s11, $0xb8;
	[tilespmem:$0x1ED00] =	vst v63  }
.LBB2_53:
0x2bb: {  	_ =	swait.ge [sflag:s17], $0x2800  }
0x2bc: {  	s20 =	smul.u32 $0xA0, s21;
	[sflag:s17] =	ssyncset.done $0x0  }
0x2bd: {  	[sflag:s17] =	ssyncadd.s32 $0xFFFFD800  }
0x2be: {  	v1 =	vld [tilespmem:s20+$0x3AD0];
	_ =	sdelay $0x1  }
0x2bf: {  	v2 =	vld [tilespmem:s20+$0x42D0];
	_ =	sdelay $0x4  }
0x2c0: {  	v3 =	vld [tilespmem:s20+$0x4AD0]  }
0x2c1: {  	v1 =	vld.idx.msk [tilespmem:v1+s7+$0x0], $0xffff;
	_ =	sdelay $0x1  }
0x2c2: {  	v2 =	vld.idx.msk [tilespmem:v2+s7+$0x0], $0xffff;
	_ =	sdelay $0x2  }
0x2c3: {  	v1 =	vmul.f32 v1, v3;
	_ =	sdelay $0x1  }
0x2c4: {  	v1 =	vmul.f32 v2, v1;
	_ =	sdelay $0x1  }
0x2c5: {  	[tilespmem:$0x2A80] =	vst v1  }
0x2c6: {  	v1 =	vld [tilespmem:s20+$0x3AE0];
	_ =	sdelay $0x1  }
0x2c7: {  	v2 =	vld [tilespmem:s20+$0x42E0];
	_ =	sdelay $0x4  }
0x2c8: {  	v3 =	vld [tilespmem:s20+$0x4AE0]  }
0x2c9: {  	v1 =	vld.idx.msk [tilespmem:v1+s7+$0x0], $0xffff;
	_ =	sdelay $0x1  }
0x2ca: {  	v2 =	vld.idx.msk [tilespmem:v2+s7+$0x0], $0xffff;
	_ =	sdelay $0x2  }
0x2cb: {  	v1 =	vmul.f32 v1, v3;
	_ =	sdelay $0x1  }
0x2cc: {  	v1 =	vmul.f32 v2, v1;
	_ =	sdelay $0x1  }
0x2cd: {  	[tilespmem:$0x2A90] =	vst v1  }
0x2ce: {  	v1 =	vld [tilespmem:s20+$0x3AF0];
	_ =	sdelay $0x1  }
0x2cf: {  	v2 =	vld [tilespmem:s20+$0x42F0];
	_ =	sdelay $0x4  }
0x2d0: {  	v3 =	vld [tilespmem:s20+$0x4AF0]  }
0x2d1: {  	v1 =	vld.idx.msk [tilespmem:v1+s7+$0x0], $0xffff;
	_ =	sdelay $0x1  }
0x2d2: {  	v2 =	vld.idx.msk [tilespmem:v2+s7+$0x0], $0xffff;
	_ =	sdelay $0x2  }
0x2d3: {  	v1 =	vmul.f32 v1, v3;
	_ =	sdelay $0x1  }
0x2d4: {  	v1 =	vmul.f32 v2, v1;
	_ =	sdelay $0x1  }
0x2d5: {  	s4 =	sand.u32 $0xFE0, s20;
	[tilespmem:$0x2AA0] =	vst v1  }
0x2d6: {  	v1 =	vld [tilespmem:s4+$0x3B00];
	_ =	sdelay $0x1  }
0x2d7: {  	v2 =	vld [tilespmem:s4+$0x4300];
	_ =	sdelay $0x4  }
0x2d8: {  	v3 =	vld [tilespmem:s4+$0x4B00]  }
0x2d9: {  	v1 =	vld.idx.msk [tilespmem:v1+s7+$0x0], $0xffff;
	_ =	sdelay $0x1  }
0x2da: {  	v2 =	vld.idx.msk [tilespmem:v2+s7+$0x0], $0xffff;
	_ =	sdelay $0x2  }
0x2db: {  	v1 =	vmul.f32 v1, v3;
	_ =	sdelay $0x1  }
0x2dc: {  	v1 =	vmul.f32 v2, v1;
	_ =	sdelay $0x1  }
0x2dd: {  	[tilespmem:$0x2AB0] =	vst v1  }
0x2de: {  	v1 =	vld [tilespmem:s20+$0x3B10];
	_ =	sdelay $0x1  }
0x2df: {  	v2 =	vld [tilespmem:s20+$0x4310];
	_ =	sdelay $0x4  }
0x2e0: {  	v3 =	vld [tilespmem:s20+$0x4B10]  }
0x2e1: {  	v1 =	vld.idx.msk [tilespmem:v1+s7+$0x0], $0xffff;
	_ =	sdelay $0x1  }
0x2e2: {  	v2 =	vld.idx.msk [tilespmem:v2+s7+$0x0], $0xffff;
	_ =	sdelay $0x2  }
0x2e3: {  	s3 =	simm.s32 $0x0;
	v1 =	vmul.f32 v1, v3  }
0x2e4: {  	v3 =	vmov s3  }
0x2e5: {  	v1 =	vmul.f32 v2, v1;
	v2 =	vand.u32 $0xFFFFFFFE, v3  }
0x2e6: {  	v2 =	vbroadcast v2, $0x0;
	_ =	sdelay $0x3  }
0x2e7: {  	s9 =	simm.s32 $0x7B00;
	[tilespmem:$0x2AC0] =	vst v1  }
0x2e8: {  	v5 =	vld [tilespmem:s9+$0xFFFFFFF0]  }
0x2e9: {  	v6 =	vld.idx.msk [tilespmem:v2+s15+$0x0], $0xffff  }
0x2ea: {  	v7 =	vld [tilespmem:s9+$0xFFFFFF80]  }
0x2eb: {  	v8 =	vld [tilespmem:s9+$0xFFFFFFA0]  }
0x2ec: {  	v4 =	vld [tilespmem:s9+$0xFFFFFFB0]  }
0x2ed: {  	v3 =	vld [tilespmem:s9+$0xFFFFFFD0]  }
0x2ee: {  	v9 =	vld [tilespmem:s9+$0xFFFFFFE0];
	v5 =	vmul.f32 v5, v6  }
0x2ef: {  	v10 =	vld [tilespmem:s9+$0xFFFFFF90];
	v7 =	vmul.f32 v7, v6  }
0x2f0: {  	v11 =	vld [tilespmem:s9+$0xFFFFFFC0];
	v8 =	vmul.f32 v8, v6;
	[tilespmem:s9+$0xFFFFFFF0] =	vst v5  }
0x2f1: {  	v4 =	vmul.f32 v4, v6;
	[tilespmem:s9+$0xFFFFFF80] =	vst v7  }
0x2f2: {  	s29 =	simm.s32 $0x1;
	v3 =	vmul.f32 v3, v6;
	[tilespmem:s9+$0xFFFFFFA0] =	vst v8  }
0x2f3: {  	v5 =	vmul.f32 v9, v6;
	[tilespmem:s9+$0xFFFFFFB0] =	vst v4;
	v7 =	vmov s29  }
0x2f4: {  	v1 =	vld [tilespmem:s9+$0x0];
	v4 =	vmul.f32 v10, v6;
	[tilespmem:s9+$0xFFFFFFD0] =	vst v3  }
0x2f5: {  	v2 =	vld [tilespmem:s9+$0x10];
	v3 =	vmul.f32 v11, v6;
	[tilespmem:s9+$0xFFFFFFE0] =	vst v5  }
0x2f6: {  	s13 =	simm.s32 $0x3;
	[tilespmem:s9+$0xFFFFFF90] =	vst v4;
	v5 =	vld [tilespmem:s9+$0x20]  }
0x2f7: {  	s28 =	simm.s32 $0x7B00;
	s10 =	sadd.s32 $0x60, s20;
	s6 =	sadd.s32 $0x70, s20;
	[tilespmem:s9+$0xFFFFFFC0] =	vst v3;
	v4 =	vld [tilespmem:s9+$0x70]  }
0x2f8: {  	s22 =	sadd.s32 $0x80, s4;
	s4 =	sadd.s32 $0x90, s20;
	s3 =	sadd.s32 $0x50, s20;
	v3 =	vld.idx.msk [tilespmem:v7+s15+$0x0], $0xffff  }
.LBB2_54:
0x2f9: {  	p0 =	sne.s32 s13, $0x4F  }
0x2fa: {  	v6 =	vld [tilespmem:s9+$0x50];
	s28 =	sadd.s32 $0x100, s28;
	s29 =	smov.u32 s13;
	s13 =	sadd.s32 $0x2, s13  }
0x2fb: {  	v7 =	vld [tilespmem:s9+$0x30]  }
0x2fc: {  	v8 =	vld [tilespmem:s9+$0x40]  }
0x2fd: {  	v9 =	vld [tilespmem:s9+$0x60];
	_ =	sdelay $0x1  }
0x2fe: {  	v1 =	vmul.f32 v1, v3;
	v2 =	vmul.f32 v2, v3  }
0x2ff: {  	s8 =	sadd.s32 $0xFFFFFFFF, s29;
	v5 =	vmul.f32 v5, v3;
	v7 =	vmul.f32 v7, v3  }
0x300: {  	v10 =	vmov s8;
	v6 =	vmul.f32 v6, v3;
	[tilespmem:s9+$0x0] =	vst v1;
	v8 =	vmul.f32 v8, v3  }
0x301: {  	v10 =	vand.u32 $0xFFFFFFFE, v10;
	v1 =	vld [tilespmem:s28+$0x0];
	[tilespmem:s9+$0x20] =	vst v5;
	v5 =	vmul.f32 v9, v3;
	v3 =	vmul.f32 v4, v3  }
0x302: {  	v4 =	vbroadcast v10, $0x0;
	[tilespmem:s9+$0x10] =	vst v2  }
0x303: {  	[tilespmem:s9+$0x30] =	vst v7  }
0x304: {  	v7 =	vld [tilespmem:s28+$0xFFFFFFD0];
	[tilespmem:s9+$0x70] =	vst v3  }
0x305: {  	v3 =	vld [tilespmem:s28+$0xFFFFFFB0];
	[tilespmem:s9+$0x50] =	vst v6  }
0x306: {  	v6 =	vld [tilespmem:s28+$0xFFFFFFE0];
	[tilespmem:s9+$0x60] =	vst v5  }
0x307: {  	v5 =	vld [tilespmem:s28+$0xFFFFFFF0];
	[tilespmem:s9+$0x40] =	vst v8;
	s9 =	smov.u32 s28  }
0x308: {  	v4 =	vld.idx.msk [tilespmem:v4+s15+$0x0], $0xffff  }
0x309: {  	v8 =	vld [tilespmem:s28+$0xFFFFFF80]  }
0x30a: {  	v9 =	vld [tilespmem:s28+$0xFFFFFFA0]  }
0x30b: {  	v10 =	vld [tilespmem:s28+$0xFFFFFF90]  }
0x30c: {  	v11 =	vld [tilespmem:s28+$0xFFFFFFC0]  }
0x30d: {  	v2 =	vld [tilespmem:s28+$0x10]  }
0x30e: {  	v5 =	vmul.f32 v5, v4;
	v8 =	vmul.f32 v8, v4  }
0x30f: {  	v6 =	vmul.f32 v6, v4;
	v9 =	vmul.f32 v9, v4  }
0x310: {  	v3 =	vmul.f32 v3, v4;
	v10 =	vmul.f32 v10, v4;
	[tilespmem:s28+$0xFFFFFFF0] =	vst v5  }
0x311: {  	[tilespmem:s28+$0xFFFFFF80] =	vst v8;
	v8 =	vmul.f32 v11, v4;
	v4 =	vmul.f32 v7, v4  }
0x312: {  	[tilespmem:s28+$0xFFFFFFA0] =	vst v9  }
0x313: {  	[tilespmem:s28+$0xFFFFFFB0] =	vst v3;
	v3 =	vmov s29  }
.Ltmp29:
0x314: {  	[tilespmem:s28+$0xFFFFFFD0] =	vst v4;
	(pc) =	sbr.rel @p0 .LBB2_54-.Ltmp29, $4  }
0x315: {  	[tilespmem:s28+$0xFFFFFFE0] =	vst v6  }
0x316: {  	[tilespmem:s28+$0xFFFFFF90] =	vst v10;
	v5 =	vld [tilespmem:s28+$0x20]  }
0x317: {  	[tilespmem:s28+$0xFFFFFFC0] =	vst v8;
	v4 =	vld [tilespmem:s28+$0x70]  }
0x318: {  	v3 =	vld.idx.msk [tilespmem:v3+s15+$0x0], $0xffff  }
0x319: {  	_ =	sdelay $0x2  }
0x31a: {  	v6 =	vld [tilespmem:s9+$0x30]  }
0x31b: {  	v7 =	vld [tilespmem:s9+$0x50];
	v1 =	vmul.f32 v1, v3  }
0x31c: {  	v8 =	vld [tilespmem:s9+$0x60];
	v5 =	vmul.f32 v5, v3  }
0x31d: {  	v9 =	vld [tilespmem:s9+$0x40];
	v2 =	vmul.f32 v2, v3;
	[tilespmem:s9+$0x0] =	vst v1  }
0x31e: {  	v4 =	vmul.f32 v4, v3;
	[tilespmem:s9+$0x20] =	vst v5  }
0x31f: {  	v1 =	vmul.f32 v6, v3;
	[tilespmem:s9+$0x10] =	vst v2  }
0x320: {  	v2 =	vmul.f32 v7, v3;
	[tilespmem:s9+$0x70] =	vst v4  }
0x321: {  	[tilespmem:s9+$0x30] =	vst v1;
	v1 =	vmul.f32 v8, v3  }
0x322: {  	v3 =	vmul.f32 v9, v3;
	[tilespmem:s9+$0x50] =	vst v2  }
0x323: {  	[tilespmem:s9+$0x60] =	vst v1  }
0x324: {  	[tilespmem:s9+$0x40] =	vst v3  }
0x325: {  	v1 =	vld [tilespmem:s3+$0x4280];
	_ =	sdelay $0x4  }
0x326: {  	[tilespmem:$0x2C00] =	vst v1  }
0x327: {  	v1 =	vld [tilespmem:s10+$0x4280];
	_ =	sdelay $0x4  }
0x328: {  	[tilespmem:$0x2C10] =	vst v1  }
0x329: {  	v1 =	vld [tilespmem:s6+$0x4280];
	_ =	sdelay $0x4  }
0x32a: {  	[tilespmem:$0x2C20] =	vst v1  }
0x32b: {  	v1 =	vld [tilespmem:s22+$0x4280];
	_ =	sdelay $0x4  }
0x32c: {  	[tilespmem:$0x2C30] =	vst v1  }
0x32d: {  	v1 =	vld [tilespmem:s4+$0x4280];
	_ =	sdelay $0x4  }
0x32e: {  	[tilespmem:$0x2C40] =	vst v1  }
0x32f: {  	[spmem:s5] =	stream.indirect.scatter.add.f32 [tilespmem:s14], [sflag:$0x5], $0x80, s16, s11, $0xb8;
	[tilespmem:$0x1ED00] =	vst v63  }
0x330: {  	_ =	swait.ge [sflag:s26], $0x2800  }
0x331: {  	[sflag:s26] =	ssyncset.done $0x0  }
0x332: {  	p0 =	seq.s32 s21, $0xB;
	[sflag:s26] =	ssyncadd.s32 $0xFFFFD800  }
0x333: {  	v1 =	vld @!p0 [tilespmem:s20+$0x3B70];
	_ =	sdelay $0x4  }
0x334: {  	[tilespmem:$0x2B80] =	vst @!p0 v1  }
0x335: {  	v1 =	vld @!p0 [tilespmem:s20+$0x3B80];
	_ =	sdelay $0x4  }
0x336: {  	[tilespmem:$0x2B90] =	vst @!p0 v1  }
0x337: {  	v1 =	vld @!p0 [tilespmem:s20+$0x3B90];
	_ =	sdelay $0x4  }
0x338: {  	[tilespmem:$0x2BA0] =	vst @!p0 v1  }
0x339: {  	v1 =	vld @!p0 [tilespmem:s20+$0x3BA0];
	_ =	sdelay $0x4  }
0x33a: {  	[tilespmem:$0x2BB0] =	vst @!p0 v1  }
0x33b: {  	v1 =	vld @!p0 [tilespmem:s20+$0x3BB0];
	_ =	sdelay $0x3  }
0x33c: {  	s3 =	simm.s32 @!p0 $0x50  }
0x33d: {  	s6 =	simm.s32 @!p0 $0x7A80;
	s22 =	simm.s32 $0x1;
	s4 =	simm.s32 @!p0 $0x2B80;
	[tilespmem:$0x2BC0] =	vst @!p0 v1  }
0x33e: {  	[tilespmem:s6], [sflag:$0x2] =	stream.indirect.gather @!p0 [hbm4b:s2+s3], $0x80, s4, s3, $0xb8;
	[tilespmem:$0x1ED00] =	vst v63  }
0x33f: {  	_ =	swait.ge [sflag:s22], $0x2800  }
0x340: {  	[sflag:s22] =	ssyncset.done $0x0  }
0x341: {  	[sflag:s22] =	ssyncadd.s32 $0xFFFFD800  }
0x342: {  	v1 =	vld [tilespmem:s20+$0x3B20];
	_ =	sdelay $0x1  }
0x343: {  	v2 =	vld [tilespmem:s20+$0x4320];
	_ =	sdelay $0x4  }
0x344: {  	v3 =	vld [tilespmem:s20+$0x4B20]  }
0x345: {  	v1 =	vld.idx.msk [tilespmem:v1+s7+$0x0], $0xffff;
	_ =	sdelay $0x1  }
0x346: {  	v2 =	vld.idx.msk [tilespmem:v2+s7+$0x0], $0xffff;
	_ =	sdelay $0x2  }
0x347: {  	v1 =	vmul.f32 v1, v3;
	_ =	sdelay $0x1  }
0x348: {  	v1 =	vmul.f32 v2, v1;
	_ =	sdelay $0x1  }
0x349: {  	[tilespmem:$0x2A80] =	vst v1  }
0x34a: {  	v1 =	vld [tilespmem:s20+$0x3B30];
	_ =	sdelay $0x1  }
0x34b: {  	v2 =	vld [tilespmem:s20+$0x4330];
	_ =	sdelay $0x4  }
0x34c: {  	v3 =	vld [tilespmem:s20+$0x4B30]  }
0x34d: {  	v1 =	vld.idx.msk [tilespmem:v1+s7+$0x0], $0xffff;
	_ =	sdelay $0x1  }
0x34e: {  	v2 =	vld.idx.msk [tilespmem:v2+s7+$0x0], $0xffff;
	_ =	sdelay $0x2  }
0x34f: {  	v1 =	vmul.f32 v1, v3;
	_ =	sdelay $0x1  }
0x350: {  	v1 =	vmul.f32 v2, v1;
	_ =	sdelay $0x1  }
0x351: {  	[tilespmem:$0x2A90] =	vst v1  }
0x352: {  	v1 =	vld [tilespmem:s20+$0x3B40];
	_ =	sdelay $0x1  }
0x353: {  	v2 =	vld [tilespmem:s20+$0x4340];
	_ =	sdelay $0x4  }
0x354: {  	v3 =	vld [tilespmem:s20+$0x4B40]  }
0x355: {  	v1 =	vld.idx.msk [tilespmem:v1+s7+$0x0], $0xffff;
	_ =	sdelay $0x1  }
0x356: {  	v2 =	vld.idx.msk [tilespmem:v2+s7+$0x0], $0xffff;
	_ =	sdelay $0x2  }
0x357: {  	v1 =	vmul.f32 v1, v3;
	_ =	sdelay $0x1  }
0x358: {  	v1 =	vmul.f32 v2, v1;
	_ =	sdelay $0x1  }
0x359: {  	[tilespmem:$0x2AA0] =	vst v1  }
0x35a: {  	v1 =	vld [tilespmem:s20+$0x3B50];
	_ =	sdelay $0x1  }
0x35b: {  	v2 =	vld [tilespmem:s20+$0x4350];
	_ =	sdelay $0x4  }
0x35c: {  	v3 =	vld [tilespmem:s20+$0x4B50]  }
0x35d: {  	v1 =	vld.idx.msk [tilespmem:v1+s7+$0x0], $0xffff;
	_ =	sdelay $0x1  }
0x35e: {  	v2 =	vld.idx.msk [tilespmem:v2+s7+$0x0], $0xffff;
	_ =	sdelay $0x2  }
0x35f: {  	v1 =	vmul.f32 v1, v3;
	_ =	sdelay $0x1  }
0x360: {  	v1 =	vmul.f32 v2, v1;
	_ =	sdelay $0x1  }
0x361: {  	[tilespmem:$0x2AB0] =	vst v1  }
0x362: {  	v1 =	vld [tilespmem:s20+$0x3B60];
	_ =	sdelay $0x1  }
0x363: {  	v2 =	vld [tilespmem:s20+$0x4360];
	_ =	sdelay $0x4  }
0x364: {  	v3 =	vld [tilespmem:s20+$0x4B60]  }
0x365: {  	v1 =	vld.idx.msk [tilespmem:v1+s7+$0x0], $0xffff;
	_ =	sdelay $0x1  }
0x366: {  	v2 =	vld.idx.msk [tilespmem:v2+s7+$0x0], $0xffff;
	_ =	sdelay $0x2  }
0x367: {  	s29 =	simm.s32 $0x0;
	v1 =	vmul.f32 v1, v3  }
0x368: {  	v3 =	vmov s29  }
0x369: {  	v1 =	vmul.f32 v2, v1;
	v2 =	vand.u32 $0xFFFFFFFE, v3  }
0x36a: {  	v2 =	vbroadcast v2, $0x0;
	_ =	sdelay $0x3  }
0x36b: {  	s9 =	simm.s32 $0x5300;
	[tilespmem:$0x2AC0] =	vst v1  }
0x36c: {  	v5 =	vld [tilespmem:s9+$0xFFFFFFF0]  }
0x36d: {  	v6 =	vld.idx.msk [tilespmem:v2+s15+$0x0], $0xffff  }
0x36e: {  	v7 =	vld [tilespmem:s9+$0xFFFFFF80]  }
0x36f: {  	v62 =	vld [tilespmem:s9+$0xFFFFFFA0]  }
0x370: {  	v4 =	vld [tilespmem:s9+$0xFFFFFFB0]  }
0x371: {  	v3 =	vld [tilespmem:s9+$0xFFFFFFD0]  }
0x372: {  	v63 =	vld [tilespmem:s9+$0xFFFFFFE0];
	v5 =	vmul.f32 v5, v6  }
0x373: {  	v10 =	vld [tilespmem:s9+$0xFFFFFF90];
	v7 =	vmul.f32 v7, v6  }
0x374: {  	v11 =	vld [tilespmem:s9+$0xFFFFFFC0];
	v8 =	vmul.f32 v62, v6;
	[tilespmem:s9+$0xFFFFFFF0] =	vst v5  }
0x375: {  	v4 =	vmul.f32 v4, v6;
	[tilespmem:s9+$0xFFFFFF80] =	vst v7  }
0x376: {  	v3 =	vmul.f32 v3, v6;
	[tilespmem:s9+$0xFFFFFFA0] =	vst v8  }
0x377: {  	v5 =	vmul.f32 v63, v6;
	[tilespmem:s9+$0xFFFFFFB0] =	vst v4;
	v7 =	vmov s22  }
0x378: {  	v1 =	vld [tilespmem:s9+$0x0];
	v4 =	vmul.f32 v10, v6;
	[tilespmem:s9+$0xFFFFFFD0] =	vst v3  }
0x379: {  	v2 =	vld [tilespmem:s9+$0x10];
	v3 =	vmul.f32 v11, v6;
	[tilespmem:s9+$0xFFFFFFE0] =	vst v5  }
0x37a: {  	s13 =	simm.s32 $0x3;
	[tilespmem:s9+$0xFFFFFF90] =	vst v4;
	v5 =	vld [tilespmem:s9+$0x20]  }
0x37b: {  	s28 =	simm.s32 $0x5300;
	s10 =	sadd.s32 $0xB0, s20;
	s3 =	sadd.s32 $0xA0, s20;
	[tilespmem:s9+$0xFFFFFFC0] =	vst v3;
	v4 =	vld [tilespmem:s9+$0x70]  }
0x37c: {  	s4 =	sadd.s32 $0xC0, s20;
	s6 =	sadd.s32 $0xE0, s20;
	s22 =	sadd.s32 $0xD0, s20;
	v3 =	vld.idx.msk [tilespmem:v7+s15+$0x0], $0xffff  }
.LBB2_56:
0x37d: {  	p1 =	sne.s32 s13, $0x4F  }
0x37e: {  	v6 =	vld [tilespmem:s9+$0x50];
	s28 =	sadd.s32 $0x100, s28;
	s29 =	smov.u32 s13;
	s13 =	sadd.s32 $0x2, s13  }
0x37f: {  	v7 =	vld [tilespmem:s9+$0x30]  }
0x380: {  	v8 =	vld [tilespmem:s9+$0x40]  }
0x381: {  	v9 =	vld [tilespmem:s9+$0x60];
	_ =	sdelay $0x1  }
0x382: {  	v1 =	vmul.f32 v1, v3;
	v2 =	vmul.f32 v2, v3  }
0x383: {  	s8 =	sadd.s32 $0xFFFFFFFF, s29;
	v5 =	vmul.f32 v5, v3;
	v7 =	vmul.f32 v7, v3  }
0x384: {  	v10 =	vmov s8;
	v6 =	vmul.f32 v6, v3;
	[tilespmem:s9+$0x0] =	vst v1;
	v8 =	vmul.f32 v8, v3  }
0x385: {  	v10 =	vand.u32 $0xFFFFFFFE, v10;
	v1 =	vld [tilespmem:s28+$0x0];
	[tilespmem:s9+$0x20] =	vst v5;
	v5 =	vmul.f32 v9, v3;
	v3 =	vmul.f32 v4, v3  }
0x386: {  	v4 =	vbroadcast v10, $0x0;
	[tilespmem:s9+$0x10] =	vst v2  }
0x387: {  	[tilespmem:s9+$0x30] =	vst v7  }
0x388: {  	v7 =	vld [tilespmem:s28+$0xFFFFFFD0];
	[tilespmem:s9+$0x70] =	vst v3  }
0x389: {  	v3 =	vld [tilespmem:s28+$0xFFFFFFB0];
	[tilespmem:s9+$0x50] =	vst v6  }
0x38a: {  	v6 =	vld [tilespmem:s28+$0xFFFFFFE0];
	[tilespmem:s9+$0x60] =	vst v5  }
0x38b: {  	v5 =	vld [tilespmem:s28+$0xFFFFFFF0];
	[tilespmem:s9+$0x40] =	vst v8;
	s9 =	smov.u32 s28  }
0x38c: {  	v4 =	vld.idx.msk [tilespmem:v4+s15+$0x0], $0xffff  }
0x38d: {  	v8 =	vld [tilespmem:s28+$0xFFFFFF80]  }
0x38e: {  	v9 =	vld [tilespmem:s28+$0xFFFFFFA0]  }
0x38f: {  	v10 =	vld [tilespmem:s28+$0xFFFFFF90]  }
0x390: {  	v11 =	vld [tilespmem:s28+$0xFFFFFFC0]  }
0x391: {  	v2 =	vld [tilespmem:s28+$0x10]  }
0x392: {  	v5 =	vmul.f32 v5, v4;
	v8 =	vmul.f32 v8, v4  }
0x393: {  	v6 =	vmul.f32 v6, v4;
	v9 =	vmul.f32 v9, v4  }
0x394: {  	v3 =	vmul.f32 v3, v4;
	v10 =	vmul.f32 v10, v4;
	[tilespmem:s28+$0xFFFFFFF0] =	vst v5  }
0x395: {  	[tilespmem:s28+$0xFFFFFF80] =	vst v8;
	v8 =	vmul.f32 v11, v4;
	v4 =	vmul.f32 v7, v4  }
0x396: {  	[tilespmem:s28+$0xFFFFFFA0] =	vst v9  }
0x397: {  	[tilespmem:s28+$0xFFFFFFB0] =	vst v3;
	v3 =	vmov s29  }
.Ltmp30:
0x398: {  	[tilespmem:s28+$0xFFFFFFD0] =	vst v4;
	(pc) =	sbr.rel @p1 .LBB2_56-.Ltmp30, $4  }
0x399: {  	[tilespmem:s28+$0xFFFFFFE0] =	vst v6  }
0x39a: {  	[tilespmem:s28+$0xFFFFFF90] =	vst v10;
	v5 =	vld [tilespmem:s28+$0x20]  }
0x39b: {  	[tilespmem:s28+$0xFFFFFFC0] =	vst v8;
	v4 =	vld [tilespmem:s28+$0x70]  }
0x39c: {  	v3 =	vld.idx.msk [tilespmem:v3+s15+$0x0], $0xffff  }
0x39d: {  	_ =	sdelay $0x2  }
0x39e: {  	v6 =	vld [tilespmem:s9+$0x30]  }
0x39f: {  	v7 =	vld [tilespmem:s9+$0x50];
	v1 =	vmul.f32 v1, v3  }
0x3a0: {  	v8 =	vld [tilespmem:s9+$0x60];
	v5 =	vmul.f32 v5, v3  }
0x3a1: {  	v9 =	vld [tilespmem:s9+$0x40];
	v2 =	vmul.f32 v2, v3;
	[tilespmem:s9+$0x0] =	vst v1  }
0x3a2: {  	v4 =	vmul.f32 v4, v3;
	[tilespmem:s9+$0x20] =	vst v5  }
0x3a3: {  	v1 =	vmul.f32 v6, v3;
	[tilespmem:s9+$0x10] =	vst v2  }
0x3a4: {  	v2 =	vmul.f32 v7, v3;
	[tilespmem:s9+$0x70] =	vst v4  }
0x3a5: {  	[tilespmem:s9+$0x30] =	vst v1;
	v1 =	vmul.f32 v8, v3  }
0x3a6: {  	v3 =	vmul.f32 v9, v3;
	[tilespmem:s9+$0x50] =	vst v2  }
0x3a7: {  	[tilespmem:s9+$0x60] =	vst v1  }
0x3a8: {  	[tilespmem:s9+$0x40] =	vst v3  }
0x3a9: {  	v1 =	vld [tilespmem:s3+$0x4280];
	_ =	sdelay $0x4  }
0x3aa: {  	[tilespmem:$0x2C00] =	vst v1  }
0x3ab: {  	v1 =	vld [tilespmem:s10+$0x4280];
	_ =	sdelay $0x4  }
0x3ac: {  	[tilespmem:$0x2C10] =	vst v1  }
0x3ad: {  	v1 =	vld [tilespmem:s4+$0x4280];
	_ =	sdelay $0x4  }
0x3ae: {  	[tilespmem:$0x2C20] =	vst v1  }
0x3af: {  	v1 =	vld [tilespmem:s22+$0x4280];
	_ =	sdelay $0x4  }
0x3b0: {  	[tilespmem:$0x2C30] =	vst v1  }
0x3b1: {  	v1 =	vld [tilespmem:s6+$0x4280];
	_ =	sdelay $0x4  }
.Ltmp31:
0x3b2: {  	[tilespmem:$0x2C40] =	vst v1;
	(pc) =	sbr.rel @p0 .LBB2_59-.Ltmp31, $4  }
0x3b3: {  	[spmem:s5] =	stream.indirect.scatter.add.f32 [tilespmem:s25], [sflag:$0x5], $0x80, s16, s11, $0xb8;
	[tilespmem:$0x1ED00] =	vst v63  }
0x3b4: {  	_ =	swait.ge [sflag:s26], $0x2800  }
0x3b5: {  	[sflag:s26] =	ssyncset.done $0x0  }
0x3b6: {  	[sflag:s26] =	ssyncadd.s32 $0xFFFFD800  }
0x3b7: {  	v1 =	vld [tilespmem:s20+$0x3BC0];
	_ =	sdelay $0x4  }
0x3b8: {  	[tilespmem:$0x2B00] =	vst v1  }
0x3b9: {  	v1 =	vld [tilespmem:s20+$0x3BD0];
	_ =	sdelay $0x4  }
0x3ba: {  	[tilespmem:$0x2B10] =	vst v1  }
0x3bb: {  	v1 =	vld [tilespmem:s20+$0x3BE0];
	_ =	sdelay $0x4  }
0x3bc: {  	[tilespmem:$0x2B20] =	vst v1  }
0x3bd: {  	v1 =	vld [tilespmem:s20+$0x3BF0];
	_ =	sdelay $0x4  }
0x3be: {  	[tilespmem:$0x2B30] =	vst v1  }
0x3bf: {  	v1 =	vld [tilespmem:s20+$0x3C00];
	_ =	sdelay $0x1  }
.Ltmp32:
0x3c0: {  	_ = 	snop;
	(pc) =	sbr.rel .LBB2_53-.Ltmp32, $3  }
0x3c1: {  	_ =	sdelay $0x1  }
0x3c2: {  	s21 =	sadd.s32 $0x1, s21;
	[tilespmem:$0x2B40] =	vst v1  }
0x3c3: {  	[tilespmem:s25], [sflag:$0x1] =	stream.indirect.gather [hbm4b:s2+s11], $0x80, s12, s11, $0xb8;
	[tilespmem:$0x1ED00] =	vst v63  }
.LBB2_61:
0x3c4: {  	_ =	sfence.sel $0x180000  }
0x3c5: {  	[bflag:$0x0] =	sbarrier.arrive $0xFFFF  }
0x3c6: {  	_ =	strace $0x90000047  }
0x3c7: {  	s0 =	stileid.u32;
	[bflag:$0x2] =	sbarrier.arrive $0xFFFF  }
0x3c8: {  	p0 =	sne.s32 s0, $0x0;
	s0 =	rddreg [dreg:$0x6]  }
0x3c9: {  	s0 =	sadd.s32 @!p0 $0x100000, s0  }
0x3ca: {  	[sflag:s0] =	ssyncadd.tile.s32 @!p0 $0x1;
	_ =	shalt  }
.Lfunc_end2:
_tile_overlayer_lowered:
.L_overlay_start_2:
0x3cb: {  	(tag) =	ssettag $0x2  }
0x3cc: {  	s0 =	rddreg [dreg:$0x0];
	s2 =	stileid.u32  }
0x3cd: {  	s1 =	rddreg [dreg:$0x1];
	p0 =	sne.s32 s2, $0x0  }
0x3ce: {  	s3 =	rddreg [dreg:$0x2];
	[bflag:$0x3] =	sbarrier.arrive $0xFFFF;
	s2 =	simm.s32 @!p0 $0x1C05  }
0x3cf: {  	[timem:s3], [sflag:s2] =	dma.local @!p0 [hbm:s0], s1  }
0x3d0: {  	s0 =	simm.s32 @!p0 $0x5  }
0x3d1: {  	_ =	swait.ge @!p0 [sflag:s0], s1  }
0x3d2: {  	s1 =	ssub.s32 @!p0 $0x0, s1;
	[sflag:s0] =	ssyncset.done @!p0 $0x0  }
0x3d3: {  	[sflag:s0] =	ssyncadd.s32 @!p0 s1  }
0x3d4: {  	[bflag:$0x3] =	sbarrier.arrive $0xFFFF  }
0x3d5: {  	_ =	shalt  }

</sc_bundles>
